<compile_context>
chip_gen: v7x
topology: tpu7x:2x2x1
jax: 0.10.2.dev20260603
libtpu: 0.0.44.dev20260713+nightly
codegen_flags: <defaults>
</compile_context>

<pallas_src>
import functools

import jax
import jax.numpy as jnp
from jax import lax
from jax.experimental import pallas as pl
from jax.experimental.pallas import tpu as pltpu
from jax.experimental.pallas import tpu_sc as plsc

_NUM_EMB = 100000
_DIM = 64
_B = 4096
_L = 50
_NW = 32
_SPW = _B // _NW
_PAD = _DIM + 1


def _build():
    mesh = plsc.VectorSubcoreMesh(core_axis_name="c", subcore_axis_name="s")

    @functools.partial(
        pl.kernel,
        mesh=mesh,
        out_type=jax.ShapeDtypeStruct((_L, 8, _NW, 8, 128), jnp.float32),
        scratch_types=[
            pltpu.VMEM((_L, _SPW), jnp.int32),
            pltpu.VMEM((_SPW, _DIM), jnp.float32),
            pltpu.VMEM((_SPW, _DIM), jnp.float32),
            pltpu.VMEM((_SPW * _PAD,), jnp.float32),
            pltpu.VMEM((_SPW * _PAD,), jnp.float32),
            pltpu.VMEM((8, 8, 128), jnp.float32),
            pltpu.VMEM((8, 8, 128), jnp.float32),
            [pltpu.SemaphoreType.DMA] * 2,
            [pltpu.SemaphoreType.DMA] * 2,
        ],
        compiler_params=pltpu.CompilerParams(
            use_tc_tiling_on_sc=False, needs_layout_passes=False
        ),
    )
    def gather_kernel(idx_hbm, table_hbm, out_hbm,
                      idx_t, g0, g1, s0, s1, t0, t1, gsems, ssems):
        wid = lax.axis_index("s") * 2 + lax.axis_index("c")
        base = wid * _SPW
        pltpu.sync_copy(idx_hbm.at[:, pl.ds(base, _SPW)], idx_t)

        iota = lax.iota(jnp.int32, 16)
        rows65 = [(iota + (16 * j)) * _PAD for j in range(8)]
        gbufs = (g0, g1)
        sbufs = (s0, s1)
        tbufs = (t0, t1)

        def fire_g(l, b):
            pltpu.async_copy(table_hbm.at[idx_t.at[l]], gbufs[b], gsems[b])

        def drain_g(l, b):
            pltpu.make_async_copy(
                table_hbm.at[idx_t.at[l]], gbufs[b], gsems[b]
            ).wait()

        def fire_s(l, b):
            pltpu.async_copy(tbufs[b], out_hbm.at[l].at[:, wid], ssems[b])

        def drain_s(b):
            pltpu.make_async_copy(
                tbufs[b], out_hbm.at[0].at[:, wid], ssems[b]
            ).wait()

        def transpose(b):
            g = gbufs[b]
            s = sbufs[b]
            t = tbufs[b]

            @plsc.parallel_loop(0, _SPW // 8)
            def cp(i):
                for jj in range(8):
                    r = i * 8 + jj
                    for c in range(4):
                        s[pl.ds(r * _PAD + 16 * c, 16)] = g[r, pl.ds(16 * c, 16)]

            @plsc.parallel_loop(0, 8)
            def tr(dh):
                for dl in range(8):
                    d = dh * 8 + dl
                    for j in range(8):
                        v = plsc.load_gather(s, [rows65[j] + d])
                        t[dh, dl, pl.ds(16 * j, 16)] = v

        fire_g(0, 0)

        def body(i, carry):
            for d in range(2):
                l = i * 2 + d

                @pl.when(l + 1 < _L)
                def _():
                    fire_g(l + 1, 1 - d)

                drain_g(l, d)

                @pl.when(l >= 2)
                def _():
                    drain_s(d)

                transpose(d)
                fire_s(l, d)
            return carry

        lax.fori_loop(0, _L // 2, body, 0)
        drain_s(0)
        drain_s(1)

    return gather_kernel


_gather_cache = []


def kernel(item_seq_batch, table):
    if not _gather_cache:
        _gather_cache.append(_build())
    idx = jnp.transpose(item_seq_batch.astype(jnp.int32))
    out5 = _gather_cache[0](idx, table)
    return jnp.transpose(out5, (2, 4, 0, 1, 3)).reshape(_B, _L, _DIM)

# --- scband reference (transcript-rebuilt; emitter-appended) ---
"""Pipeline reference for scband-fixed-text-encoder-39659728011282 (READ-ONLY COPY).

The authoritative reference and input builder live on the scoring server;
editing this copy changes nothing except your own understanding.
"""

import jax, jax.numpy as jnp
import numpy as np

NUM_EMB = 100000
DIM = 64
B = 4096
L = 50

def setup_inputs(seed: int = 0) -> dict:
    key = jax.random.key(seed)
    k1, k2 = jax.random.split(key)
    item_seq_batch = jax.random.randint(k1, (B, L), 0, NUM_EMB)
    # Materialized fixed item embedding table (dict {item_id: emb} densified via
    # get_all_item_embs); row 0 is the padding row and is all zeros.
    table = jax.random.normal(k2, (NUM_EMB, DIM), dtype=jnp.float32) * 0.02
    table = table.at[0].set(0.0)
    return {"item_seq_batch": item_seq_batch, "table": table}

def reference(item_seq_batch, table):
    # Faithful translation of get_item_seq_emb: for each (i, j) position,
    # embedding_batch[i, j] = fixed_item_embs[item_id] if item_id != 0 else 0.
    emb = jnp.take(table, item_seq_batch, axis=0)  # [B, L, DIM] gather
    mask = (item_seq_batch != 0).astype(emb.dtype)[..., None]
    return emb * mask

if __name__ == "__main__":
    import jax
    _d = setup_inputs()
    print(jax.jit(kernel)(*tuple(_d.values())))

</pallas_src>

<mosaic_0001>
#map = affine_map<(d0, d1) -> (0, 0)>
#map1 = affine_map<(d0, d1) -> (0, 0, 0, 0, 0)>
module attributes {stable_mosaic.version = 14 : i64} {
  func.func @gather_kernel(%arg0: i32, %arg1: i32, %arg2: memref<50x4096xi32, #tpu.memory_space<hbm>>, %arg3: memref<100000x64xf32, #tpu.memory_space<hbm>>, %arg4: memref<50x8x32x8x128xf32, #tpu.memory_space<hbm>>, %arg5: memref<50x128xi32, #tpu.memory_space<vmem>>, %arg6: memref<128x64xf32, #tpu.memory_space<vmem>>, %arg7: memref<128x64xf32, #tpu.memory_space<vmem>>, %arg8: memref<8320xf32, #tpu.memory_space<vmem>>, %arg9: memref<8320xf32, #tpu.memory_space<vmem>>, %arg10: memref<8x8x128xf32, #tpu.memory_space<vmem>>, %arg11: memref<8x8x128xf32, #tpu.memory_space<vmem>>, %arg12: memref<!tpu.dma_semaphore, #tpu.memory_space<semaphore_mem>>, %arg13: memref<!tpu.dma_semaphore, #tpu.memory_space<semaphore_mem>>, %arg14: memref<!tpu.dma_semaphore, #tpu.memory_space<semaphore_mem>>, %arg15: memref<!tpu.dma_semaphore, #tpu.memory_space<semaphore_mem>>) attributes {dimension_semantics = [#tpu.dimension_semantics<core_parallel>, #tpu.dimension_semantics<subcore_parallel>], iteration_bounds = array<i64: 2, 16>, scalar_prefetch = 0 : i64, scratch_operands = 11 : i64, tpu.core_type = #tpu.core_type<sc_vector_subcore>, window_params = [{transform_indices = #map}, {transform_indices = #map}, {transform_indices = #map1}]} {
    %mul3A = arith.constant 2 : i32
    %mul3A_0 = arith.muli %arg1, %mul3A : i32
    %add3A = arith.addi %mul3A_0, %arg0 : i32
    %mul3A_1 = arith.constant 128 : i32
    %mul3A_2 = arith.muli %add3A, %mul3A_1 : i32
    "tpu.region"() ({
      %run_scoped3A = tpu.sem_alloc : memref<!tpu.dma_semaphore, #tpu.memory_space<semaphore_mem>>
      %dma_start3A_107 = arith.constant 0 : i32
      %dma_start3A_108 = tpu.memref_slice %arg2[%dma_start3A_107, %mul3A_2] : memref<50x4096xi32, #tpu.memory_space<hbm>> -> memref<50x128xi32, #tpu.memory_space<hbm>>
      %dma_start3A_109 = arith.constant 0 : i32
      %dma_start3A_110 = tpu.memref_slice %arg2[%dma_start3A_109, %mul3A_2] : memref<50x4096xi32, #tpu.memory_space<hbm>> -> memref<50x128xi32, #tpu.memory_space<hbm>>
      tpu.enqueue_dma source(%dma_start3A_110 : memref<50x128xi32, #tpu.memory_space<hbm>>) target(%arg5 : memref<50x128xi32, #tpu.memory_space<vmem>>) target_semaphore(%run_scoped3A : memref<!tpu.dma_semaphore, #tpu.memory_space<semaphore_mem>>)
      %dma_wait3A_111 = arith.constant 0 : i32
      %dma_wait3A_112 = tpu.memref_slice %arg2[%dma_wait3A_111, %mul3A_2] : memref<50x4096xi32, #tpu.memory_space<hbm>> -> memref<50x128xi32, #tpu.memory_space<hbm>>
      %dma_wait3A_113 = arith.constant 0 : i32
      %dma_wait3A_114 = tpu.memref_slice %arg2[%dma_wait3A_113, %mul3A_2] : memref<50x4096xi32, #tpu.memory_space<hbm>> -> memref<50x128xi32, #tpu.memory_space<hbm>>
      tpu.wait_dma2 semaphore(%run_scoped3A : memref<!tpu.dma_semaphore, #tpu.memory_space<semaphore_mem>>) src(%dma_wait3A_114 : memref<50x128xi32, #tpu.memory_space<hbm>>) dst(%arg5 : memref<50x128xi32, #tpu.memory_space<vmem>>)
      tpu.yield
    }) : () -> ()
    %iota3A = tpu.iota {dimensions = array<i32: 0>} : vector<16xi32>
    %add3A_3 = arith.constant 0 : i32
    %add3A_4 = vector.broadcast %add3A_3 : i32 to vector<16xi32>
    %add3A_5 = arith.addi %iota3A, %add3A_4 : vector<16xi32>
    %mul3A_6 = arith.constant 65 : i32
    %mul3A_7 = vector.broadcast %mul3A_6 : i32 to vector<16xi32>
    %mul3A_8 = arith.muli %add3A_5, %mul3A_7 : vector<16xi32>
    %add3A_9 = arith.constant 16 : i32
    %add3A_10 = vector.broadcast %add3A_9 : i32 to vector<16xi32>
    %add3A_11 = arith.addi %iota3A, %add3A_10 : vector<16xi32>
    %mul3A_12 = arith.constant 65 : i32
    %mul3A_13 = vector.broadcast %mul3A_12 : i32 to vector<16xi32>
    %mul3A_14 = arith.muli %add3A_11, %mul3A_13 : vector<16xi32>
    %add3A_15 = arith.constant 32 : i32
    %add3A_16 = vector.broadcast %add3A_15 : i32 to vector<16xi32>
    %add3A_17 = arith.addi %iota3A, %add3A_16 : vector<16xi32>
    %mul3A_18 = arith.constant 65 : i32
    %mul3A_19 = vector.broadcast %mul3A_18 : i32 to vector<16xi32>
    %mul3A_20 = arith.muli %add3A_17, %mul3A_19 : vector<16xi32>
    %add3A_21 = arith.constant 48 : i32
    %add3A_22 = vector.broadcast %add3A_21 : i32 to vector<16xi32>
    %add3A_23 = arith.addi %iota3A, %add3A_22 : vector<16xi32>
    %mul3A_24 = arith.constant 65 : i32
    %mul3A_25 = vector.broadcast %mul3A_24 : i32 to vector<16xi32>
    %mul3A_26 = arith.muli %add3A_23, %mul3A_25 : vector<16xi32>
    %add3A_27 = arith.constant 64 : i32
    %add3A_28 = vector.broadcast %add3A_27 : i32 to vector<16xi32>
    %add3A_29 = arith.addi %iota3A, %add3A_28 : vector<16xi32>
    %mul3A_30 = arith.constant 65 : i32
    %mul3A_31 = vector.broadcast %mul3A_30 : i32 to vector<16xi32>
    %mul3A_32 = arith.muli %add3A_29, %mul3A_31 : vector<16xi32>
    %add3A_33 = arith.constant 80 : i32
    %add3A_34 = vector.broadcast %add3A_33 : i32 to vector<16xi32>
    %add3A_35 = arith.addi %iota3A, %add3A_34 : vector<16xi32>
    %mul3A_36 = arith.constant 65 : i32
    %mul3A_37 = vector.broadcast %mul3A_36 : i32 to vector<16xi32>
    %mul3A_38 = arith.muli %add3A_35, %mul3A_37 : vector<16xi32>
    %add3A_39 = arith.constant 96 : i32
    %add3A_40 = vector.broadcast %add3A_39 : i32 to vector<16xi32>
    %add3A_41 = arith.addi %iota3A, %add3A_40 : vector<16xi32>
    %mul3A_42 = arith.constant 65 : i32
    %mul3A_43 = vector.broadcast %mul3A_42 : i32 to vector<16xi32>
    %mul3A_44 = arith.muli %add3A_41, %mul3A_43 : vector<16xi32>
    %add3A_45 = arith.constant 112 : i32
    %add3A_46 = vector.broadcast %add3A_45 : i32 to vector<16xi32>
    %add3A_47 = arith.addi %iota3A, %add3A_46 : vector<16xi32>
    %mul3A_48 = arith.constant 65 : i32
    %mul3A_49 = vector.broadcast %mul3A_48 : i32 to vector<16xi32>
    %mul3A_50 = arith.muli %add3A_47, %mul3A_49 : vector<16xi32>
    %dma_start3A = arith.constant 0 : i32
    %dma_start3A_51 = arith.constant 0 : i32
    %dma_start3A_52 = tpu.memref_slice %arg5[%dma_start3A, %dma_start3A_51] : memref<50x128xi32, #tpu.memory_space<vmem>> -> memref<1x128xi32, #tpu.memory_space<vmem>>
    %dma_start3A_53 = tpu.memref_squeeze %dma_start3A_52 : memref<1x128xi32, #tpu.memory_space<vmem>> -> memref<128xi32, #tpu.memory_space<vmem>>
    %dma_start3A_54 = arith.constant 0 : i32
    %dma_start3A_55 = arith.constant 0 : i32
    %dma_start3A_56 = tpu.memref_slice %arg3[%dma_start3A_54, %dma_start3A_55] : memref<100000x64xf32, #tpu.memory_space<hbm>> -> memref<100000x64xf32, #tpu.memory_space<hbm>>
    tpu.enqueue_indirect_dma source(%dma_start3A_56 : memref<100000x64xf32, #tpu.memory_space<hbm>>) target(%arg6 : memref<128x64xf32, #tpu.memory_space<vmem>>) offsets(%dma_start3A_53 : memref<128xi32, #tpu.memory_space<vmem>>) semaphore(%arg12 : memref<!tpu.dma_semaphore, #tpu.memory_space<semaphore_mem>>)
    %scan3A = arith.constant 0 : i32
    %scan3A_57 = arith.constant 0 : i32
    %scan3A_58 = arith.constant 25 : i32
    %scan3A_59 = arith.addi %scan3A_57, %scan3A_58 : i32
    %scan3A_60 = arith.constant 1 : i32
    scf.for %scan3A_107 = %scan3A_57 to %scan3A_59 step %scan3A_60  : i32 {
      %mul3A_108 = arith.constant 2 : i32
      %mul3A_109 = arith.muli %scan3A_107, %mul3A_108 : i32
      %add3A_110 = arith.constant 0 : i32
      %add3A_111 = arith.addi %mul3A_109, %add3A_110 : i32
      %add3A_112 = arith.constant 1 : i32
      %add3A_113 = arith.addi %add3A_111, %add3A_112 : i32
      %lt3A = arith.constant 50 : i32
      %lt3A_114 = arith.cmpi slt, %add3A_113, %lt3A : i32
      %convert_element_type3A = arith.extui %lt3A_114 : i1 to i32
      %cond3A = arith.constant 0 : i32
      %cond3A_115 = arith.cmpi ne, %convert_element_type3A, %cond3A : i32
      scf.if %cond3A_115 {
        %add3A_203 = arith.constant 1 : i32
        %add3A_204 = arith.addi %add3A_111, %add3A_203 : i32
        %dma_start3A_205 = arith.constant 0 : i32
        %dma_start3A_206 = tpu.memref_slice %arg5[%add3A_204, %dma_start3A_205] : memref<50x128xi32, #tpu.memory_space<vmem>> -> memref<1x128xi32, #tpu.memory_space<vmem>>
        %dma_start3A_207 = tpu.memref_squeeze %dma_start3A_206 : memref<1x128xi32, #tpu.memory_space<vmem>> -> memref<128xi32, #tpu.memory_space<vmem>>
        %dma_start3A_208 = arith.constant 0 : i32
        %dma_start3A_209 = arith.constant 0 : i32
        %dma_start3A_210 = tpu.memref_slice %arg3[%dma_start3A_208, %dma_start3A_209] : memref<100000x64xf32, #tpu.memory_space<hbm>> -> memref<100000x64xf32, #tpu.memory_space<hbm>>
        tpu.enqueue_indirect_dma source(%dma_start3A_210 : memref<100000x64xf32, #tpu.memory_space<hbm>>) target(%arg7 : memref<128x64xf32, #tpu.memory_space<vmem>>) offsets(%dma_start3A_207 : memref<128xi32, #tpu.memory_space<vmem>>) semaphore(%arg13 : memref<!tpu.dma_semaphore, #tpu.memory_space<semaphore_mem>>)
      } else {
      }
      %dma_wait3A_116 = arith.constant 0 : i32
      %dma_wait3A_117 = tpu.memref_slice %arg5[%add3A_111, %dma_wait3A_116] : memref<50x128xi32, #tpu.memory_space<vmem>> -> memref<1x128xi32, #tpu.memory_space<vmem>>
      %dma_wait3A_118 = tpu.memref_squeeze %dma_wait3A_117 : memref<1x128xi32, #tpu.memory_space<vmem>> -> memref<128xi32, #tpu.memory_space<vmem>>
      %dma_wait3A_119 = arith.constant 0 : i32
      %dma_wait3A_120 = arith.constant 0 : i32
      %dma_wait3A_121 = tpu.memref_slice %arg3[%dma_wait3A_119, %dma_wait3A_120] : memref<100000x64xf32, #tpu.memory_space<hbm>> -> memref<100000x64xf32, #tpu.memory_space<hbm>>
      tpu.wait_indirect_dma semaphore(%arg12 : memref<!tpu.dma_semaphore, #tpu.memory_space<semaphore_mem>>) src(%dma_wait3A_121 : memref<100000x64xf32, #tpu.memory_space<hbm>>) dst(%arg6 : memref<128x64xf32, #tpu.memory_space<vmem>>)
      %ge3A = arith.constant 2 : i32
      %ge3A_122 = arith.cmpi sge, %add3A_111, %ge3A : i32
      %convert_element_type3A_123 = arith.extui %ge3A_122 : i1 to i32
      %cond3A_124 = arith.constant 0 : i32
      %cond3A_125 = arith.cmpi ne, %convert_element_type3A_123, %cond3A_124 : i32
      scf.if %cond3A_125 {
        %dma_wait3A_203 = arith.constant 0 : i32
        %dma_wait3A_204 = arith.constant 0 : i32
        %dma_wait3A_205 = arith.constant 0 : i32
        %dma_wait3A_206 = arith.constant 0 : i32
        %dma_wait3A_207 = arith.constant 0 : i32
        %dma_wait3A_208 = tpu.memref_slice %arg4[%dma_wait3A_203, %dma_wait3A_204, %dma_wait3A_205, %dma_wait3A_206, %dma_wait3A_207] : memref<50x8x32x8x128xf32, #tpu.memory_space<hbm>> -> memref<1x8x32x8x128xf32, #tpu.memory_space<hbm>>
        %dma_wait3A_209 = tpu.memref_squeeze %dma_wait3A_208 : memref<1x8x32x8x128xf32, #tpu.memory_space<hbm>> -> memref<8x32x8x128xf32, #tpu.memory_space<hbm>>
        %dma_wait3A_210 = arith.constant 0 : i32
        %dma_wait3A_211 = arith.constant 0 : i32
        %dma_wait3A_212 = arith.constant 0 : i32
        %dma_wait3A_213 = tpu.memref_slice %dma_wait3A_209[%dma_wait3A_210, %add3A, %dma_wait3A_211, %dma_wait3A_212] : memref<8x32x8x128xf32, #tpu.memory_space<hbm>> -> memref<8x1x8x128xf32, #tpu.memory_space<hbm>>
        %dma_wait3A_214 = tpu.memref_squeeze %dma_wait3A_213 : memref<8x1x8x128xf32, #tpu.memory_space<hbm>> -> memref<8x8x128xf32, #tpu.memory_space<hbm>>
        %dma_wait3A_215 = arith.constant 0 : i32
        %dma_wait3A_216 = arith.constant 0 : i32
        %dma_wait3A_217 = arith.constant 0 : i32
        %dma_wait3A_218 = arith.constant 0 : i32
        %dma_wait3A_219 = tpu.memref_slice %arg4[%dma_wait3A_203, %dma_wait3A_215, %dma_wait3A_216, %dma_wait3A_217, %dma_wait3A_218] : memref<50x8x32x8x128xf32, #tpu.memory_space<hbm>> -> memref<1x8x32x8x128xf32, #tpu.memory_space<hbm>>
        %dma_wait3A_220 = tpu.memref_squeeze %dma_wait3A_219 : memref<1x8x32x8x128xf32, #tpu.memory_space<hbm>> -> memref<8x32x8x128xf32, #tpu.memory_space<hbm>>
        %dma_wait3A_221 = arith.constant 0 : i32
        %dma_wait3A_222 = arith.constant 0 : i32
        %dma_wait3A_223 = arith.constant 0 : i32
        %dma_wait3A_224 = tpu.memref_slice %dma_wait3A_220[%dma_wait3A_221, %add3A, %dma_wait3A_222, %dma_wait3A_223] : memref<8x32x8x128xf32, #tpu.memory_space<hbm>> -> memref<8x1x8x128xf32, #tpu.memory_space<hbm>>
        %dma_wait3A_225 = tpu.memref_squeeze %dma_wait3A_224 : memref<8x1x8x128xf32, #tpu.memory_space<hbm>> -> memref<8x8x128xf32, #tpu.memory_space<hbm>>
        tpu.wait_dma2 semaphore(%arg14 : memref<!tpu.dma_semaphore, #tpu.memory_space<semaphore_mem>>) src(%arg10 : memref<8x8x128xf32, #tpu.memory_space<vmem>>) dst(%dma_wait3A_225 : memref<8x8x128xf32, #tpu.memory_space<hbm>>)
      } else {
      }
      %parallel_loop3A = arith.constant 0 : i32
      %parallel_loop3A_126 = arith.constant 16 : i32
      %parallel_loop3A_127 = arith.constant 1 : i32
      scf.for %parallel_loop3A_203 = %parallel_loop3A to %parallel_loop3A_126 step %parallel_loop3A_127  : i32 {
        %parallel_loop3A_204 = arith.constant 8 : i32
        %parallel_loop3A_205 = arith.muli %parallel_loop3A_203, %parallel_loop3A_204 : i32
        %parallel_loop3A_206 = arith.constant 0 : i32
        %parallel_loop3A_207 = arith.addi %parallel_loop3A_205, %parallel_loop3A_206 : i32
        %parallel_loop3A_208 = arith.index_cast %parallel_loop3A_207 : i32 to index
        %parallel_loop3A_209 = arith.constant 0 : index
        %parallel_loop3A_210 = tpu.vector_load %arg6[%parallel_loop3A_208, %parallel_loop3A_209] {strides = array<i32>} : memref<128x64xf32, #tpu.memory_space<vmem>>, vector<16xf32>,
        %parallel_loop3A_211 = arith.constant 65 : i32
        %parallel_loop3A_212 = arith.muli %parallel_loop3A_207, %parallel_loop3A_211 : i32
        %parallel_loop3A_213 = arith.constant 0 : i32
        %parallel_loop3A_214 = arith.addi %parallel_loop3A_212, %parallel_loop3A_213 : i32
        %parallel_loop3A_215 = arith.index_cast %parallel_loop3A_214 : i32 to index
        %parallel_loop3A_216 = tpu.vector_load %arg8[%parallel_loop3A_215] {strides = array<i32>} : memref<8320xf32, #tpu.memory_space<vmem>>, vector<16xf32>,
        tpu.vector_store %arg8[%parallel_loop3A_215], %parallel_loop3A_210 {strides = array<i32>} : memref<8320xf32, #tpu.memory_space<vmem>>, vector<16xf32>,
        %parallel_loop3A_217 = arith.index_cast %parallel_loop3A_207 : i32 to index
        %parallel_loop3A_218 = arith.constant 16 : index
        %parallel_loop3A_219 = tpu.vector_load %arg6[%parallel_loop3A_217, %parallel_loop3A_218] {strides = array<i32>} : memref<128x64xf32, #tpu.memory_space<vmem>>, vector<16xf32>,
        %parallel_loop3A_220 = arith.constant 65 : i32
        %parallel_loop3A_221 = arith.muli %parallel_loop3A_207, %parallel_loop3A_220 : i32
        %parallel_loop3A_222 = arith.constant 16 : i32
        %parallel_loop3A_223 = arith.addi %parallel_loop3A_221, %parallel_loop3A_222 : i32
        %parallel_loop3A_224 = arith.index_cast %parallel_loop3A_223 : i32 to index
        %parallel_loop3A_225 = tpu.vector_load %arg8[%parallel_loop3A_224] {strides = array<i32>} : memref<8320xf32, #tpu.memory_space<vmem>>, vector<16xf32>,
        tpu.vector_store %arg8[%parallel_loop3A_224], %parallel_loop3A_219 {strides = array<i32>} : memref<8320xf32, #tpu.memory_space<vmem>>, vector<16xf32>,
        %parallel_loop3A_226 = arith.index_cast %parallel_loop3A_207 : i32 to index
        %parallel_loop3A_227 = arith.constant 32 : index
        %parallel_loop3A_228 = tpu.vector_load %arg6[%parallel_loop3A_226, %parallel_loop3A_227] {strides = array<i32>} : memref<128x64xf32, #tpu.memory_space<vmem>>, vector<16xf32>,
        %parallel_loop3A_229 = arith.constant 65 : i32
        %parallel_loop3A_230 = arith.muli %parallel_loop3A_207, %parallel_loop3A_229 : i32
        %parallel_loop3A_231 = arith.constant 32 : i32
        %parallel_loop3A_232 = arith.addi %parallel_loop3A_230, %parallel_loop3A_231 : i32
        %parallel_loop3A_233 = arith.index_cast %parallel_loop3A_232 : i32 to index
        %parallel_loop3A_234 = tpu.vector_load %arg8[%parallel_loop3A_233] {strides = array<i32>} : memref<8320xf32, #tpu.memory_space<vmem>>, vector<16xf32>,
        tpu.vector_store %arg8[%parallel_loop3A_233], %parallel_loop3A_228 {strides = array<i32>} : memref<8320xf32, #tpu.memory_space<vmem>>, vector<16xf32>,
        %parallel_loop3A_235 = arith.index_cast %parallel_loop3A_207 : i32 to index
        %parallel_loop3A_236 = arith.constant 48 : index
        %parallel_loop3A_237 = tpu.vector_load %arg6[%parallel_loop3A_235, %parallel_loop3A_236] {strides = array<i32>} : memref<128x64xf32, #tpu.memory_space<vmem>>, vector<16xf32>,
        %parallel_loop3A_238 = arith.constant 65 : i32
        %parallel_loop3A_239 = arith.muli %parallel_loop3A_207, %parallel_loop3A_238 : i32
        %parallel_loop3A_240 = arith.constant 48 : i32
        %parallel_loop3A_241 = arith.addi %parallel_loop3A_239, %parallel_loop3A_240 : i32
        %parallel_loop3A_242 = arith.index_cast %parallel_loop3A_241 : i32 to index
        %parallel_loop3A_243 = tpu.vector_load %arg8[%parallel_loop3A_242] {strides = array<i32>} : memref<8320xf32, #tpu.memory_space<vmem>>, vector<16xf32>,
        tpu.vector_store %arg8[%parallel_loop3A_242], %parallel_loop3A_237 {strides = array<i32>} : memref<8320xf32, #tpu.memory_space<vmem>>, vector<16xf32>,
        %parallel_loop3A_244 = arith.constant 8 : i32
        %parallel_loop3A_245 = arith.muli %parallel_loop3A_203, %parallel_loop3A_244 : i32
        %parallel_loop3A_246 = arith.constant 1 : i32
        %parallel_loop3A_247 = arith.addi %parallel_loop3A_245, %parallel_loop3A_246 : i32
        %parallel_loop3A_248 = arith.index_cast %parallel_loop3A_247 : i32 to index
        %parallel_loop3A_249 = arith.constant 0 : index
        %parallel_loop3A_250 = tpu.vector_load %arg6[%parallel_loop3A_248, %parallel_loop3A_249] {strides = array<i32>} : memref<128x64xf32, #tpu.memory_space<vmem>>, vector<16xf32>,
        %parallel_loop3A_251 = arith.constant 65 : i32
        %parallel_loop3A_252 = arith.muli %parallel_loop3A_247, %parallel_loop3A_251 : i32
        %parallel_loop3A_253 = arith.constant 0 : i32
        %parallel_loop3A_254 = arith.addi %parallel_loop3A_252, %parallel_loop3A_253 : i32
        %parallel_loop3A_255 = arith.index_cast %parallel_loop3A_254 : i32 to index
        %parallel_loop3A_256 = tpu.vector_load %arg8[%parallel_loop3A_255] {strides = array<i32>} : memref<8320xf32, #tpu.memory_space<vmem>>, vector<16xf32>,
        tpu.vector_store %arg8[%parallel_loop3A_255], %parallel_loop3A_250 {strides = array<i32>} : memref<8320xf32, #tpu.memory_space<vmem>>, vector<16xf32>,
        %parallel_loop3A_257 = arith.index_cast %parallel_loop3A_247 : i32 to index
        %parallel_loop3A_258 = arith.constant 16 : index
        %parallel_loop3A_259 = tpu.vector_load %arg6[%parallel_loop3A_257, %parallel_loop3A_258] {strides = array<i32>} : memref<128x64xf32, #tpu.memory_space<vmem>>, vector<16xf32>,
        %parallel_loop3A_260 = arith.constant 65 : i32
        %parallel_loop3A_261 = arith.muli %parallel_loop3A_247, %parallel_loop3A_260 : i32
        %parallel_loop3A_262 = arith.constant 16 : i32
        %parallel_loop3A_263 = arith.addi %parallel_loop3A_261, %parallel_loop3A_262 : i32
        %parallel_loop3A_264 = arith.index_cast %parallel_loop3A_263 : i32 to index
        %parallel_loop3A_265 = tpu.vector_load %arg8[%parallel_loop3A_264] {strides = array<i32>} : memref<8320xf32, #tpu.memory_space<vmem>>, vector<16xf32>,
        tpu.vector_store %arg8[%parallel_loop3A_264], %parallel_loop3A_259 {strides = array<i32>} : memref<8320xf32, #tpu.memory_space<vmem>>, vector<16xf32>,
        %parallel_loop3A_266 = arith.index_cast %parallel_loop3A_247 : i32 to index
        %parallel_loop3A_267 = arith.constant 32 : index
        %parallel_loop3A_268 = tpu.vector_load %arg6[%parallel_loop3A_266, %parallel_loop3A_267] {strides = array<i32>} : memref<128x64xf32, #tpu.memory_space<vmem>>, vector<16xf32>,
        %parallel_loop3A_269 = arith.constant 65 : i32
        %parallel_loop3A_270 = arith.muli %parallel_loop3A_247, %parallel_loop3A_269 : i32
        %parallel_loop3A_271 = arith.constant 32 : i32
        %parallel_loop3A_272 = arith.addi %parallel_loop3A_270, %parallel_loop3A_271 : i32
        %parallel_loop3A_273 = arith.index_cast %parallel_loop3A_272 : i32 to index
        %parallel_loop3A_274 = tpu.vector_load %arg8[%parallel_loop3A_273] {strides = array<i32>} : memref<8320xf32, #tpu.memory_space<vmem>>, vector<16xf32>,
        tpu.vector_store %arg8[%parallel_loop3A_273], %parallel_loop3A_268 {strides = array<i32>} : memref<8320xf32, #tpu.memory_space<vmem>>, vector<16xf32>,
        %parallel_loop3A_275 = arith.index_cast %parallel_loop3A_247 : i32 to index
        %parallel_loop3A_276 = arith.constant 48 : index
        %parallel_loop3A_277 = tpu.vector_load %arg6[%parallel_loop3A_275, %parallel_loop3A_276] {strides = array<i32>} : memref<128x64xf32, #tpu.memory_space<vmem>>, vector<16xf32>,
        %parallel_loop3A_278 = arith.constant 65 : i32
        %parallel_loop3A_279 = arith.muli %parallel_loop3A_247, %parallel_loop3A_278 : i32
        %parallel_loop3A_280 = arith.constant 48 : i32
        %parallel_loop3A_281 = arith.addi %parallel_loop3A_279, %parallel_loop3A_280 : i32
        %parallel_loop3A_282 = arith.index_cast %parallel_loop3A_281 : i32 to index
        %parallel_loop3A_283 = tpu.vector_load %arg8[%parallel_loop3A_282] {strides = array<i32>} : memref<8320xf32, #tpu.memory_space<vmem>>, vector<16xf32>,
        tpu.vector_store %arg8[%parallel_loop3A_282], %parallel_loop3A_277 {strides = array<i32>} : memref<8320xf32, #tpu.memory_space<vmem>>, vector<16xf32>,
        %parallel_loop3A_284 = arith.constant 8 : i32
        %parallel_loop3A_285 = arith.muli %parallel_loop3A_203, %parallel_loop3A_284 : i32
        %parallel_loop3A_286 = arith.constant 2 : i32
        %parallel_loop3A_287 = arith.addi %parallel_loop3A_285, %parallel_loop3A_286 : i32
        %parallel_loop3A_288 = arith.index_cast %parallel_loop3A_287 : i32 to index
        %parallel_loop3A_289 = arith.constant 0 : index
        %parallel_loop3A_290 = tpu.vector_load %arg6[%parallel_loop3A_288, %parallel_loop3A_289] {strides = array<i32>} : memref<128x64xf32, #tpu.memory_space<vmem>>, vector<16xf32>,
        %parallel_loop3A_291 = arith.constant 65 : i32
        %parallel_loop3A_292 = arith.muli %parallel_loop3A_287, %parallel_loop3A_291 : i32
        %parallel_loop3A_293 = arith.constant 0 : i32
        %parallel_loop3A_294 = arith.addi %parallel_loop3A_292, %parallel_loop3A_293 : i32
        %parallel_loop3A_295 = arith.index_cast %parallel_loop3A_294 : i32 to index
        %parallel_loop3A_296 = tpu.vector_load %arg8[%parallel_loop3A_295] {strides = array<i32>} : memref<8320xf32, #tpu.memory_space<vmem>>, vector<16xf32>,
        tpu.vector_store %arg8[%parallel_loop3A_295], %parallel_loop3A_290 {strides = array<i32>} : memref<8320xf32, #tpu.memory_space<vmem>>, vector<16xf32>,
        %parallel_loop3A_297 = arith.index_cast %parallel_loop3A_287 : i32 to index
        %parallel_loop3A_298 = arith.constant 16 : index
        %parallel_loop3A_299 = tpu.vector_load %arg6[%parallel_loop3A_297, %parallel_loop3A_298] {strides = array<i32>} : memref<128x64xf32, #tpu.memory_space<vmem>>, vector<16xf32>,
        %parallel_loop3A_300 = arith.constant 65 : i32
        %parallel_loop3A_301 = arith.muli %parallel_loop3A_287, %parallel_loop3A_300 : i32
        %parallel_loop3A_302 = arith.constant 16 : i32
        %parallel_loop3A_303 = arith.addi %parallel_loop3A_301, %parallel_loop3A_302 : i32
        %parallel_loop3A_304 = arith.index_cast %parallel_loop3A_303 : i32 to index
        %parallel_loop3A_305 = tpu.vector_load %arg8[%parallel_loop3A_304] {strides = array<i32>} : memref<8320xf32, #tpu.memory_space<vmem>>, vector<16xf32>,
        tpu.vector_store %arg8[%parallel_loop3A_304], %parallel_loop3A_299 {strides = array<i32>} : memref<8320xf32, #tpu.memory_space<vmem>>, vector<16xf32>,
        %parallel_loop3A_306 = arith.index_cast %parallel_loop3A_287 : i32 to index
        %parallel_loop3A_307 = arith.constant 32 : index
        %parallel_loop3A_308 = tpu.vector_load %arg6[%parallel_loop3A_306, %parallel_loop3A_307] {strides = array<i32>} : memref<128x64xf32, #tpu.memory_space<vmem>>, vector<16xf32>,
        %parallel_loop3A_309 = arith.constant 65 : i32
        %parallel_loop3A_310 = arith.muli %parallel_loop3A_287, %parallel_loop3A_309 : i32
        %parallel_loop3A_311 = arith.constant 32 : i32
        %parallel_loop3A_312 = arith.addi %parallel_loop3A_310, %parallel_loop3A_311 : i32
        %parallel_loop3A_313 = arith.index_cast %parallel_loop3A_312 : i32 to index
        %parallel_loop3A_314 = tpu.vector_load %arg8[%parallel_loop3A_313] {strides = array<i32>} : memref<8320xf32, #tpu.memory_space<vmem>>, vector<16xf32>,
        tpu.vector_store %arg8[%parallel_loop3A_313], %parallel_loop3A_308 {strides = array<i32>} : memref<8320xf32, #tpu.memory_space<vmem>>, vector<16xf32>,
        %parallel_loop3A_315 = arith.index_cast %parallel_loop3A_287 : i32 to index
        %parallel_loop3A_316 = arith.constant 48 : index
        %parallel_loop3A_317 = tpu.vector_load %arg6[%parallel_loop3A_315, %parallel_loop3A_316] {strides = array<i32>} : memref<128x64xf32, #tpu.memory_space<vmem>>, vector<16xf32>,
        %parallel_loop3A_318 = arith.constant 65 : i32
        %parallel_loop3A_319 = arith.muli %parallel_loop3A_287, %parallel_loop3A_318 : i32
        %parallel_loop3A_320 = arith.constant 48 : i32
        %parallel_loop3A_321 = arith.addi %parallel_loop3A_319, %parallel_loop3A_320 : i32
        %parallel_loop3A_322 = arith.index_cast %parallel_loop3A_321 : i32 to index
        %parallel_loop3A_323 = tpu.vector_load %arg8[%parallel_loop3A_322] {strides = array<i32>} : memref<8320xf32, #tpu.memory_space<vmem>>, vector<16xf32>,
        tpu.vector_store %arg8[%parallel_loop3A_322], %parallel_loop3A_317 {strides = array<i32>} : memref<8320xf32, #tpu.memory_space<vmem>>, vector<16xf32>,
        %parallel_loop3A_324 = arith.constant 8 : i32
        %parallel_loop3A_325 = arith.muli %parallel_loop3A_203, %parallel_loop3A_324 : i32
        %parallel_loop3A_326 = arith.constant 3 : i32
        %parallel_loop3A_327 = arith.addi %parallel_loop3A_325, %parallel_loop3A_326 : i32
        %parallel_loop3A_328 = arith.index_cast %parallel_loop3A_327 : i32 to index
        %parallel_loop3A_329 = arith.constant 0 : index
        %parallel_loop3A_330 = tpu.vector_load %arg6[%parallel_loop3A_328, %parallel_loop3A_329] {strides = array<i32>} : memref<128x64xf32, #tpu.memory_space<vmem>>, vector<16xf32>,
        %parallel_loop3A_331 = arith.constant 65 : i32
        %parallel_loop3A_332 = arith.muli %parallel_loop3A_327, %parallel_loop3A_331 : i32
        %parallel_loop3A_333 = arith.constant 0 : i32
        %parallel_loop3A_334 = arith.addi %parallel_loop3A_332, %parallel_loop3A_333 : i32
        %parallel_loop3A_335 = arith.index_cast %parallel_loop3A_334 : i32 to index
        %parallel_loop3A_336 = tpu.vector_load %arg8[%parallel_loop3A_335] {strides = array<i32>} : memref<8320xf32, #tpu.memory_space<vmem>>, vector<16xf32>,
        tpu.vector_store %arg8[%parallel_loop3A_335], %parallel_loop3A_330 {strides = array<i32>} : memref<8320xf32, #tpu.memory_space<vmem>>, vector<16xf32>,
        %parallel_loop3A_337 = arith.index_cast %parallel_loop3A_327 : i32 to index
        %parallel_loop3A_338 = arith.constant 16 : index
        %parallel_loop3A_339 = tpu.vector_load %arg6[%parallel_loop3A_337, %parallel_loop3A_338] {strides = array<i32>} : memref<128x64xf32, #tpu.memory_space<vmem>>, vector<16xf32>,
        %parallel_loop3A_340 = arith.constant 65 : i32
        %parallel_loop3A_341 = arith.muli %parallel_loop3A_327, %parallel_loop3A_340 : i32
        %parallel_loop3A_342 = arith.constant 16 : i32
        %parallel_loop3A_343 = arith.addi %parallel_loop3A_341, %parallel_loop3A_342 : i32
        %parallel_loop3A_344 = arith.index_cast %parallel_loop3A_343 : i32 to index
        %parallel_loop3A_345 = tpu.vector_load %arg8[%parallel_loop3A_344] {strides = array<i32>} : memref<8320xf32, #tpu.memory_space<vmem>>, vector<16xf32>,
        tpu.vector_store %arg8[%parallel_loop3A_344], %parallel_loop3A_339 {strides = array<i32>} : memref<8320xf32, #tpu.memory_space<vmem>>, vector<16xf32>,
        %parallel_loop3A_346 = arith.index_cast %parallel_loop3A_327 : i32 to index
        %parallel_loop3A_347 = arith.constant 32 : index
        %parallel_loop3A_348 = tpu.vector_load %arg6[%parallel_loop3A_346, %parallel_loop3A_347] {strides = array<i32>} : memref<128x64xf32, #tpu.memory_space<vmem>>, vector<16xf32>,
        %parallel_loop3A_349 = arith.constant 65 : i32
        %parallel_loop3A_350 = arith.muli %parallel_loop3A_327, %parallel_loop3A_349 : i32
        %parallel_loop3A_351 = arith.constant 32 : i32
        %parallel_loop3A_352 = arith.addi %parallel_loop3A_350, %parallel_loop3A_351 : i32
        %parallel_loop3A_353 = arith.index_cast %parallel_loop3A_352 : i32 to index
        %parallel_loop3A_354 = tpu.vector_load %arg8[%parallel_loop3A_353] {strides = array<i32>} : memref<8320xf32, #tpu.memory_space<vmem>>, vector<16xf32>,
        tpu.vector_store %arg8[%parallel_loop3A_353], %parallel_loop3A_348 {strides = array<i32>} : memref<8320xf32, #tpu.memory_space<vmem>>, vector<16xf32>,
        %parallel_loop3A_355 = arith.index_cast %parallel_loop3A_327 : i32 to index
        %parallel_loop3A_356 = arith.constant 48 : index
        %parallel_loop3A_357 = tpu.vector_load %arg6[%parallel_loop3A_355, %parallel_loop3A_356] {strides = array<i32>} : memref<128x64xf32, #tpu.memory_space<vmem>>, vector<16xf32>,
        %parallel_loop3A_358 = arith.constant 65 : i32
        %parallel_loop3A_359 = arith.muli %parallel_loop3A_327, %parallel_loop3A_358 : i32
        %parallel_loop3A_360 = arith.constant 48 : i32
        %parallel_loop3A_361 = arith.addi %parallel_loop3A_359, %parallel_loop3A_360 : i32
        %parallel_loop3A_362 = arith.index_cast %parallel_loop3A_361 : i32 to index
        %parallel_loop3A_363 = tpu.vector_load %arg8[%parallel_loop3A_362] {strides = array<i32>} : memref<8320xf32, #tpu.memory_space<vmem>>, vector<16xf32>,
        tpu.vector_store %arg8[%parallel_loop3A_362], %parallel_loop3A_357 {strides = array<i32>} : memref<8320xf32, #tpu.memory_space<vmem>>, vector<16xf32>,
        %parallel_loop3A_364 = arith.constant 8 : i32
        %parallel_loop3A_365 = arith.muli %parallel_loop3A_203, %parallel_loop3A_364 : i32
        %parallel_loop3A_366 = arith.constant 4 : i32
        %parallel_loop3A_367 = arith.addi %parallel_loop3A_365, %parallel_loop3A_366 : i32
        %parallel_loop3A_368 = arith.index_cast %parallel_loop3A_367 : i32 to index
        %parallel_loop3A_369 = arith.constant 0 : index
        %parallel_loop3A_370 = tpu.vector_load %arg6[%parallel_loop3A_368, %parallel_loop3A_369] {strides = array<i32>} : memref<128x64xf32, #tpu.memory_space<vmem>>, vector<16xf32>,
        %parallel_loop3A_371 = arith.constant 65 : i32
        %parallel_loop3A_372 = arith.muli %parallel_loop3A_367, %parallel_loop3A_371 : i32
        %parallel_loop3A_373 = arith.constant 0 : i32
        %parallel_loop3A_374 = arith.addi %parallel_loop3A_372, %parallel_loop3A_373 : i32
        %parallel_loop3A_375 = arith.index_cast %parallel_loop3A_374 : i32 to index
        %parallel_loop3A_376 = tpu.vector_load %arg8[%parallel_loop3A_375] {strides = array<i32>} : memref<8320xf32, #tpu.memory_space<vmem>>, vector<16xf32>,
        tpu.vector_store %arg8[%parallel_loop3A_375], %parallel_loop3A_370 {strides = array<i32>} : memref<8320xf32, #tpu.memory_space<vmem>>, vector<16xf32>,
        %parallel_loop3A_377 = arith.index_cast %parallel_loop3A_367 : i32 to index
        %parallel_loop3A_378 = arith.constant 16 : index
        %parallel_loop3A_379 = tpu.vector_load %arg6[%parallel_loop3A_377, %parallel_loop3A_378] {strides = array<i32>} : memref<128x64xf32, #tpu.memory_space<vmem>>, vector<16xf32>,
        %parallel_loop3A_380 = arith.constant 65 : i32
        %parallel_loop3A_381 = arith.muli %parallel_loop3A_367, %parallel_loop3A_380 : i32
        %parallel_loop3A_382 = arith.constant 16 : i32
        %parallel_loop3A_383 = arith.addi %parallel_loop3A_381, %parallel_loop3A_382 : i32
        %parallel_loop3A_384 = arith.index_cast %parallel_loop3A_383 : i32 to index
        %parallel_loop3A_385 = tpu.vector_load %arg8[%parallel_loop3A_384] {strides = array<i32>} : memref<8320xf32, #tpu.memory_space<vmem>>, vector<16xf32>,
        tpu.vector_store %arg8[%parallel_loop3A_384], %parallel_loop3A_379 {strides = array<i32>} : memref<8320xf32, #tpu.memory_space<vmem>>, vector<16xf32>,
        %parallel_loop3A_386 = arith.index_cast %parallel_loop3A_367 : i32 to index
        %parallel_loop3A_387 = arith.constant 32 : index
        %parallel_loop3A_388 = tpu.vector_load %arg6[%parallel_loop3A_386, %parallel_loop3A_387] {strides = array<i32>} : memref<128x64xf32, #tpu.memory_space<vmem>>, vector<16xf32>,
        %parallel_loop3A_389 = arith.constant 65 : i32
        %parallel_loop3A_390 = arith.muli %parallel_loop3A_367, %parallel_loop3A_389 : i32
        %parallel_loop3A_391 = arith.constant 32 : i32
        %parallel_loop3A_392 = arith.addi %parallel_loop3A_390, %parallel_loop3A_391 : i32
        %parallel_loop3A_393 = arith.index_cast %parallel_loop3A_392 : i32 to index
        %parallel_loop3A_394 = tpu.vector_load %arg8[%parallel_loop3A_393] {strides = array<i32>} : memref<8320xf32, #tpu.memory_space<vmem>>, vector<16xf32>,
        tpu.vector_store %arg8[%parallel_loop3A_393], %parallel_loop3A_388 {strides = array<i32>} : memref<8320xf32, #tpu.memory_space<vmem>>, vector<16xf32>,
        %parallel_loop3A_395 = arith.index_cast %parallel_loop3A_367 : i32 to index
        %parallel_loop3A_396 = arith.constant 48 : index
        %parallel_loop3A_397 = tpu.vector_load %arg6[%parallel_loop3A_395, %parallel_loop3A_396] {strides = array<i32>} : memref<128x64xf32, #tpu.memory_space<vmem>>, vector<16xf32>,
        %parallel_loop3A_398 = arith.constant 65 : i32
        %parallel_loop3A_399 = arith.muli %parallel_loop3A_367, %parallel_loop3A_398 : i32
        %parallel_loop3A_400 = arith.constant 48 : i32
        %parallel_loop3A_401 = arith.addi %parallel_loop3A_399, %parallel_loop3A_400 : i32
        %parallel_loop3A_402 = arith.index_cast %parallel_loop3A_401 : i32 to index
        %parallel_loop3A_403 = tpu.vector_load %arg8[%parallel_loop3A_402] {strides = array<i32>} : memref<8320xf32, #tpu.memory_space<vmem>>, vector<16xf32>,
        tpu.vector_store %arg8[%parallel_loop3A_402], %parallel_loop3A_397 {strides = array<i32>} : memref<8320xf32, #tpu.memory_space<vmem>>, vector<16xf32>,
        %parallel_loop3A_404 = arith.constant 8 : i32
        %parallel_loop3A_405 = arith.muli %parallel_loop3A_203, %parallel_loop3A_404 : i32
        %parallel_loop3A_406 = arith.constant 5 : i32
        %parallel_loop3A_407 = arith.addi %parallel_loop3A_405, %parallel_loop3A_406 : i32
        %parallel_loop3A_408 = arith.index_cast %parallel_loop3A_407 : i32 to index
        %parallel_loop3A_409 = arith.constant 0 : index
        %parallel_loop3A_410 = tpu.vector_load %arg6[%parallel_loop3A_408, %parallel_loop3A_409] {strides = array<i32>} : memref<128x64xf32, #tpu.memory_space<vmem>>, vector<16xf32>,
        %parallel_loop3A_411 = arith.constant 65 : i32
        %parallel_loop3A_412 = arith.muli %parallel_loop3A_407, %parallel_loop3A_411 : i32
        %parallel_loop3A_413 = arith.constant 0 : i32
        %parallel_loop3A_414 = arith.addi %parallel_loop3A_412, %parallel_loop3A_413 : i32
        %parallel_loop3A_415 = arith.index_cast %parallel_loop3A_414 : i32 to index
        %parallel_loop3A_416 = tpu.vector_load %arg8[%parallel_loop3A_415] {strides = array<i32>} : memref<8320xf32, #tpu.memory_space<vmem>>, vector<16xf32>,
        tpu.vector_store %arg8[%parallel_loop3A_415], %parallel_loop3A_410 {strides = array<i32>} : memref<8320xf32, #tpu.memory_space<vmem>>, vector<16xf32>,
        %parallel_loop3A_417 = arith.index_cast %parallel_loop3A_407 : i32 to index
        %parallel_loop3A_418 = arith.constant 16 : index
        %parallel_loop3A_419 = tpu.vector_load %arg6[%parallel_loop3A_417, %parallel_loop3A_418] {strides = array<i32>} : memref<128x64xf32, #tpu.memory_space<vmem>>, vector<16xf32>,
        %parallel_loop3A_420 = arith.constant 65 : i32
        %parallel_loop3A_421 = arith.muli %parallel_loop3A_407, %parallel_loop3A_420 : i32
        %parallel_loop3A_422 = arith.constant 16 : i32
        %parallel_loop3A_423 = arith.addi %parallel_loop3A_421, %parallel_loop3A_422 : i32
        %parallel_loop3A_424 = arith.index_cast %parallel_loop3A_423 : i32 to index
        %parallel_loop3A_425 = tpu.vector_load %arg8[%parallel_loop3A_424] {strides = array<i32>} : memref<8320xf32, #tpu.memory_space<vmem>>, vector<16xf32>,
        tpu.vector_store %arg8[%parallel_loop3A_424], %parallel_loop3A_419 {strides = array<i32>} : memref<8320xf32, #tpu.memory_space<vmem>>, vector<16xf32>,
        %parallel_loop3A_426 = arith.index_cast %parallel_loop3A_407 : i32 to index
        %parallel_loop3A_427 = arith.constant 32 : index
        %parallel_loop3A_428 = tpu.vector_load %arg6[%parallel_loop3A_426, %parallel_loop3A_427] {strides = array<i32>} : memref<128x64xf32, #tpu.memory_space<vmem>>, vector<16xf32>,
        %parallel_loop3A_429 = arith.constant 65 : i32
        %parallel_loop3A_430 = arith.muli %parallel_loop3A_407, %parallel_loop3A_429 : i32
        %parallel_loop3A_431 = arith.constant 32 : i32
        %parallel_loop3A_432 = arith.addi %parallel_loop3A_430, %parallel_loop3A_431 : i32
        %parallel_loop3A_433 = arith.index_cast %parallel_loop3A_432 : i32 to index
        %parallel_loop3A_434 = tpu.vector_load %arg8[%parallel_loop3A_433] {strides = array<i32>} : memref<8320xf32, #tpu.memory_space<vmem>>, vector<16xf32>,
        tpu.vector_store %arg8[%parallel_loop3A_433], %parallel_loop3A_428 {strides = array<i32>} : memref<8320xf32, #tpu.memory_space<vmem>>, vector<16xf32>,
        %parallel_loop3A_435 = arith.index_cast %parallel_loop3A_407 : i32 to index
        %parallel_loop3A_436 = arith.constant 48 : index
        %parallel_loop3A_437 = tpu.vector_load %arg6[%parallel_loop3A_435, %parallel_loop3A_436] {strides = array<i32>} : memref<128x64xf32, #tpu.memory_space<vmem>>, vector<16xf32>,
        %parallel_loop3A_438 = arith.constant 65 : i32
        %parallel_loop3A_439 = arith.muli %parallel_loop3A_407, %parallel_loop3A_438 : i32
        %parallel_loop3A_440 = arith.constant 48 : i32
        %parallel_loop3A_441 = arith.addi %parallel_loop3A_439, %parallel_loop3A_440 : i32
        %parallel_loop3A_442 = arith.index_cast %parallel_loop3A_441 : i32 to index
        %parallel_loop3A_443 = tpu.vector_load %arg8[%parallel_loop3A_442] {strides = array<i32>} : memref<8320xf32, #tpu.memory_space<vmem>>, vector<16xf32>,
        tpu.vector_store %arg8[%parallel_loop3A_442], %parallel_loop3A_437 {strides = array<i32>} : memref<8320xf32, #tpu.memory_space<vmem>>, vector<16xf32>,
        %parallel_loop3A_444 = arith.constant 8 : i32
        %parallel_loop3A_445 = arith.muli %parallel_loop3A_203, %parallel_loop3A_444 : i32
        %parallel_loop3A_446 = arith.constant 6 : i32
        %parallel_loop3A_447 = arith.addi %parallel_loop3A_445, %parallel_loop3A_446 : i32
        %parallel_loop3A_448 = arith.index_cast %parallel_loop3A_447 : i32 to index
        %parallel_loop3A_449 = arith.constant 0 : index
        %parallel_loop3A_450 = tpu.vector_load %arg6[%parallel_loop3A_448, %parallel_loop3A_449] {strides = array<i32>} : memref<128x64xf32, #tpu.memory_space<vmem>>, vector<16xf32>,
        %parallel_loop3A_451 = arith.constant 65 : i32
        %parallel_loop3A_452 = arith.muli %parallel_loop3A_447, %parallel_loop3A_451 : i32
        %parallel_loop3A_453 = arith.constant 0 : i32
        %parallel_loop3A_454 = arith.addi %parallel_loop3A_452, %parallel_loop3A_453 : i32
        %parallel_loop3A_455 = arith.index_cast %parallel_loop3A_454 : i32 to index
        %parallel_loop3A_456 = tpu.vector_load %arg8[%parallel_loop3A_455] {strides = array<i32>} : memref<8320xf32, #tpu.memory_space<vmem>>, vector<16xf32>,
        tpu.vector_store %arg8[%parallel_loop3A_455], %parallel_loop3A_450 {strides = array<i32>} : memref<8320xf32, #tpu.memory_space<vmem>>, vector<16xf32>,
        %parallel_loop3A_457 = arith.index_cast %parallel_loop3A_447 : i32 to index
        %parallel_loop3A_458 = arith.constant 16 : index
        %parallel_loop3A_459 = tpu.vector_load %arg6[%parallel_loop3A_457, %parallel_loop3A_458] {strides = array<i32>} : memref<128x64xf32, #tpu.memory_space<vmem>>, vector<16xf32>,
        %parallel_loop3A_460 = arith.constant 65 : i32
        %parallel_loop3A_461 = arith.muli %parallel_loop3A_447, %parallel_loop3A_460 : i32
        %parallel_loop3A_462 = arith.constant 16 : i32
        %parallel_loop3A_463 = arith.addi %parallel_loop3A_461, %parallel_loop3A_462 : i32
        %parallel_loop3A_464 = arith.index_cast %parallel_loop3A_463 : i32 to index
        %parallel_loop3A_465 = tpu.vector_load %arg8[%parallel_loop3A_464] {strides = array<i32>} : memref<8320xf32, #tpu.memory_space<vmem>>, vector<16xf32>,
        tpu.vector_store %arg8[%parallel_loop3A_464], %parallel_loop3A_459 {strides = array<i32>} : memref<8320xf32, #tpu.memory_space<vmem>>, vector<16xf32>,
        %parallel_loop3A_466 = arith.index_cast %parallel_loop3A_447 : i32 to index
        %parallel_loop3A_467 = arith.constant 32 : index
        %parallel_loop3A_468 = tpu.vector_load %arg6[%parallel_loop3A_466, %parallel_loop3A_467] {strides = array<i32>} : memref<128x64xf32, #tpu.memory_space<vmem>>, vector<16xf32>,
        %parallel_loop3A_469 = arith.constant 65 : i32
        %parallel_loop3A_470 = arith.muli %parallel_loop3A_447, %parallel_loop3A_469 : i32
        %parallel_loop3A_471 = arith.constant 32 : i32
        %parallel_loop3A_472 = arith.addi %parallel_loop3A_470, %parallel_loop3A_471 : i32
        %parallel_loop3A_473 = arith.index_cast %parallel_loop3A_472 : i32 to index
        %parallel_loop3A_474 = tpu.vector_load %arg8[%parallel_loop3A_473] {strides = array<i32>} : memref<8320xf32, #tpu.memory_space<vmem>>, vector<16xf32>,
        tpu.vector_store %arg8[%parallel_loop3A_473], %parallel_loop3A_468 {strides = array<i32>} : memref<8320xf32, #tpu.memory_space<vmem>>, vector<16xf32>,
        %parallel_loop3A_475 = arith.index_cast %parallel_loop3A_447 : i32 to index
        %parallel_loop3A_476 = arith.constant 48 : index
        %parallel_loop3A_477 = tpu.vector_load %arg6[%parallel_loop3A_475, %parallel_loop3A_476] {strides = array<i32>} : memref<128x64xf32, #tpu.memory_space<vmem>>, vector<16xf32>,
        %parallel_loop3A_478 = arith.constant 65 : i32
        %parallel_loop3A_479 = arith.muli %parallel_loop3A_447, %parallel_loop3A_478 : i32
        %parallel_loop3A_480 = arith.constant 48 : i32
        %parallel_loop3A_481 = arith.addi %parallel_loop3A_479, %parallel_loop3A_480 : i32
        %parallel_loop3A_482 = arith.index_cast %parallel_loop3A_481 : i32 to index
        %parallel_loop3A_483 = tpu.vector_load %arg8[%parallel_loop3A_482] {strides = array<i32>} : memref<8320xf32, #tpu.memory_space<vmem>>, vector<16xf32>,
        tpu.vector_store %arg8[%parallel_loop3A_482], %parallel_loop3A_477 {strides = array<i32>} : memref<8320xf32, #tpu.memory_space<vmem>>, vector<16xf32>,
        %parallel_loop3A_484 = arith.constant 8 : i32
        %parallel_loop3A_485 = arith.muli %parallel_loop3A_203, %parallel_loop3A_484 : i32
        %parallel_loop3A_486 = arith.constant 7 : i32
        %parallel_loop3A_487 = arith.addi %parallel_loop3A_485, %parallel_loop3A_486 : i32
        %parallel_loop3A_488 = arith.index_cast %parallel_loop3A_487 : i32 to index
        %parallel_loop3A_489 = arith.constant 0 : index
        %parallel_loop3A_490 = tpu.vector_load %arg6[%parallel_loop3A_488, %parallel_loop3A_489] {strides = array<i32>} : memref<128x64xf32, #tpu.memory_space<vmem>>, vector<16xf32>,
        %parallel_loop3A_491 = arith.constant 65 : i32
        %parallel_loop3A_492 = arith.muli %parallel_loop3A_487, %parallel_loop3A_491 : i32
        %parallel_loop3A_493 = arith.constant 0 : i32
        %parallel_loop3A_494 = arith.addi %parallel_loop3A_492, %parallel_loop3A_493 : i32
        %parallel_loop3A_495 = arith.index_cast %parallel_loop3A_494 : i32 to index
        %parallel_loop3A_496 = tpu.vector_load %arg8[%parallel_loop3A_495] {strides = array<i32>} : memref<8320xf32, #tpu.memory_space<vmem>>, vector<16xf32>,
        tpu.vector_store %arg8[%parallel_loop3A_495], %parallel_loop3A_490 {strides = array<i32>} : memref<8320xf32, #tpu.memory_space<vmem>>, vector<16xf32>,
        %parallel_loop3A_497 = arith.index_cast %parallel_loop3A_487 : i32 to index
        %parallel_loop3A_498 = arith.constant 16 : index
        %parallel_loop3A_499 = tpu.vector_load %arg6[%parallel_loop3A_497, %parallel_loop3A_498] {strides = array<i32>} : memref<128x64xf32, #tpu.memory_space<vmem>>, vector<16xf32>,
        %parallel_loop3A_500 = arith.constant 65 : i32
        %parallel_loop3A_501 = arith.muli %parallel_loop3A_487, %parallel_loop3A_500 : i32
        %parallel_loop3A_502 = arith.constant 16 : i32
        %parallel_loop3A_503 = arith.addi %parallel_loop3A_501, %parallel_loop3A_502 : i32
        %parallel_loop3A_504 = arith.index_cast %parallel_loop3A_503 : i32 to index
        %parallel_loop3A_505 = tpu.vector_load %arg8[%parallel_loop3A_504] {strides = array<i32>} : memref<8320xf32, #tpu.memory_space<vmem>>, vector<16xf32>,
        tpu.vector_store %arg8[%parallel_loop3A_504], %parallel_loop3A_499 {strides = array<i32>} : memref<8320xf32, #tpu.memory_space<vmem>>, vector<16xf32>,
        %parallel_loop3A_506 = arith.index_cast %parallel_loop3A_487 : i32 to index
        %parallel_loop3A_507 = arith.constant 32 : index
        %parallel_loop3A_508 = tpu.vector_load %arg6[%parallel_loop3A_506, %parallel_loop3A_507] {strides = array<i32>} : memref<128x64xf32, #tpu.memory_space<vmem>>, vector<16xf32>,
        %parallel_loop3A_509 = arith.constant 65 : i32
        %parallel_loop3A_510 = arith.muli %parallel_loop3A_487, %parallel_loop3A_509 : i32
        %parallel_loop3A_511 = arith.constant 32 : i32
        %parallel_loop3A_512 = arith.addi %parallel_loop3A_510, %parallel_loop3A_511 : i32
        %parallel_loop3A_513 = arith.index_cast %parallel_loop3A_512 : i32 to index
        %parallel_loop3A_514 = tpu.vector_load %arg8[%parallel_loop3A_513] {strides = array<i32>} : memref<8320xf32, #tpu.memory_space<vmem>>, vector<16xf32>,
        tpu.vector_store %arg8[%parallel_loop3A_513], %parallel_loop3A_508 {strides = array<i32>} : memref<8320xf32, #tpu.memory_space<vmem>>, vector<16xf32>,
        %parallel_loop3A_515 = arith.index_cast %parallel_loop3A_487 : i32 to index
        %parallel_loop3A_516 = arith.constant 48 : index
        %parallel_loop3A_517 = tpu.vector_load %arg6[%parallel_loop3A_515, %parallel_loop3A_516] {strides = array<i32>} : memref<128x64xf32, #tpu.memory_space<vmem>>, vector<16xf32>,
        %parallel_loop3A_518 = arith.constant 65 : i32
        %parallel_loop3A_519 = arith.muli %parallel_loop3A_487, %parallel_loop3A_518 : i32
        %parallel_loop3A_520 = arith.constant 48 : i32
        %parallel_loop3A_521 = arith.addi %parallel_loop3A_519, %parallel_loop3A_520 : i32
        %parallel_loop3A_522 = arith.index_cast %parallel_loop3A_521 : i32 to index
        %parallel_loop3A_523 = tpu.vector_load %arg8[%parallel_loop3A_522] {strides = array<i32>} : memref<8320xf32, #tpu.memory_space<vmem>>, vector<16xf32>,
        tpu.vector_store %arg8[%parallel_loop3A_522], %parallel_loop3A_517 {strides = array<i32>} : memref<8320xf32, #tpu.memory_space<vmem>>, vector<16xf32>,
      } {sc.loop_unroll_factor = 1 : i64, sc.parallel_access}
      %parallel_loop3A_128 = arith.constant 0 : i32
      %parallel_loop3A_129 = arith.constant 8 : i32
      %parallel_loop3A_130 = arith.constant 1 : i32
      scf.for %parallel_loop3A_203 = %parallel_loop3A_128 to %parallel_loop3A_129 step %parallel_loop3A_130  : i32 {
        %parallel_loop3A_204 = arith.constant 8 : i32
        %parallel_loop3A_205 = arith.muli %parallel_loop3A_203, %parallel_loop3A_204 : i32
        %parallel_loop3A_206 = arith.constant 0 : i32
        %parallel_loop3A_207 = arith.addi %parallel_loop3A_205, %parallel_loop3A_206 : i32
        %parallel_loop3A_208 = vector.broadcast %parallel_loop3A_207 : i32 to vector<16xi32>
        %parallel_loop3A_209 = arith.addi %mul3A_8, %parallel_loop3A_208 : vector<16xi32>
        %parallel_loop3A_210 = tpu.vector_load_idx %arg8[%parallel_loop3A_209] : memref<8320xf32, #tpu.memory_space<vmem>>[vector<16xi32>], vector<16xf32>,
        %parallel_loop3A_211 = arith.constant 0 : i32
        %parallel_loop3A_212 = arith.index_cast %parallel_loop3A_203 : i32 to index
        %parallel_loop3A_213 = arith.index_cast %parallel_loop3A_211 : i32 to index
        %parallel_loop3A_214 = arith.constant 0 : index
        %parallel_loop3A_215 = tpu.vector_load %arg10[%parallel_loop3A_212, %parallel_loop3A_213, %parallel_loop3A_214] {strides = array<i32>} : memref<8x8x128xf32, #tpu.memory_space<vmem>>, vector<16xf32>,
        tpu.vector_store %arg10[%parallel_loop3A_212, %parallel_loop3A_213, %parallel_loop3A_214], %parallel_loop3A_210 {strides = array<i32>} : memref<8x8x128xf32, #tpu.memory_space<vmem>>, vector<16xf32>,
        %parallel_loop3A_216 = vector.broadcast %parallel_loop3A_207 : i32 to vector<16xi32>
        %parallel_loop3A_217 = arith.addi %mul3A_14, %parallel_loop3A_216 : vector<16xi32>
        %parallel_loop3A_218 = tpu.vector_load_idx %arg8[%parallel_loop3A_217] : memref<8320xf32, #tpu.memory_space<vmem>>[vector<16xi32>], vector<16xf32>,
        %parallel_loop3A_219 = arith.constant 0 : i32
        %parallel_loop3A_220 = arith.index_cast %parallel_loop3A_203 : i32 to index
        %parallel_loop3A_221 = arith.index_cast %parallel_loop3A_219 : i32 to index
        %parallel_loop3A_222 = arith.constant 16 : index
        %parallel_loop3A_223 = tpu.vector_load %arg10[%parallel_loop3A_220, %parallel_loop3A_221, %parallel_loop3A_222] {strides = array<i32>} : memref<8x8x128xf32, #tpu.memory_space<vmem>>, vector<16xf32>,
        tpu.vector_store %arg10[%parallel_loop3A_220, %parallel_loop3A_221, %parallel_loop3A_222], %parallel_loop3A_218 {strides = array<i32>} : memref<8x8x128xf32, #tpu.memory_space<vmem>>, vector<16xf32>,
        %parallel_loop3A_224 = vector.broadcast %parallel_loop3A_207 : i32 to vector<16xi32>
        %parallel_loop3A_225 = arith.addi %mul3A_20, %parallel_loop3A_224 : vector<16xi32>
        %parallel_loop3A_226 = tpu.vector_load_idx %arg8[%parallel_loop3A_225] : memref<8320xf32, #tpu.memory_space<vmem>>[vector<16xi32>], vector<16xf32>,
        %parallel_loop3A_227 = arith.constant 0 : i32
        %parallel_loop3A_228 = arith.index_cast %parallel_loop3A_203 : i32 to index
        %parallel_loop3A_229 = arith.index_cast %parallel_loop3A_227 : i32 to index
        %parallel_loop3A_230 = arith.constant 32 : index
        %parallel_loop3A_231 = tpu.vector_load %arg10[%parallel_loop3A_228, %parallel_loop3A_229, %parallel_loop3A_230] {strides = array<i32>} : memref<8x8x128xf32, #tpu.memory_space<vmem>>, vector<16xf32>,
        tpu.vector_store %arg10[%parallel_loop3A_228, %parallel_loop3A_229, %parallel_loop3A_230], %parallel_loop3A_226 {strides = array<i32>} : memref<8x8x128xf32, #tpu.memory_space<vmem>>, vector<16xf32>,
        %parallel_loop3A_232 = vector.broadcast %parallel_loop3A_207 : i32 to vector<16xi32>
        %parallel_loop3A_233 = arith.addi %mul3A_26, %parallel_loop3A_232 : vector<16xi32>
        %parallel_loop3A_234 = tpu.vector_load_idx %arg8[%parallel_loop3A_233] : memref<8320xf32, #tpu.memory_space<vmem>>[vector<16xi32>], vector<16xf32>,
        %parallel_loop3A_235 = arith.constant 0 : i32
        %parallel_loop3A_236 = arith.index_cast %parallel_loop3A_203 : i32 to index
        %parallel_loop3A_237 = arith.index_cast %parallel_loop3A_235 : i32 to index
        %parallel_loop3A_238 = arith.constant 48 : index
        %parallel_loop3A_239 = tpu.vector_load %arg10[%parallel_loop3A_236, %parallel_loop3A_237, %parallel_loop3A_238] {strides = array<i32>} : memref<8x8x128xf32, #tpu.memory_space<vmem>>, vector<16xf32>,
        tpu.vector_store %arg10[%parallel_loop3A_236, %parallel_loop3A_237, %parallel_loop3A_238], %parallel_loop3A_234 {strides = array<i32>} : memref<8x8x128xf32, #tpu.memory_space<vmem>>, vector<16xf32>,
        %parallel_loop3A_240 = vector.broadcast %parallel_loop3A_207 : i32 to vector<16xi32>
        %parallel_loop3A_241 = arith.addi %mul3A_32, %parallel_loop3A_240 : vector<16xi32>
        %parallel_loop3A_242 = tpu.vector_load_idx %arg8[%parallel_loop3A_241] : memref<8320xf32, #tpu.memory_space<vmem>>[vector<16xi32>], vector<16xf32>,
        %parallel_loop3A_243 = arith.constant 0 : i32
        %parallel_loop3A_244 = arith.index_cast %parallel_loop3A_203 : i32 to index
        %parallel_loop3A_245 = arith.index_cast %parallel_loop3A_243 : i32 to index
        %parallel_loop3A_246 = arith.constant 64 : index
        %parallel_loop3A_247 = tpu.vector_load %arg10[%parallel_loop3A_244, %parallel_loop3A_245, %parallel_loop3A_246] {strides = array<i32>} : memref<8x8x128xf32, #tpu.memory_space<vmem>>, vector<16xf32>,
        tpu.vector_store %arg10[%parallel_loop3A_244, %parallel_loop3A_245, %parallel_loop3A_246], %parallel_loop3A_242 {strides = array<i32>} : memref<8x8x128xf32, #tpu.memory_space<vmem>>, vector<16xf32>,
        %parallel_loop3A_248 = vector.broadcast %parallel_loop3A_207 : i32 to vector<16xi32>
        %parallel_loop3A_249 = arith.addi %mul3A_38, %parallel_loop3A_248 : vector<16xi32>
        %parallel_loop3A_250 = tpu.vector_load_idx %arg8[%parallel_loop3A_249] : memref<8320xf32, #tpu.memory_space<vmem>>[vector<16xi32>], vector<16xf32>,
        %parallel_loop3A_251 = arith.constant 0 : i32
        %parallel_loop3A_252 = arith.index_cast %parallel_loop3A_203 : i32 to index
        %parallel_loop3A_253 = arith.index_cast %parallel_loop3A_251 : i32 to index
        %parallel_loop3A_254 = arith.constant 80 : index
        %parallel_loop3A_255 = tpu.vector_load %arg10[%parallel_loop3A_252, %parallel_loop3A_253, %parallel_loop3A_254] {strides = array<i32>} : memref<8x8x128xf32, #tpu.memory_space<vmem>>, vector<16xf32>,
        tpu.vector_store %arg10[%parallel_loop3A_252, %parallel_loop3A_253, %parallel_loop3A_254], %parallel_loop3A_250 {strides = array<i32>} : memref<8x8x128xf32, #tpu.memory_space<vmem>>, vector<16xf32>,
        %parallel_loop3A_256 = vector.broadcast %parallel_loop3A_207 : i32 to vector<16xi32>
        %parallel_loop3A_257 = arith.addi %mul3A_44, %parallel_loop3A_256 : vector<16xi32>
        %parallel_loop3A_258 = tpu.vector_load_idx %arg8[%parallel_loop3A_257] : memref<8320xf32, #tpu.memory_space<vmem>>[vector<16xi32>], vector<16xf32>,
        %parallel_loop3A_259 = arith.constant 0 : i32
        %parallel_loop3A_260 = arith.index_cast %parallel_loop3A_203 : i32 to index
        %parallel_loop3A_261 = arith.index_cast %parallel_loop3A_259 : i32 to index
        %parallel_loop3A_262 = arith.constant 96 : index
        %parallel_loop3A_263 = tpu.vector_load %arg10[%parallel_loop3A_260, %parallel_loop3A_261, %parallel_loop3A_262] {strides = array<i32>} : memref<8x8x128xf32, #tpu.memory_space<vmem>>, vector<16xf32>,
        tpu.vector_store %arg10[%parallel_loop3A_260, %parallel_loop3A_261, %parallel_loop3A_262], %parallel_loop3A_258 {strides = array<i32>} : memref<8x8x128xf32, #tpu.memory_space<vmem>>, vector<16xf32>,
        %parallel_loop3A_264 = vector.broadcast %parallel_loop3A_207 : i32 to vector<16xi32>
        %parallel_loop3A_265 = arith.addi %mul3A_50, %parallel_loop3A_264 : vector<16xi32>
        %parallel_loop3A_266 = tpu.vector_load_idx %arg8[%parallel_loop3A_265] : memref<8320xf32, #tpu.memory_space<vmem>>[vector<16xi32>], vector<16xf32>,
        %parallel_loop3A_267 = arith.constant 0 : i32
        %parallel_loop3A_268 = arith.index_cast %parallel_loop3A_203 : i32 to index
        %parallel_loop3A_269 = arith.index_cast %parallel_loop3A_267 : i32 to index
        %parallel_loop3A_270 = arith.constant 112 : index
        %parallel_loop3A_271 = tpu.vector_load %arg10[%parallel_loop3A_268, %parallel_loop3A_269, %parallel_loop3A_270] {strides = array<i32>} : memref<8x8x128xf32, #tpu.memory_space<vmem>>, vector<16xf32>,
        tpu.vector_store %arg10[%parallel_loop3A_268, %parallel_loop3A_269, %parallel_loop3A_270], %parallel_loop3A_266 {strides = array<i32>} : memref<8x8x128xf32, #tpu.memory_space<vmem>>, vector<16xf32>,
        %parallel_loop3A_272 = arith.constant 8 : i32
        %parallel_loop3A_273 = arith.muli %parallel_loop3A_203, %parallel_loop3A_272 : i32
        %parallel_loop3A_274 = arith.constant 1 : i32
        %parallel_loop3A_275 = arith.addi %parallel_loop3A_273, %parallel_loop3A_274 : i32
        %parallel_loop3A_276 = vector.broadcast %parallel_loop3A_275 : i32 to vector<16xi32>
        %parallel_loop3A_277 = arith.addi %mul3A_8, %parallel_loop3A_276 : vector<16xi32>
        %parallel_loop3A_278 = tpu.vector_load_idx %arg8[%parallel_loop3A_277] : memref<8320xf32, #tpu.memory_space<vmem>>[vector<16xi32>], vector<16xf32>,
        %parallel_loop3A_279 = arith.constant 1 : i32
        %parallel_loop3A_280 = arith.index_cast %parallel_loop3A_203 : i32 to index
        %parallel_loop3A_281 = arith.index_cast %parallel_loop3A_279 : i32 to index
        %parallel_loop3A_282 = arith.constant 0 : index
        %parallel_loop3A_283 = tpu.vector_load %arg10[%parallel_loop3A_280, %parallel_loop3A_281, %parallel_loop3A_282] {strides = array<i32>} : memref<8x8x128xf32, #tpu.memory_space<vmem>>, vector<16xf32>,
        tpu.vector_store %arg10[%parallel_loop3A_280, %parallel_loop3A_281, %parallel_loop3A_282], %parallel_loop3A_278 {strides = array<i32>} : memref<8x8x128xf32, #tpu.memory_space<vmem>>, vector<16xf32>,
        %parallel_loop3A_284 = vector.broadcast %parallel_loop3A_275 : i32 to vector<16xi32>
        %parallel_loop3A_285 = arith.addi %mul3A_14, %parallel_loop3A_284 : vector<16xi32>
        %parallel_loop3A_286 = tpu.vector_load_idx %arg8[%parallel_loop3A_285] : memref<8320xf32, #tpu.memory_space<vmem>>[vector<16xi32>], vector<16xf32>,
        %parallel_loop3A_287 = arith.constant 1 : i32
        %parallel_loop3A_288 = arith.index_cast %parallel_loop3A_203 : i32 to index
        %parallel_loop3A_289 = arith.index_cast %parallel_loop3A_287 : i32 to index
        %parallel_loop3A_290 = arith.constant 16 : index
        %parallel_loop3A_291 = tpu.vector_load %arg10[%parallel_loop3A_288, %parallel_loop3A_289, %parallel_loop3A_290] {strides = array<i32>} : memref<8x8x128xf32, #tpu.memory_space<vmem>>, vector<16xf32>,
        tpu.vector_store %arg10[%parallel_loop3A_288, %parallel_loop3A_289, %parallel_loop3A_290], %parallel_loop3A_286 {strides = array<i32>} : memref<8x8x128xf32, #tpu.memory_space<vmem>>, vector<16xf32>,
        %parallel_loop3A_292 = vector.broadcast %parallel_loop3A_275 : i32 to vector<16xi32>
        %parallel_loop3A_293 = arith.addi %mul3A_20, %parallel_loop3A_292 : vector<16xi32>
        %parallel_loop3A_294 = tpu.vector_load_idx %arg8[%parallel_loop3A_293] : memref<8320xf32, #tpu.memory_space<vmem>>[vector<16xi32>], vector<16xf32>,
        %parallel_loop3A_295 = arith.constant 1 : i32
        %parallel_loop3A_296 = arith.index_cast %parallel_loop3A_203 : i32 to index
        %parallel_loop3A_297 = arith.index_cast %parallel_loop3A_295 : i32 to index
        %parallel_loop3A_298 = arith.constant 32 : index
        %parallel_loop3A_299 = tpu.vector_load %arg10[%parallel_loop3A_296, %parallel_loop3A_297, %parallel_loop3A_298] {strides = array<i32>} : memref<8x8x128xf32, #tpu.memory_space<vmem>>, vector<16xf32>,
        tpu.vector_store %arg10[%parallel_loop3A_296, %parallel_loop3A_297, %parallel_loop3A_298], %parallel_loop3A_294 {strides = array<i32>} : memref<8x8x128xf32, #tpu.memory_space<vmem>>, vector<16xf32>,
        %parallel_loop3A_300 = vector.broadcast %parallel_loop3A_275 : i32 to vector<16xi32>
        %parallel_loop3A_301 = arith.addi %mul3A_26, %parallel_loop3A_300 : vector<16xi32>
        %parallel_loop3A_302 = tpu.vector_load_idx %arg8[%parallel_loop3A_301] : memref<8320xf32, #tpu.memory_space<vmem>>[vector<16xi32>], vector<16xf32>,
        %parallel_loop3A_303 = arith.constant 1 : i32
        %parallel_loop3A_304 = arith.index_cast %parallel_loop3A_203 : i32 to index
        %parallel_loop3A_305 = arith.index_cast %parallel_loop3A_303 : i32 to index
        %parallel_loop3A_306 = arith.constant 48 : index
        %parallel_loop3A_307 = tpu.vector_load %arg10[%parallel_loop3A_304, %parallel_loop3A_305, %parallel_loop3A_306] {strides = array<i32>} : memref<8x8x128xf32, #tpu.memory_space<vmem>>, vector<16xf32>,
        tpu.vector_store %arg10[%parallel_loop3A_304, %parallel_loop3A_305, %parallel_loop3A_306], %parallel_loop3A_302 {strides = array<i32>} : memref<8x8x128xf32, #tpu.memory_space<vmem>>, vector<16xf32>,
        %parallel_loop3A_308 = vector.broadcast %parallel_loop3A_275 : i32 to vector<16xi32>
        %parallel_loop3A_309 = arith.addi %mul3A_32, %parallel_loop3A_308 : vector<16xi32>
        %parallel_loop3A_310 = tpu.vector_load_idx %arg8[%parallel_loop3A_309] : memref<8320xf32, #tpu.memory_space<vmem>>[vector<16xi32>], vector<16xf32>,
        %parallel_loop3A_311 = arith.constant 1 : i32
        %parallel_loop3A_312 = arith.index_cast %parallel_loop3A_203 : i32 to index
        %parallel_loop3A_313 = arith.index_cast %parallel_loop3A_311 : i32 to index
        %parallel_loop3A_314 = arith.constant 64 : index
        %parallel_loop3A_315 = tpu.vector_load %arg10[%parallel_loop3A_312, %parallel_loop3A_313, %parallel_loop3A_314] {strides = array<i32>} : memref<8x8x128xf32, #tpu.memory_space<vmem>>, vector<16xf32>,
        tpu.vector_store %arg10[%parallel_loop3A_312, %parallel_loop3A_313, %parallel_loop3A_314], %parallel_loop3A_310 {strides = array<i32>} : memref<8x8x128xf32, #tpu.memory_space<vmem>>, vector<16xf32>,
        %parallel_loop3A_316 = vector.broadcast %parallel_loop3A_275 : i32 to vector<16xi32>
        %parallel_loop3A_317 = arith.addi %mul3A_38, %parallel_loop3A_316 : vector<16xi32>
        %parallel_loop3A_318 = tpu.vector_load_idx %arg8[%parallel_loop3A_317] : memref<8320xf32, #tpu.memory_space<vmem>>[vector<16xi32>], vector<16xf32>,
        %parallel_loop3A_319 = arith.constant 1 : i32
        %parallel_loop3A_320 = arith.index_cast %parallel_loop3A_203 : i32 to index
        %parallel_loop3A_321 = arith.index_cast %parallel_loop3A_319 : i32 to index
        %parallel_loop3A_322 = arith.constant 80 : index
        %parallel_loop3A_323 = tpu.vector_load %arg10[%parallel_loop3A_320, %parallel_loop3A_321, %parallel_loop3A_322] {strides = array<i32>} : memref<8x8x128xf32, #tpu.memory_space<vmem>>, vector<16xf32>,
        tpu.vector_store %arg10[%parallel_loop3A_320, %parallel_loop3A_321, %parallel_loop3A_322], %parallel_loop3A_318 {strides = array<i32>} : memref<8x8x128xf32, #tpu.memory_space<vmem>>, vector<16xf32>,
        %parallel_loop3A_324 = vector.broadcast %parallel_loop3A_275 : i32 to vector<16xi32>
        %parallel_loop3A_325 = arith.addi %mul3A_44, %parallel_loop3A_324 : vector<16xi32>
        %parallel_loop3A_326 = tpu.vector_load_idx %arg8[%parallel_loop3A_325] : memref<8320xf32, #tpu.memory_space<vmem>>[vector<16xi32>], vector<16xf32>,
        %parallel_loop3A_327 = arith.constant 1 : i32
        %parallel_loop3A_328 = arith.index_cast %parallel_loop3A_203 : i32 to index
        %parallel_loop3A_329 = arith.index_cast %parallel_loop3A_327 : i32 to index
        %parallel_loop3A_330 = arith.constant 96 : index
        %parallel_loop3A_331 = tpu.vector_load %arg10[%parallel_loop3A_328, %parallel_loop3A_329, %parallel_loop3A_330] {strides = array<i32>} : memref<8x8x128xf32, #tpu.memory_space<vmem>>, vector<16xf32>,
        tpu.vector_store %arg10[%parallel_loop3A_328, %parallel_loop3A_329, %parallel_loop3A_330], %parallel_loop3A_326 {strides = array<i32>} : memref<8x8x128xf32, #tpu.memory_space<vmem>>, vector<16xf32>,
        %parallel_loop3A_332 = vector.broadcast %parallel_loop3A_275 : i32 to vector<16xi32>
        %parallel_loop3A_333 = arith.addi %mul3A_50, %parallel_loop3A_332 : vector<16xi32>
        %parallel_loop3A_334 = tpu.vector_load_idx %arg8[%parallel_loop3A_333] : memref<8320xf32, #tpu.memory_space<vmem>>[vector<16xi32>], vector<16xf32>,
        %parallel_loop3A_335 = arith.constant 1 : i32
        %parallel_loop3A_336 = arith.index_cast %parallel_loop3A_203 : i32 to index
        %parallel_loop3A_337 = arith.index_cast %parallel_loop3A_335 : i32 to index
        %parallel_loop3A_338 = arith.constant 112 : index
        %parallel_loop3A_339 = tpu.vector_load %arg10[%parallel_loop3A_336, %parallel_loop3A_337, %parallel_loop3A_338] {strides = array<i32>} : memref<8x8x128xf32, #tpu.memory_space<vmem>>, vector<16xf32>,
        tpu.vector_store %arg10[%parallel_loop3A_336, %parallel_loop3A_337, %parallel_loop3A_338], %parallel_loop3A_334 {strides = array<i32>} : memref<8x8x128xf32, #tpu.memory_space<vmem>>, vector<16xf32>,
        %parallel_loop3A_340 = arith.constant 8 : i32
        %parallel_loop3A_341 = arith.muli %parallel_loop3A_203, %parallel_loop3A_340 : i32
        %parallel_loop3A_342 = arith.constant 2 : i32
        %parallel_loop3A_343 = arith.addi %parallel_loop3A_341, %parallel_loop3A_342 : i32
        %parallel_loop3A_344 = vector.broadcast %parallel_loop3A_343 : i32 to vector<16xi32>
        %parallel_loop3A_345 = arith.addi %mul3A_8, %parallel_loop3A_344 : vector<16xi32>
        %parallel_loop3A_346 = tpu.vector_load_idx %arg8[%parallel_loop3A_345] : memref<8320xf32, #tpu.memory_space<vmem>>[vector<16xi32>], vector<16xf32>,
        %parallel_loop3A_347 = arith.constant 2 : i32
        %parallel_loop3A_348 = arith.index_cast %parallel_loop3A_203 : i32 to index
        %parallel_loop3A_349 = arith.index_cast %parallel_loop3A_347 : i32 to index
        %parallel_loop3A_350 = arith.constant 0 : index
        %parallel_loop3A_351 = tpu.vector_load %arg10[%parallel_loop3A_348, %parallel_loop3A_349, %parallel_loop3A_350] {strides = array<i32>} : memref<8x8x128xf32, #tpu.memory_space<vmem>>, vector<16xf32>,
        tpu.vector_store %arg10[%parallel_loop3A_348, %parallel_loop3A_349, %parallel_loop3A_350], %parallel_loop3A_346 {strides = array<i32>} : memref<8x8x128xf32, #tpu.memory_space<vmem>>, vector<16xf32>,
        %parallel_loop3A_352 = vector.broadcast %parallel_loop3A_343 : i32 to vector<16xi32>
        %parallel_loop3A_353 = arith.addi %mul3A_14, %parallel_loop3A_352 : vector<16xi32>
        %parallel_loop3A_354 = tpu.vector_load_idx %arg8[%parallel_loop3A_353] : memref<8320xf32, #tpu.memory_space<vmem>>[vector<16xi32>], vector<16xf32>,
        %parallel_loop3A_355 = arith.constant 2 : i32
        %parallel_loop3A_356 = arith.index_cast %parallel_loop3A_203 : i32 to index
        %parallel_loop3A_357 = arith.index_cast %parallel_loop3A_355 : i32 to index
        %parallel_loop3A_358 = arith.constant 16 : index
        %parallel_loop3A_359 = tpu.vector_load %arg10[%parallel_loop3A_356, %parallel_loop3A_357, %parallel_loop3A_358] {strides = array<i32>} : memref<8x8x128xf32, #tpu.memory_space<vmem>>, vector<16xf32>,
        tpu.vector_store %arg10[%parallel_loop3A_356, %parallel_loop3A_357, %parallel_loop3A_358], %parallel_loop3A_354 {strides = array<i32>} : memref<8x8x128xf32, #tpu.memory_space<vmem>>, vector<16xf32>,
        %parallel_loop3A_360 = vector.broadcast %parallel_loop3A_343 : i32 to vector<16xi32>
        %parallel_loop3A_361 = arith.addi %mul3A_20, %parallel_loop3A_360 : vector<16xi32>
        %parallel_loop3A_362 = tpu.vector_load_idx %arg8[%parallel_loop3A_361] : memref<8320xf32, #tpu.memory_space<vmem>>[vector<16xi32>], vector<16xf32>,
        %parallel_loop3A_363 = arith.constant 2 : i32
        %parallel_loop3A_364 = arith.index_cast %parallel_loop3A_203 : i32 to index
        %parallel_loop3A_365 = arith.index_cast %parallel_loop3A_363 : i32 to index
        %parallel_loop3A_366 = arith.constant 32 : index
        %parallel_loop3A_367 = tpu.vector_load %arg10[%parallel_loop3A_364, %parallel_loop3A_365, %parallel_loop3A_366] {strides = array<i32>} : memref<8x8x128xf32, #tpu.memory_space<vmem>>, vector<16xf32>,
        tpu.vector_store %arg10[%parallel_loop3A_364, %parallel_loop3A_365, %parallel_loop3A_366], %parallel_loop3A_362 {strides = array<i32>} : memref<8x8x128xf32, #tpu.memory_space<vmem>>, vector<16xf32>,
        %parallel_loop3A_368 = vector.broadcast %parallel_loop3A_343 : i32 to vector<16xi32>
        %parallel_loop3A_369 = arith.addi %mul3A_26, %parallel_loop3A_368 : vector<16xi32>
        %parallel_loop3A_370 = tpu.vector_load_idx %arg8[%parallel_loop3A_369] : memref<8320xf32, #tpu.memory_space<vmem>>[vector<16xi32>], vector<16xf32>,
        %parallel_loop3A_371 = arith.constant 2 : i32
        %parallel_loop3A_372 = arith.index_cast %parallel_loop3A_203 : i32 to index
        %parallel_loop3A_373 = arith.index_cast %parallel_loop3A_371 : i32 to index
        %parallel_loop3A_374 = arith.constant 48 : index
        %parallel_loop3A_375 = tpu.vector_load %arg10[%parallel_loop3A_372, %parallel_loop3A_373, %parallel_loop3A_374] {strides = array<i32>} : memref<8x8x128xf32, #tpu.memory_space<vmem>>, vector<16xf32>,
        tpu.vector_store %arg10[%parallel_loop3A_372, %parallel_loop3A_373, %parallel_loop3A_374], %parallel_loop3A_370 {strides = array<i32>} : memref<8x8x128xf32, #tpu.memory_space<vmem>>, vector<16xf32>,
        %parallel_loop3A_376 = vector.broadcast %parallel_loop3A_343 : i32 to vector<16xi32>
        %parallel_loop3A_377 = arith.addi %mul3A_32, %parallel_loop3A_376 : vector<16xi32>
        %parallel_loop3A_378 = tpu.vector_load_idx %arg8[%parallel_loop3A_377] : memref<8320xf32, #tpu.memory_space<vmem>>[vector<16xi32>], vector<16xf32>,
        %parallel_loop3A_379 = arith.constant 2 : i32
        %parallel_loop3A_380 = arith.index_cast %parallel_loop3A_203 : i32 to index
        %parallel_loop3A_381 = arith.index_cast %parallel_loop3A_379 : i32 to index
        %parallel_loop3A_382 = arith.constant 64 : index
        %parallel_loop3A_383 = tpu.vector_load %arg10[%parallel_loop3A_380, %parallel_loop3A_381, %parallel_loop3A_382] {strides = array<i32>} : memref<8x8x128xf32, #tpu.memory_space<vmem>>, vector<16xf32>,
        tpu.vector_store %arg10[%parallel_loop3A_380, %parallel_loop3A_381, %parallel_loop3A_382], %parallel_loop3A_378 {strides = array<i32>} : memref<8x8x128xf32, #tpu.memory_space<vmem>>, vector<16xf32>,
        %parallel_loop3A_384 = vector.broadcast %parallel_loop3A_343 : i32 to vector<16xi32>
        %parallel_loop3A_385 = arith.addi %mul3A_38, %parallel_loop3A_384 : vector<16xi32>
        %parallel_loop3A_386 = tpu.vector_load_idx %arg8[%parallel_loop3A_385] : memref<8320xf32, #tpu.memory_space<vmem>>[vector<16xi32>], vector<16xf32>,
        %parallel_loop3A_387 = arith.constant 2 : i32
        %parallel_loop3A_388 = arith.index_cast %parallel_loop3A_203 : i32 to index
        %parallel_loop3A_389 = arith.index_cast %parallel_loop3A_387 : i32 to index
        %parallel_loop3A_390 = arith.constant 80 : index
        %parallel_loop3A_391 = tpu.vector_load %arg10[%parallel_loop3A_388, %parallel_loop3A_389, %parallel_loop3A_390] {strides = array<i32>} : memref<8x8x128xf32, #tpu.memory_space<vmem>>, vector<16xf32>,
        tpu.vector_store %arg10[%parallel_loop3A_388, %parallel_loop3A_389, %parallel_loop3A_390], %parallel_loop3A_386 {strides = array<i32>} : memref<8x8x128xf32, #tpu.memory_space<vmem>>, vector<16xf32>,
        %parallel_loop3A_392 = vector.broadcast %parallel_loop3A_343 : i32 to vector<16xi32>
        %parallel_loop3A_393 = arith.addi %mul3A_44, %parallel_loop3A_392 : vector<16xi32>
        %parallel_loop3A_394 = tpu.vector_load_idx %arg8[%parallel_loop3A_393] : memref<8320xf32, #tpu.memory_space<vmem>>[vector<16xi32>], vector<16xf32>,
        %parallel_loop3A_395 = arith.constant 2 : i32
        %parallel_loop3A_396 = arith.index_cast %parallel_loop3A_203 : i32 to index
        %parallel_loop3A_397 = arith.index_cast %parallel_loop3A_395 : i32 to index
        %parallel_loop3A_398 = arith.constant 96 : index
        %parallel_loop3A_399 = tpu.vector_load %arg10[%parallel_loop3A_396, %parallel_loop3A_397, %parallel_loop3A_398] {strides = array<i32>} : memref<8x8x128xf32, #tpu.memory_space<vmem>>, vector<16xf32>,
        tpu.vector_store %arg10[%parallel_loop3A_396, %parallel_loop3A_397, %parallel_loop3A_398], %parallel_loop3A_394 {strides = array<i32>} : memref<8x8x128xf32, #tpu.memory_space<vmem>>, vector<16xf32>,
        %parallel_loop3A_400 = vector.broadcast %parallel_loop3A_343 : i32 to vector<16xi32>
        %parallel_loop3A_401 = arith.addi %mul3A_50, %parallel_loop3A_400 : vector<16xi32>
        %parallel_loop3A_402 = tpu.vector_load_idx %arg8[%parallel_loop3A_401] : memref<8320xf32, #tpu.memory_space<vmem>>[vector<16xi32>], vector<16xf32>,
        %parallel_loop3A_403 = arith.constant 2 : i32
        %parallel_loop3A_404 = arith.index_cast %parallel_loop3A_203 : i32 to index
        %parallel_loop3A_405 = arith.index_cast %parallel_loop3A_403 : i32 to index
        %parallel_loop3A_406 = arith.constant 112 : index
        %parallel_loop3A_407 = tpu.vector_load %arg10[%parallel_loop3A_404, %parallel_loop3A_405, %parallel_loop3A_406] {strides = array<i32>} : memref<8x8x128xf32, #tpu.memory_space<vmem>>, vector<16xf32>,
        tpu.vector_store %arg10[%parallel_loop3A_404, %parallel_loop3A_405, %parallel_loop3A_406], %parallel_loop3A_402 {strides = array<i32>} : memref<8x8x128xf32, #tpu.memory_space<vmem>>, vector<16xf32>,
        %parallel_loop3A_408 = arith.constant 8 : i32
        %parallel_loop3A_409 = arith.muli %parallel_loop3A_203, %parallel_loop3A_408 : i32
        %parallel_loop3A_410 = arith.constant 3 : i32
        %parallel_loop3A_411 = arith.addi %parallel_loop3A_409, %parallel_loop3A_410 : i32
        %parallel_loop3A_412 = vector.broadcast %parallel_loop3A_411 : i32 to vector<16xi32>
        %parallel_loop3A_413 = arith.addi %mul3A_8, %parallel_loop3A_412 : vector<16xi32>
        %parallel_loop3A_414 = tpu.vector_load_idx %arg8[%parallel_loop3A_413] : memref<8320xf32, #tpu.memory_space<vmem>>[vector<16xi32>], vector<16xf32>,
        %parallel_loop3A_415 = arith.constant 3 : i32
        %parallel_loop3A_416 = arith.index_cast %parallel_loop3A_203 : i32 to index
        %parallel_loop3A_417 = arith.index_cast %parallel_loop3A_415 : i32 to index
        %parallel_loop3A_418 = arith.constant 0 : index
        %parallel_loop3A_419 = tpu.vector_load %arg10[%parallel_loop3A_416, %parallel_loop3A_417, %parallel_loop3A_418] {strides = array<i32>} : memref<8x8x128xf32, #tpu.memory_space<vmem>>, vector<16xf32>,
        tpu.vector_store %arg10[%parallel_loop3A_416, %parallel_loop3A_417, %parallel_loop3A_418], %parallel_loop3A_414 {strides = array<i32>} : memref<8x8x128xf32, #tpu.memory_space<vmem>>, vector<16xf32>,
        %parallel_loop3A_420 = vector.broadcast %parallel_loop3A_411 : i32 to vector<16xi32>
        %parallel_loop3A_421 = arith.addi %mul3A_14, %parallel_loop3A_420 : vector<16xi32>
        %parallel_loop3A_422 = tpu.vector_load_idx %arg8[%parallel_loop3A_421] : memref<8320xf32, #tpu.memory_space<vmem>>[vector<16xi32>], vector<16xf32>,
        %parallel_loop3A_423 = arith.constant 3 : i32
        %parallel_loop3A_424 = arith.index_cast %parallel_loop3A_203 : i32 to index
        %parallel_loop3A_425 = arith.index_cast %parallel_loop3A_423 : i32 to index
        %parallel_loop3A_426 = arith.constant 16 : index
        %parallel_loop3A_427 = tpu.vector_load %arg10[%parallel_loop3A_424, %parallel_loop3A_425, %parallel_loop3A_426] {strides = array<i32>} : memref<8x8x128xf32, #tpu.memory_space<vmem>>, vector<16xf32>,
        tpu.vector_store %arg10[%parallel_loop3A_424, %parallel_loop3A_425, %parallel_loop3A_426], %parallel_loop3A_422 {strides = array<i32>} : memref<8x8x128xf32, #tpu.memory_space<vmem>>, vector<16xf32>,
        %parallel_loop3A_428 = vector.broadcast %parallel_loop3A_411 : i32 to vector<16xi32>
        %parallel_loop3A_429 = arith.addi %mul3A_20, %parallel_loop3A_428 : vector<16xi32>
        %parallel_loop3A_430 = tpu.vector_load_idx %arg8[%parallel_loop3A_429] : memref<8320xf32, #tpu.memory_space<vmem>>[vector<16xi32>], vector<16xf32>,
        %parallel_loop3A_431 = arith.constant 3 : i32
        %parallel_loop3A_432 = arith.index_cast %parallel_loop3A_203 : i32 to index
        %parallel_loop3A_433 = arith.index_cast %parallel_loop3A_431 : i32 to index
        %parallel_loop3A_434 = arith.constant 32 : index
        %parallel_loop3A_435 = tpu.vector_load %arg10[%parallel_loop3A_432, %parallel_loop3A_433, %parallel_loop3A_434] {strides = array<i32>} : memref<8x8x128xf32, #tpu.memory_space<vmem>>, vector<16xf32>,
        tpu.vector_store %arg10[%parallel_loop3A_432, %parallel_loop3A_433, %parallel_loop3A_434], %parallel_loop3A_430 {strides = array<i32>} : memref<8x8x128xf32, #tpu.memory_space<vmem>>, vector<16xf32>,
        %parallel_loop3A_436 = vector.broadcast %parallel_loop3A_411 : i32 to vector<16xi32>
        %parallel_loop3A_437 = arith.addi %mul3A_26, %parallel_loop3A_436 : vector<16xi32>
        %parallel_loop3A_438 = tpu.vector_load_idx %arg8[%parallel_loop3A_437] : memref<8320xf32, #tpu.memory_space<vmem>>[vector<16xi32>], vector<16xf32>,
        %parallel_loop3A_439 = arith.constant 3 : i32
        %parallel_loop3A_440 = arith.index_cast %parallel_loop3A_203 : i32 to index
        %parallel_loop3A_441 = arith.index_cast %parallel_loop3A_439 : i32 to index
        %parallel_loop3A_442 = arith.constant 48 : index
        %parallel_loop3A_443 = tpu.vector_load %arg10[%parallel_loop3A_440, %parallel_loop3A_441, %parallel_loop3A_442] {strides = array<i32>} : memref<8x8x128xf32, #tpu.memory_space<vmem>>, vector<16xf32>,
        tpu.vector_store %arg10[%parallel_loop3A_440, %parallel_loop3A_441, %parallel_loop3A_442], %parallel_loop3A_438 {strides = array<i32>} : memref<8x8x128xf32, #tpu.memory_space<vmem>>, vector<16xf32>,
        %parallel_loop3A_444 = vector.broadcast %parallel_loop3A_411 : i32 to vector<16xi32>
        %parallel_loop3A_445 = arith.addi %mul3A_32, %parallel_loop3A_444 : vector<16xi32>
        %parallel_loop3A_446 = tpu.vector_load_idx %arg8[%parallel_loop3A_445] : memref<8320xf32, #tpu.memory_space<vmem>>[vector<16xi32>], vector<16xf32>,
        %parallel_loop3A_447 = arith.constant 3 : i32
        %parallel_loop3A_448 = arith.index_cast %parallel_loop3A_203 : i32 to index
        %parallel_loop3A_449 = arith.index_cast %parallel_loop3A_447 : i32 to index
        %parallel_loop3A_450 = arith.constant 64 : index
        %parallel_loop3A_451 = tpu.vector_load %arg10[%parallel_loop3A_448, %parallel_loop3A_449, %parallel_loop3A_450] {strides = array<i32>} : memref<8x8x128xf32, #tpu.memory_space<vmem>>, vector<16xf32>,
        tpu.vector_store %arg10[%parallel_loop3A_448, %parallel_loop3A_449, %parallel_loop3A_450], %parallel_loop3A_446 {strides = array<i32>} : memref<8x8x128xf32, #tpu.memory_space<vmem>>, vector<16xf32>,
        %parallel_loop3A_452 = vector.broadcast %parallel_loop3A_411 : i32 to vector<16xi32>
        %parallel_loop3A_453 = arith.addi %mul3A_38, %parallel_loop3A_452 : vector<16xi32>
        %parallel_loop3A_454 = tpu.vector_load_idx %arg8[%parallel_loop3A_453] : memref<8320xf32, #tpu.memory_space<vmem>>[vector<16xi32>], vector<16xf32>,
        %parallel_loop3A_455 = arith.constant 3 : i32
        %parallel_loop3A_456 = arith.index_cast %parallel_loop3A_203 : i32 to index
        %parallel_loop3A_457 = arith.index_cast %parallel_loop3A_455 : i32 to index
        %parallel_loop3A_458 = arith.constant 80 : index
        %parallel_loop3A_459 = tpu.vector_load %arg10[%parallel_loop3A_456, %parallel_loop3A_457, %parallel_loop3A_458] {strides = array<i32>} : memref<8x8x128xf32, #tpu.memory_space<vmem>>, vector<16xf32>,
        tpu.vector_store %arg10[%parallel_loop3A_456, %parallel_loop3A_457, %parallel_loop3A_458], %parallel_loop3A_454 {strides = array<i32>} : memref<8x8x128xf32, #tpu.memory_space<vmem>>, vector<16xf32>,
        %parallel_loop3A_460 = vector.broadcast %parallel_loop3A_411 : i32 to vector<16xi32>
        %parallel_loop3A_461 = arith.addi %mul3A_44, %parallel_loop3A_460 : vector<16xi32>
        %parallel_loop3A_462 = tpu.vector_load_idx %arg8[%parallel_loop3A_461] : memref<8320xf32, #tpu.memory_space<vmem>>[vector<16xi32>], vector<16xf32>,
        %parallel_loop3A_463 = arith.constant 3 : i32
        %parallel_loop3A_464 = arith.index_cast %parallel_loop3A_203 : i32 to index
        %parallel_loop3A_465 = arith.index_cast %parallel_loop3A_463 : i32 to index
        %parallel_loop3A_466 = arith.constant 96 : index
        %parallel_loop3A_467 = tpu.vector_load %arg10[%parallel_loop3A_464, %parallel_loop3A_465, %parallel_loop3A_466] {strides = array<i32>} : memref<8x8x128xf32, #tpu.memory_space<vmem>>, vector<16xf32>,
        tpu.vector_store %arg10[%parallel_loop3A_464, %parallel_loop3A_465, %parallel_loop3A_466], %parallel_loop3A_462 {strides = array<i32>} : memref<8x8x128xf32, #tpu.memory_space<vmem>>, vector<16xf32>,
        %parallel_loop3A_468 = vector.broadcast %parallel_loop3A_411 : i32 to vector<16xi32>
        %parallel_loop3A_469 = arith.addi %mul3A_50, %parallel_loop3A_468 : vector<16xi32>
        %parallel_loop3A_470 = tpu.vector_load_idx %arg8[%parallel_loop3A_469] : memref<8320xf32, #tpu.memory_space<vmem>>[vector<16xi32>], vector<16xf32>,
        %parallel_loop3A_471 = arith.constant 3 : i32
        %parallel_loop3A_472 = arith.index_cast %parallel_loop3A_203 : i32 to index
        %parallel_loop3A_473 = arith.index_cast %parallel_loop3A_471 : i32 to index
        %parallel_loop3A_474 = arith.constant 112 : index
        %parallel_loop3A_475 = tpu.vector_load %arg10[%parallel_loop3A_472, %parallel_loop3A_473, %parallel_loop3A_474] {strides = array<i32>} : memref<8x8x128xf32, #tpu.memory_space<vmem>>, vector<16xf32>,
        tpu.vector_store %arg10[%parallel_loop3A_472, %parallel_loop3A_473, %parallel_loop3A_474], %parallel_loop3A_470 {strides = array<i32>} : memref<8x8x128xf32, #tpu.memory_space<vmem>>, vector<16xf32>,
        %parallel_loop3A_476 = arith.constant 8 : i32
        %parallel_loop3A_477 = arith.muli %parallel_loop3A_203, %parallel_loop3A_476 : i32
        %parallel_loop3A_478 = arith.constant 4 : i32
        %parallel_loop3A_479 = arith.addi %parallel_loop3A_477, %parallel_loop3A_478 : i32
        %parallel_loop3A_480 = vector.broadcast %parallel_loop3A_479 : i32 to vector<16xi32>
        %parallel_loop3A_481 = arith.addi %mul3A_8, %parallel_loop3A_480 : vector<16xi32>
        %parallel_loop3A_482 = tpu.vector_load_idx %arg8[%parallel_loop3A_481] : memref<8320xf32, #tpu.memory_space<vmem>>[vector<16xi32>], vector<16xf32>,
        %parallel_loop3A_483 = arith.constant 4 : i32
        %parallel_loop3A_484 = arith.index_cast %parallel_loop3A_203 : i32 to index
        %parallel_loop3A_485 = arith.index_cast %parallel_loop3A_483 : i32 to index
        %parallel_loop3A_486 = arith.constant 0 : index
        %parallel_loop3A_487 = tpu.vector_load %arg10[%parallel_loop3A_484, %parallel_loop3A_485, %parallel_loop3A_486] {strides = array<i32>} : memref<8x8x128xf32, #tpu.memory_space<vmem>>, vector<16xf32>,
        tpu.vector_store %arg10[%parallel_loop3A_484, %parallel_loop3A_485, %parallel_loop3A_486], %parallel_loop3A_482 {strides = array<i32>} : memref<8x8x128xf32, #tpu.memory_space<vmem>>, vector<16xf32>,
        %parallel_loop3A_488 = vector.broadcast %parallel_loop3A_479 : i32 to vector<16xi32>
        %parallel_loop3A_489 = arith.addi %mul3A_14, %parallel_loop3A_488 : vector<16xi32>
        %parallel_loop3A_490 = tpu.vector_load_idx %arg8[%parallel_loop3A_489] : memref<8320xf32, #tpu.memory_space<vmem>>[vector<16xi32>], vector<16xf32>,
        %parallel_loop3A_491 = arith.constant 4 : i32
        %parallel_loop3A_492 = arith.index_cast %parallel_loop3A_203 : i32 to index
        %parallel_loop3A_493 = arith.index_cast %parallel_loop3A_491 : i32 to index
        %parallel_loop3A_494 = arith.constant 16 : index
        %parallel_loop3A_495 = tpu.vector_load %arg10[%parallel_loop3A_492, %parallel_loop3A_493, %parallel_loop3A_494] {strides = array<i32>} : memref<8x8x128xf32, #tpu.memory_space<vmem>>, vector<16xf32>,
        tpu.vector_store %arg10[%parallel_loop3A_492, %parallel_loop3A_493, %parallel_loop3A_494], %parallel_loop3A_490 {strides = array<i32>} : memref<8x8x128xf32, #tpu.memory_space<vmem>>, vector<16xf32>,
        %parallel_loop3A_496 = vector.broadcast %parallel_loop3A_479 : i32 to vector<16xi32>
        %parallel_loop3A_497 = arith.addi %mul3A_20, %parallel_loop3A_496 : vector<16xi32>
        %parallel_loop3A_498 = tpu.vector_load_idx %arg8[%parallel_loop3A_497] : memref<8320xf32, #tpu.memory_space<vmem>>[vector<16xi32>], vector<16xf32>,
        %parallel_loop3A_499 = arith.constant 4 : i32
        %parallel_loop3A_500 = arith.index_cast %parallel_loop3A_203 : i32 to index
        %parallel_loop3A_501 = arith.index_cast %parallel_loop3A_499 : i32 to index
        %parallel_loop3A_502 = arith.constant 32 : index
        %parallel_loop3A_503 = tpu.vector_load %arg10[%parallel_loop3A_500, %parallel_loop3A_501, %parallel_loop3A_502] {strides = array<i32>} : memref<8x8x128xf32, #tpu.memory_space<vmem>>, vector<16xf32>,
        tpu.vector_store %arg10[%parallel_loop3A_500, %parallel_loop3A_501, %parallel_loop3A_502], %parallel_loop3A_498 {strides = array<i32>} : memref<8x8x128xf32, #tpu.memory_space<vmem>>, vector<16xf32>,
        %parallel_loop3A_504 = vector.broadcast %parallel_loop3A_479 : i32 to vector<16xi32>
        %parallel_loop3A_505 = arith.addi %mul3A_26, %parallel_loop3A_504 : vector<16xi32>
        %parallel_loop3A_506 = tpu.vector_load_idx %arg8[%parallel_loop3A_505] : memref<8320xf32, #tpu.memory_space<vmem>>[vector<16xi32>], vector<16xf32>,
        %parallel_loop3A_507 = arith.constant 4 : i32
        %parallel_loop3A_508 = arith.index_cast %parallel_loop3A_203 : i32 to index
        %parallel_loop3A_509 = arith.index_cast %parallel_loop3A_507 : i32 to index
        %parallel_loop3A_510 = arith.constant 48 : index
        %parallel_loop3A_511 = tpu.vector_load %arg10[%parallel_loop3A_508, %parallel_loop3A_509, %parallel_loop3A_510] {strides = array<i32>} : memref<8x8x128xf32, #tpu.memory_space<vmem>>, vector<16xf32>,
        tpu.vector_store %arg10[%parallel_loop3A_508, %parallel_loop3A_509, %parallel_loop3A_510], %parallel_loop3A_506 {strides = array<i32>} : memref<8x8x128xf32, #tpu.memory_space<vmem>>, vector<16xf32>,
        %parallel_loop3A_512 = vector.broadcast %parallel_loop3A_479 : i32 to vector<16xi32>
        %parallel_loop3A_513 = arith.addi %mul3A_32, %parallel_loop3A_512 : vector<16xi32>
        %parallel_loop3A_514 = tpu.vector_load_idx %arg8[%parallel_loop3A_513] : memref<8320xf32, #tpu.memory_space<vmem>>[vector<16xi32>], vector<16xf32>,
        %parallel_loop3A_515 = arith.constant 4 : i32
        %parallel_loop3A_516 = arith.index_cast %parallel_loop3A_203 : i32 to index
        %parallel_loop3A_517 = arith.index_cast %parallel_loop3A_515 : i32 to index
        %parallel_loop3A_518 = arith.constant 64 : index
        %parallel_loop3A_519 = tpu.vector_load %arg10[%parallel_loop3A_516, %parallel_loop3A_517, %parallel_loop3A_518] {strides = array<i32>} : memref<8x8x128xf32, #tpu.memory_space<vmem>>, vector<16xf32>,
        tpu.vector_store %arg10[%parallel_loop3A_516, %parallel_loop3A_517, %parallel_loop3A_518], %parallel_loop3A_514 {strides = array<i32>} : memref<8x8x128xf32, #tpu.memory_space<vmem>>, vector<16xf32>,
        %parallel_loop3A_520 = vector.broadcast %parallel_loop3A_479 : i32 to vector<16xi32>
        %parallel_loop3A_521 = arith.addi %mul3A_38, %parallel_loop3A_520 : vector<16xi32>
        %parallel_loop3A_522 = tpu.vector_load_idx %arg8[%parallel_loop3A_521] : memref<8320xf32, #tpu.memory_space<vmem>>[vector<16xi32>], vector<16xf32>,
        %parallel_loop3A_523 = arith.constant 4 : i32
        %parallel_loop3A_524 = arith.index_cast %parallel_loop3A_203 : i32 to index
        %parallel_loop3A_525 = arith.index_cast %parallel_loop3A_523 : i32 to index
        %parallel_loop3A_526 = arith.constant 80 : index
        %parallel_loop3A_527 = tpu.vector_load %arg10[%parallel_loop3A_524, %parallel_loop3A_525, %parallel_loop3A_526] {strides = array<i32>} : memref<8x8x128xf32, #tpu.memory_space<vmem>>, vector<16xf32>,
        tpu.vector_store %arg10[%parallel_loop3A_524, %parallel_loop3A_525, %parallel_loop3A_526], %parallel_loop3A_522 {strides = array<i32>} : memref<8x8x128xf32, #tpu.memory_space<vmem>>, vector<16xf32>,
        %parallel_loop3A_528 = vector.broadcast %parallel_loop3A_479 : i32 to vector<16xi32>
        %parallel_loop3A_529 = arith.addi %mul3A_44, %parallel_loop3A_528 : vector<16xi32>
        %parallel_loop3A_530 = tpu.vector_load_idx %arg8[%parallel_loop3A_529] : memref<8320xf32, #tpu.memory_space<vmem>>[vector<16xi32>], vector<16xf32>,
        %parallel_loop3A_531 = arith.constant 4 : i32
        %parallel_loop3A_532 = arith.index_cast %parallel_loop3A_203 : i32 to index
        %parallel_loop3A_533 = arith.index_cast %parallel_loop3A_531 : i32 to index
        %parallel_loop3A_534 = arith.constant 96 : index
        %parallel_loop3A_535 = tpu.vector_load %arg10[%parallel_loop3A_532, %parallel_loop3A_533, %parallel_loop3A_534] {strides = array<i32>} : memref<8x8x128xf32, #tpu.memory_space<vmem>>, vector<16xf32>,
        tpu.vector_store %arg10[%parallel_loop3A_532, %parallel_loop3A_533, %parallel_loop3A_534], %parallel_loop3A_530 {strides = array<i32>} : memref<8x8x128xf32, #tpu.memory_space<vmem>>, vector<16xf32>,
        %parallel_loop3A_536 = vector.broadcast %parallel_loop3A_479 : i32 to vector<16xi32>
        %parallel_loop3A_537 = arith.addi %mul3A_50, %parallel_loop3A_536 : vector<16xi32>
        %parallel_loop3A_538 = tpu.vector_load_idx %arg8[%parallel_loop3A_537] : memref<8320xf32, #tpu.memory_space<vmem>>[vector<16xi32>], vector<16xf32>,
        %parallel_loop3A_539 = arith.constant 4 : i32
        %parallel_loop3A_540 = arith.index_cast %parallel_loop3A_203 : i32 to index
        %parallel_loop3A_541 = arith.index_cast %parallel_loop3A_539 : i32 to index
        %parallel_loop3A_542 = arith.constant 112 : index
        %parallel_loop3A_543 = tpu.vector_load %arg10[%parallel_loop3A_540, %parallel_loop3A_541, %parallel_loop3A_542] {strides = array<i32>} : memref<8x8x128xf32, #tpu.memory_space<vmem>>, vector<16xf32>,
        tpu.vector_store %arg10[%parallel_loop3A_540, %parallel_loop3A_541, %parallel_loop3A_542], %parallel_loop3A_538 {strides = array<i32>} : memref<8x8x128xf32, #tpu.memory_space<vmem>>, vector<16xf32>,
        %parallel_loop3A_544 = arith.constant 8 : i32
        %parallel_loop3A_545 = arith.muli %parallel_loop3A_203, %parallel_loop3A_544 : i32
        %parallel_loop3A_546 = arith.constant 5 : i32
        %parallel_loop3A_547 = arith.addi %parallel_loop3A_545, %parallel_loop3A_546 : i32
        %parallel_loop3A_548 = vector.broadcast %parallel_loop3A_547 : i32 to vector<16xi32>
        %parallel_loop3A_549 = arith.addi %mul3A_8, %parallel_loop3A_548 : vector<16xi32>
        %parallel_loop3A_550 = tpu.vector_load_idx %arg8[%parallel_loop3A_549] : memref<8320xf32, #tpu.memory_space<vmem>>[vector<16xi32>], vector<16xf32>,
        %parallel_loop3A_551 = arith.constant 5 : i32
        %parallel_loop3A_552 = arith.index_cast %parallel_loop3A_203 : i32 to index
        %parallel_loop3A_553 = arith.index_cast %parallel_loop3A_551 : i32 to index
        %parallel_loop3A_554 = arith.constant 0 : index
        %parallel_loop3A_555 = tpu.vector_load %arg10[%parallel_loop3A_552, %parallel_loop3A_553, %parallel_loop3A_554] {strides = array<i32>} : memref<8x8x128xf32, #tpu.memory_space<vmem>>, vector<16xf32>,
        tpu.vector_store %arg10[%parallel_loop3A_552, %parallel_loop3A_553, %parallel_loop3A_554], %parallel_loop3A_550 {strides = array<i32>} : memref<8x8x128xf32, #tpu.memory_space<vmem>>, vector<16xf32>,
        %parallel_loop3A_556 = vector.broadcast %parallel_loop3A_547 : i32 to vector<16xi32>
        %parallel_loop3A_557 = arith.addi %mul3A_14, %parallel_loop3A_556 : vector<16xi32>
        %parallel_loop3A_558 = tpu.vector_load_idx %arg8[%parallel_loop3A_557] : memref<8320xf32, #tpu.memory_space<vmem>>[vector<16xi32>], vector<16xf32>,
        %parallel_loop3A_559 = arith.constant 5 : i32
        %parallel_loop3A_560 = arith.index_cast %parallel_loop3A_203 : i32 to index
        %parallel_loop3A_561 = arith.index_cast %parallel_loop3A_559 : i32 to index
        %parallel_loop3A_562 = arith.constant 16 : index
        %parallel_loop3A_563 = tpu.vector_load %arg10[%parallel_loop3A_560, %parallel_loop3A_561, %parallel_loop3A_562] {strides = array<i32>} : memref<8x8x128xf32, #tpu.memory_space<vmem>>, vector<16xf32>,
        tpu.vector_store %arg10[%parallel_loop3A_560, %parallel_loop3A_561, %parallel_loop3A_562], %parallel_loop3A_558 {strides = array<i32>} : memref<8x8x128xf32, #tpu.memory_space<vmem>>, vector<16xf32>,
        %parallel_loop3A_564 = vector.broadcast %parallel_loop3A_547 : i32 to vector<16xi32>
        %parallel_loop3A_565 = arith.addi %mul3A_20, %parallel_loop3A_564 : vector<16xi32>
        %parallel_loop3A_566 = tpu.vector_load_idx %arg8[%parallel_loop3A_565] : memref<8320xf32, #tpu.memory_space<vmem>>[vector<16xi32>], vector<16xf32>,
        %parallel_loop3A_567 = arith.constant 5 : i32
        %parallel_loop3A_568 = arith.index_cast %parallel_loop3A_203 : i32 to index
        %parallel_loop3A_569 = arith.index_cast %parallel_loop3A_567 : i32 to index
        %parallel_loop3A_570 = arith.constant 32 : index
        %parallel_loop3A_571 = tpu.vector_load %arg10[%parallel_loop3A_568, %parallel_loop3A_569, %parallel_loop3A_570] {strides = array<i32>} : memref<8x8x128xf32, #tpu.memory_space<vmem>>, vector<16xf32>,
        tpu.vector_store %arg10[%parallel_loop3A_568, %parallel_loop3A_569, %parallel_loop3A_570], %parallel_loop3A_566 {strides = array<i32>} : memref<8x8x128xf32, #tpu.memory_space<vmem>>, vector<16xf32>,
        %parallel_loop3A_572 = vector.broadcast %parallel_loop3A_547 : i32 to vector<16xi32>
        %parallel_loop3A_573 = arith.addi %mul3A_26, %parallel_loop3A_572 : vector<16xi32>
        %parallel_loop3A_574 = tpu.vector_load_idx %arg8[%parallel_loop3A_573] : memref<8320xf32, #tpu.memory_space<vmem>>[vector<16xi32>], vector<16xf32>,
        %parallel_loop3A_575 = arith.constant 5 : i32
        %parallel_loop3A_576 = arith.index_cast %parallel_loop3A_203 : i32 to index
        %parallel_loop3A_577 = arith.index_cast %parallel_loop3A_575 : i32 to index
        %parallel_loop3A_578 = arith.constant 48 : index
        %parallel_loop3A_579 = tpu.vector_load %arg10[%parallel_loop3A_576, %parallel_loop3A_577, %parallel_loop3A_578] {strides = array<i32>} : memref<8x8x128xf32, #tpu.memory_space<vmem>>, vector<16xf32>,
        tpu.vector_store %arg10[%parallel_loop3A_576, %parallel_loop3A_577, %parallel_loop3A_578], %parallel_loop3A_574 {strides = array<i32>} : memref<8x8x128xf32, #tpu.memory_space<vmem>>, vector<16xf32>,
        %parallel_loop3A_580 = vector.broadcast %parallel_loop3A_547 : i32 to vector<16xi32>
        %parallel_loop3A_581 = arith.addi %mul3A_32, %parallel_loop3A_580 : vector<16xi32>
        %parallel_loop3A_582 = tpu.vector_load_idx %arg8[%parallel_loop3A_581] : memref<8320xf32, #tpu.memory_space<vmem>>[vector<16xi32>], vector<16xf32>,
        %parallel_loop3A_583 = arith.constant 5 : i32
        %parallel_loop3A_584 = arith.index_cast %parallel_loop3A_203 : i32 to index
        %parallel_loop3A_585 = arith.index_cast %parallel_loop3A_583 : i32 to index
        %parallel_loop3A_586 = arith.constant 64 : index
        %parallel_loop3A_587 = tpu.vector_load %arg10[%parallel_loop3A_584, %parallel_loop3A_585, %parallel_loop3A_586] {strides = array<i32>} : memref<8x8x128xf32, #tpu.memory_space<vmem>>, vector<16xf32>,
        tpu.vector_store %arg10[%parallel_loop3A_584, %parallel_loop3A_585, %parallel_loop3A_586], %parallel_loop3A_582 {strides = array<i32>} : memref<8x8x128xf32, #tpu.memory_space<vmem>>, vector<16xf32>,
        %parallel_loop3A_588 = vector.broadcast %parallel_loop3A_547 : i32 to vector<16xi32>
        %parallel_loop3A_589 = arith.addi %mul3A_38, %parallel_loop3A_588 : vector<16xi32>
        %parallel_loop3A_590 = tpu.vector_load_idx %arg8[%parallel_loop3A_589] : memref<8320xf32, #tpu.memory_space<vmem>>[vector<16xi32>], vector<16xf32>,
        %parallel_loop3A_591 = arith.constant 5 : i32
        %parallel_loop3A_592 = arith.index_cast %parallel_loop3A_203 : i32 to index
        %parallel_loop3A_593 = arith.index_cast %parallel_loop3A_591 : i32 to index
        %parallel_loop3A_594 = arith.constant 80 : index
        %parallel_loop3A_595 = tpu.vector_load %arg10[%parallel_loop3A_592, %parallel_loop3A_593, %parallel_loop3A_594] {strides = array<i32>} : memref<8x8x128xf32, #tpu.memory_space<vmem>>, vector<16xf32>,
        tpu.vector_store %arg10[%parallel_loop3A_592, %parallel_loop3A_593, %parallel_loop3A_594], %parallel_loop3A_590 {strides = array<i32>} : memref<8x8x128xf32, #tpu.memory_space<vmem>>, vector<16xf32>,
        %parallel_loop3A_596 = vector.broadcast %parallel_loop3A_547 : i32 to vector<16xi32>
        %parallel_loop3A_597 = arith.addi %mul3A_44, %parallel_loop3A_596 : vector<16xi32>
        %parallel_loop3A_598 = tpu.vector_load_idx %arg8[%parallel_loop3A_597] : memref<8320xf32, #tpu.memory_space<vmem>>[vector<16xi32>], vector<16xf32>,
        %parallel_loop3A_599 = arith.constant 5 : i32
        %parallel_loop3A_600 = arith.index_cast %parallel_loop3A_203 : i32 to index
        %parallel_loop3A_601 = arith.index_cast %parallel_loop3A_599 : i32 to index
        %parallel_loop3A_602 = arith.constant 96 : index
        %parallel_loop3A_603 = tpu.vector_load %arg10[%parallel_loop3A_600, %parallel_loop3A_601, %parallel_loop3A_602] {strides = array<i32>} : memref<8x8x128xf32, #tpu.memory_space<vmem>>, vector<16xf32>,
        tpu.vector_store %arg10[%parallel_loop3A_600, %parallel_loop3A_601, %parallel_loop3A_602], %parallel_loop3A_598 {strides = array<i32>} : memref<8x8x128xf32, #tpu.memory_space<vmem>>, vector<16xf32>,
        %parallel_loop3A_604 = vector.broadcast %parallel_loop3A_547 : i32 to vector<16xi32>
        %parallel_loop3A_605 = arith.addi %mul3A_50, %parallel_loop3A_604 : vector<16xi32>
        %parallel_loop3A_606 = tpu.vector_load_idx %arg8[%parallel_loop3A_605] : memref<8320xf32, #tpu.memory_space<vmem>>[vector<16xi32>], vector<16xf32>,
        %parallel_loop3A_607 = arith.constant 5 : i32
        %parallel_loop3A_608 = arith.index_cast %parallel_loop3A_203 : i32 to index
        %parallel_loop3A_609 = arith.index_cast %parallel_loop3A_607 : i32 to index
        %parallel_loop3A_610 = arith.constant 112 : index
        %parallel_loop3A_611 = tpu.vector_load %arg10[%parallel_loop3A_608, %parallel_loop3A_609, %parallel_loop3A_610] {strides = array<i32>} : memref<8x8x128xf32, #tpu.memory_space<vmem>>, vector<16xf32>,
        tpu.vector_store %arg10[%parallel_loop3A_608, %parallel_loop3A_609, %parallel_loop3A_610], %parallel_loop3A_606 {strides = array<i32>} : memref<8x8x128xf32, #tpu.memory_space<vmem>>, vector<16xf32>,
        %parallel_loop3A_612 = arith.constant 8 : i32
        %parallel_loop3A_613 = arith.muli %parallel_loop3A_203, %parallel_loop3A_612 : i32
        %parallel_loop3A_614 = arith.constant 6 : i32
        %parallel_loop3A_615 = arith.addi %parallel_loop3A_613, %parallel_loop3A_614 : i32
        %parallel_loop3A_616 = vector.broadcast %parallel_loop3A_615 : i32 to vector<16xi32>
        %parallel_loop3A_617 = arith.addi %mul3A_8, %parallel_loop3A_616 : vector<16xi32>
        %parallel_loop3A_618 = tpu.vector_load_idx %arg8[%parallel_loop3A_617] : memref<8320xf32, #tpu.memory_space<vmem>>[vector<16xi32>], vector<16xf32>,
        %parallel_loop3A_619 = arith.constant 6 : i32
        %parallel_loop3A_620 = arith.index_cast %parallel_loop3A_203 : i32 to index
        %parallel_loop3A_621 = arith.index_cast %parallel_loop3A_619 : i32 to index
        %parallel_loop3A_622 = arith.constant 0 : index
        %parallel_loop3A_623 = tpu.vector_load %arg10[%parallel_loop3A_620, %parallel_loop3A_621, %parallel_loop3A_622] {strides = array<i32>} : memref<8x8x128xf32, #tpu.memory_space<vmem>>, vector<16xf32>,
        tpu.vector_store %arg10[%parallel_loop3A_620, %parallel_loop3A_621, %parallel_loop3A_622], %parallel_loop3A_618 {strides = array<i32>} : memref<8x8x128xf32, #tpu.memory_space<vmem>>, vector<16xf32>,
        %parallel_loop3A_624 = vector.broadcast %parallel_loop3A_615 : i32 to vector<16xi32>
        %parallel_loop3A_625 = arith.addi %mul3A_14, %parallel_loop3A_624 : vector<16xi32>
        %parallel_loop3A_626 = tpu.vector_load_idx %arg8[%parallel_loop3A_625] : memref<8320xf32, #tpu.memory_space<vmem>>[vector<16xi32>], vector<16xf32>,
        %parallel_loop3A_627 = arith.constant 6 : i32
        %parallel_loop3A_628 = arith.index_cast %parallel_loop3A_203 : i32 to index
        %parallel_loop3A_629 = arith.index_cast %parallel_loop3A_627 : i32 to index
        %parallel_loop3A_630 = arith.constant 16 : index
        %parallel_loop3A_631 = tpu.vector_load %arg10[%parallel_loop3A_628, %parallel_loop3A_629, %parallel_loop3A_630] {strides = array<i32>} : memref<8x8x128xf32, #tpu.memory_space<vmem>>, vector<16xf32>,
        tpu.vector_store %arg10[%parallel_loop3A_628, %parallel_loop3A_629, %parallel_loop3A_630], %parallel_loop3A_626 {strides = array<i32>} : memref<8x8x128xf32, #tpu.memory_space<vmem>>, vector<16xf32>,
        %parallel_loop3A_632 = vector.broadcast %parallel_loop3A_615 : i32 to vector<16xi32>
        %parallel_loop3A_633 = arith.addi %mul3A_20, %parallel_loop3A_632 : vector<16xi32>
        %parallel_loop3A_634 = tpu.vector_load_idx %arg8[%parallel_loop3A_633] : memref<8320xf32, #tpu.memory_space<vmem>>[vector<16xi32>], vector<16xf32>,
        %parallel_loop3A_635 = arith.constant 6 : i32
        %parallel_loop3A_636 = arith.index_cast %parallel_loop3A_203 : i32 to index
        %parallel_loop3A_637 = arith.index_cast %parallel_loop3A_635 : i32 to index
        %parallel_loop3A_638 = arith.constant 32 : index
        %parallel_loop3A_639 = tpu.vector_load %arg10[%parallel_loop3A_636, %parallel_loop3A_637, %parallel_loop3A_638] {strides = array<i32>} : memref<8x8x128xf32, #tpu.memory_space<vmem>>, vector<16xf32>,
        tpu.vector_store %arg10[%parallel_loop3A_636, %parallel_loop3A_637, %parallel_loop3A_638], %parallel_loop3A_634 {strides = array<i32>} : memref<8x8x128xf32, #tpu.memory_space<vmem>>, vector<16xf32>,
        %parallel_loop3A_640 = vector.broadcast %parallel_loop3A_615 : i32 to vector<16xi32>
        %parallel_loop3A_641 = arith.addi %mul3A_26, %parallel_loop3A_640 : vector<16xi32>
        %parallel_loop3A_642 = tpu.vector_load_idx %arg8[%parallel_loop3A_641] : memref<8320xf32, #tpu.memory_space<vmem>>[vector<16xi32>], vector<16xf32>,
        %parallel_loop3A_643 = arith.constant 6 : i32
        %parallel_loop3A_644 = arith.index_cast %parallel_loop3A_203 : i32 to index
        %parallel_loop3A_645 = arith.index_cast %parallel_loop3A_643 : i32 to index
        %parallel_loop3A_646 = arith.constant 48 : index
        %parallel_loop3A_647 = tpu.vector_load %arg10[%parallel_loop3A_644, %parallel_loop3A_645, %parallel_loop3A_646] {strides = array<i32>} : memref<8x8x128xf32, #tpu.memory_space<vmem>>, vector<16xf32>,
        tpu.vector_store %arg10[%parallel_loop3A_644, %parallel_loop3A_645, %parallel_loop3A_646], %parallel_loop3A_642 {strides = array<i32>} : memref<8x8x128xf32, #tpu.memory_space<vmem>>, vector<16xf32>,
        %parallel_loop3A_648 = vector.broadcast %parallel_loop3A_615 : i32 to vector<16xi32>
        %parallel_loop3A_649 = arith.addi %mul3A_32, %parallel_loop3A_648 : vector<16xi32>
        %parallel_loop3A_650 = tpu.vector_load_idx %arg8[%parallel_loop3A_649] : memref<8320xf32, #tpu.memory_space<vmem>>[vector<16xi32>], vector<16xf32>,
        %parallel_loop3A_651 = arith.constant 6 : i32
        %parallel_loop3A_652 = arith.index_cast %parallel_loop3A_203 : i32 to index
        %parallel_loop3A_653 = arith.index_cast %parallel_loop3A_651 : i32 to index
        %parallel_loop3A_654 = arith.constant 64 : index
        %parallel_loop3A_655 = tpu.vector_load %arg10[%parallel_loop3A_652, %parallel_loop3A_653, %parallel_loop3A_654] {strides = array<i32>} : memref<8x8x128xf32, #tpu.memory_space<vmem>>, vector<16xf32>,
        tpu.vector_store %arg10[%parallel_loop3A_652, %parallel_loop3A_653, %parallel_loop3A_654], %parallel_loop3A_650 {strides = array<i32>} : memref<8x8x128xf32, #tpu.memory_space<vmem>>, vector<16xf32>,
        %parallel_loop3A_656 = vector.broadcast %parallel_loop3A_615 : i32 to vector<16xi32>
        %parallel_loop3A_657 = arith.addi %mul3A_38, %parallel_loop3A_656 : vector<16xi32>
        %parallel_loop3A_658 = tpu.vector_load_idx %arg8[%parallel_loop3A_657] : memref<8320xf32, #tpu.memory_space<vmem>>[vector<16xi32>], vector<16xf32>,
        %parallel_loop3A_659 = arith.constant 6 : i32
        %parallel_loop3A_660 = arith.index_cast %parallel_loop3A_203 : i32 to index
        %parallel_loop3A_661 = arith.index_cast %parallel_loop3A_659 : i32 to index
        %parallel_loop3A_662 = arith.constant 80 : index
        %parallel_loop3A_663 = tpu.vector_load %arg10[%parallel_loop3A_660, %parallel_loop3A_661, %parallel_loop3A_662] {strides = array<i32>} : memref<8x8x128xf32, #tpu.memory_space<vmem>>, vector<16xf32>,
        tpu.vector_store %arg10[%parallel_loop3A_660, %parallel_loop3A_661, %parallel_loop3A_662], %parallel_loop3A_658 {strides = array<i32>} : memref<8x8x128xf32, #tpu.memory_space<vmem>>, vector<16xf32>,
        %parallel_loop3A_664 = vector.broadcast %parallel_loop3A_615 : i32 to vector<16xi32>
        %parallel_loop3A_665 = arith.addi %mul3A_44, %parallel_loop3A_664 : vector<16xi32>
        %parallel_loop3A_666 = tpu.vector_load_idx %arg8[%parallel_loop3A_665] : memref<8320xf32, #tpu.memory_space<vmem>>[vector<16xi32>], vector<16xf32>,
        %parallel_loop3A_667 = arith.constant 6 : i32
        %parallel_loop3A_668 = arith.index_cast %parallel_loop3A_203 : i32 to index
        %parallel_loop3A_669 = arith.index_cast %parallel_loop3A_667 : i32 to index
        %parallel_loop3A_670 = arith.constant 96 : index
        %parallel_loop3A_671 = tpu.vector_load %arg10[%parallel_loop3A_668, %parallel_loop3A_669, %parallel_loop3A_670] {strides = array<i32>} : memref<8x8x128xf32, #tpu.memory_space<vmem>>, vector<16xf32>,
        tpu.vector_store %arg10[%parallel_loop3A_668, %parallel_loop3A_669, %parallel_loop3A_670], %parallel_loop3A_666 {strides = array<i32>} : memref<8x8x128xf32, #tpu.memory_space<vmem>>, vector<16xf32>,
        %parallel_loop3A_672 = vector.broadcast %parallel_loop3A_615 : i32 to vector<16xi32>
        %parallel_loop3A_673 = arith.addi %mul3A_50, %parallel_loop3A_672 : vector<16xi32>
        %parallel_loop3A_674 = tpu.vector_load_idx %arg8[%parallel_loop3A_673] : memref<8320xf32, #tpu.memory_space<vmem>>[vector<16xi32>], vector<16xf32>,
        %parallel_loop3A_675 = arith.constant 6 : i32
        %parallel_loop3A_676 = arith.index_cast %parallel_loop3A_203 : i32 to index
        %parallel_loop3A_677 = arith.index_cast %parallel_loop3A_675 : i32 to index
        %parallel_loop3A_678 = arith.constant 112 : index
        %parallel_loop3A_679 = tpu.vector_load %arg10[%parallel_loop3A_676, %parallel_loop3A_677, %parallel_loop3A_678] {strides = array<i32>} : memref<8x8x128xf32, #tpu.memory_space<vmem>>, vector<16xf32>,
        tpu.vector_store %arg10[%parallel_loop3A_676, %parallel_loop3A_677, %parallel_loop3A_678], %parallel_loop3A_674 {strides = array<i32>} : memref<8x8x128xf32, #tpu.memory_space<vmem>>, vector<16xf32>,
        %parallel_loop3A_680 = arith.constant 8 : i32
        %parallel_loop3A_681 = arith.muli %parallel_loop3A_203, %parallel_loop3A_680 : i32
        %parallel_loop3A_682 = arith.constant 7 : i32
        %parallel_loop3A_683 = arith.addi %parallel_loop3A_681, %parallel_loop3A_682 : i32
        %parallel_loop3A_684 = vector.broadcast %parallel_loop3A_683 : i32 to vector<16xi32>
        %parallel_loop3A_685 = arith.addi %mul3A_8, %parallel_loop3A_684 : vector<16xi32>
        %parallel_loop3A_686 = tpu.vector_load_idx %arg8[%parallel_loop3A_685] : memref<8320xf32, #tpu.memory_space<vmem>>[vector<16xi32>], vector<16xf32>,
        %parallel_loop3A_687 = arith.constant 7 : i32
        %parallel_loop3A_688 = arith.index_cast %parallel_loop3A_203 : i32 to index
        %parallel_loop3A_689 = arith.index_cast %parallel_loop3A_687 : i32 to index
        %parallel_loop3A_690 = arith.constant 0 : index
        %parallel_loop3A_691 = tpu.vector_load %arg10[%parallel_loop3A_688, %parallel_loop3A_689, %parallel_loop3A_690] {strides = array<i32>} : memref<8x8x128xf32, #tpu.memory_space<vmem>>, vector<16xf32>,
        tpu.vector_store %arg10[%parallel_loop3A_688, %parallel_loop3A_689, %parallel_loop3A_690], %parallel_loop3A_686 {strides = array<i32>} : memref<8x8x128xf32, #tpu.memory_space<vmem>>, vector<16xf32>,
        %parallel_loop3A_692 = vector.broadcast %parallel_loop3A_683 : i32 to vector<16xi32>
        %parallel_loop3A_693 = arith.addi %mul3A_14, %parallel_loop3A_692 : vector<16xi32>
        %parallel_loop3A_694 = tpu.vector_load_idx %arg8[%parallel_loop3A_693] : memref<8320xf32, #tpu.memory_space<vmem>>[vector<16xi32>], vector<16xf32>,
        %parallel_loop3A_695 = arith.constant 7 : i32
        %parallel_loop3A_696 = arith.index_cast %parallel_loop3A_203 : i32 to index
        %parallel_loop3A_697 = arith.index_cast %parallel_loop3A_695 : i32 to index
        %parallel_loop3A_698 = arith.constant 16 : index
        %parallel_loop3A_699 = tpu.vector_load %arg10[%parallel_loop3A_696, %parallel_loop3A_697, %parallel_loop3A_698] {strides = array<i32>} : memref<8x8x128xf32, #tpu.memory_space<vmem>>, vector<16xf32>,
        tpu.vector_store %arg10[%parallel_loop3A_696, %parallel_loop3A_697, %parallel_loop3A_698], %parallel_loop3A_694 {strides = array<i32>} : memref<8x8x128xf32, #tpu.memory_space<vmem>>, vector<16xf32>,
        %parallel_loop3A_700 = vector.broadcast %parallel_loop3A_683 : i32 to vector<16xi32>
        %parallel_loop3A_701 = arith.addi %mul3A_20, %parallel_loop3A_700 : vector<16xi32>
        %parallel_loop3A_702 = tpu.vector_load_idx %arg8[%parallel_loop3A_701] : memref<8320xf32, #tpu.memory_space<vmem>>[vector<16xi32>], vector<16xf32>,
        %parallel_loop3A_703 = arith.constant 7 : i32
        %parallel_loop3A_704 = arith.index_cast %parallel_loop3A_203 : i32 to index
        %parallel_loop3A_705 = arith.index_cast %parallel_loop3A_703 : i32 to index
        %parallel_loop3A_706 = arith.constant 32 : index
        %parallel_loop3A_707 = tpu.vector_load %arg10[%parallel_loop3A_704, %parallel_loop3A_705, %parallel_loop3A_706] {strides = array<i32>} : memref<8x8x128xf32, #tpu.memory_space<vmem>>, vector<16xf32>,
        tpu.vector_store %arg10[%parallel_loop3A_704, %parallel_loop3A_705, %parallel_loop3A_706], %parallel_loop3A_702 {strides = array<i32>} : memref<8x8x128xf32, #tpu.memory_space<vmem>>, vector<16xf32>,
        %parallel_loop3A_708 = vector.broadcast %parallel_loop3A_683 : i32 to vector<16xi32>
        %parallel_loop3A_709 = arith.addi %mul3A_26, %parallel_loop3A_708 : vector<16xi32>
        %parallel_loop3A_710 = tpu.vector_load_idx %arg8[%parallel_loop3A_709] : memref<8320xf32, #tpu.memory_space<vmem>>[vector<16xi32>], vector<16xf32>,
        %parallel_loop3A_711 = arith.constant 7 : i32
        %parallel_loop3A_712 = arith.index_cast %parallel_loop3A_203 : i32 to index
        %parallel_loop3A_713 = arith.index_cast %parallel_loop3A_711 : i32 to index
        %parallel_loop3A_714 = arith.constant 48 : index
        %parallel_loop3A_715 = tpu.vector_load %arg10[%parallel_loop3A_712, %parallel_loop3A_713, %parallel_loop3A_714] {strides = array<i32>} : memref<8x8x128xf32, #tpu.memory_space<vmem>>, vector<16xf32>,
        tpu.vector_store %arg10[%parallel_loop3A_712, %parallel_loop3A_713, %parallel_loop3A_714], %parallel_loop3A_710 {strides = array<i32>} : memref<8x8x128xf32, #tpu.memory_space<vmem>>, vector<16xf32>,
        %parallel_loop3A_716 = vector.broadcast %parallel_loop3A_683 : i32 to vector<16xi32>
        %parallel_loop3A_717 = arith.addi %mul3A_32, %parallel_loop3A_716 : vector<16xi32>
        %parallel_loop3A_718 = tpu.vector_load_idx %arg8[%parallel_loop3A_717] : memref<8320xf32, #tpu.memory_space<vmem>>[vector<16xi32>], vector<16xf32>,
        %parallel_loop3A_719 = arith.constant 7 : i32
        %parallel_loop3A_720 = arith.index_cast %parallel_loop3A_203 : i32 to index
        %parallel_loop3A_721 = arith.index_cast %parallel_loop3A_719 : i32 to index
        %parallel_loop3A_722 = arith.constant 64 : index
        %parallel_loop3A_723 = tpu.vector_load %arg10[%parallel_loop3A_720, %parallel_loop3A_721, %parallel_loop3A_722] {strides = array<i32>} : memref<8x8x128xf32, #tpu.memory_space<vmem>>, vector<16xf32>,
        tpu.vector_store %arg10[%parallel_loop3A_720, %parallel_loop3A_721, %parallel_loop3A_722], %parallel_loop3A_718 {strides = array<i32>} : memref<8x8x128xf32, #tpu.memory_space<vmem>>, vector<16xf32>,
        %parallel_loop3A_724 = vector.broadcast %parallel_loop3A_683 : i32 to vector<16xi32>
        %parallel_loop3A_725 = arith.addi %mul3A_38, %parallel_loop3A_724 : vector<16xi32>
        %parallel_loop3A_726 = tpu.vector_load_idx %arg8[%parallel_loop3A_725] : memref<8320xf32, #tpu.memory_space<vmem>>[vector<16xi32>], vector<16xf32>,
        %parallel_loop3A_727 = arith.constant 7 : i32
        %parallel_loop3A_728 = arith.index_cast %parallel_loop3A_203 : i32 to index
        %parallel_loop3A_729 = arith.index_cast %parallel_loop3A_727 : i32 to index
        %parallel_loop3A_730 = arith.constant 80 : index
        %parallel_loop3A_731 = tpu.vector_load %arg10[%parallel_loop3A_728, %parallel_loop3A_729, %parallel_loop3A_730] {strides = array<i32>} : memref<8x8x128xf32, #tpu.memory_space<vmem>>, vector<16xf32>,
        tpu.vector_store %arg10[%parallel_loop3A_728, %parallel_loop3A_729, %parallel_loop3A_730], %parallel_loop3A_726 {strides = array<i32>} : memref<8x8x128xf32, #tpu.memory_space<vmem>>, vector<16xf32>,
        %parallel_loop3A_732 = vector.broadcast %parallel_loop3A_683 : i32 to vector<16xi32>
        %parallel_loop3A_733 = arith.addi %mul3A_44, %parallel_loop3A_732 : vector<16xi32>
        %parallel_loop3A_734 = tpu.vector_load_idx %arg8[%parallel_loop3A_733] : memref<8320xf32, #tpu.memory_space<vmem>>[vector<16xi32>], vector<16xf32>,
        %parallel_loop3A_735 = arith.constant 7 : i32
        %parallel_loop3A_736 = arith.index_cast %parallel_loop3A_203 : i32 to index
        %parallel_loop3A_737 = arith.index_cast %parallel_loop3A_735 : i32 to index
        %parallel_loop3A_738 = arith.constant 96 : index
        %parallel_loop3A_739 = tpu.vector_load %arg10[%parallel_loop3A_736, %parallel_loop3A_737, %parallel_loop3A_738] {strides = array<i32>} : memref<8x8x128xf32, #tpu.memory_space<vmem>>, vector<16xf32>,
        tpu.vector_store %arg10[%parallel_loop3A_736, %parallel_loop3A_737, %parallel_loop3A_738], %parallel_loop3A_734 {strides = array<i32>} : memref<8x8x128xf32, #tpu.memory_space<vmem>>, vector<16xf32>,
        %parallel_loop3A_740 = vector.broadcast %parallel_loop3A_683 : i32 to vector<16xi32>
        %parallel_loop3A_741 = arith.addi %mul3A_50, %parallel_loop3A_740 : vector<16xi32>
        %parallel_loop3A_742 = tpu.vector_load_idx %arg8[%parallel_loop3A_741] : memref<8320xf32, #tpu.memory_space<vmem>>[vector<16xi32>], vector<16xf32>,
        %parallel_loop3A_743 = arith.constant 7 : i32
        %parallel_loop3A_744 = arith.index_cast %parallel_loop3A_203 : i32 to index
        %parallel_loop3A_745 = arith.index_cast %parallel_loop3A_743 : i32 to index
        %parallel_loop3A_746 = arith.constant 112 : index
        %parallel_loop3A_747 = tpu.vector_load %arg10[%parallel_loop3A_744, %parallel_loop3A_745, %parallel_loop3A_746] {strides = array<i32>} : memref<8x8x128xf32, #tpu.memory_space<vmem>>, vector<16xf32>,
        tpu.vector_store %arg10[%parallel_loop3A_744, %parallel_loop3A_745, %parallel_loop3A_746], %parallel_loop3A_742 {strides = array<i32>} : memref<8x8x128xf32, #tpu.memory_space<vmem>>, vector<16xf32>,
      } {sc.loop_unroll_factor = 1 : i64, sc.parallel_access}
      %dma_start3A_131 = arith.constant 0 : i32
      %dma_start3A_132 = arith.constant 0 : i32
      %dma_start3A_133 = arith.constant 0 : i32
      %dma_start3A_134 = arith.constant 0 : i32
      %dma_start3A_135 = tpu.memref_slice %arg4[%add3A_111, %dma_start3A_131, %dma_start3A_132, %dma_start3A_133, %dma_start3A_134] : memref<50x8x32x8x128xf32, #tpu.memory_space<hbm>> -> memref<1x8x32x8x128xf32, #tpu.memory_space<hbm>>
      %dma_start3A_136 = tpu.memref_squeeze %dma_start3A_135 : memref<1x8x32x8x128xf32, #tpu.memory_space<hbm>> -> memref<8x32x8x128xf32, #tpu.memory_space<hbm>>
      %dma_start3A_137 = arith.constant 0 : i32
      %dma_start3A_138 = arith.constant 0 : i32
      %dma_start3A_139 = arith.constant 0 : i32
      %dma_start3A_140 = tpu.memref_slice %dma_start3A_136[%dma_start3A_137, %add3A, %dma_start3A_138, %dma_start3A_139] : memref<8x32x8x128xf32, #tpu.memory_space<hbm>> -> memref<8x1x8x128xf32, #tpu.memory_space<hbm>>
      %dma_start3A_141 = tpu.memref_squeeze %dma_start3A_140 : memref<8x1x8x128xf32, #tpu.memory_space<hbm>> -> memref<8x8x128xf32, #tpu.memory_space<hbm>>
      %dma_start3A_142 = arith.constant 0 : i32
      %dma_start3A_143 = arith.constant 0 : i32
      %dma_start3A_144 = arith.constant 0 : i32
      %dma_start3A_145 = arith.constant 0 : i32
      %dma_start3A_146 = tpu.memref_slice %arg4[%add3A_111, %dma_start3A_142, %dma_start3A_143, %dma_start3A_144, %dma_start3A_145] : memref<50x8x32x8x128xf32, #tpu.memory_space<hbm>> -> memref<1x8x32x8x128xf32, #tpu.memory_space<hbm>>
      %dma_start3A_147 = tpu.memref_squeeze %dma_start3A_146 : memref<1x8x32x8x128xf32, #tpu.memory_space<hbm>> -> memref<8x32x8x128xf32, #tpu.memory_space<hbm>>
      %dma_start3A_148 = arith.constant 0 : i32
      %dma_start3A_149 = arith.constant 0 : i32
      %dma_start3A_150 = arith.constant 0 : i32
      %dma_start3A_151 = tpu.memref_slice %dma_start3A_147[%dma_start3A_148, %add3A, %dma_start3A_149, %dma_start3A_150] : memref<8x32x8x128xf32, #tpu.memory_space<hbm>> -> memref<8x1x8x128xf32, #tpu.memory_space<hbm>>
      %dma_start3A_152 = tpu.memref_squeeze %dma_start3A_151 : memref<8x1x8x128xf32, #tpu.memory_space<hbm>> -> memref<8x8x128xf32, #tpu.memory_space<hbm>>
      tpu.enqueue_dma source(%arg10 : memref<8x8x128xf32, #tpu.memory_space<vmem>>) target(%dma_start3A_152 : memref<8x8x128xf32, #tpu.memory_space<hbm>>) target_semaphore(%arg14 : memref<!tpu.dma_semaphore, #tpu.memory_space<semaphore_mem>>)
      %mul3A_153 = arith.constant 2 : i32
      %mul3A_154 = arith.muli %scan3A_107, %mul3A_153 : i32
      %add3A_155 = arith.constant 1 : i32
      %add3A_156 = arith.addi %mul3A_154, %add3A_155 : i32
      %add3A_157 = arith.constant 1 : i32
      %add3A_158 = arith.addi %add3A_156, %add3A_157 : i32
      %lt3A_159 = arith.constant 50 : i32
      %lt3A_160 = arith.cmpi slt, %add3A_158, %lt3A_159 : i32
      %convert_element_type3A_161 = arith.extui %lt3A_160 : i1 to i32
      %cond3A_162 = arith.constant 0 : i32
      %cond3A_163 = arith.cmpi ne, %convert_element_type3A_161, %cond3A_162 : i32
      scf.if %cond3A_163 {
        %add3A_203 = arith.constant 1 : i32
        %add3A_204 = arith.addi %add3A_156, %add3A_203 : i32
        %dma_start3A_205 = arith.constant 0 : i32
        %dma_start3A_206 = tpu.memref_slice %arg5[%add3A_204, %dma_start3A_205] : memref<50x128xi32, #tpu.memory_space<vmem>> -> memref<1x128xi32, #tpu.memory_space<vmem>>
        %dma_start3A_207 = tpu.memref_squeeze %dma_start3A_206 : memref<1x128xi32, #tpu.memory_space<vmem>> -> memref<128xi32, #tpu.memory_space<vmem>>
        %dma_start3A_208 = arith.constant 0 : i32
        %dma_start3A_209 = arith.constant 0 : i32
        %dma_start3A_210 = tpu.memref_slice %arg3[%dma_start3A_208, %dma_start3A_209] : memref<100000x64xf32, #tpu.memory_space<hbm>> -> memref<100000x64xf32, #tpu.memory_space<hbm>>
        tpu.enqueue_indirect_dma source(%dma_start3A_210 : memref<100000x64xf32, #tpu.memory_space<hbm>>) target(%arg6 : memref<128x64xf32, #tpu.memory_space<vmem>>) offsets(%dma_start3A_207 : memref<128xi32, #tpu.memory_space<vmem>>) semaphore(%arg12 : memref<!tpu.dma_semaphore, #tpu.memory_space<semaphore_mem>>)
      } else {
      }
      %dma_wait3A_164 = arith.constant 0 : i32
      %dma_wait3A_165 = tpu.memref_slice %arg5[%add3A_156, %dma_wait3A_164] : memref<50x128xi32, #tpu.memory_space<vmem>> -> memref<1x128xi32, #tpu.memory_space<vmem>>
      %dma_wait3A_166 = tpu.memref_squeeze %dma_wait3A_165 : memref<1x128xi32, #tpu.memory_space<vmem>> -> memref<128xi32, #tpu.memory_space<vmem>>
      %dma_wait3A_167 = arith.constant 0 : i32
      %dma_wait3A_168 = arith.constant 0 : i32
      %dma_wait3A_169 = tpu.memref_slice %arg3[%dma_wait3A_167, %dma_wait3A_168] : memref<100000x64xf32, #tpu.memory_space<hbm>> -> memref<100000x64xf32, #tpu.memory_space<hbm>>
      tpu.wait_indirect_dma semaphore(%arg13 : memref<!tpu.dma_semaphore, #tpu.memory_space<semaphore_mem>>) src(%dma_wait3A_169 : memref<100000x64xf32, #tpu.memory_space<hbm>>) dst(%arg7 : memref<128x64xf32, #tpu.memory_space<vmem>>)
      %ge3A_170 = arith.constant 2 : i32
      %ge3A_171 = arith.cmpi sge, %add3A_156, %ge3A_170 : i32
      %convert_element_type3A_172 = arith.extui %ge3A_171 : i1 to i32
      %cond3A_173 = arith.constant 0 : i32
      %cond3A_174 = arith.cmpi ne, %convert_element_type3A_172, %cond3A_173 : i32
      scf.if %cond3A_174 {
        %dma_wait3A_203 = arith.constant 0 : i32
        %dma_wait3A_204 = arith.constant 0 : i32
        %dma_wait3A_205 = arith.constant 0 : i32
        %dma_wait3A_206 = arith.constant 0 : i32
        %dma_wait3A_207 = arith.constant 0 : i32
        %dma_wait3A_208 = tpu.memref_slice %arg4[%dma_wait3A_203, %dma_wait3A_204, %dma_wait3A_205, %dma_wait3A_206, %dma_wait3A_207] : memref<50x8x32x8x128xf32, #tpu.memory_space<hbm>> -> memref<1x8x32x8x128xf32, #tpu.memory_space<hbm>>
        %dma_wait3A_209 = tpu.memref_squeeze %dma_wait3A_208 : memref<1x8x32x8x128xf32, #tpu.memory_space<hbm>> -> memref<8x32x8x128xf32, #tpu.memory_space<hbm>>
        %dma_wait3A_210 = arith.constant 0 : i32
        %dma_wait3A_211 = arith.constant 0 : i32
        %dma_wait3A_212 = arith.constant 0 : i32
        %dma_wait3A_213 = tpu.memref_slice %dma_wait3A_209[%dma_wait3A_210, %add3A, %dma_wait3A_211, %dma_wait3A_212] : memref<8x32x8x128xf32, #tpu.memory_space<hbm>> -> memref<8x1x8x128xf32, #tpu.memory_space<hbm>>
        %dma_wait3A_214 = tpu.memref_squeeze %dma_wait3A_213 : memref<8x1x8x128xf32, #tpu.memory_space<hbm>> -> memref<8x8x128xf32, #tpu.memory_space<hbm>>
        %dma_wait3A_215 = arith.constant 0 : i32
        %dma_wait3A_216 = arith.constant 0 : i32
        %dma_wait3A_217 = arith.constant 0 : i32
        %dma_wait3A_218 = arith.constant 0 : i32
        %dma_wait3A_219 = tpu.memref_slice %arg4[%dma_wait3A_203, %dma_wait3A_215, %dma_wait3A_216, %dma_wait3A_217, %dma_wait3A_218] : memref<50x8x32x8x128xf32, #tpu.memory_space<hbm>> -> memref<1x8x32x8x128xf32, #tpu.memory_space<hbm>>
        %dma_wait3A_220 = tpu.memref_squeeze %dma_wait3A_219 : memref<1x8x32x8x128xf32, #tpu.memory_space<hbm>> -> memref<8x32x8x128xf32, #tpu.memory_space<hbm>>
        %dma_wait3A_221 = arith.constant 0 : i32
        %dma_wait3A_222 = arith.constant 0 : i32
        %dma_wait3A_223 = arith.constant 0 : i32
        %dma_wait3A_224 = tpu.memref_slice %dma_wait3A_220[%dma_wait3A_221, %add3A, %dma_wait3A_222, %dma_wait3A_223] : memref<8x32x8x128xf32, #tpu.memory_space<hbm>> -> memref<8x1x8x128xf32, #tpu.memory_space<hbm>>
        %dma_wait3A_225 = tpu.memref_squeeze %dma_wait3A_224 : memref<8x1x8x128xf32, #tpu.memory_space<hbm>> -> memref<8x8x128xf32, #tpu.memory_space<hbm>>
        tpu.wait_dma2 semaphore(%arg15 : memref<!tpu.dma_semaphore, #tpu.memory_space<semaphore_mem>>) src(%arg11 : memref<8x8x128xf32, #tpu.memory_space<vmem>>) dst(%dma_wait3A_225 : memref<8x8x128xf32, #tpu.memory_space<hbm>>)
      } else {
      }
      %parallel_loop3A_175 = arith.constant 0 : i32
      %parallel_loop3A_176 = arith.constant 16 : i32
      %parallel_loop3A_177 = arith.constant 1 : i32
      scf.for %parallel_loop3A_203 = %parallel_loop3A_175 to %parallel_loop3A_176 step %parallel_loop3A_177  : i32 {
        %parallel_loop3A_204 = arith.constant 8 : i32
        %parallel_loop3A_205 = arith.muli %parallel_loop3A_203, %parallel_loop3A_204 : i32
        %parallel_loop3A_206 = arith.constant 0 : i32
        %parallel_loop3A_207 = arith.addi %parallel_loop3A_205, %parallel_loop3A_206 : i32
        %parallel_loop3A_208 = arith.index_cast %parallel_loop3A_207 : i32 to index
        %parallel_loop3A_209 = arith.constant 0 : index
        %parallel_loop3A_210 = tpu.vector_load %arg7[%parallel_loop3A_208, %parallel_loop3A_209] {strides = array<i32>} : memref<128x64xf32, #tpu.memory_space<vmem>>, vector<16xf32>,
        %parallel_loop3A_211 = arith.constant 65 : i32
        %parallel_loop3A_212 = arith.muli %parallel_loop3A_207, %parallel_loop3A_211 : i32
        %parallel_loop3A_213 = arith.constant 0 : i32
        %parallel_loop3A_214 = arith.addi %parallel_loop3A_212, %parallel_loop3A_213 : i32
        %parallel_loop3A_215 = arith.index_cast %parallel_loop3A_214 : i32 to index
        %parallel_loop3A_216 = tpu.vector_load %arg9[%parallel_loop3A_215] {strides = array<i32>} : memref<8320xf32, #tpu.memory_space<vmem>>, vector<16xf32>,
        tpu.vector_store %arg9[%parallel_loop3A_215], %parallel_loop3A_210 {strides = array<i32>} : memref<8320xf32, #tpu.memory_space<vmem>>, vector<16xf32>,
        %parallel_loop3A_217 = arith.index_cast %parallel_loop3A_207 : i32 to index
        %parallel_loop3A_218 = arith.constant 16 : index
        %parallel_loop3A_219 = tpu.vector_load %arg7[%parallel_loop3A_217, %parallel_loop3A_218] {strides = array<i32>} : memref<128x64xf32, #tpu.memory_space<vmem>>, vector<16xf32>,
        %parallel_loop3A_220 = arith.constant 65 : i32
        %parallel_loop3A_221 = arith.muli %parallel_loop3A_207, %parallel_loop3A_220 : i32
        %parallel_loop3A_222 = arith.constant 16 : i32
        %parallel_loop3A_223 = arith.addi %parallel_loop3A_221, %parallel_loop3A_222 : i32
        %parallel_loop3A_224 = arith.index_cast %parallel_loop3A_223 : i32 to index
        %parallel_loop3A_225 = tpu.vector_load %arg9[%parallel_loop3A_224] {strides = array<i32>} : memref<8320xf32, #tpu.memory_space<vmem>>, vector<16xf32>,
        tpu.vector_store %arg9[%parallel_loop3A_224], %parallel_loop3A_219 {strides = array<i32>} : memref<8320xf32, #tpu.memory_space<vmem>>, vector<16xf32>,
        %parallel_loop3A_226 = arith.index_cast %parallel_loop3A_207 : i32 to index
        %parallel_loop3A_227 = arith.constant 32 : index
        %parallel_loop3A_228 = tpu.vector_load %arg7[%parallel_loop3A_226, %parallel_loop3A_227] {strides = array<i32>} : memref<128x64xf32, #tpu.memory_space<vmem>>, vector<16xf32>,
        %parallel_loop3A_229 = arith.constant 65 : i32
        %parallel_loop3A_230 = arith.muli %parallel_loop3A_207, %parallel_loop3A_229 : i32
        %parallel_loop3A_231 = arith.constant 32 : i32
        %parallel_loop3A_232 = arith.addi %parallel_loop3A_230, %parallel_loop3A_231 : i32
        %parallel_loop3A_233 = arith.index_cast %parallel_loop3A_232 : i32 to index
        %parallel_loop3A_234 = tpu.vector_load %arg9[%parallel_loop3A_233] {strides = array<i32>} : memref<8320xf32, #tpu.memory_space<vmem>>, vector<16xf32>,
        tpu.vector_store %arg9[%parallel_loop3A_233], %parallel_loop3A_228 {strides = array<i32>} : memref<8320xf32, #tpu.memory_space<vmem>>, vector<16xf32>,
        %parallel_loop3A_235 = arith.index_cast %parallel_loop3A_207 : i32 to index
        %parallel_loop3A_236 = arith.constant 48 : index
        %parallel_loop3A_237 = tpu.vector_load %arg7[%parallel_loop3A_235, %parallel_loop3A_236] {strides = array<i32>} : memref<128x64xf32, #tpu.memory_space<vmem>>, vector<16xf32>,
        %parallel_loop3A_238 = arith.constant 65 : i32
        %parallel_loop3A_239 = arith.muli %parallel_loop3A_207, %parallel_loop3A_238 : i32
        %parallel_loop3A_240 = arith.constant 48 : i32
        %parallel_loop3A_241 = arith.addi %parallel_loop3A_239, %parallel_loop3A_240 : i32
        %parallel_loop3A_242 = arith.index_cast %parallel_loop3A_241 : i32 to index
        %parallel_loop3A_243 = tpu.vector_load %arg9[%parallel_loop3A_242] {strides = array<i32>} : memref<8320xf32, #tpu.memory_space<vmem>>, vector<16xf32>,
        tpu.vector_store %arg9[%parallel_loop3A_242], %parallel_loop3A_237 {strides = array<i32>} : memref<8320xf32, #tpu.memory_space<vmem>>, vector<16xf32>,
        %parallel_loop3A_244 = arith.constant 8 : i32
        %parallel_loop3A_245 = arith.muli %parallel_loop3A_203, %parallel_loop3A_244 : i32
        %parallel_loop3A_246 = arith.constant 1 : i32
        %parallel_loop3A_247 = arith.addi %parallel_loop3A_245, %parallel_loop3A_246 : i32
        %parallel_loop3A_248 = arith.index_cast %parallel_loop3A_247 : i32 to index
        %parallel_loop3A_249 = arith.constant 0 : index
        %parallel_loop3A_250 = tpu.vector_load %arg7[%parallel_loop3A_248, %parallel_loop3A_249] {strides = array<i32>} : memref<128x64xf32, #tpu.memory_space<vmem>>, vector<16xf32>,
        %parallel_loop3A_251 = arith.constant 65 : i32
        %parallel_loop3A_252 = arith.muli %parallel_loop3A_247, %parallel_loop3A_251 : i32
        %parallel_loop3A_253 = arith.constant 0 : i32
        %parallel_loop3A_254 = arith.addi %parallel_loop3A_252, %parallel_loop3A_253 : i32
        %parallel_loop3A_255 = arith.index_cast %parallel_loop3A_254 : i32 to index
        %parallel_loop3A_256 = tpu.vector_load %arg9[%parallel_loop3A_255] {strides = array<i32>} : memref<8320xf32, #tpu.memory_space<vmem>>, vector<16xf32>,
        tpu.vector_store %arg9[%parallel_loop3A_255], %parallel_loop3A_250 {strides = array<i32>} : memref<8320xf32, #tpu.memory_space<vmem>>, vector<16xf32>,
        %parallel_loop3A_257 = arith.index_cast %parallel_loop3A_247 : i32 to index
        %parallel_loop3A_258 = arith.constant 16 : index
        %parallel_loop3A_259 = tpu.vector_load %arg7[%parallel_loop3A_257, %parallel_loop3A_258] {strides = array<i32>} : memref<128x64xf32, #tpu.memory_space<vmem>>, vector<16xf32>,
        %parallel_loop3A_260 = arith.constant 65 : i32
        %parallel_loop3A_261 = arith.muli %parallel_loop3A_247, %parallel_loop3A_260 : i32
        %parallel_loop3A_262 = arith.constant 16 : i32
        %parallel_loop3A_263 = arith.addi %parallel_loop3A_261, %parallel_loop3A_262 : i32
        %parallel_loop3A_264 = arith.index_cast %parallel_loop3A_263 : i32 to index
        %parallel_loop3A_265 = tpu.vector_load %arg9[%parallel_loop3A_264] {strides = array<i32>} : memref<8320xf32, #tpu.memory_space<vmem>>, vector<16xf32>,
        tpu.vector_store %arg9[%parallel_loop3A_264], %parallel_loop3A_259 {strides = array<i32>} : memref<8320xf32, #tpu.memory_space<vmem>>, vector<16xf32>,
        %parallel_loop3A_266 = arith.index_cast %parallel_loop3A_247 : i32 to index
        %parallel_loop3A_267 = arith.constant 32 : index
        %parallel_loop3A_268 = tpu.vector_load %arg7[%parallel_loop3A_266, %parallel_loop3A_267] {strides = array<i32>} : memref<128x64xf32, #tpu.memory_space<vmem>>, vector<16xf32>,
        %parallel_loop3A_269 = arith.constant 65 : i32
        %parallel_loop3A_270 = arith.muli %parallel_loop3A_247, %parallel_loop3A_269 : i32
        %parallel_loop3A_271 = arith.constant 32 : i32
        %parallel_loop3A_272 = arith.addi %parallel_loop3A_270, %parallel_loop3A_271 : i32
        %parallel_loop3A_273 = arith.index_cast %parallel_loop3A_272 : i32 to index
        %parallel_loop3A_274 = tpu.vector_load %arg9[%parallel_loop3A_273] {strides = array<i32>} : memref<8320xf32, #tpu.memory_space<vmem>>, vector<16xf32>,
        tpu.vector_store %arg9[%parallel_loop3A_273], %parallel_loop3A_268 {strides = array<i32>} : memref<8320xf32, #tpu.memory_space<vmem>>, vector<16xf32>,
        %parallel_loop3A_275 = arith.index_cast %parallel_loop3A_247 : i32 to index
        %parallel_loop3A_276 = arith.constant 48 : index
        %parallel_loop3A_277 = tpu.vector_load %arg7[%parallel_loop3A_275, %parallel_loop3A_276] {strides = array<i32>} : memref<128x64xf32, #tpu.memory_space<vmem>>, vector<16xf32>,
        %parallel_loop3A_278 = arith.constant 65 : i32
        %parallel_loop3A_279 = arith.muli %parallel_loop3A_247, %parallel_loop3A_278 : i32
        %parallel_loop3A_280 = arith.constant 48 : i32
        %parallel_loop3A_281 = arith.addi %parallel_loop3A_279, %parallel_loop3A_280 : i32
        %parallel_loop3A_282 = arith.index_cast %parallel_loop3A_281 : i32 to index
        %parallel_loop3A_283 = tpu.vector_load %arg9[%parallel_loop3A_282] {strides = array<i32>} : memref<8320xf32, #tpu.memory_space<vmem>>, vector<16xf32>,
        tpu.vector_store %arg9[%parallel_loop3A_282], %parallel_loop3A_277 {strides = array<i32>} : memref<8320xf32, #tpu.memory_space<vmem>>, vector<16xf32>,
        %parallel_loop3A_284 = arith.constant 8 : i32
        %parallel_loop3A_285 = arith.muli %parallel_loop3A_203, %parallel_loop3A_284 : i32
        %parallel_loop3A_286 = arith.constant 2 : i32
        %parallel_loop3A_287 = arith.addi %parallel_loop3A_285, %parallel_loop3A_286 : i32
        %parallel_loop3A_288 = arith.index_cast %parallel_loop3A_287 : i32 to index
        %parallel_loop3A_289 = arith.constant 0 : index
        %parallel_loop3A_290 = tpu.vector_load %arg7[%parallel_loop3A_288, %parallel_loop3A_289] {strides = array<i32>} : memref<128x64xf32, #tpu.memory_space<vmem>>, vector<16xf32>,
        %parallel_loop3A_291 = arith.constant 65 : i32
        %parallel_loop3A_292 = arith.muli %parallel_loop3A_287, %parallel_loop3A_291 : i32
        %parallel_loop3A_293 = arith.constant 0 : i32
        %parallel_loop3A_294 = arith.addi %parallel_loop3A_292, %parallel_loop3A_293 : i32
        %parallel_loop3A_295 = arith.index_cast %parallel_loop3A_294 : i32 to index
        %parallel_loop3A_296 = tpu.vector_load %arg9[%parallel_loop3A_295] {strides = array<i32>} : memref<8320xf32, #tpu.memory_space<vmem>>, vector<16xf32>,
        tpu.vector_store %arg9[%parallel_loop3A_295], %parallel_loop3A_290 {strides = array<i32>} : memref<8320xf32, #tpu.memory_space<vmem>>, vector<16xf32>,
        %parallel_loop3A_297 = arith.index_cast %parallel_loop3A_287 : i32 to index
        %parallel_loop3A_298 = arith.constant 16 : index
        %parallel_loop3A_299 = tpu.vector_load %arg7[%parallel_loop3A_297, %parallel_loop3A_298] {strides = array<i32>} : memref<128x64xf32, #tpu.memory_space<vmem>>, vector<16xf32>,
        %parallel_loop3A_300 = arith.constant 65 : i32
        %parallel_loop3A_301 = arith.muli %parallel_loop3A_287, %parallel_loop3A_300 : i32
        %parallel_loop3A_302 = arith.constant 16 : i32
        %parallel_loop3A_303 = arith.addi %parallel_loop3A_301, %parallel_loop3A_302 : i32
        %parallel_loop3A_304 = arith.index_cast %parallel_loop3A_303 : i32 to index
        %parallel_loop3A_305 = tpu.vector_load %arg9[%parallel_loop3A_304] {strides = array<i32>} : memref<8320xf32, #tpu.memory_space<vmem>>, vector<16xf32>,
        tpu.vector_store %arg9[%parallel_loop3A_304], %parallel_loop3A_299 {strides = array<i32>} : memref<8320xf32, #tpu.memory_space<vmem>>, vector<16xf32>,
        %parallel_loop3A_306 = arith.index_cast %parallel_loop3A_287 : i32 to index
        %parallel_loop3A_307 = arith.constant 32 : index
        %parallel_loop3A_308 = tpu.vector_load %arg7[%parallel_loop3A_306, %parallel_loop3A_307] {strides = array<i32>} : memref<128x64xf32, #tpu.memory_space<vmem>>, vector<16xf32>,
        %parallel_loop3A_309 = arith.constant 65 : i32
        %parallel_loop3A_310 = arith.muli %parallel_loop3A_287, %parallel_loop3A_309 : i32
        %parallel_loop3A_311 = arith.constant 32 : i32
        %parallel_loop3A_312 = arith.addi %parallel_loop3A_310, %parallel_loop3A_311 : i32
        %parallel_loop3A_313 = arith.index_cast %parallel_loop3A_312 : i32 to index
        %parallel_loop3A_314 = tpu.vector_load %arg9[%parallel_loop3A_313] {strides = array<i32>} : memref<8320xf32, #tpu.memory_space<vmem>>, vector<16xf32>,
        tpu.vector_store %arg9[%parallel_loop3A_313], %parallel_loop3A_308 {strides = array<i32>} : memref<8320xf32, #tpu.memory_space<vmem>>, vector<16xf32>,
        %parallel_loop3A_315 = arith.index_cast %parallel_loop3A_287 : i32 to index
        %parallel_loop3A_316 = arith.constant 48 : index
        %parallel_loop3A_317 = tpu.vector_load %arg7[%parallel_loop3A_315, %parallel_loop3A_316] {strides = array<i32>} : memref<128x64xf32, #tpu.memory_space<vmem>>, vector<16xf32>,
        %parallel_loop3A_318 = arith.constant 65 : i32
        %parallel_loop3A_319 = arith.muli %parallel_loop3A_287, %parallel_loop3A_318 : i32
        %parallel_loop3A_320 = arith.constant 48 : i32
        %parallel_loop3A_321 = arith.addi %parallel_loop3A_319, %parallel_loop3A_320 : i32
        %parallel_loop3A_322 = arith.index_cast %parallel_loop3A_321 : i32 to index
        %parallel_loop3A_323 = tpu.vector_load %arg9[%parallel_loop3A_322] {strides = array<i32>} : memref<8320xf32, #tpu.memory_space<vmem>>, vector<16xf32>,
        tpu.vector_store %arg9[%parallel_loop3A_322], %parallel_loop3A_317 {strides = array<i32>} : memref<8320xf32, #tpu.memory_space<vmem>>, vector<16xf32>,
        %parallel_loop3A_324 = arith.constant 8 : i32
        %parallel_loop3A_325 = arith.muli %parallel_loop3A_203, %parallel_loop3A_324 : i32
        %parallel_loop3A_326 = arith.constant 3 : i32
        %parallel_loop3A_327 = arith.addi %parallel_loop3A_325, %parallel_loop3A_326 : i32
        %parallel_loop3A_328 = arith.index_cast %parallel_loop3A_327 : i32 to index
        %parallel_loop3A_329 = arith.constant 0 : index
        %parallel_loop3A_330 = tpu.vector_load %arg7[%parallel_loop3A_328, %parallel_loop3A_329] {strides = array<i32>} : memref<128x64xf32, #tpu.memory_space<vmem>>, vector<16xf32>,
        %parallel_loop3A_331 = arith.constant 65 : i32
        %parallel_loop3A_332 = arith.muli %parallel_loop3A_327, %parallel_loop3A_331 : i32
        %parallel_loop3A_333 = arith.constant 0 : i32
        %parallel_loop3A_334 = arith.addi %parallel_loop3A_332, %parallel_loop3A_333 : i32
        %parallel_loop3A_335 = arith.index_cast %parallel_loop3A_334 : i32 to index
        %parallel_loop3A_336 = tpu.vector_load %arg9[%parallel_loop3A_335] {strides = array<i32>} : memref<8320xf32, #tpu.memory_space<vmem>>, vector<16xf32>,
        tpu.vector_store %arg9[%parallel_loop3A_335], %parallel_loop3A_330 {strides = array<i32>} : memref<8320xf32, #tpu.memory_space<vmem>>, vector<16xf32>,
        %parallel_loop3A_337 = arith.index_cast %parallel_loop3A_327 : i32 to index
        %parallel_loop3A_338 = arith.constant 16 : index
        %parallel_loop3A_339 = tpu.vector_load %arg7[%parallel_loop3A_337, %parallel_loop3A_338] {strides = array<i32>} : memref<128x64xf32, #tpu.memory_space<vmem>>, vector<16xf32>,
        %parallel_loop3A_340 = arith.constant 65 : i32
        %parallel_loop3A_341 = arith.muli %parallel_loop3A_327, %parallel_loop3A_340 : i32
        %parallel_loop3A_342 = arith.constant 16 : i32
        %parallel_loop3A_343 = arith.addi %parallel_loop3A_341, %parallel_loop3A_342 : i32
        %parallel_loop3A_344 = arith.index_cast %parallel_loop3A_343 : i32 to index
        %parallel_loop3A_345 = tpu.vector_load %arg9[%parallel_loop3A_344] {strides = array<i32>} : memref<8320xf32, #tpu.memory_space<vmem>>, vector<16xf32>,
        tpu.vector_store %arg9[%parallel_loop3A_344], %parallel_loop3A_339 {strides = array<i32>} : memref<8320xf32, #tpu.memory_space<vmem>>, vector<16xf32>,
        %parallel_loop3A_346 = arith.index_cast %parallel_loop3A_327 : i32 to index
        %parallel_loop3A_347 = arith.constant 32 : index
        %parallel_loop3A_348 = tpu.vector_load %arg7[%parallel_loop3A_346, %parallel_loop3A_347] {strides = array<i32>} : memref<128x64xf32, #tpu.memory_space<vmem>>, vector<16xf32>,
        %parallel_loop3A_349 = arith.constant 65 : i32
        %parallel_loop3A_350 = arith.muli %parallel_loop3A_327, %parallel_loop3A_349 : i32
        %parallel_loop3A_351 = arith.constant 32 : i32
        %parallel_loop3A_352 = arith.addi %parallel_loop3A_350, %parallel_loop3A_351 : i32
        %parallel_loop3A_353 = arith.index_cast %parallel_loop3A_352 : i32 to index
        %parallel_loop3A_354 = tpu.vector_load %arg9[%parallel_loop3A_353] {strides = array<i32>} : memref<8320xf32, #tpu.memory_space<vmem>>, vector<16xf32>,
        tpu.vector_store %arg9[%parallel_loop3A_353], %parallel_loop3A_348 {strides = array<i32>} : memref<8320xf32, #tpu.memory_space<vmem>>, vector<16xf32>,
        %parallel_loop3A_355 = arith.index_cast %parallel_loop3A_327 : i32 to index
        %parallel_loop3A_356 = arith.constant 48 : index
        %parallel_loop3A_357 = tpu.vector_load %arg7[%parallel_loop3A_355, %parallel_loop3A_356] {strides = array<i32>} : memref<128x64xf32, #tpu.memory_space<vmem>>, vector<16xf32>,
        %parallel_loop3A_358 = arith.constant 65 : i32
        %parallel_loop3A_359 = arith.muli %parallel_loop3A_327, %parallel_loop3A_358 : i32
        %parallel_loop3A_360 = arith.constant 48 : i32
        %parallel_loop3A_361 = arith.addi %parallel_loop3A_359, %parallel_loop3A_360 : i32
        %parallel_loop3A_362 = arith.index_cast %parallel_loop3A_361 : i32 to index
        %parallel_loop3A_363 = tpu.vector_load %arg9[%parallel_loop3A_362] {strides = array<i32>} : memref<8320xf32, #tpu.memory_space<vmem>>, vector<16xf32>,
        tpu.vector_store %arg9[%parallel_loop3A_362], %parallel_loop3A_357 {strides = array<i32>} : memref<8320xf32, #tpu.memory_space<vmem>>, vector<16xf32>,
        %parallel_loop3A_364 = arith.constant 8 : i32
        %parallel_loop3A_365 = arith.muli %parallel_loop3A_203, %parallel_loop3A_364 : i32
        %parallel_loop3A_366 = arith.constant 4 : i32
        %parallel_loop3A_367 = arith.addi %parallel_loop3A_365, %parallel_loop3A_366 : i32
        %parallel_loop3A_368 = arith.index_cast %parallel_loop3A_367 : i32 to index
        %parallel_loop3A_369 = arith.constant 0 : index
        %parallel_loop3A_370 = tpu.vector_load %arg7[%parallel_loop3A_368, %parallel_loop3A_369] {strides = array<i32>} : memref<128x64xf32, #tpu.memory_space<vmem>>, vector<16xf32>,
        %parallel_loop3A_371 = arith.constant 65 : i32
        %parallel_loop3A_372 = arith.muli %parallel_loop3A_367, %parallel_loop3A_371 : i32
        %parallel_loop3A_373 = arith.constant 0 : i32
        %parallel_loop3A_374 = arith.addi %parallel_loop3A_372, %parallel_loop3A_373 : i32
        %parallel_loop3A_375 = arith.index_cast %parallel_loop3A_374 : i32 to index
        %parallel_loop3A_376 = tpu.vector_load %arg9[%parallel_loop3A_375] {strides = array<i32>} : memref<8320xf32, #tpu.memory_space<vmem>>, vector<16xf32>,
        tpu.vector_store %arg9[%parallel_loop3A_375], %parallel_loop3A_370 {strides = array<i32>} : memref<8320xf32, #tpu.memory_space<vmem>>, vector<16xf32>,
        %parallel_loop3A_377 = arith.index_cast %parallel_loop3A_367 : i32 to index
        %parallel_loop3A_378 = arith.constant 16 : index
        %parallel_loop3A_379 = tpu.vector_load %arg7[%parallel_loop3A_377, %parallel_loop3A_378] {strides = array<i32>} : memref<128x64xf32, #tpu.memory_space<vmem>>, vector<16xf32>,
        %parallel_loop3A_380 = arith.constant 65 : i32
        %parallel_loop3A_381 = arith.muli %parallel_loop3A_367, %parallel_loop3A_380 : i32
        %parallel_loop3A_382 = arith.constant 16 : i32
        %parallel_loop3A_383 = arith.addi %parallel_loop3A_381, %parallel_loop3A_382 : i32
        %parallel_loop3A_384 = arith.index_cast %parallel_loop3A_383 : i32 to index
        %parallel_loop3A_385 = tpu.vector_load %arg9[%parallel_loop3A_384] {strides = array<i32>} : memref<8320xf32, #tpu.memory_space<vmem>>, vector<16xf32>,
        tpu.vector_store %arg9[%parallel_loop3A_384], %parallel_loop3A_379 {strides = array<i32>} : memref<8320xf32, #tpu.memory_space<vmem>>, vector<16xf32>,
        %parallel_loop3A_386 = arith.index_cast %parallel_loop3A_367 : i32 to index
        %parallel_loop3A_387 = arith.constant 32 : index
        %parallel_loop3A_388 = tpu.vector_load %arg7[%parallel_loop3A_386, %parallel_loop3A_387] {strides = array<i32>} : memref<128x64xf32, #tpu.memory_space<vmem>>, vector<16xf32>,
        %parallel_loop3A_389 = arith.constant 65 : i32
        %parallel_loop3A_390 = arith.muli %parallel_loop3A_367, %parallel_loop3A_389 : i32
        %parallel_loop3A_391 = arith.constant 32 : i32
        %parallel_loop3A_392 = arith.addi %parallel_loop3A_390, %parallel_loop3A_391 : i32
        %parallel_loop3A_393 = arith.index_cast %parallel_loop3A_392 : i32 to index
        %parallel_loop3A_394 = tpu.vector_load %arg9[%parallel_loop3A_393] {strides = array<i32>} : memref<8320xf32, #tpu.memory_space<vmem>>, vector<16xf32>,
        tpu.vector_store %arg9[%parallel_loop3A_393], %parallel_loop3A_388 {strides = array<i32>} : memref<8320xf32, #tpu.memory_space<vmem>>, vector<16xf32>,
        %parallel_loop3A_395 = arith.index_cast %parallel_loop3A_367 : i32 to index
        %parallel_loop3A_396 = arith.constant 48 : index
        %parallel_loop3A_397 = tpu.vector_load %arg7[%parallel_loop3A_395, %parallel_loop3A_396] {strides = array<i32>} : memref<128x64xf32, #tpu.memory_space<vmem>>, vector<16xf32>,
        %parallel_loop3A_398 = arith.constant 65 : i32
        %parallel_loop3A_399 = arith.muli %parallel_loop3A_367, %parallel_loop3A_398 : i32
        %parallel_loop3A_400 = arith.constant 48 : i32
        %parallel_loop3A_401 = arith.addi %parallel_loop3A_399, %parallel_loop3A_400 : i32
        %parallel_loop3A_402 = arith.index_cast %parallel_loop3A_401 : i32 to index
        %parallel_loop3A_403 = tpu.vector_load %arg9[%parallel_loop3A_402] {strides = array<i32>} : memref<8320xf32, #tpu.memory_space<vmem>>, vector<16xf32>,
        tpu.vector_store %arg9[%parallel_loop3A_402], %parallel_loop3A_397 {strides = array<i32>} : memref<8320xf32, #tpu.memory_space<vmem>>, vector<16xf32>,
        %parallel_loop3A_404 = arith.constant 8 : i32
        %parallel_loop3A_405 = arith.muli %parallel_loop3A_203, %parallel_loop3A_404 : i32
        %parallel_loop3A_406 = arith.constant 5 : i32
        %parallel_loop3A_407 = arith.addi %parallel_loop3A_405, %parallel_loop3A_406 : i32
        %parallel_loop3A_408 = arith.index_cast %parallel_loop3A_407 : i32 to index
        %parallel_loop3A_409 = arith.constant 0 : index
        %parallel_loop3A_410 = tpu.vector_load %arg7[%parallel_loop3A_408, %parallel_loop3A_409] {strides = array<i32>} : memref<128x64xf32, #tpu.memory_space<vmem>>, vector<16xf32>,
        %parallel_loop3A_411 = arith.constant 65 : i32
        %parallel_loop3A_412 = arith.muli %parallel_loop3A_407, %parallel_loop3A_411 : i32
        %parallel_loop3A_413 = arith.constant 0 : i32
        %parallel_loop3A_414 = arith.addi %parallel_loop3A_412, %parallel_loop3A_413 : i32
        %parallel_loop3A_415 = arith.index_cast %parallel_loop3A_414 : i32 to index
        %parallel_loop3A_416 = tpu.vector_load %arg9[%parallel_loop3A_415] {strides = array<i32>} : memref<8320xf32, #tpu.memory_space<vmem>>, vector<16xf32>,
        tpu.vector_store %arg9[%parallel_loop3A_415], %parallel_loop3A_410 {strides = array<i32>} : memref<8320xf32, #tpu.memory_space<vmem>>, vector<16xf32>,
        %parallel_loop3A_417 = arith.index_cast %parallel_loop3A_407 : i32 to index
        %parallel_loop3A_418 = arith.constant 16 : index
        %parallel_loop3A_419 = tpu.vector_load %arg7[%parallel_loop3A_417, %parallel_loop3A_418] {strides = array<i32>} : memref<128x64xf32, #tpu.memory_space<vmem>>, vector<16xf32>,
        %parallel_loop3A_420 = arith.constant 65 : i32
        %parallel_loop3A_421 = arith.muli %parallel_loop3A_407, %parallel_loop3A_420 : i32
        %parallel_loop3A_422 = arith.constant 16 : i32
        %parallel_loop3A_423 = arith.addi %parallel_loop3A_421, %parallel_loop3A_422 : i32
        %parallel_loop3A_424 = arith.index_cast %parallel_loop3A_423 : i32 to index
        %parallel_loop3A_425 = tpu.vector_load %arg9[%parallel_loop3A_424] {strides = array<i32>} : memref<8320xf32, #tpu.memory_space<vmem>>, vector<16xf32>,
        tpu.vector_store %arg9[%parallel_loop3A_424], %parallel_loop3A_419 {strides = array<i32>} : memref<8320xf32, #tpu.memory_space<vmem>>, vector<16xf32>,
        %parallel_loop3A_426 = arith.index_cast %parallel_loop3A_407 : i32 to index
        %parallel_loop3A_427 = arith.constant 32 : index
        %parallel_loop3A_428 = tpu.vector_load %arg7[%parallel_loop3A_426, %parallel_loop3A_427] {strides = array<i32>} : memref<128x64xf32, #tpu.memory_space<vmem>>, vector<16xf32>,
        %parallel_loop3A_429 = arith.constant 65 : i32
        %parallel_loop3A_430 = arith.muli %parallel_loop3A_407, %parallel_loop3A_429 : i32
        %parallel_loop3A_431 = arith.constant 32 : i32
        %parallel_loop3A_432 = arith.addi %parallel_loop3A_430, %parallel_loop3A_431 : i32
        %parallel_loop3A_433 = arith.index_cast %parallel_loop3A_432 : i32 to index
        %parallel_loop3A_434 = tpu.vector_load %arg9[%parallel_loop3A_433] {strides = array<i32>} : memref<8320xf32, #tpu.memory_space<vmem>>, vector<16xf32>,
        tpu.vector_store %arg9[%parallel_loop3A_433], %parallel_loop3A_428 {strides = array<i32>} : memref<8320xf32, #tpu.memory_space<vmem>>, vector<16xf32>,
        %parallel_loop3A_435 = arith.index_cast %parallel_loop3A_407 : i32 to index
        %parallel_loop3A_436 = arith.constant 48 : index
        %parallel_loop3A_437 = tpu.vector_load %arg7[%parallel_loop3A_435, %parallel_loop3A_436] {strides = array<i32>} : memref<128x64xf32, #tpu.memory_space<vmem>>, vector<16xf32>,
        %parallel_loop3A_438 = arith.constant 65 : i32
        %parallel_loop3A_439 = arith.muli %parallel_loop3A_407, %parallel_loop3A_438 : i32
        %parallel_loop3A_440 = arith.constant 48 : i32
        %parallel_loop3A_441 = arith.addi %parallel_loop3A_439, %parallel_loop3A_440 : i32
        %parallel_loop3A_442 = arith.index_cast %parallel_loop3A_441 : i32 to index
        %parallel_loop3A_443 = tpu.vector_load %arg9[%parallel_loop3A_442] {strides = array<i32>} : memref<8320xf32, #tpu.memory_space<vmem>>, vector<16xf32>,
        tpu.vector_store %arg9[%parallel_loop3A_442], %parallel_loop3A_437 {strides = array<i32>} : memref<8320xf32, #tpu.memory_space<vmem>>, vector<16xf32>,
        %parallel_loop3A_444 = arith.constant 8 : i32
        %parallel_loop3A_445 = arith.muli %parallel_loop3A_203, %parallel_loop3A_444 : i32
        %parallel_loop3A_446 = arith.constant 6 : i32
        %parallel_loop3A_447 = arith.addi %parallel_loop3A_445, %parallel_loop3A_446 : i32
        %parallel_loop3A_448 = arith.index_cast %parallel_loop3A_447 : i32 to index
        %parallel_loop3A_449 = arith.constant 0 : index
        %parallel_loop3A_450 = tpu.vector_load %arg7[%parallel_loop3A_448, %parallel_loop3A_449] {strides = array<i32>} : memref<128x64xf32, #tpu.memory_space<vmem>>, vector<16xf32>,
        %parallel_loop3A_451 = arith.constant 65 : i32
        %parallel_loop3A_452 = arith.muli %parallel_loop3A_447, %parallel_loop3A_451 : i32
        %parallel_loop3A_453 = arith.constant 0 : i32
        %parallel_loop3A_454 = arith.addi %parallel_loop3A_452, %parallel_loop3A_453 : i32
        %parallel_loop3A_455 = arith.index_cast %parallel_loop3A_454 : i32 to index
        %parallel_loop3A_456 = tpu.vector_load %arg9[%parallel_loop3A_455] {strides = array<i32>} : memref<8320xf32, #tpu.memory_space<vmem>>, vector<16xf32>,
        tpu.vector_store %arg9[%parallel_loop3A_455], %parallel_loop3A_450 {strides = array<i32>} : memref<8320xf32, #tpu.memory_space<vmem>>, vector<16xf32>,
        %parallel_loop3A_457 = arith.index_cast %parallel_loop3A_447 : i32 to index
        %parallel_loop3A_458 = arith.constant 16 : index
        %parallel_loop3A_459 = tpu.vector_load %arg7[%parallel_loop3A_457, %parallel_loop3A_458] {strides = array<i32>} : memref<128x64xf32, #tpu.memory_space<vmem>>, vector<16xf32>,
        %parallel_loop3A_460 = arith.constant 65 : i32
        %parallel_loop3A_461 = arith.muli %parallel_loop3A_447, %parallel_loop3A_460 : i32
        %parallel_loop3A_462 = arith.constant 16 : i32
        %parallel_loop3A_463 = arith.addi %parallel_loop3A_461, %parallel_loop3A_462 : i32
        %parallel_loop3A_464 = arith.index_cast %parallel_loop3A_463 : i32 to index
        %parallel_loop3A_465 = tpu.vector_load %arg9[%parallel_loop3A_464] {strides = array<i32>} : memref<8320xf32, #tpu.memory_space<vmem>>, vector<16xf32>,
        tpu.vector_store %arg9[%parallel_loop3A_464], %parallel_loop3A_459 {strides = array<i32>} : memref<8320xf32, #tpu.memory_space<vmem>>, vector<16xf32>,
        %parallel_loop3A_466 = arith.index_cast %parallel_loop3A_447 : i32 to index
        %parallel_loop3A_467 = arith.constant 32 : index
        %parallel_loop3A_468 = tpu.vector_load %arg7[%parallel_loop3A_466, %parallel_loop3A_467] {strides = array<i32>} : memref<128x64xf32, #tpu.memory_space<vmem>>, vector<16xf32>,
        %parallel_loop3A_469 = arith.constant 65 : i32
        %parallel_loop3A_470 = arith.muli %parallel_loop3A_447, %parallel_loop3A_469 : i32
        %parallel_loop3A_471 = arith.constant 32 : i32
        %parallel_loop3A_472 = arith.addi %parallel_loop3A_470, %parallel_loop3A_471 : i32
        %parallel_loop3A_473 = arith.index_cast %parallel_loop3A_472 : i32 to index
        %parallel_loop3A_474 = tpu.vector_load %arg9[%parallel_loop3A_473] {strides = array<i32>} : memref<8320xf32, #tpu.memory_space<vmem>>, vector<16xf32>,
        tpu.vector_store %arg9[%parallel_loop3A_473], %parallel_loop3A_468 {strides = array<i32>} : memref<8320xf32, #tpu.memory_space<vmem>>, vector<16xf32>,
        %parallel_loop3A_475 = arith.index_cast %parallel_loop3A_447 : i32 to index
        %parallel_loop3A_476 = arith.constant 48 : index
        %parallel_loop3A_477 = tpu.vector_load %arg7[%parallel_loop3A_475, %parallel_loop3A_476] {strides = array<i32>} : memref<128x64xf32, #tpu.memory_space<vmem>>, vector<16xf32>,
        %parallel_loop3A_478 = arith.constant 65 : i32
        %parallel_loop3A_479 = arith.muli %parallel_loop3A_447, %parallel_loop3A_478 : i32
        %parallel_loop3A_480 = arith.constant 48 : i32
        %parallel_loop3A_481 = arith.addi %parallel_loop3A_479, %parallel_loop3A_480 : i32
        %parallel_loop3A_482 = arith.index_cast %parallel_loop3A_481 : i32 to index
        %parallel_loop3A_483 = tpu.vector_load %arg9[%parallel_loop3A_482] {strides = array<i32>} : memref<8320xf32, #tpu.memory_space<vmem>>, vector<16xf32>,
        tpu.vector_store %arg9[%parallel_loop3A_482], %parallel_loop3A_477 {strides = array<i32>} : memref<8320xf32, #tpu.memory_space<vmem>>, vector<16xf32>,
        %parallel_loop3A_484 = arith.constant 8 : i32
        %parallel_loop3A_485 = arith.muli %parallel_loop3A_203, %parallel_loop3A_484 : i32
        %parallel_loop3A_486 = arith.constant 7 : i32
        %parallel_loop3A_487 = arith.addi %parallel_loop3A_485, %parallel_loop3A_486 : i32
        %parallel_loop3A_488 = arith.index_cast %parallel_loop3A_487 : i32 to index
        %parallel_loop3A_489 = arith.constant 0 : index
        %parallel_loop3A_490 = tpu.vector_load %arg7[%parallel_loop3A_488, %parallel_loop3A_489] {strides = array<i32>} : memref<128x64xf32, #tpu.memory_space<vmem>>, vector<16xf32>,
        %parallel_loop3A_491 = arith.constant 65 : i32
        %parallel_loop3A_492 = arith.muli %parallel_loop3A_487, %parallel_loop3A_491 : i32
        %parallel_loop3A_493 = arith.constant 0 : i32
        %parallel_loop3A_494 = arith.addi %parallel_loop3A_492, %parallel_loop3A_493 : i32
        %parallel_loop3A_495 = arith.index_cast %parallel_loop3A_494 : i32 to index
        %parallel_loop3A_496 = tpu.vector_load %arg9[%parallel_loop3A_495] {strides = array<i32>} : memref<8320xf32, #tpu.memory_space<vmem>>, vector<16xf32>,
        tpu.vector_store %arg9[%parallel_loop3A_495], %parallel_loop3A_490 {strides = array<i32>} : memref<8320xf32, #tpu.memory_space<vmem>>, vector<16xf32>,
        %parallel_loop3A_497 = arith.index_cast %parallel_loop3A_487 : i32 to index
        %parallel_loop3A_498 = arith.constant 16 : index
        %parallel_loop3A_499 = tpu.vector_load %arg7[%parallel_loop3A_497, %parallel_loop3A_498] {strides = array<i32>} : memref<128x64xf32, #tpu.memory_space<vmem>>, vector<16xf32>,
        %parallel_loop3A_500 = arith.constant 65 : i32
        %parallel_loop3A_501 = arith.muli %parallel_loop3A_487, %parallel_loop3A_500 : i32
        %parallel_loop3A_502 = arith.constant 16 : i32
        %parallel_loop3A_503 = arith.addi %parallel_loop3A_501, %parallel_loop3A_502 : i32
        %parallel_loop3A_504 = arith.index_cast %parallel_loop3A_503 : i32 to index
        %parallel_loop3A_505 = tpu.vector_load %arg9[%parallel_loop3A_504] {strides = array<i32>} : memref<8320xf32, #tpu.memory_space<vmem>>, vector<16xf32>,
        tpu.vector_store %arg9[%parallel_loop3A_504], %parallel_loop3A_499 {strides = array<i32>} : memref<8320xf32, #tpu.memory_space<vmem>>, vector<16xf32>,
        %parallel_loop3A_506 = arith.index_cast %parallel_loop3A_487 : i32 to index
        %parallel_loop3A_507 = arith.constant 32 : index
        %parallel_loop3A_508 = tpu.vector_load %arg7[%parallel_loop3A_506, %parallel_loop3A_507] {strides = array<i32>} : memref<128x64xf32, #tpu.memory_space<vmem>>, vector<16xf32>,
        %parallel_loop3A_509 = arith.constant 65 : i32
        %parallel_loop3A_510 = arith.muli %parallel_loop3A_487, %parallel_loop3A_509 : i32
        %parallel_loop3A_511 = arith.constant 32 : i32
        %parallel_loop3A_512 = arith.addi %parallel_loop3A_510, %parallel_loop3A_511 : i32
        %parallel_loop3A_513 = arith.index_cast %parallel_loop3A_512 : i32 to index
        %parallel_loop3A_514 = tpu.vector_load %arg9[%parallel_loop3A_513] {strides = array<i32>} : memref<8320xf32, #tpu.memory_space<vmem>>, vector<16xf32>,
        tpu.vector_store %arg9[%parallel_loop3A_513], %parallel_loop3A_508 {strides = array<i32>} : memref<8320xf32, #tpu.memory_space<vmem>>, vector<16xf32>,
        %parallel_loop3A_515 = arith.index_cast %parallel_loop3A_487 : i32 to index
        %parallel_loop3A_516 = arith.constant 48 : index
        %parallel_loop3A_517 = tpu.vector_load %arg7[%parallel_loop3A_515, %parallel_loop3A_516] {strides = array<i32>} : memref<128x64xf32, #tpu.memory_space<vmem>>, vector<16xf32>,
        %parallel_loop3A_518 = arith.constant 65 : i32
        %parallel_loop3A_519 = arith.muli %parallel_loop3A_487, %parallel_loop3A_518 : i32
        %parallel_loop3A_520 = arith.constant 48 : i32
        %parallel_loop3A_521 = arith.addi %parallel_loop3A_519, %parallel_loop3A_520 : i32
        %parallel_loop3A_522 = arith.index_cast %parallel_loop3A_521 : i32 to index
        %parallel_loop3A_523 = tpu.vector_load %arg9[%parallel_loop3A_522] {strides = array<i32>} : memref<8320xf32, #tpu.memory_space<vmem>>, vector<16xf32>,
        tpu.vector_store %arg9[%parallel_loop3A_522], %parallel_loop3A_517 {strides = array<i32>} : memref<8320xf32, #tpu.memory_space<vmem>>, vector<16xf32>,
      } {sc.loop_unroll_factor = 1 : i64, sc.parallel_access}
      %parallel_loop3A_178 = arith.constant 0 : i32
      %parallel_loop3A_179 = arith.constant 8 : i32
      %parallel_loop3A_180 = arith.constant 1 : i32
      scf.for %parallel_loop3A_203 = %parallel_loop3A_178 to %parallel_loop3A_179 step %parallel_loop3A_180  : i32 {
        %parallel_loop3A_204 = arith.constant 8 : i32
        %parallel_loop3A_205 = arith.muli %parallel_loop3A_203, %parallel_loop3A_204 : i32
        %parallel_loop3A_206 = arith.constant 0 : i32
        %parallel_loop3A_207 = arith.addi %parallel_loop3A_205, %parallel_loop3A_206 : i32
        %parallel_loop3A_208 = vector.broadcast %parallel_loop3A_207 : i32 to vector<16xi32>
        %parallel_loop3A_209 = arith.addi %mul3A_8, %parallel_loop3A_208 : vector<16xi32>
        %parallel_loop3A_210 = tpu.vector_load_idx %arg9[%parallel_loop3A_209] : memref<8320xf32, #tpu.memory_space<vmem>>[vector<16xi32>], vector<16xf32>,
        %parallel_loop3A_211 = arith.constant 0 : i32
        %parallel_loop3A_212 = arith.index_cast %parallel_loop3A_203 : i32 to index
        %parallel_loop3A_213 = arith.index_cast %parallel_loop3A_211 : i32 to index
        %parallel_loop3A_214 = arith.constant 0 : index
        %parallel_loop3A_215 = tpu.vector_load %arg11[%parallel_loop3A_212, %parallel_loop3A_213, %parallel_loop3A_214] {strides = array<i32>} : memref<8x8x128xf32, #tpu.memory_space<vmem>>, vector<16xf32>,
        tpu.vector_store %arg11[%parallel_loop3A_212, %parallel_loop3A_213, %parallel_loop3A_214], %parallel_loop3A_210 {strides = array<i32>} : memref<8x8x128xf32, #tpu.memory_space<vmem>>, vector<16xf32>,
        %parallel_loop3A_216 = vector.broadcast %parallel_loop3A_207 : i32 to vector<16xi32>
        %parallel_loop3A_217 = arith.addi %mul3A_14, %parallel_loop3A_216 : vector<16xi32>
        %parallel_loop3A_218 = tpu.vector_load_idx %arg9[%parallel_loop3A_217] : memref<8320xf32, #tpu.memory_space<vmem>>[vector<16xi32>], vector<16xf32>,
        %parallel_loop3A_219 = arith.constant 0 : i32
        %parallel_loop3A_220 = arith.index_cast %parallel_loop3A_203 : i32 to index
        %parallel_loop3A_221 = arith.index_cast %parallel_loop3A_219 : i32 to index
        %parallel_loop3A_222 = arith.constant 16 : index
        %parallel_loop3A_223 = tpu.vector_load %arg11[%parallel_loop3A_220, %parallel_loop3A_221, %parallel_loop3A_222] {strides = array<i32>} : memref<8x8x128xf32, #tpu.memory_space<vmem>>, vector<16xf32>,
        tpu.vector_store %arg11[%parallel_loop3A_220, %parallel_loop3A_221, %parallel_loop3A_222], %parallel_loop3A_218 {strides = array<i32>} : memref<8x8x128xf32, #tpu.memory_space<vmem>>, vector<16xf32>,
        %parallel_loop3A_224 = vector.broadcast %parallel_loop3A_207 : i32 to vector<16xi32>
        %parallel_loop3A_225 = arith.addi %mul3A_20, %parallel_loop3A_224 : vector<16xi32>
        %parallel_loop3A_226 = tpu.vector_load_idx %arg9[%parallel_loop3A_225] : memref<8320xf32, #tpu.memory_space<vmem>>[vector<16xi32>], vector<16xf32>,
        %parallel_loop3A_227 = arith.constant 0 : i32
        %parallel_loop3A_228 = arith.index_cast %parallel_loop3A_203 : i32 to index
        %parallel_loop3A_229 = arith.index_cast %parallel_loop3A_227 : i32 to index
        %parallel_loop3A_230 = arith.constant 32 : index
        %parallel_loop3A_231 = tpu.vector_load %arg11[%parallel_loop3A_228, %parallel_loop3A_229, %parallel_loop3A_230] {strides = array<i32>} : memref<8x8x128xf32, #tpu.memory_space<vmem>>, vector<16xf32>,
        tpu.vector_store %arg11[%parallel_loop3A_228, %parallel_loop3A_229, %parallel_loop3A_230], %parallel_loop3A_226 {strides = array<i32>} : memref<8x8x128xf32, #tpu.memory_space<vmem>>, vector<16xf32>,
        %parallel_loop3A_232 = vector.broadcast %parallel_loop3A_207 : i32 to vector<16xi32>
        %parallel_loop3A_233 = arith.addi %mul3A_26, %parallel_loop3A_232 : vector<16xi32>
        %parallel_loop3A_234 = tpu.vector_load_idx %arg9[%parallel_loop3A_233] : memref<8320xf32, #tpu.memory_space<vmem>>[vector<16xi32>], vector<16xf32>,
        %parallel_loop3A_235 = arith.constant 0 : i32
        %parallel_loop3A_236 = arith.index_cast %parallel_loop3A_203 : i32 to index
        %parallel_loop3A_237 = arith.index_cast %parallel_loop3A_235 : i32 to index
        %parallel_loop3A_238 = arith.constant 48 : index
        %parallel_loop3A_239 = tpu.vector_load %arg11[%parallel_loop3A_236, %parallel_loop3A_237, %parallel_loop3A_238] {strides = array<i32>} : memref<8x8x128xf32, #tpu.memory_space<vmem>>, vector<16xf32>,
        tpu.vector_store %arg11[%parallel_loop3A_236, %parallel_loop3A_237, %parallel_loop3A_238], %parallel_loop3A_234 {strides = array<i32>} : memref<8x8x128xf32, #tpu.memory_space<vmem>>, vector<16xf32>,
        %parallel_loop3A_240 = vector.broadcast %parallel_loop3A_207 : i32 to vector<16xi32>
        %parallel_loop3A_241 = arith.addi %mul3A_32, %parallel_loop3A_240 : vector<16xi32>
        %parallel_loop3A_242 = tpu.vector_load_idx %arg9[%parallel_loop3A_241] : memref<8320xf32, #tpu.memory_space<vmem>>[vector<16xi32>], vector<16xf32>,
        %parallel_loop3A_243 = arith.constant 0 : i32
        %parallel_loop3A_244 = arith.index_cast %parallel_loop3A_203 : i32 to index
        %parallel_loop3A_245 = arith.index_cast %parallel_loop3A_243 : i32 to index
        %parallel_loop3A_246 = arith.constant 64 : index
        %parallel_loop3A_247 = tpu.vector_load %arg11[%parallel_loop3A_244, %parallel_loop3A_245, %parallel_loop3A_246] {strides = array<i32>} : memref<8x8x128xf32, #tpu.memory_space<vmem>>, vector<16xf32>,
        tpu.vector_store %arg11[%parallel_loop3A_244, %parallel_loop3A_245, %parallel_loop3A_246], %parallel_loop3A_242 {strides = array<i32>} : memref<8x8x128xf32, #tpu.memory_space<vmem>>, vector<16xf32>,
        %parallel_loop3A_248 = vector.broadcast %parallel_loop3A_207 : i32 to vector<16xi32>
        %parallel_loop3A_249 = arith.addi %mul3A_38, %parallel_loop3A_248 : vector<16xi32>
        %parallel_loop3A_250 = tpu.vector_load_idx %arg9[%parallel_loop3A_249] : memref<8320xf32, #tpu.memory_space<vmem>>[vector<16xi32>], vector<16xf32>,
        %parallel_loop3A_251 = arith.constant 0 : i32
        %parallel_loop3A_252 = arith.index_cast %parallel_loop3A_203 : i32 to index
        %parallel_loop3A_253 = arith.index_cast %parallel_loop3A_251 : i32 to index
        %parallel_loop3A_254 = arith.constant 80 : index
        %parallel_loop3A_255 = tpu.vector_load %arg11[%parallel_loop3A_252, %parallel_loop3A_253, %parallel_loop3A_254] {strides = array<i32>} : memref<8x8x128xf32, #tpu.memory_space<vmem>>, vector<16xf32>,
        tpu.vector_store %arg11[%parallel_loop3A_252, %parallel_loop3A_253, %parallel_loop3A_254], %parallel_loop3A_250 {strides = array<i32>} : memref<8x8x128xf32, #tpu.memory_space<vmem>>, vector<16xf32>,
        %parallel_loop3A_256 = vector.broadcast %parallel_loop3A_207 : i32 to vector<16xi32>
        %parallel_loop3A_257 = arith.addi %mul3A_44, %parallel_loop3A_256 : vector<16xi32>
        %parallel_loop3A_258 = tpu.vector_load_idx %arg9[%parallel_loop3A_257] : memref<8320xf32, #tpu.memory_space<vmem>>[vector<16xi32>], vector<16xf32>,
        %parallel_loop3A_259 = arith.constant 0 : i32
        %parallel_loop3A_260 = arith.index_cast %parallel_loop3A_203 : i32 to index
        %parallel_loop3A_261 = arith.index_cast %parallel_loop3A_259 : i32 to index
        %parallel_loop3A_262 = arith.constant 96 : index
        %parallel_loop3A_263 = tpu.vector_load %arg11[%parallel_loop3A_260, %parallel_loop3A_261, %parallel_loop3A_262] {strides = array<i32>} : memref<8x8x128xf32, #tpu.memory_space<vmem>>, vector<16xf32>,
        tpu.vector_store %arg11[%parallel_loop3A_260, %parallel_loop3A_261, %parallel_loop3A_262], %parallel_loop3A_258 {strides = array<i32>} : memref<8x8x128xf32, #tpu.memory_space<vmem>>, vector<16xf32>,
        %parallel_loop3A_264 = vector.broadcast %parallel_loop3A_207 : i32 to vector<16xi32>
        %parallel_loop3A_265 = arith.addi %mul3A_50, %parallel_loop3A_264 : vector<16xi32>
        %parallel_loop3A_266 = tpu.vector_load_idx %arg9[%parallel_loop3A_265] : memref<8320xf32, #tpu.memory_space<vmem>>[vector<16xi32>], vector<16xf32>,
        %parallel_loop3A_267 = arith.constant 0 : i32
        %parallel_loop3A_268 = arith.index_cast %parallel_loop3A_203 : i32 to index
        %parallel_loop3A_269 = arith.index_cast %parallel_loop3A_267 : i32 to index
        %parallel_loop3A_270 = arith.constant 112 : index
        %parallel_loop3A_271 = tpu.vector_load %arg11[%parallel_loop3A_268, %parallel_loop3A_269, %parallel_loop3A_270] {strides = array<i32>} : memref<8x8x128xf32, #tpu.memory_space<vmem>>, vector<16xf32>,
        tpu.vector_store %arg11[%parallel_loop3A_268, %parallel_loop3A_269, %parallel_loop3A_270], %parallel_loop3A_266 {strides = array<i32>} : memref<8x8x128xf32, #tpu.memory_space<vmem>>, vector<16xf32>,
        %parallel_loop3A_272 = arith.constant 8 : i32
        %parallel_loop3A_273 = arith.muli %parallel_loop3A_203, %parallel_loop3A_272 : i32
        %parallel_loop3A_274 = arith.constant 1 : i32
        %parallel_loop3A_275 = arith.addi %parallel_loop3A_273, %parallel_loop3A_274 : i32
        %parallel_loop3A_276 = vector.broadcast %parallel_loop3A_275 : i32 to vector<16xi32>
        %parallel_loop3A_277 = arith.addi %mul3A_8, %parallel_loop3A_276 : vector<16xi32>
        %parallel_loop3A_278 = tpu.vector_load_idx %arg9[%parallel_loop3A_277] : memref<8320xf32, #tpu.memory_space<vmem>>[vector<16xi32>], vector<16xf32>,
        %parallel_loop3A_279 = arith.constant 1 : i32
        %parallel_loop3A_280 = arith.index_cast %parallel_loop3A_203 : i32 to index
        %parallel_loop3A_281 = arith.index_cast %parallel_loop3A_279 : i32 to index
        %parallel_loop3A_282 = arith.constant 0 : index
        %parallel_loop3A_283 = tpu.vector_load %arg11[%parallel_loop3A_280, %parallel_loop3A_281, %parallel_loop3A_282] {strides = array<i32>} : memref<8x8x128xf32, #tpu.memory_space<vmem>>, vector<16xf32>,
        tpu.vector_store %arg11[%parallel_loop3A_280, %parallel_loop3A_281, %parallel_loop3A_282], %parallel_loop3A_278 {strides = array<i32>} : memref<8x8x128xf32, #tpu.memory_space<vmem>>, vector<16xf32>,
        %parallel_loop3A_284 = vector.broadcast %parallel_loop3A_275 : i32 to vector<16xi32>
        %parallel_loop3A_285 = arith.addi %mul3A_14, %parallel_loop3A_284 : vector<16xi32>
        %parallel_loop3A_286 = tpu.vector_load_idx %arg9[%parallel_loop3A_285] : memref<8320xf32, #tpu.memory_space<vmem>>[vector<16xi32>], vector<16xf32>,
        %parallel_loop3A_287 = arith.constant 1 : i32
        %parallel_loop3A_288 = arith.index_cast %parallel_loop3A_203 : i32 to index
        %parallel_loop3A_289 = arith.index_cast %parallel_loop3A_287 : i32 to index
        %parallel_loop3A_290 = arith.constant 16 : index
        %parallel_loop3A_291 = tpu.vector_load %arg11[%parallel_loop3A_288, %parallel_loop3A_289, %parallel_loop3A_290] {strides = array<i32>} : memref<8x8x128xf32, #tpu.memory_space<vmem>>, vector<16xf32>,
        tpu.vector_store %arg11[%parallel_loop3A_288, %parallel_loop3A_289, %parallel_loop3A_290], %parallel_loop3A_286 {strides = array<i32>} : memref<8x8x128xf32, #tpu.memory_space<vmem>>, vector<16xf32>,
        %parallel_loop3A_292 = vector.broadcast %parallel_loop3A_275 : i32 to vector<16xi32>
        %parallel_loop3A_293 = arith.addi %mul3A_20, %parallel_loop3A_292 : vector<16xi32>
        %parallel_loop3A_294 = tpu.vector_load_idx %arg9[%parallel_loop3A_293] : memref<8320xf32, #tpu.memory_space<vmem>>[vector<16xi32>], vector<16xf32>,
        %parallel_loop3A_295 = arith.constant 1 : i32
        %parallel_loop3A_296 = arith.index_cast %parallel_loop3A_203 : i32 to index
        %parallel_loop3A_297 = arith.index_cast %parallel_loop3A_295 : i32 to index
        %parallel_loop3A_298 = arith.constant 32 : index
        %parallel_loop3A_299 = tpu.vector_load %arg11[%parallel_loop3A_296, %parallel_loop3A_297, %parallel_loop3A_298] {strides = array<i32>} : memref<8x8x128xf32, #tpu.memory_space<vmem>>, vector<16xf32>,
        tpu.vector_store %arg11[%parallel_loop3A_296, %parallel_loop3A_297, %parallel_loop3A_298], %parallel_loop3A_294 {strides = array<i32>} : memref<8x8x128xf32, #tpu.memory_space<vmem>>, vector<16xf32>,
        %parallel_loop3A_300 = vector.broadcast %parallel_loop3A_275 : i32 to vector<16xi32>
        %parallel_loop3A_301 = arith.addi %mul3A_26, %parallel_loop3A_300 : vector<16xi32>
        %parallel_loop3A_302 = tpu.vector_load_idx %arg9[%parallel_loop3A_301] : memref<8320xf32, #tpu.memory_space<vmem>>[vector<16xi32>], vector<16xf32>,
        %parallel_loop3A_303 = arith.constant 1 : i32
        %parallel_loop3A_304 = arith.index_cast %parallel_loop3A_203 : i32 to index
        %parallel_loop3A_305 = arith.index_cast %parallel_loop3A_303 : i32 to index
        %parallel_loop3A_306 = arith.constant 48 : index
        %parallel_loop3A_307 = tpu.vector_load %arg11[%parallel_loop3A_304, %parallel_loop3A_305, %parallel_loop3A_306] {strides = array<i32>} : memref<8x8x128xf32, #tpu.memory_space<vmem>>, vector<16xf32>,
        tpu.vector_store %arg11[%parallel_loop3A_304, %parallel_loop3A_305, %parallel_loop3A_306], %parallel_loop3A_302 {strides = array<i32>} : memref<8x8x128xf32, #tpu.memory_space<vmem>>, vector<16xf32>,
        %parallel_loop3A_308 = vector.broadcast %parallel_loop3A_275 : i32 to vector<16xi32>
        %parallel_loop3A_309 = arith.addi %mul3A_32, %parallel_loop3A_308 : vector<16xi32>
        %parallel_loop3A_310 = tpu.vector_load_idx %arg9[%parallel_loop3A_309] : memref<8320xf32, #tpu.memory_space<vmem>>[vector<16xi32>], vector<16xf32>,
        %parallel_loop3A_311 = arith.constant 1 : i32
        %parallel_loop3A_312 = arith.index_cast %parallel_loop3A_203 : i32 to index
        %parallel_loop3A_313 = arith.index_cast %parallel_loop3A_311 : i32 to index
        %parallel_loop3A_314 = arith.constant 64 : index
        %parallel_loop3A_315 = tpu.vector_load %arg11[%parallel_loop3A_312, %parallel_loop3A_313, %parallel_loop3A_314] {strides = array<i32>} : memref<8x8x128xf32, #tpu.memory_space<vmem>>, vector<16xf32>,
        tpu.vector_store %arg11[%parallel_loop3A_312, %parallel_loop3A_313, %parallel_loop3A_314], %parallel_loop3A_310 {strides = array<i32>} : memref<8x8x128xf32, #tpu.memory_space<vmem>>, vector<16xf32>,
        %parallel_loop3A_316 = vector.broadcast %parallel_loop3A_275 : i32 to vector<16xi32>
        %parallel_loop3A_317 = arith.addi %mul3A_38, %parallel_loop3A_316 : vector<16xi32>
        %parallel_loop3A_318 = tpu.vector_load_idx %arg9[%parallel_loop3A_317] : memref<8320xf32, #tpu.memory_space<vmem>>[vector<16xi32>], vector<16xf32>,
        %parallel_loop3A_319 = arith.constant 1 : i32
        %parallel_loop3A_320 = arith.index_cast %parallel_loop3A_203 : i32 to index
        %parallel_loop3A_321 = arith.index_cast %parallel_loop3A_319 : i32 to index
        %parallel_loop3A_322 = arith.constant 80 : index
        %parallel_loop3A_323 = tpu.vector_load %arg11[%parallel_loop3A_320, %parallel_loop3A_321, %parallel_loop3A_322] {strides = array<i32>} : memref<8x8x128xf32, #tpu.memory_space<vmem>>, vector<16xf32>,
        tpu.vector_store %arg11[%parallel_loop3A_320, %parallel_loop3A_321, %parallel_loop3A_322], %parallel_loop3A_318 {strides = array<i32>} : memref<8x8x128xf32, #tpu.memory_space<vmem>>, vector<16xf32>,
        %parallel_loop3A_324 = vector.broadcast %parallel_loop3A_275 : i32 to vector<16xi32>
        %parallel_loop3A_325 = arith.addi %mul3A_44, %parallel_loop3A_324 : vector<16xi32>
        %parallel_loop3A_326 = tpu.vector_load_idx %arg9[%parallel_loop3A_325] : memref<8320xf32, #tpu.memory_space<vmem>>[vector<16xi32>], vector<16xf32>,
        %parallel_loop3A_327 = arith.constant 1 : i32
        %parallel_loop3A_328 = arith.index_cast %parallel_loop3A_203 : i32 to index
        %parallel_loop3A_329 = arith.index_cast %parallel_loop3A_327 : i32 to index
        %parallel_loop3A_330 = arith.constant 96 : index
        %parallel_loop3A_331 = tpu.vector_load %arg11[%parallel_loop3A_328, %parallel_loop3A_329, %parallel_loop3A_330] {strides = array<i32>} : memref<8x8x128xf32, #tpu.memory_space<vmem>>, vector<16xf32>,
        tpu.vector_store %arg11[%parallel_loop3A_328, %parallel_loop3A_329, %parallel_loop3A_330], %parallel_loop3A_326 {strides = array<i32>} : memref<8x8x128xf32, #tpu.memory_space<vmem>>, vector<16xf32>,
        %parallel_loop3A_332 = vector.broadcast %parallel_loop3A_275 : i32 to vector<16xi32>
        %parallel_loop3A_333 = arith.addi %mul3A_50, %parallel_loop3A_332 : vector<16xi32>
        %parallel_loop3A_334 = tpu.vector_load_idx %arg9[%parallel_loop3A_333] : memref<8320xf32, #tpu.memory_space<vmem>>[vector<16xi32>], vector<16xf32>,
        %parallel_loop3A_335 = arith.constant 1 : i32
        %parallel_loop3A_336 = arith.index_cast %parallel_loop3A_203 : i32 to index
        %parallel_loop3A_337 = arith.index_cast %parallel_loop3A_335 : i32 to index
        %parallel_loop3A_338 = arith.constant 112 : index
        %parallel_loop3A_339 = tpu.vector_load %arg11[%parallel_loop3A_336, %parallel_loop3A_337, %parallel_loop3A_338] {strides = array<i32>} : memref<8x8x128xf32, #tpu.memory_space<vmem>>, vector<16xf32>,
        tpu.vector_store %arg11[%parallel_loop3A_336, %parallel_loop3A_337, %parallel_loop3A_338], %parallel_loop3A_334 {strides = array<i32>} : memref<8x8x128xf32, #tpu.memory_space<vmem>>, vector<16xf32>,
        %parallel_loop3A_340 = arith.constant 8 : i32
        %parallel_loop3A_341 = arith.muli %parallel_loop3A_203, %parallel_loop3A_340 : i32
        %parallel_loop3A_342 = arith.constant 2 : i32
        %parallel_loop3A_343 = arith.addi %parallel_loop3A_341, %parallel_loop3A_342 : i32
        %parallel_loop3A_344 = vector.broadcast %parallel_loop3A_343 : i32 to vector<16xi32>
        %parallel_loop3A_345 = arith.addi %mul3A_8, %parallel_loop3A_344 : vector<16xi32>
        %parallel_loop3A_346 = tpu.vector_load_idx %arg9[%parallel_loop3A_345] : memref<8320xf32, #tpu.memory_space<vmem>>[vector<16xi32>], vector<16xf32>,
        %parallel_loop3A_347 = arith.constant 2 : i32
        %parallel_loop3A_348 = arith.index_cast %parallel_loop3A_203 : i32 to index
        %parallel_loop3A_349 = arith.index_cast %parallel_loop3A_347 : i32 to index
        %parallel_loop3A_350 = arith.constant 0 : index
        %parallel_loop3A_351 = tpu.vector_load %arg11[%parallel_loop3A_348, %parallel_loop3A_349, %parallel_loop3A_350] {strides = array<i32>} : memref<8x8x128xf32, #tpu.memory_space<vmem>>, vector<16xf32>,
        tpu.vector_store %arg11[%parallel_loop3A_348, %parallel_loop3A_349, %parallel_loop3A_350], %parallel_loop3A_346 {strides = array<i32>} : memref<8x8x128xf32, #tpu.memory_space<vmem>>, vector<16xf32>,
        %parallel_loop3A_352 = vector.broadcast %parallel_loop3A_343 : i32 to vector<16xi32>
        %parallel_loop3A_353 = arith.addi %mul3A_14, %parallel_loop3A_352 : vector<16xi32>
        %parallel_loop3A_354 = tpu.vector_load_idx %arg9[%parallel_loop3A_353] : memref<8320xf32, #tpu.memory_space<vmem>>[vector<16xi32>], vector<16xf32>,
        %parallel_loop3A_355 = arith.constant 2 : i32
        %parallel_loop3A_356 = arith.index_cast %parallel_loop3A_203 : i32 to index
        %parallel_loop3A_357 = arith.index_cast %parallel_loop3A_355 : i32 to index
        %parallel_loop3A_358 = arith.constant 16 : index
        %parallel_loop3A_359 = tpu.vector_load %arg11[%parallel_loop3A_356, %parallel_loop3A_357, %parallel_loop3A_358] {strides = array<i32>} : memref<8x8x128xf32, #tpu.memory_space<vmem>>, vector<16xf32>,
        tpu.vector_store %arg11[%parallel_loop3A_356, %parallel_loop3A_357, %parallel_loop3A_358], %parallel_loop3A_354 {strides = array<i32>} : memref<8x8x128xf32, #tpu.memory_space<vmem>>, vector<16xf32>,
        %parallel_loop3A_360 = vector.broadcast %parallel_loop3A_343 : i32 to vector<16xi32>
        %parallel_loop3A_361 = arith.addi %mul3A_20, %parallel_loop3A_360 : vector<16xi32>
        %parallel_loop3A_362 = tpu.vector_load_idx %arg9[%parallel_loop3A_361] : memref<8320xf32, #tpu.memory_space<vmem>>[vector<16xi32>], vector<16xf32>,
        %parallel_loop3A_363 = arith.constant 2 : i32
        %parallel_loop3A_364 = arith.index_cast %parallel_loop3A_203 : i32 to index
        %parallel_loop3A_365 = arith.index_cast %parallel_loop3A_363 : i32 to index
        %parallel_loop3A_366 = arith.constant 32 : index
        %parallel_loop3A_367 = tpu.vector_load %arg11[%parallel_loop3A_364, %parallel_loop3A_365, %parallel_loop3A_366] {strides = array<i32>} : memref<8x8x128xf32, #tpu.memory_space<vmem>>, vector<16xf32>,
        tpu.vector_store %arg11[%parallel_loop3A_364, %parallel_loop3A_365, %parallel_loop3A_366], %parallel_loop3A_362 {strides = array<i32>} : memref<8x8x128xf32, #tpu.memory_space<vmem>>, vector<16xf32>,
        %parallel_loop3A_368 = vector.broadcast %parallel_loop3A_343 : i32 to vector<16xi32>
        %parallel_loop3A_369 = arith.addi %mul3A_26, %parallel_loop3A_368 : vector<16xi32>
        %parallel_loop3A_370 = tpu.vector_load_idx %arg9[%parallel_loop3A_369] : memref<8320xf32, #tpu.memory_space<vmem>>[vector<16xi32>], vector<16xf32>,
        %parallel_loop3A_371 = arith.constant 2 : i32
        %parallel_loop3A_372 = arith.index_cast %parallel_loop3A_203 : i32 to index
        %parallel_loop3A_373 = arith.index_cast %parallel_loop3A_371 : i32 to index
        %parallel_loop3A_374 = arith.constant 48 : index
        %parallel_loop3A_375 = tpu.vector_load %arg11[%parallel_loop3A_372, %parallel_loop3A_373, %parallel_loop3A_374] {strides = array<i32>} : memref<8x8x128xf32, #tpu.memory_space<vmem>>, vector<16xf32>,
        tpu.vector_store %arg11[%parallel_loop3A_372, %parallel_loop3A_373, %parallel_loop3A_374], %parallel_loop3A_370 {strides = array<i32>} : memref<8x8x128xf32, #tpu.memory_space<vmem>>, vector<16xf32>,
        %parallel_loop3A_376 = vector.broadcast %parallel_loop3A_343 : i32 to vector<16xi32>
        %parallel_loop3A_377 = arith.addi %mul3A_32, %parallel_loop3A_376 : vector<16xi32>
        %parallel_loop3A_378 = tpu.vector_load_idx %arg9[%parallel_loop3A_377] : memref<8320xf32, #tpu.memory_space<vmem>>[vector<16xi32>], vector<16xf32>,
        %parallel_loop3A_379 = arith.constant 2 : i32
        %parallel_loop3A_380 = arith.index_cast %parallel_loop3A_203 : i32 to index
        %parallel_loop3A_381 = arith.index_cast %parallel_loop3A_379 : i32 to index
        %parallel_loop3A_382 = arith.constant 64 : index
        %parallel_loop3A_383 = tpu.vector_load %arg11[%parallel_loop3A_380, %parallel_loop3A_381, %parallel_loop3A_382] {strides = array<i32>} : memref<8x8x128xf32, #tpu.memory_space<vmem>>, vector<16xf32>,
        tpu.vector_store %arg11[%parallel_loop3A_380, %parallel_loop3A_381, %parallel_loop3A_382], %parallel_loop3A_378 {strides = array<i32>} : memref<8x8x128xf32, #tpu.memory_space<vmem>>, vector<16xf32>,
        %parallel_loop3A_384 = vector.broadcast %parallel_loop3A_343 : i32 to vector<16xi32>
        %parallel_loop3A_385 = arith.addi %mul3A_38, %parallel_loop3A_384 : vector<16xi32>
        %parallel_loop3A_386 = tpu.vector_load_idx %arg9[%parallel_loop3A_385] : memref<8320xf32, #tpu.memory_space<vmem>>[vector<16xi32>], vector<16xf32>,
        %parallel_loop3A_387 = arith.constant 2 : i32
        %parallel_loop3A_388 = arith.index_cast %parallel_loop3A_203 : i32 to index
        %parallel_loop3A_389 = arith.index_cast %parallel_loop3A_387 : i32 to index
        %parallel_loop3A_390 = arith.constant 80 : index
        %parallel_loop3A_391 = tpu.vector_load %arg11[%parallel_loop3A_388, %parallel_loop3A_389, %parallel_loop3A_390] {strides = array<i32>} : memref<8x8x128xf32, #tpu.memory_space<vmem>>, vector<16xf32>,
        tpu.vector_store %arg11[%parallel_loop3A_388, %parallel_loop3A_389, %parallel_loop3A_390], %parallel_loop3A_386 {strides = array<i32>} : memref<8x8x128xf32, #tpu.memory_space<vmem>>, vector<16xf32>,
        %parallel_loop3A_392 = vector.broadcast %parallel_loop3A_343 : i32 to vector<16xi32>
        %parallel_loop3A_393 = arith.addi %mul3A_44, %parallel_loop3A_392 : vector<16xi32>
        %parallel_loop3A_394 = tpu.vector_load_idx %arg9[%parallel_loop3A_393] : memref<8320xf32, #tpu.memory_space<vmem>>[vector<16xi32>], vector<16xf32>,
        %parallel_loop3A_395 = arith.constant 2 : i32
        %parallel_loop3A_396 = arith.index_cast %parallel_loop3A_203 : i32 to index
        %parallel_loop3A_397 = arith.index_cast %parallel_loop3A_395 : i32 to index
        %parallel_loop3A_398 = arith.constant 96 : index
        %parallel_loop3A_399 = tpu.vector_load %arg11[%parallel_loop3A_396, %parallel_loop3A_397, %parallel_loop3A_398] {strides = array<i32>} : memref<8x8x128xf32, #tpu.memory_space<vmem>>, vector<16xf32>,
        tpu.vector_store %arg11[%parallel_loop3A_396, %parallel_loop3A_397, %parallel_loop3A_398], %parallel_loop3A_394 {strides = array<i32>} : memref<8x8x128xf32, #tpu.memory_space<vmem>>, vector<16xf32>,
        %parallel_loop3A_400 = vector.broadcast %parallel_loop3A_343 : i32 to vector<16xi32>
        %parallel_loop3A_401 = arith.addi %mul3A_50, %parallel_loop3A_400 : vector<16xi32>
        %parallel_loop3A_402 = tpu.vector_load_idx %arg9[%parallel_loop3A_401] : memref<8320xf32, #tpu.memory_space<vmem>>[vector<16xi32>], vector<16xf32>,
        %parallel_loop3A_403 = arith.constant 2 : i32
        %parallel_loop3A_404 = arith.index_cast %parallel_loop3A_203 : i32 to index
        %parallel_loop3A_405 = arith.index_cast %parallel_loop3A_403 : i32 to index
        %parallel_loop3A_406 = arith.constant 112 : index
        %parallel_loop3A_407 = tpu.vector_load %arg11[%parallel_loop3A_404, %parallel_loop3A_405, %parallel_loop3A_406] {strides = array<i32>} : memref<8x8x128xf32, #tpu.memory_space<vmem>>, vector<16xf32>,
        tpu.vector_store %arg11[%parallel_loop3A_404, %parallel_loop3A_405, %parallel_loop3A_406], %parallel_loop3A_402 {strides = array<i32>} : memref<8x8x128xf32, #tpu.memory_space<vmem>>, vector<16xf32>,
        %parallel_loop3A_408 = arith.constant 8 : i32
        %parallel_loop3A_409 = arith.muli %parallel_loop3A_203, %parallel_loop3A_408 : i32
        %parallel_loop3A_410 = arith.constant 3 : i32
        %parallel_loop3A_411 = arith.addi %parallel_loop3A_409, %parallel_loop3A_410 : i32
        %parallel_loop3A_412 = vector.broadcast %parallel_loop3A_411 : i32 to vector<16xi32>
        %parallel_loop3A_413 = arith.addi %mul3A_8, %parallel_loop3A_412 : vector<16xi32>
        %parallel_loop3A_414 = tpu.vector_load_idx %arg9[%parallel_loop3A_413] : memref<8320xf32, #tpu.memory_space<vmem>>[vector<16xi32>], vector<16xf32>,
        %parallel_loop3A_415 = arith.constant 3 : i32
        %parallel_loop3A_416 = arith.index_cast %parallel_loop3A_203 : i32 to index
        %parallel_loop3A_417 = arith.index_cast %parallel_loop3A_415 : i32 to index
        %parallel_loop3A_418 = arith.constant 0 : index
        %parallel_loop3A_419 = tpu.vector_load %arg11[%parallel_loop3A_416, %parallel_loop3A_417, %parallel_loop3A_418] {strides = array<i32>} : memref<8x8x128xf32, #tpu.memory_space<vmem>>, vector<16xf32>,
        tpu.vector_store %arg11[%parallel_loop3A_416, %parallel_loop3A_417, %parallel_loop3A_418], %parallel_loop3A_414 {strides = array<i32>} : memref<8x8x128xf32, #tpu.memory_space<vmem>>, vector<16xf32>,
        %parallel_loop3A_420 = vector.broadcast %parallel_loop3A_411 : i32 to vector<16xi32>
        %parallel_loop3A_421 = arith.addi %mul3A_14, %parallel_loop3A_420 : vector<16xi32>
        %parallel_loop3A_422 = tpu.vector_load_idx %arg9[%parallel_loop3A_421] : memref<8320xf32, #tpu.memory_space<vmem>>[vector<16xi32>], vector<16xf32>,
        %parallel_loop3A_423 = arith.constant 3 : i32
        %parallel_loop3A_424 = arith.index_cast %parallel_loop3A_203 : i32 to index
        %parallel_loop3A_425 = arith.index_cast %parallel_loop3A_423 : i32 to index
        %parallel_loop3A_426 = arith.constant 16 : index
        %parallel_loop3A_427 = tpu.vector_load %arg11[%parallel_loop3A_424, %parallel_loop3A_425, %parallel_loop3A_426] {strides = array<i32>} : memref<8x8x128xf32, #tpu.memory_space<vmem>>, vector<16xf32>,
        tpu.vector_store %arg11[%parallel_loop3A_424, %parallel_loop3A_425, %parallel_loop3A_426], %parallel_loop3A_422 {strides = array<i32>} : memref<8x8x128xf32, #tpu.memory_space<vmem>>, vector<16xf32>,
        %parallel_loop3A_428 = vector.broadcast %parallel_loop3A_411 : i32 to vector<16xi32>
        %parallel_loop3A_429 = arith.addi %mul3A_20, %parallel_loop3A_428 : vector<16xi32>
        %parallel_loop3A_430 = tpu.vector_load_idx %arg9[%parallel_loop3A_429] : memref<8320xf32, #tpu.memory_space<vmem>>[vector<16xi32>], vector<16xf32>,
        %parallel_loop3A_431 = arith.constant 3 : i32
        %parallel_loop3A_432 = arith.index_cast %parallel_loop3A_203 : i32 to index
        %parallel_loop3A_433 = arith.index_cast %parallel_loop3A_431 : i32 to index
        %parallel_loop3A_434 = arith.constant 32 : index
        %parallel_loop3A_435 = tpu.vector_load %arg11[%parallel_loop3A_432, %parallel_loop3A_433, %parallel_loop3A_434] {strides = array<i32>} : memref<8x8x128xf32, #tpu.memory_space<vmem>>, vector<16xf32>,
        tpu.vector_store %arg11[%parallel_loop3A_432, %parallel_loop3A_433, %parallel_loop3A_434], %parallel_loop3A_430 {strides = array<i32>} : memref<8x8x128xf32, #tpu.memory_space<vmem>>, vector<16xf32>,
        %parallel_loop3A_436 = vector.broadcast %parallel_loop3A_411 : i32 to vector<16xi32>
        %parallel_loop3A_437 = arith.addi %mul3A_26, %parallel_loop3A_436 : vector<16xi32>
        %parallel_loop3A_438 = tpu.vector_load_idx %arg9[%parallel_loop3A_437] : memref<8320xf32, #tpu.memory_space<vmem>>[vector<16xi32>], vector<16xf32>,
        %parallel_loop3A_439 = arith.constant 3 : i32
        %parallel_loop3A_440 = arith.index_cast %parallel_loop3A_203 : i32 to index
        %parallel_loop3A_441 = arith.index_cast %parallel_loop3A_439 : i32 to index
        %parallel_loop3A_442 = arith.constant 48 : index
        %parallel_loop3A_443 = tpu.vector_load %arg11[%parallel_loop3A_440, %parallel_loop3A_441, %parallel_loop3A_442] {strides = array<i32>} : memref<8x8x128xf32, #tpu.memory_space<vmem>>, vector<16xf32>,
        tpu.vector_store %arg11[%parallel_loop3A_440, %parallel_loop3A_441, %parallel_loop3A_442], %parallel_loop3A_438 {strides = array<i32>} : memref<8x8x128xf32, #tpu.memory_space<vmem>>, vector<16xf32>,
        %parallel_loop3A_444 = vector.broadcast %parallel_loop3A_411 : i32 to vector<16xi32>
        %parallel_loop3A_445 = arith.addi %mul3A_32, %parallel_loop3A_444 : vector<16xi32>
        %parallel_loop3A_446 = tpu.vector_load_idx %arg9[%parallel_loop3A_445] : memref<8320xf32, #tpu.memory_space<vmem>>[vector<16xi32>], vector<16xf32>,
        %parallel_loop3A_447 = arith.constant 3 : i32
        %parallel_loop3A_448 = arith.index_cast %parallel_loop3A_203 : i32 to index
        %parallel_loop3A_449 = arith.index_cast %parallel_loop3A_447 : i32 to index
        %parallel_loop3A_450 = arith.constant 64 : index
        %parallel_loop3A_451 = tpu.vector_load %arg11[%parallel_loop3A_448, %parallel_loop3A_449, %parallel_loop3A_450] {strides = array<i32>} : memref<8x8x128xf32, #tpu.memory_space<vmem>>, vector<16xf32>,
        tpu.vector_store %arg11[%parallel_loop3A_448, %parallel_loop3A_449, %parallel_loop3A_450], %parallel_loop3A_446 {strides = array<i32>} : memref<8x8x128xf32, #tpu.memory_space<vmem>>, vector<16xf32>,
        %parallel_loop3A_452 = vector.broadcast %parallel_loop3A_411 : i32 to vector<16xi32>
        %parallel_loop3A_453 = arith.addi %mul3A_38, %parallel_loop3A_452 : vector<16xi32>
        %parallel_loop3A_454 = tpu.vector_load_idx %arg9[%parallel_loop3A_453] : memref<8320xf32, #tpu.memory_space<vmem>>[vector<16xi32>], vector<16xf32>,
        %parallel_loop3A_455 = arith.constant 3 : i32
        %parallel_loop3A_456 = arith.index_cast %parallel_loop3A_203 : i32 to index
        %parallel_loop3A_457 = arith.index_cast %parallel_loop3A_455 : i32 to index
        %parallel_loop3A_458 = arith.constant 80 : index
        %parallel_loop3A_459 = tpu.vector_load %arg11[%parallel_loop3A_456, %parallel_loop3A_457, %parallel_loop3A_458] {strides = array<i32>} : memref<8x8x128xf32, #tpu.memory_space<vmem>>, vector<16xf32>,
        tpu.vector_store %arg11[%parallel_loop3A_456, %parallel_loop3A_457, %parallel_loop3A_458], %parallel_loop3A_454 {strides = array<i32>} : memref<8x8x128xf32, #tpu.memory_space<vmem>>, vector<16xf32>,
        %parallel_loop3A_460 = vector.broadcast %parallel_loop3A_411 : i32 to vector<16xi32>
        %parallel_loop3A_461 = arith.addi %mul3A_44, %parallel_loop3A_460 : vector<16xi32>
        %parallel_loop3A_462 = tpu.vector_load_idx %arg9[%parallel_loop3A_461] : memref<8320xf32, #tpu.memory_space<vmem>>[vector<16xi32>], vector<16xf32>,
        %parallel_loop3A_463 = arith.constant 3 : i32
        %parallel_loop3A_464 = arith.index_cast %parallel_loop3A_203 : i32 to index
        %parallel_loop3A_465 = arith.index_cast %parallel_loop3A_463 : i32 to index
        %parallel_loop3A_466 = arith.constant 96 : index
        %parallel_loop3A_467 = tpu.vector_load %arg11[%parallel_loop3A_464, %parallel_loop3A_465, %parallel_loop3A_466] {strides = array<i32>} : memref<8x8x128xf32, #tpu.memory_space<vmem>>, vector<16xf32>,
        tpu.vector_store %arg11[%parallel_loop3A_464, %parallel_loop3A_465, %parallel_loop3A_466], %parallel_loop3A_462 {strides = array<i32>} : memref<8x8x128xf32, #tpu.memory_space<vmem>>, vector<16xf32>,
        %parallel_loop3A_468 = vector.broadcast %parallel_loop3A_411 : i32 to vector<16xi32>
        %parallel_loop3A_469 = arith.addi %mul3A_50, %parallel_loop3A_468 : vector<16xi32>
        %parallel_loop3A_470 = tpu.vector_load_idx %arg9[%parallel_loop3A_469] : memref<8320xf32, #tpu.memory_space<vmem>>[vector<16xi32>], vector<16xf32>,
        %parallel_loop3A_471 = arith.constant 3 : i32
        %parallel_loop3A_472 = arith.index_cast %parallel_loop3A_203 : i32 to index
        %parallel_loop3A_473 = arith.index_cast %parallel_loop3A_471 : i32 to index
        %parallel_loop3A_474 = arith.constant 112 : index
        %parallel_loop3A_475 = tpu.vector_load %arg11[%parallel_loop3A_472, %parallel_loop3A_473, %parallel_loop3A_474] {strides = array<i32>} : memref<8x8x128xf32, #tpu.memory_space<vmem>>, vector<16xf32>,
        tpu.vector_store %arg11[%parallel_loop3A_472, %parallel_loop3A_473, %parallel_loop3A_474], %parallel_loop3A_470 {strides = array<i32>} : memref<8x8x128xf32, #tpu.memory_space<vmem>>, vector<16xf32>,
        %parallel_loop3A_476 = arith.constant 8 : i32
        %parallel_loop3A_477 = arith.muli %parallel_loop3A_203, %parallel_loop3A_476 : i32
        %parallel_loop3A_478 = arith.constant 4 : i32
        %parallel_loop3A_479 = arith.addi %parallel_loop3A_477, %parallel_loop3A_478 : i32
        %parallel_loop3A_480 = vector.broadcast %parallel_loop3A_479 : i32 to vector<16xi32>
        %parallel_loop3A_481 = arith.addi %mul3A_8, %parallel_loop3A_480 : vector<16xi32>
        %parallel_loop3A_482 = tpu.vector_load_idx %arg9[%parallel_loop3A_481] : memref<8320xf32, #tpu.memory_space<vmem>>[vector<16xi32>], vector<16xf32>,
        %parallel_loop3A_483 = arith.constant 4 : i32
        %parallel_loop3A_484 = arith.index_cast %parallel_loop3A_203 : i32 to index
        %parallel_loop3A_485 = arith.index_cast %parallel_loop3A_483 : i32 to index
        %parallel_loop3A_486 = arith.constant 0 : index
        %parallel_loop3A_487 = tpu.vector_load %arg11[%parallel_loop3A_484, %parallel_loop3A_485, %parallel_loop3A_486] {strides = array<i32>} : memref<8x8x128xf32, #tpu.memory_space<vmem>>, vector<16xf32>,
        tpu.vector_store %arg11[%parallel_loop3A_484, %parallel_loop3A_485, %parallel_loop3A_486], %parallel_loop3A_482 {strides = array<i32>} : memref<8x8x128xf32, #tpu.memory_space<vmem>>, vector<16xf32>,
        %parallel_loop3A_488 = vector.broadcast %parallel_loop3A_479 : i32 to vector<16xi32>
        %parallel_loop3A_489 = arith.addi %mul3A_14, %parallel_loop3A_488 : vector<16xi32>
        %parallel_loop3A_490 = tpu.vector_load_idx %arg9[%parallel_loop3A_489] : memref<8320xf32, #tpu.memory_space<vmem>>[vector<16xi32>], vector<16xf32>,
        %parallel_loop3A_491 = arith.constant 4 : i32
        %parallel_loop3A_492 = arith.index_cast %parallel_loop3A_203 : i32 to index
        %parallel_loop3A_493 = arith.index_cast %parallel_loop3A_491 : i32 to index
        %parallel_loop3A_494 = arith.constant 16 : index
        %parallel_loop3A_495 = tpu.vector_load %arg11[%parallel_loop3A_492, %parallel_loop3A_493, %parallel_loop3A_494] {strides = array<i32>} : memref<8x8x128xf32, #tpu.memory_space<vmem>>, vector<16xf32>,
        tpu.vector_store %arg11[%parallel_loop3A_492, %parallel_loop3A_493, %parallel_loop3A_494], %parallel_loop3A_490 {strides = array<i32>} : memref<8x8x128xf32, #tpu.memory_space<vmem>>, vector<16xf32>,
        %parallel_loop3A_496 = vector.broadcast %parallel_loop3A_479 : i32 to vector<16xi32>
        %parallel_loop3A_497 = arith.addi %mul3A_20, %parallel_loop3A_496 : vector<16xi32>
        %parallel_loop3A_498 = tpu.vector_load_idx %arg9[%parallel_loop3A_497] : memref<8320xf32, #tpu.memory_space<vmem>>[vector<16xi32>], vector<16xf32>,
        %parallel_loop3A_499 = arith.constant 4 : i32
        %parallel_loop3A_500 = arith.index_cast %parallel_loop3A_203 : i32 to index
        %parallel_loop3A_501 = arith.index_cast %parallel_loop3A_499 : i32 to index
        %parallel_loop3A_502 = arith.constant 32 : index
        %parallel_loop3A_503 = tpu.vector_load %arg11[%parallel_loop3A_500, %parallel_loop3A_501, %parallel_loop3A_502] {strides = array<i32>} : memref<8x8x128xf32, #tpu.memory_space<vmem>>, vector<16xf32>,
        tpu.vector_store %arg11[%parallel_loop3A_500, %parallel_loop3A_501, %parallel_loop3A_502], %parallel_loop3A_498 {strides = array<i32>} : memref<8x8x128xf32, #tpu.memory_space<vmem>>, vector<16xf32>,
        %parallel_loop3A_504 = vector.broadcast %parallel_loop3A_479 : i32 to vector<16xi32>
        %parallel_loop3A_505 = arith.addi %mul3A_26, %parallel_loop3A_504 : vector<16xi32>
        %parallel_loop3A_506 = tpu.vector_load_idx %arg9[%parallel_loop3A_505] : memref<8320xf32, #tpu.memory_space<vmem>>[vector<16xi32>], vector<16xf32>,
        %parallel_loop3A_507 = arith.constant 4 : i32
        %parallel_loop3A_508 = arith.index_cast %parallel_loop3A_203 : i32 to index
        %parallel_loop3A_509 = arith.index_cast %parallel_loop3A_507 : i32 to index
        %parallel_loop3A_510 = arith.constant 48 : index
        %parallel_loop3A_511 = tpu.vector_load %arg11[%parallel_loop3A_508, %parallel_loop3A_509, %parallel_loop3A_510] {strides = array<i32>} : memref<8x8x128xf32, #tpu.memory_space<vmem>>, vector<16xf32>,
        tpu.vector_store %arg11[%parallel_loop3A_508, %parallel_loop3A_509, %parallel_loop3A_510], %parallel_loop3A_506 {strides = array<i32>} : memref<8x8x128xf32, #tpu.memory_space<vmem>>, vector<16xf32>,
        %parallel_loop3A_512 = vector.broadcast %parallel_loop3A_479 : i32 to vector<16xi32>
        %parallel_loop3A_513 = arith.addi %mul3A_32, %parallel_loop3A_512 : vector<16xi32>
        %parallel_loop3A_514 = tpu.vector_load_idx %arg9[%parallel_loop3A_513] : memref<8320xf32, #tpu.memory_space<vmem>>[vector<16xi32>], vector<16xf32>,
        %parallel_loop3A_515 = arith.constant 4 : i32
        %parallel_loop3A_516 = arith.index_cast %parallel_loop3A_203 : i32 to index
        %parallel_loop3A_517 = arith.index_cast %parallel_loop3A_515 : i32 to index
        %parallel_loop3A_518 = arith.constant 64 : index
        %parallel_loop3A_519 = tpu.vector_load %arg11[%parallel_loop3A_516, %parallel_loop3A_517, %parallel_loop3A_518] {strides = array<i32>} : memref<8x8x128xf32, #tpu.memory_space<vmem>>, vector<16xf32>,
        tpu.vector_store %arg11[%parallel_loop3A_516, %parallel_loop3A_517, %parallel_loop3A_518], %parallel_loop3A_514 {strides = array<i32>} : memref<8x8x128xf32, #tpu.memory_space<vmem>>, vector<16xf32>,
        %parallel_loop3A_520 = vector.broadcast %parallel_loop3A_479 : i32 to vector<16xi32>
        %parallel_loop3A_521 = arith.addi %mul3A_38, %parallel_loop3A_520 : vector<16xi32>
        %parallel_loop3A_522 = tpu.vector_load_idx %arg9[%parallel_loop3A_521] : memref<8320xf32, #tpu.memory_space<vmem>>[vector<16xi32>], vector<16xf32>,
        %parallel_loop3A_523 = arith.constant 4 : i32
        %parallel_loop3A_524 = arith.index_cast %parallel_loop3A_203 : i32 to index
        %parallel_loop3A_525 = arith.index_cast %parallel_loop3A_523 : i32 to index
        %parallel_loop3A_526 = arith.constant 80 : index
        %parallel_loop3A_527 = tpu.vector_load %arg11[%parallel_loop3A_524, %parallel_loop3A_525, %parallel_loop3A_526] {strides = array<i32>} : memref<8x8x128xf32, #tpu.memory_space<vmem>>, vector<16xf32>,
        tpu.vector_store %arg11[%parallel_loop3A_524, %parallel_loop3A_525, %parallel_loop3A_526], %parallel_loop3A_522 {strides = array<i32>} : memref<8x8x128xf32, #tpu.memory_space<vmem>>, vector<16xf32>,
        %parallel_loop3A_528 = vector.broadcast %parallel_loop3A_479 : i32 to vector<16xi32>
        %parallel_loop3A_529 = arith.addi %mul3A_44, %parallel_loop3A_528 : vector<16xi32>
        %parallel_loop3A_530 = tpu.vector_load_idx %arg9[%parallel_loop3A_529] : memref<8320xf32, #tpu.memory_space<vmem>>[vector<16xi32>], vector<16xf32>,
        %parallel_loop3A_531 = arith.constant 4 : i32
        %parallel_loop3A_532 = arith.index_cast %parallel_loop3A_203 : i32 to index
        %parallel_loop3A_533 = arith.index_cast %parallel_loop3A_531 : i32 to index
        %parallel_loop3A_534 = arith.constant 96 : index
        %parallel_loop3A_535 = tpu.vector_load %arg11[%parallel_loop3A_532, %parallel_loop3A_533, %parallel_loop3A_534] {strides = array<i32>} : memref<8x8x128xf32, #tpu.memory_space<vmem>>, vector<16xf32>,
        tpu.vector_store %arg11[%parallel_loop3A_532, %parallel_loop3A_533, %parallel_loop3A_534], %parallel_loop3A_530 {strides = array<i32>} : memref<8x8x128xf32, #tpu.memory_space<vmem>>, vector<16xf32>,
        %parallel_loop3A_536 = vector.broadcast %parallel_loop3A_479 : i32 to vector<16xi32>
        %parallel_loop3A_537 = arith.addi %mul3A_50, %parallel_loop3A_536 : vector<16xi32>
        %parallel_loop3A_538 = tpu.vector_load_idx %arg9[%parallel_loop3A_537] : memref<8320xf32, #tpu.memory_space<vmem>>[vector<16xi32>], vector<16xf32>,
        %parallel_loop3A_539 = arith.constant 4 : i32
        %parallel_loop3A_540 = arith.index_cast %parallel_loop3A_203 : i32 to index
        %parallel_loop3A_541 = arith.index_cast %parallel_loop3A_539 : i32 to index
        %parallel_loop3A_542 = arith.constant 112 : index
        %parallel_loop3A_543 = tpu.vector_load %arg11[%parallel_loop3A_540, %parallel_loop3A_541, %parallel_loop3A_542] {strides = array<i32>} : memref<8x8x128xf32, #tpu.memory_space<vmem>>, vector<16xf32>,
        tpu.vector_store %arg11[%parallel_loop3A_540, %parallel_loop3A_541, %parallel_loop3A_542], %parallel_loop3A_538 {strides = array<i32>} : memref<8x8x128xf32, #tpu.memory_space<vmem>>, vector<16xf32>,
        %parallel_loop3A_544 = arith.constant 8 : i32
        %parallel_loop3A_545 = arith.muli %parallel_loop3A_203, %parallel_loop3A_544 : i32
        %parallel_loop3A_546 = arith.constant 5 : i32
        %parallel_loop3A_547 = arith.addi %parallel_loop3A_545, %parallel_loop3A_546 : i32
        %parallel_loop3A_548 = vector.broadcast %parallel_loop3A_547 : i32 to vector<16xi32>
        %parallel_loop3A_549 = arith.addi %mul3A_8, %parallel_loop3A_548 : vector<16xi32>
        %parallel_loop3A_550 = tpu.vector_load_idx %arg9[%parallel_loop3A_549] : memref<8320xf32, #tpu.memory_space<vmem>>[vector<16xi32>], vector<16xf32>,
        %parallel_loop3A_551 = arith.constant 5 : i32
        %parallel_loop3A_552 = arith.index_cast %parallel_loop3A_203 : i32 to index
        %parallel_loop3A_553 = arith.index_cast %parallel_loop3A_551 : i32 to index
        %parallel_loop3A_554 = arith.constant 0 : index
        %parallel_loop3A_555 = tpu.vector_load %arg11[%parallel_loop3A_552, %parallel_loop3A_553, %parallel_loop3A_554] {strides = array<i32>} : memref<8x8x128xf32, #tpu.memory_space<vmem>>, vector<16xf32>,
        tpu.vector_store %arg11[%parallel_loop3A_552, %parallel_loop3A_553, %parallel_loop3A_554], %parallel_loop3A_550 {strides = array<i32>} : memref<8x8x128xf32, #tpu.memory_space<vmem>>, vector<16xf32>,
        %parallel_loop3A_556 = vector.broadcast %parallel_loop3A_547 : i32 to vector<16xi32>
        %parallel_loop3A_557 = arith.addi %mul3A_14, %parallel_loop3A_556 : vector<16xi32>
        %parallel_loop3A_558 = tpu.vector_load_idx %arg9[%parallel_loop3A_557] : memref<8320xf32, #tpu.memory_space<vmem>>[vector<16xi32>], vector<16xf32>,
        %parallel_loop3A_559 = arith.constant 5 : i32
        %parallel_loop3A_560 = arith.index_cast %parallel_loop3A_203 : i32 to index
        %parallel_loop3A_561 = arith.index_cast %parallel_loop3A_559 : i32 to index
        %parallel_loop3A_562 = arith.constant 16 : index
        %parallel_loop3A_563 = tpu.vector_load %arg11[%parallel_loop3A_560, %parallel_loop3A_561, %parallel_loop3A_562] {strides = array<i32>} : memref<8x8x128xf32, #tpu.memory_space<vmem>>, vector<16xf32>,
        tpu.vector_store %arg11[%parallel_loop3A_560, %parallel_loop3A_561, %parallel_loop3A_562], %parallel_loop3A_558 {strides = array<i32>} : memref<8x8x128xf32, #tpu.memory_space<vmem>>, vector<16xf32>,
        %parallel_loop3A_564 = vector.broadcast %parallel_loop3A_547 : i32 to vector<16xi32>
        %parallel_loop3A_565 = arith.addi %mul3A_20, %parallel_loop3A_564 : vector<16xi32>
        %parallel_loop3A_566 = tpu.vector_load_idx %arg9[%parallel_loop3A_565] : memref<8320xf32, #tpu.memory_space<vmem>>[vector<16xi32>], vector<16xf32>,
        %parallel_loop3A_567 = arith.constant 5 : i32
        %parallel_loop3A_568 = arith.index_cast %parallel_loop3A_203 : i32 to index
        %parallel_loop3A_569 = arith.index_cast %parallel_loop3A_567 : i32 to index
        %parallel_loop3A_570 = arith.constant 32 : index
        %parallel_loop3A_571 = tpu.vector_load %arg11[%parallel_loop3A_568, %parallel_loop3A_569, %parallel_loop3A_570] {strides = array<i32>} : memref<8x8x128xf32, #tpu.memory_space<vmem>>, vector<16xf32>,
        tpu.vector_store %arg11[%parallel_loop3A_568, %parallel_loop3A_569, %parallel_loop3A_570], %parallel_loop3A_566 {strides = array<i32>} : memref<8x8x128xf32, #tpu.memory_space<vmem>>, vector<16xf32>,
        %parallel_loop3A_572 = vector.broadcast %parallel_loop3A_547 : i32 to vector<16xi32>
        %parallel_loop3A_573 = arith.addi %mul3A_26, %parallel_loop3A_572 : vector<16xi32>
        %parallel_loop3A_574 = tpu.vector_load_idx %arg9[%parallel_loop3A_573] : memref<8320xf32, #tpu.memory_space<vmem>>[vector<16xi32>], vector<16xf32>,
        %parallel_loop3A_575 = arith.constant 5 : i32
        %parallel_loop3A_576 = arith.index_cast %parallel_loop3A_203 : i32 to index
        %parallel_loop3A_577 = arith.index_cast %parallel_loop3A_575 : i32 to index
        %parallel_loop3A_578 = arith.constant 48 : index
        %parallel_loop3A_579 = tpu.vector_load %arg11[%parallel_loop3A_576, %parallel_loop3A_577, %parallel_loop3A_578] {strides = array<i32>} : memref<8x8x128xf32, #tpu.memory_space<vmem>>, vector<16xf32>,
        tpu.vector_store %arg11[%parallel_loop3A_576, %parallel_loop3A_577, %parallel_loop3A_578], %parallel_loop3A_574 {strides = array<i32>} : memref<8x8x128xf32, #tpu.memory_space<vmem>>, vector<16xf32>,
        %parallel_loop3A_580 = vector.broadcast %parallel_loop3A_547 : i32 to vector<16xi32>
        %parallel_loop3A_581 = arith.addi %mul3A_32, %parallel_loop3A_580 : vector<16xi32>
        %parallel_loop3A_582 = tpu.vector_load_idx %arg9[%parallel_loop3A_581] : memref<8320xf32, #tpu.memory_space<vmem>>[vector<16xi32>], vector<16xf32>,
        %parallel_loop3A_583 = arith.constant 5 : i32
        %parallel_loop3A_584 = arith.index_cast %parallel_loop3A_203 : i32 to index
        %parallel_loop3A_585 = arith.index_cast %parallel_loop3A_583 : i32 to index
        %parallel_loop3A_586 = arith.constant 64 : index
        %parallel_loop3A_587 = tpu.vector_load %arg11[%parallel_loop3A_584, %parallel_loop3A_585, %parallel_loop3A_586] {strides = array<i32>} : memref<8x8x128xf32, #tpu.memory_space<vmem>>, vector<16xf32>,
        tpu.vector_store %arg11[%parallel_loop3A_584, %parallel_loop3A_585, %parallel_loop3A_586], %parallel_loop3A_582 {strides = array<i32>} : memref<8x8x128xf32, #tpu.memory_space<vmem>>, vector<16xf32>,
        %parallel_loop3A_588 = vector.broadcast %parallel_loop3A_547 : i32 to vector<16xi32>
        %parallel_loop3A_589 = arith.addi %mul3A_38, %parallel_loop3A_588 : vector<16xi32>
        %parallel_loop3A_590 = tpu.vector_load_idx %arg9[%parallel_loop3A_589] : memref<8320xf32, #tpu.memory_space<vmem>>[vector<16xi32>], vector<16xf32>,
        %parallel_loop3A_591 = arith.constant 5 : i32
        %parallel_loop3A_592 = arith.index_cast %parallel_loop3A_203 : i32 to index
        %parallel_loop3A_593 = arith.index_cast %parallel_loop3A_591 : i32 to index
        %parallel_loop3A_594 = arith.constant 80 : index
        %parallel_loop3A_595 = tpu.vector_load %arg11[%parallel_loop3A_592, %parallel_loop3A_593, %parallel_loop3A_594] {strides = array<i32>} : memref<8x8x128xf32, #tpu.memory_space<vmem>>, vector<16xf32>,
        tpu.vector_store %arg11[%parallel_loop3A_592, %parallel_loop3A_593, %parallel_loop3A_594], %parallel_loop3A_590 {strides = array<i32>} : memref<8x8x128xf32, #tpu.memory_space<vmem>>, vector<16xf32>,
        %parallel_loop3A_596 = vector.broadcast %parallel_loop3A_547 : i32 to vector<16xi32>
        %parallel_loop3A_597 = arith.addi %mul3A_44, %parallel_loop3A_596 : vector<16xi32>
        %parallel_loop3A_598 = tpu.vector_load_idx %arg9[%parallel_loop3A_597] : memref<8320xf32, #tpu.memory_space<vmem>>[vector<16xi32>], vector<16xf32>,
        %parallel_loop3A_599 = arith.constant 5 : i32
        %parallel_loop3A_600 = arith.index_cast %parallel_loop3A_203 : i32 to index
        %parallel_loop3A_601 = arith.index_cast %parallel_loop3A_599 : i32 to index
        %parallel_loop3A_602 = arith.constant 96 : index
        %parallel_loop3A_603 = tpu.vector_load %arg11[%parallel_loop3A_600, %parallel_loop3A_601, %parallel_loop3A_602] {strides = array<i32>} : memref<8x8x128xf32, #tpu.memory_space<vmem>>, vector<16xf32>,
        tpu.vector_store %arg11[%parallel_loop3A_600, %parallel_loop3A_601, %parallel_loop3A_602], %parallel_loop3A_598 {strides = array<i32>} : memref<8x8x128xf32, #tpu.memory_space<vmem>>, vector<16xf32>,
        %parallel_loop3A_604 = vector.broadcast %parallel_loop3A_547 : i32 to vector<16xi32>
        %parallel_loop3A_605 = arith.addi %mul3A_50, %parallel_loop3A_604 : vector<16xi32>
        %parallel_loop3A_606 = tpu.vector_load_idx %arg9[%parallel_loop3A_605] : memref<8320xf32, #tpu.memory_space<vmem>>[vector<16xi32>], vector<16xf32>,
        %parallel_loop3A_607 = arith.constant 5 : i32
        %parallel_loop3A_608 = arith.index_cast %parallel_loop3A_203 : i32 to index
        %parallel_loop3A_609 = arith.index_cast %parallel_loop3A_607 : i32 to index
        %parallel_loop3A_610 = arith.constant 112 : index
        %parallel_loop3A_611 = tpu.vector_load %arg11[%parallel_loop3A_608, %parallel_loop3A_609, %parallel_loop3A_610] {strides = array<i32>} : memref<8x8x128xf32, #tpu.memory_space<vmem>>, vector<16xf32>,
        tpu.vector_store %arg11[%parallel_loop3A_608, %parallel_loop3A_609, %parallel_loop3A_610], %parallel_loop3A_606 {strides = array<i32>} : memref<8x8x128xf32, #tpu.memory_space<vmem>>, vector<16xf32>,
        %parallel_loop3A_612 = arith.constant 8 : i32
        %parallel_loop3A_613 = arith.muli %parallel_loop3A_203, %parallel_loop3A_612 : i32
        %parallel_loop3A_614 = arith.constant 6 : i32
        %parallel_loop3A_615 = arith.addi %parallel_loop3A_613, %parallel_loop3A_614 : i32
        %parallel_loop3A_616 = vector.broadcast %parallel_loop3A_615 : i32 to vector<16xi32>
        %parallel_loop3A_617 = arith.addi %mul3A_8, %parallel_loop3A_616 : vector<16xi32>
        %parallel_loop3A_618 = tpu.vector_load_idx %arg9[%parallel_loop3A_617] : memref<8320xf32, #tpu.memory_space<vmem>>[vector<16xi32>], vector<16xf32>,
        %parallel_loop3A_619 = arith.constant 6 : i32
        %parallel_loop3A_620 = arith.index_cast %parallel_loop3A_203 : i32 to index
        %parallel_loop3A_621 = arith.index_cast %parallel_loop3A_619 : i32 to index
        %parallel_loop3A_622 = arith.constant 0 : index
        %parallel_loop3A_623 = tpu.vector_load %arg11[%parallel_loop3A_620, %parallel_loop3A_621, %parallel_loop3A_622] {strides = array<i32>} : memref<8x8x128xf32, #tpu.memory_space<vmem>>, vector<16xf32>,
        tpu.vector_store %arg11[%parallel_loop3A_620, %parallel_loop3A_621, %parallel_loop3A_622], %parallel_loop3A_618 {strides = array<i32>} : memref<8x8x128xf32, #tpu.memory_space<vmem>>, vector<16xf32>,
        %parallel_loop3A_624 = vector.broadcast %parallel_loop3A_615 : i32 to vector<16xi32>
        %parallel_loop3A_625 = arith.addi %mul3A_14, %parallel_loop3A_624 : vector<16xi32>
        %parallel_loop3A_626 = tpu.vector_load_idx %arg9[%parallel_loop3A_625] : memref<8320xf32, #tpu.memory_space<vmem>>[vector<16xi32>], vector<16xf32>,
        %parallel_loop3A_627 = arith.constant 6 : i32
        %parallel_loop3A_628 = arith.index_cast %parallel_loop3A_203 : i32 to index
        %parallel_loop3A_629 = arith.index_cast %parallel_loop3A_627 : i32 to index
        %parallel_loop3A_630 = arith.constant 16 : index
        %parallel_loop3A_631 = tpu.vector_load %arg11[%parallel_loop3A_628, %parallel_loop3A_629, %parallel_loop3A_630] {strides = array<i32>} : memref<8x8x128xf32, #tpu.memory_space<vmem>>, vector<16xf32>,
        tpu.vector_store %arg11[%parallel_loop3A_628, %parallel_loop3A_629, %parallel_loop3A_630], %parallel_loop3A_626 {strides = array<i32>} : memref<8x8x128xf32, #tpu.memory_space<vmem>>, vector<16xf32>,
        %parallel_loop3A_632 = vector.broadcast %parallel_loop3A_615 : i32 to vector<16xi32>
        %parallel_loop3A_633 = arith.addi %mul3A_20, %parallel_loop3A_632 : vector<16xi32>
        %parallel_loop3A_634 = tpu.vector_load_idx %arg9[%parallel_loop3A_633] : memref<8320xf32, #tpu.memory_space<vmem>>[vector<16xi32>], vector<16xf32>,
        %parallel_loop3A_635 = arith.constant 6 : i32
        %parallel_loop3A_636 = arith.index_cast %parallel_loop3A_203 : i32 to index
        %parallel_loop3A_637 = arith.index_cast %parallel_loop3A_635 : i32 to index
        %parallel_loop3A_638 = arith.constant 32 : index
        %parallel_loop3A_639 = tpu.vector_load %arg11[%parallel_loop3A_636, %parallel_loop3A_637, %parallel_loop3A_638] {strides = array<i32>} : memref<8x8x128xf32, #tpu.memory_space<vmem>>, vector<16xf32>,
        tpu.vector_store %arg11[%parallel_loop3A_636, %parallel_loop3A_637, %parallel_loop3A_638], %parallel_loop3A_634 {strides = array<i32>} : memref<8x8x128xf32, #tpu.memory_space<vmem>>, vector<16xf32>,
        %parallel_loop3A_640 = vector.broadcast %parallel_loop3A_615 : i32 to vector<16xi32>
        %parallel_loop3A_641 = arith.addi %mul3A_26, %parallel_loop3A_640 : vector<16xi32>
        %parallel_loop3A_642 = tpu.vector_load_idx %arg9[%parallel_loop3A_641] : memref<8320xf32, #tpu.memory_space<vmem>>[vector<16xi32>], vector<16xf32>,
        %parallel_loop3A_643 = arith.constant 6 : i32
        %parallel_loop3A_644 = arith.index_cast %parallel_loop3A_203 : i32 to index
        %parallel_loop3A_645 = arith.index_cast %parallel_loop3A_643 : i32 to index
        %parallel_loop3A_646 = arith.constant 48 : index
        %parallel_loop3A_647 = tpu.vector_load %arg11[%parallel_loop3A_644, %parallel_loop3A_645, %parallel_loop3A_646] {strides = array<i32>} : memref<8x8x128xf32, #tpu.memory_space<vmem>>, vector<16xf32>,
        tpu.vector_store %arg11[%parallel_loop3A_644, %parallel_loop3A_645, %parallel_loop3A_646], %parallel_loop3A_642 {strides = array<i32>} : memref<8x8x128xf32, #tpu.memory_space<vmem>>, vector<16xf32>,
        %parallel_loop3A_648 = vector.broadcast %parallel_loop3A_615 : i32 to vector<16xi32>
        %parallel_loop3A_649 = arith.addi %mul3A_32, %parallel_loop3A_648 : vector<16xi32>
        %parallel_loop3A_650 = tpu.vector_load_idx %arg9[%parallel_loop3A_649] : memref<8320xf32, #tpu.memory_space<vmem>>[vector<16xi32>], vector<16xf32>,
        %parallel_loop3A_651 = arith.constant 6 : i32
        %parallel_loop3A_652 = arith.index_cast %parallel_loop3A_203 : i32 to index
        %parallel_loop3A_653 = arith.index_cast %parallel_loop3A_651 : i32 to index
        %parallel_loop3A_654 = arith.constant 64 : index
        %parallel_loop3A_655 = tpu.vector_load %arg11[%parallel_loop3A_652, %parallel_loop3A_653, %parallel_loop3A_654] {strides = array<i32>} : memref<8x8x128xf32, #tpu.memory_space<vmem>>, vector<16xf32>,
        tpu.vector_store %arg11[%parallel_loop3A_652, %parallel_loop3A_653, %parallel_loop3A_654], %parallel_loop3A_650 {strides = array<i32>} : memref<8x8x128xf32, #tpu.memory_space<vmem>>, vector<16xf32>,
        %parallel_loop3A_656 = vector.broadcast %parallel_loop3A_615 : i32 to vector<16xi32>
        %parallel_loop3A_657 = arith.addi %mul3A_38, %parallel_loop3A_656 : vector<16xi32>
        %parallel_loop3A_658 = tpu.vector_load_idx %arg9[%parallel_loop3A_657] : memref<8320xf32, #tpu.memory_space<vmem>>[vector<16xi32>], vector<16xf32>,
        %parallel_loop3A_659 = arith.constant 6 : i32
        %parallel_loop3A_660 = arith.index_cast %parallel_loop3A_203 : i32 to index
        %parallel_loop3A_661 = arith.index_cast %parallel_loop3A_659 : i32 to index
        %parallel_loop3A_662 = arith.constant 80 : index
        %parallel_loop3A_663 = tpu.vector_load %arg11[%parallel_loop3A_660, %parallel_loop3A_661, %parallel_loop3A_662] {strides = array<i32>} : memref<8x8x128xf32, #tpu.memory_space<vmem>>, vector<16xf32>,
        tpu.vector_store %arg11[%parallel_loop3A_660, %parallel_loop3A_661, %parallel_loop3A_662], %parallel_loop3A_658 {strides = array<i32>} : memref<8x8x128xf32, #tpu.memory_space<vmem>>, vector<16xf32>,
        %parallel_loop3A_664 = vector.broadcast %parallel_loop3A_615 : i32 to vector<16xi32>
        %parallel_loop3A_665 = arith.addi %mul3A_44, %parallel_loop3A_664 : vector<16xi32>
        %parallel_loop3A_666 = tpu.vector_load_idx %arg9[%parallel_loop3A_665] : memref<8320xf32, #tpu.memory_space<vmem>>[vector<16xi32>], vector<16xf32>,
        %parallel_loop3A_667 = arith.constant 6 : i32
        %parallel_loop3A_668 = arith.index_cast %parallel_loop3A_203 : i32 to index
        %parallel_loop3A_669 = arith.index_cast %parallel_loop3A_667 : i32 to index
        %parallel_loop3A_670 = arith.constant 96 : index
        %parallel_loop3A_671 = tpu.vector_load %arg11[%parallel_loop3A_668, %parallel_loop3A_669, %parallel_loop3A_670] {strides = array<i32>} : memref<8x8x128xf32, #tpu.memory_space<vmem>>, vector<16xf32>,
        tpu.vector_store %arg11[%parallel_loop3A_668, %parallel_loop3A_669, %parallel_loop3A_670], %parallel_loop3A_666 {strides = array<i32>} : memref<8x8x128xf32, #tpu.memory_space<vmem>>, vector<16xf32>,
        %parallel_loop3A_672 = vector.broadcast %parallel_loop3A_615 : i32 to vector<16xi32>
        %parallel_loop3A_673 = arith.addi %mul3A_50, %parallel_loop3A_672 : vector<16xi32>
        %parallel_loop3A_674 = tpu.vector_load_idx %arg9[%parallel_loop3A_673] : memref<8320xf32, #tpu.memory_space<vmem>>[vector<16xi32>], vector<16xf32>,
        %parallel_loop3A_675 = arith.constant 6 : i32
        %parallel_loop3A_676 = arith.index_cast %parallel_loop3A_203 : i32 to index
        %parallel_loop3A_677 = arith.index_cast %parallel_loop3A_675 : i32 to index
        %parallel_loop3A_678 = arith.constant 112 : index
        %parallel_loop3A_679 = tpu.vector_load %arg11[%parallel_loop3A_676, %parallel_loop3A_677, %parallel_loop3A_678] {strides = array<i32>} : memref<8x8x128xf32, #tpu.memory_space<vmem>>, vector<16xf32>,
        tpu.vector_store %arg11[%parallel_loop3A_676, %parallel_loop3A_677, %parallel_loop3A_678], %parallel_loop3A_674 {strides = array<i32>} : memref<8x8x128xf32, #tpu.memory_space<vmem>>, vector<16xf32>,
        %parallel_loop3A_680 = arith.constant 8 : i32
        %parallel_loop3A_681 = arith.muli %parallel_loop3A_203, %parallel_loop3A_680 : i32
        %parallel_loop3A_682 = arith.constant 7 : i32
        %parallel_loop3A_683 = arith.addi %parallel_loop3A_681, %parallel_loop3A_682 : i32
        %parallel_loop3A_684 = vector.broadcast %parallel_loop3A_683 : i32 to vector<16xi32>
        %parallel_loop3A_685 = arith.addi %mul3A_8, %parallel_loop3A_684 : vector<16xi32>
        %parallel_loop3A_686 = tpu.vector_load_idx %arg9[%parallel_loop3A_685] : memref<8320xf32, #tpu.memory_space<vmem>>[vector<16xi32>], vector<16xf32>,
        %parallel_loop3A_687 = arith.constant 7 : i32
        %parallel_loop3A_688 = arith.index_cast %parallel_loop3A_203 : i32 to index
        %parallel_loop3A_689 = arith.index_cast %parallel_loop3A_687 : i32 to index
        %parallel_loop3A_690 = arith.constant 0 : index
        %parallel_loop3A_691 = tpu.vector_load %arg11[%parallel_loop3A_688, %parallel_loop3A_689, %parallel_loop3A_690] {strides = array<i32>} : memref<8x8x128xf32, #tpu.memory_space<vmem>>, vector<16xf32>,
        tpu.vector_store %arg11[%parallel_loop3A_688, %parallel_loop3A_689, %parallel_loop3A_690], %parallel_loop3A_686 {strides = array<i32>} : memref<8x8x128xf32, #tpu.memory_space<vmem>>, vector<16xf32>,
        %parallel_loop3A_692 = vector.broadcast %parallel_loop3A_683 : i32 to vector<16xi32>
        %parallel_loop3A_693 = arith.addi %mul3A_14, %parallel_loop3A_692 : vector<16xi32>
        %parallel_loop3A_694 = tpu.vector_load_idx %arg9[%parallel_loop3A_693] : memref<8320xf32, #tpu.memory_space<vmem>>[vector<16xi32>], vector<16xf32>,
        %parallel_loop3A_695 = arith.constant 7 : i32
        %parallel_loop3A_696 = arith.index_cast %parallel_loop3A_203 : i32 to index
        %parallel_loop3A_697 = arith.index_cast %parallel_loop3A_695 : i32 to index
        %parallel_loop3A_698 = arith.constant 16 : index
        %parallel_loop3A_699 = tpu.vector_load %arg11[%parallel_loop3A_696, %parallel_loop3A_697, %parallel_loop3A_698] {strides = array<i32>} : memref<8x8x128xf32, #tpu.memory_space<vmem>>, vector<16xf32>,
        tpu.vector_store %arg11[%parallel_loop3A_696, %parallel_loop3A_697, %parallel_loop3A_698], %parallel_loop3A_694 {strides = array<i32>} : memref<8x8x128xf32, #tpu.memory_space<vmem>>, vector<16xf32>,
        %parallel_loop3A_700 = vector.broadcast %parallel_loop3A_683 : i32 to vector<16xi32>
        %parallel_loop3A_701 = arith.addi %mul3A_20, %parallel_loop3A_700 : vector<16xi32>
        %parallel_loop3A_702 = tpu.vector_load_idx %arg9[%parallel_loop3A_701] : memref<8320xf32, #tpu.memory_space<vmem>>[vector<16xi32>], vector<16xf32>,
        %parallel_loop3A_703 = arith.constant 7 : i32
        %parallel_loop3A_704 = arith.index_cast %parallel_loop3A_203 : i32 to index
        %parallel_loop3A_705 = arith.index_cast %parallel_loop3A_703 : i32 to index
        %parallel_loop3A_706 = arith.constant 32 : index
        %parallel_loop3A_707 = tpu.vector_load %arg11[%parallel_loop3A_704, %parallel_loop3A_705, %parallel_loop3A_706] {strides = array<i32>} : memref<8x8x128xf32, #tpu.memory_space<vmem>>, vector<16xf32>,
        tpu.vector_store %arg11[%parallel_loop3A_704, %parallel_loop3A_705, %parallel_loop3A_706], %parallel_loop3A_702 {strides = array<i32>} : memref<8x8x128xf32, #tpu.memory_space<vmem>>, vector<16xf32>,
        %parallel_loop3A_708 = vector.broadcast %parallel_loop3A_683 : i32 to vector<16xi32>
        %parallel_loop3A_709 = arith.addi %mul3A_26, %parallel_loop3A_708 : vector<16xi32>
        %parallel_loop3A_710 = tpu.vector_load_idx %arg9[%parallel_loop3A_709] : memref<8320xf32, #tpu.memory_space<vmem>>[vector<16xi32>], vector<16xf32>,
        %parallel_loop3A_711 = arith.constant 7 : i32
        %parallel_loop3A_712 = arith.index_cast %parallel_loop3A_203 : i32 to index
        %parallel_loop3A_713 = arith.index_cast %parallel_loop3A_711 : i32 to index
        %parallel_loop3A_714 = arith.constant 48 : index
        %parallel_loop3A_715 = tpu.vector_load %arg11[%parallel_loop3A_712, %parallel_loop3A_713, %parallel_loop3A_714] {strides = array<i32>} : memref<8x8x128xf32, #tpu.memory_space<vmem>>, vector<16xf32>,
        tpu.vector_store %arg11[%parallel_loop3A_712, %parallel_loop3A_713, %parallel_loop3A_714], %parallel_loop3A_710 {strides = array<i32>} : memref<8x8x128xf32, #tpu.memory_space<vmem>>, vector<16xf32>,
        %parallel_loop3A_716 = vector.broadcast %parallel_loop3A_683 : i32 to vector<16xi32>
        %parallel_loop3A_717 = arith.addi %mul3A_32, %parallel_loop3A_716 : vector<16xi32>
        %parallel_loop3A_718 = tpu.vector_load_idx %arg9[%parallel_loop3A_717] : memref<8320xf32, #tpu.memory_space<vmem>>[vector<16xi32>], vector<16xf32>,
        %parallel_loop3A_719 = arith.constant 7 : i32
        %parallel_loop3A_720 = arith.index_cast %parallel_loop3A_203 : i32 to index
        %parallel_loop3A_721 = arith.index_cast %parallel_loop3A_719 : i32 to index
        %parallel_loop3A_722 = arith.constant 64 : index
        %parallel_loop3A_723 = tpu.vector_load %arg11[%parallel_loop3A_720, %parallel_loop3A_721, %parallel_loop3A_722] {strides = array<i32>} : memref<8x8x128xf32, #tpu.memory_space<vmem>>, vector<16xf32>,
        tpu.vector_store %arg11[%parallel_loop3A_720, %parallel_loop3A_721, %parallel_loop3A_722], %parallel_loop3A_718 {strides = array<i32>} : memref<8x8x128xf32, #tpu.memory_space<vmem>>, vector<16xf32>,
        %parallel_loop3A_724 = vector.broadcast %parallel_loop3A_683 : i32 to vector<16xi32>
        %parallel_loop3A_725 = arith.addi %mul3A_38, %parallel_loop3A_724 : vector<16xi32>
        %parallel_loop3A_726 = tpu.vector_load_idx %arg9[%parallel_loop3A_725] : memref<8320xf32, #tpu.memory_space<vmem>>[vector<16xi32>], vector<16xf32>,
        %parallel_loop3A_727 = arith.constant 7 : i32
        %parallel_loop3A_728 = arith.index_cast %parallel_loop3A_203 : i32 to index
        %parallel_loop3A_729 = arith.index_cast %parallel_loop3A_727 : i32 to index
        %parallel_loop3A_730 = arith.constant 80 : index
        %parallel_loop3A_731 = tpu.vector_load %arg11[%parallel_loop3A_728, %parallel_loop3A_729, %parallel_loop3A_730] {strides = array<i32>} : memref<8x8x128xf32, #tpu.memory_space<vmem>>, vector<16xf32>,
        tpu.vector_store %arg11[%parallel_loop3A_728, %parallel_loop3A_729, %parallel_loop3A_730], %parallel_loop3A_726 {strides = array<i32>} : memref<8x8x128xf32, #tpu.memory_space<vmem>>, vector<16xf32>,
        %parallel_loop3A_732 = vector.broadcast %parallel_loop3A_683 : i32 to vector<16xi32>
        %parallel_loop3A_733 = arith.addi %mul3A_44, %parallel_loop3A_732 : vector<16xi32>
        %parallel_loop3A_734 = tpu.vector_load_idx %arg9[%parallel_loop3A_733] : memref<8320xf32, #tpu.memory_space<vmem>>[vector<16xi32>], vector<16xf32>,
        %parallel_loop3A_735 = arith.constant 7 : i32
        %parallel_loop3A_736 = arith.index_cast %parallel_loop3A_203 : i32 to index
        %parallel_loop3A_737 = arith.index_cast %parallel_loop3A_735 : i32 to index
        %parallel_loop3A_738 = arith.constant 96 : index
        %parallel_loop3A_739 = tpu.vector_load %arg11[%parallel_loop3A_736, %parallel_loop3A_737, %parallel_loop3A_738] {strides = array<i32>} : memref<8x8x128xf32, #tpu.memory_space<vmem>>, vector<16xf32>,
        tpu.vector_store %arg11[%parallel_loop3A_736, %parallel_loop3A_737, %parallel_loop3A_738], %parallel_loop3A_734 {strides = array<i32>} : memref<8x8x128xf32, #tpu.memory_space<vmem>>, vector<16xf32>,
        %parallel_loop3A_740 = vector.broadcast %parallel_loop3A_683 : i32 to vector<16xi32>
        %parallel_loop3A_741 = arith.addi %mul3A_50, %parallel_loop3A_740 : vector<16xi32>
        %parallel_loop3A_742 = tpu.vector_load_idx %arg9[%parallel_loop3A_741] : memref<8320xf32, #tpu.memory_space<vmem>>[vector<16xi32>], vector<16xf32>,
        %parallel_loop3A_743 = arith.constant 7 : i32
        %parallel_loop3A_744 = arith.index_cast %parallel_loop3A_203 : i32 to index
        %parallel_loop3A_745 = arith.index_cast %parallel_loop3A_743 : i32 to index
        %parallel_loop3A_746 = arith.constant 112 : index
        %parallel_loop3A_747 = tpu.vector_load %arg11[%parallel_loop3A_744, %parallel_loop3A_745, %parallel_loop3A_746] {strides = array<i32>} : memref<8x8x128xf32, #tpu.memory_space<vmem>>, vector<16xf32>,
        tpu.vector_store %arg11[%parallel_loop3A_744, %parallel_loop3A_745, %parallel_loop3A_746], %parallel_loop3A_742 {strides = array<i32>} : memref<8x8x128xf32, #tpu.memory_space<vmem>>, vector<16xf32>,
      } {sc.loop_unroll_factor = 1 : i64, sc.parallel_access}
      %dma_start3A_181 = arith.constant 0 : i32
      %dma_start3A_182 = arith.constant 0 : i32
      %dma_start3A_183 = arith.constant 0 : i32
      %dma_start3A_184 = arith.constant 0 : i32
      %dma_start3A_185 = tpu.memref_slice %arg4[%add3A_156, %dma_start3A_181, %dma_start3A_182, %dma_start3A_183, %dma_start3A_184] : memref<50x8x32x8x128xf32, #tpu.memory_space<hbm>> -> memref<1x8x32x8x128xf32, #tpu.memory_space<hbm>>
      %dma_start3A_186 = tpu.memref_squeeze %dma_start3A_185 : memref<1x8x32x8x128xf32, #tpu.memory_space<hbm>> -> memref<8x32x8x128xf32, #tpu.memory_space<hbm>>
      %dma_start3A_187 = arith.constant 0 : i32
      %dma_start3A_188 = arith.constant 0 : i32
      %dma_start3A_189 = arith.constant 0 : i32
      %dma_start3A_190 = tpu.memref_slice %dma_start3A_186[%dma_start3A_187, %add3A, %dma_start3A_188, %dma_start3A_189] : memref<8x32x8x128xf32, #tpu.memory_space<hbm>> -> memref<8x1x8x128xf32, #tpu.memory_space<hbm>>
      %dma_start3A_191 = tpu.memref_squeeze %dma_start3A_190 : memref<8x1x8x128xf32, #tpu.memory_space<hbm>> -> memref<8x8x128xf32, #tpu.memory_space<hbm>>
      %dma_start3A_192 = arith.constant 0 : i32
      %dma_start3A_193 = arith.constant 0 : i32
      %dma_start3A_194 = arith.constant 0 : i32
      %dma_start3A_195 = arith.constant 0 : i32
      %dma_start3A_196 = tpu.memref_slice %arg4[%add3A_156, %dma_start3A_192, %dma_start3A_193, %dma_start3A_194, %dma_start3A_195] : memref<50x8x32x8x128xf32, #tpu.memory_space<hbm>> -> memref<1x8x32x8x128xf32, #tpu.memory_space<hbm>>
      %dma_start3A_197 = tpu.memref_squeeze %dma_start3A_196 : memref<1x8x32x8x128xf32, #tpu.memory_space<hbm>> -> memref<8x32x8x128xf32, #tpu.memory_space<hbm>>
      %dma_start3A_198 = arith.constant 0 : i32
      %dma_start3A_199 = arith.constant 0 : i32
      %dma_start3A_200 = arith.constant 0 : i32
      %dma_start3A_201 = tpu.memref_slice %dma_start3A_197[%dma_start3A_198, %add3A, %dma_start3A_199, %dma_start3A_200] : memref<8x32x8x128xf32, #tpu.memory_space<hbm>> -> memref<8x1x8x128xf32, #tpu.memory_space<hbm>>
      %dma_start3A_202 = tpu.memref_squeeze %dma_start3A_201 : memref<8x1x8x128xf32, #tpu.memory_space<hbm>> -> memref<8x8x128xf32, #tpu.memory_space<hbm>>
      tpu.enqueue_dma source(%arg11 : memref<8x8x128xf32, #tpu.memory_space<vmem>>) target(%dma_start3A_202 : memref<8x8x128xf32, #tpu.memory_space<hbm>>) target_semaphore(%arg15 : memref<!tpu.dma_semaphore, #tpu.memory_space<semaphore_mem>>)
    }
    %scan3A_61 = arith.constant 25 : i32
    %dma_wait3A = arith.constant 0 : i32
    %dma_wait3A_62 = arith.constant 0 : i32
    %dma_wait3A_63 = arith.constant 0 : i32
    %dma_wait3A_64 = arith.constant 0 : i32
    %dma_wait3A_65 = arith.constant 0 : i32
    %dma_wait3A_66 = tpu.memref_slice %arg4[%dma_wait3A, %dma_wait3A_62, %dma_wait3A_63, %dma_wait3A_64, %dma_wait3A_65] : memref<50x8x32x8x128xf32, #tpu.memory_space<hbm>> -> memref<1x8x32x8x128xf32, #tpu.memory_space<hbm>>
    %dma_wait3A_67 = tpu.memref_squeeze %dma_wait3A_66 : memref<1x8x32x8x128xf32, #tpu.memory_space<hbm>> -> memref<8x32x8x128xf32, #tpu.memory_space<hbm>>
    %dma_wait3A_68 = arith.constant 0 : i32
    %dma_wait3A_69 = arith.constant 0 : i32
    %dma_wait3A_70 = arith.constant 0 : i32
    %dma_wait3A_71 = tpu.memref_slice %dma_wait3A_67[%dma_wait3A_68, %add3A, %dma_wait3A_69, %dma_wait3A_70] : memref<8x32x8x128xf32, #tpu.memory_space<hbm>> -> memref<8x1x8x128xf32, #tpu.memory_space<hbm>>
    %dma_wait3A_72 = tpu.memref_squeeze %dma_wait3A_71 : memref<8x1x8x128xf32, #tpu.memory_space<hbm>> -> memref<8x8x128xf32, #tpu.memory_space<hbm>>
    %dma_wait3A_73 = arith.constant 0 : i32
    %dma_wait3A_74 = arith.constant 0 : i32
    %dma_wait3A_75 = arith.constant 0 : i32
    %dma_wait3A_76 = arith.constant 0 : i32
    %dma_wait3A_77 = tpu.memref_slice %arg4[%dma_wait3A, %dma_wait3A_73, %dma_wait3A_74, %dma_wait3A_75, %dma_wait3A_76] : memref<50x8x32x8x128xf32, #tpu.memory_space<hbm>> -> memref<1x8x32x8x128xf32, #tpu.memory_space<hbm>>
    %dma_wait3A_78 = tpu.memref_squeeze %dma_wait3A_77 : memref<1x8x32x8x128xf32, #tpu.memory_space<hbm>> -> memref<8x32x8x128xf32, #tpu.memory_space<hbm>>
    %dma_wait3A_79 = arith.constant 0 : i32
    %dma_wait3A_80 = arith.constant 0 : i32
    %dma_wait3A_81 = arith.constant 0 : i32
    %dma_wait3A_82 = tpu.memref_slice %dma_wait3A_78[%dma_wait3A_79, %add3A, %dma_wait3A_80, %dma_wait3A_81] : memref<8x32x8x128xf32, #tpu.memory_space<hbm>> -> memref<8x1x8x128xf32, #tpu.memory_space<hbm>>
    %dma_wait3A_83 = tpu.memref_squeeze %dma_wait3A_82 : memref<8x1x8x128xf32, #tpu.memory_space<hbm>> -> memref<8x8x128xf32, #tpu.memory_space<hbm>>
    tpu.wait_dma2 semaphore(%arg14 : memref<!tpu.dma_semaphore, #tpu.memory_space<semaphore_mem>>) src(%arg10 : memref<8x8x128xf32, #tpu.memory_space<vmem>>) dst(%dma_wait3A_83 : memref<8x8x128xf32, #tpu.memory_space<hbm>>)
    %dma_wait3A_84 = arith.constant 0 : i32
    %dma_wait3A_85 = arith.constant 0 : i32
    %dma_wait3A_86 = arith.constant 0 : i32
    %dma_wait3A_87 = arith.constant 0 : i32
    %dma_wait3A_88 = arith.constant 0 : i32
    %dma_wait3A_89 = tpu.memref_slice %arg4[%dma_wait3A_84, %dma_wait3A_85, %dma_wait3A_86, %dma_wait3A_87, %dma_wait3A_88] : memref<50x8x32x8x128xf32, #tpu.memory_space<hbm>> -> memref<1x8x32x8x128xf32, #tpu.memory_space<hbm>>
    %dma_wait3A_90 = tpu.memref_squeeze %dma_wait3A_89 : memref<1x8x32x8x128xf32, #tpu.memory_space<hbm>> -> memref<8x32x8x128xf32, #tpu.memory_space<hbm>>
    %dma_wait3A_91 = arith.constant 0 : i32
    %dma_wait3A_92 = arith.constant 0 : i32
    %dma_wait3A_93 = arith.constant 0 : i32
    %dma_wait3A_94 = tpu.memref_slice %dma_wait3A_90[%dma_wait3A_91, %add3A, %dma_wait3A_92, %dma_wait3A_93] : memref<8x32x8x128xf32, #tpu.memory_space<hbm>> -> memref<8x1x8x128xf32, #tpu.memory_space<hbm>>
    %dma_wait3A_95 = tpu.memref_squeeze %dma_wait3A_94 : memref<8x1x8x128xf32, #tpu.memory_space<hbm>> -> memref<8x8x128xf32, #tpu.memory_space<hbm>>
    %dma_wait3A_96 = arith.constant 0 : i32
    %dma_wait3A_97 = arith.constant 0 : i32
    %dma_wait3A_98 = arith.constant 0 : i32
    %dma_wait3A_99 = arith.constant 0 : i32
    %dma_wait3A_100 = tpu.memref_slice %arg4[%dma_wait3A_84, %dma_wait3A_96, %dma_wait3A_97, %dma_wait3A_98, %dma_wait3A_99] : memref<50x8x32x8x128xf32, #tpu.memory_space<hbm>> -> memref<1x8x32x8x128xf32, #tpu.memory_space<hbm>>
    %dma_wait3A_101 = tpu.memref_squeeze %dma_wait3A_100 : memref<1x8x32x8x128xf32, #tpu.memory_space<hbm>> -> memref<8x32x8x128xf32, #tpu.memory_space<hbm>>
    %dma_wait3A_102 = arith.constant 0 : i32
    %dma_wait3A_103 = arith.constant 0 : i32
    %dma_wait3A_104 = arith.constant 0 : i32
    %dma_wait3A_105 = tpu.memref_slice %dma_wait3A_101[%dma_wait3A_102, %add3A, %dma_wait3A_103, %dma_wait3A_104] : memref<8x32x8x128xf32, #tpu.memory_space<hbm>> -> memref<8x1x8x128xf32, #tpu.memory_space<hbm>>
    %dma_wait3A_106 = tpu.memref_squeeze %dma_wait3A_105 : memref<8x1x8x128xf32, #tpu.memory_space<hbm>> -> memref<8x8x128xf32, #tpu.memory_space<hbm>>
    tpu.wait_dma2 semaphore(%arg15 : memref<!tpu.dma_semaphore, #tpu.memory_space<semaphore_mem>>) src(%arg11 : memref<8x8x128xf32, #tpu.memory_space<vmem>>) dst(%dma_wait3A_106 : memref<8x8x128xf32, #tpu.memory_space<hbm>>)
    return
  }
}

</mosaic_0001>

<sc_bundles>
// kernel: kernel.3.cloned.1.call-start
scs
__scs_entry_jumppad:
0x0: {  	(pc) =	sbr.rel $0x88, $3  }
0x1: {  	(tag) =	ssettag $0x0;
	lr =	simm.s32 $0x1  }
0x2: {  	[smem:$0x3F9F] =	sst lr;
	_ =	strace $0xD0000000  }
0x3: {  	_ = 	snop  }
0x4: {  	_ = 	snop  }
0x5: {  	_ = 	snop  }
0x6: {  	_ = 	snop  }
0x7: {  	_ = 	snop  }
__scs_overlays_trampoline_lowered:
0x8: {  	[smem:$0x3FAE] =	sst s0  }
0x9: {  	[smem:$0x3FAF] =	sst s1  }
0xa: {  	[smem:$0x3FB0] =	sst s2  }
0xb: {  	[smem:$0x3FB1] =	sst s3  }
0xc: {  	[smem:$0x3FB2] =	sst s4  }
0xd: {  	[smem:$0x3FB3] =	sst s5  }
0xe: {  	[smem:$0x3FB4] =	sst s6  }
0xf: {  	[smem:$0x3FB5] =	sst s7  }
0x10: {  	[smem:$0x3FB6] =	sst s8  }
0x11: {  	[smem:$0x3FB7] =	sst s9;
	s0 =	simm.s32 @!p0 $0x0  }
0x12: {  	s1 =	sld [smem:$0x3F9D];
	s0 =	simm.s32 @p0 $0x1  }
0x13: {  	[smem:$0x3FB8] =	sst s0;
	s0 =	simm.s32 @!p1 $0x0  }
0x14: {  	s2 =	sld [smem:$0x3F9C];
	s0 =	simm.s32 @p1 $0x1  }
0x15: {  	[smem:$0x3FB9] =	sst s0;
	s0 =	simm.s32 @!p2 $0x0  }
0x16: {  	s3 =	sld [smem:$0x3FDB];
	s0 =	simm.s32 @p2 $0x1  }
0x17: {  	s4 =	simm.s32 $0x1BF5;
	[smem:$0x3FBB] =	sst s0  }
0x18: {  	s0 =	sld [smem:$0x3F9E];
	_ =	swait.ge [sflag:s4], $0x0  }
0x19: {  	s7 =	sld [smem:$0x3F9F]  }
0x1a: {  	s8 =	sadd.s32 $0xFFFFE003, lr  }
0x1b: {  	s9 =	sadd.s32 $0xFFFFFEF7, lr;
	s5 =	simm.s32 $0xFFFFFFFF;
	p2 =	slt.u32 s8, $0xFFFFF086  }
0x1c: {  	p1 =	slt.u32 s9, $0xF7A;
	s5 =	simm.s32 @!p2 $0x0  }
0x1d: {  	s5 =	simm.s32 @p1 $0x1;
	p0 =	seq.s32 s7, s2  }
0x1e: {  	s7 =	smul.u32 @!p0 $0xF7A, s2;
	p2 =	seq.s32 @!p0 s5, $0x0  }
0x1f: {  	s9 =	smul.u32 $0xF7A, s1;
	s8 =	simm.s32 @!p0 $0x1BF5;
	p2 =	por !p2, p0  }
0x20: {  	[sflag:s8] =	ssyncset.s32 @!p0 $0xFFFFF086;
	s6 =	sadd.s32 @!p0 s3, s7;
	s7 =	simm.s32 @!p0 $0x108  }
0x21: {  	s3 =	sadd.s32 s3, s9;
	s6 =	sadd.s32 @!p0 $0x88, s6;
	s7 =	simm.s32 @p2 $0x1082  }
0x22: {  	[simem:s7], [sflag:s8] =	dma.local @!p0 [hbm:s6], $0xF7A  }
0x23: {  	s9 =	sor.u32 $0xD0000000, s2;
	s6 =	simm.s32 $0x108;
	_ =	swait.ge @!p0 [sflag:s8], $0x0  }
0x24: {  	s3 =	sadd.s32 $0x88, s3;
	s6 =	simm.s32 @!p1 $0x1082;
	[sflag:s4] =	ssyncset.s32 $0xFFFFF086  }
0x25: {  	[simem:s6], [sflag:s4] =	dma.local [hbm:s3], $0xF7A  }
0x26: {  	[smem:$0x3F9F] =	sst s1;
	(tag) =	ssettag s2;
	_ =	strace s9  }
0x27: {  	s1 =	sld [smem:$0x3FAF]  }
0x28: {  	s2 =	sld [smem:$0x3FB0]  }
0x29: {  	s4 =	sld [smem:$0x3FB2]  }
0x2a: {  	p0 =	seq.s32 s5, $0x0;
	s5 =	sld [smem:$0x3FB3]  }
0x2b: {  	s6 =	sld [smem:$0x3FB4]  }
0x2c: {  	s7 =	sld [smem:$0x3FB5]  }
0x2d: {  	s3 =	simm.s32 $0x108;
	s8 =	sld [smem:$0x3FB6]  }
0x2e: {  	s3 =	simm.s32 @!p0 $0x1082;
	s9 =	sld [smem:$0x3FB7]  }
0x2f: {  	lr =	sadd.s32 s0, s3;
	s0 =	sld [smem:$0x3FAE]  }
0x30: {  	s3 =	sld [smem:$0x3FB1]  }
0x31: {  	[smem:$0x3FBA] =	sst s10  }
0x32: {  	s10 =	sld [smem:$0x3FB8];
	_ =	sdelay $0x3  }
0x33: {  	p0 =	seq.s32 s10, $0x1;
	s10 =	sld [smem:$0x3FBA];
	_ =	sdelay $0x3  }
0x34: {  	[smem:$0x3FBA] =	sst s10  }
0x35: {  	s10 =	sld [smem:$0x3FB9];
	_ =	sdelay $0x3  }
0x36: {  	p1 =	seq.s32 s10, $0x1;
	s10 =	sld [smem:$0x3FBA];
	_ =	sdelay $0x3  }
0x37: {  	[smem:$0x3FBA] =	sst s10  }
0x38: {  	s10 =	sld [smem:$0x3FBB]  }
0x39: {  	_ = 	snop;
	(pc) =	sbr.ind lr, $3  }
0x3a: {  	_ = 	snop  }
0x3b: {  	_ = 	snop  }
0x3c: {  	p2 =	seq.s32 s10, $0x1;
	s10 =	sld [smem:$0x3FBA]  }
0x3d: {  	_ =	shalt  }
0x3e: {  	_ =	shalt  }
0x3f: {  	_ =	shalt  }
0x40: {  	_ =	shalt  }
0x41: {  	_ =	shalt  }
0x42: {  	_ =	shalt  }
0x43: {  	_ =	shalt  }
0x44: {  	_ =	shalt  }
0x45: {  	_ =	shalt  }
0x46: {  	_ =	shalt  }
0x47: {  	_ =	shalt  }
0x48: {  	_ =	shalt  }
0x49: {  	_ =	shalt  }
0x4a: {  	_ =	shalt  }
0x4b: {  	_ =	shalt  }
0x4c: {  	_ =	shalt  }
0x4d: {  	_ =	shalt  }
0x4e: {  	_ =	shalt  }
0x4f: {  	_ =	shalt  }
0x50: {  	_ =	shalt  }
0x51: {  	_ =	shalt  }
0x52: {  	_ =	shalt  }
0x53: {  	_ =	shalt  }
0x54: {  	_ =	shalt  }
0x55: {  	_ =	shalt  }
0x56: {  	_ =	shalt  }
0x57: {  	_ =	shalt  }
0x58: {  	_ =	shalt  }
0x59: {  	_ =	shalt  }
0x5a: {  	_ =	shalt  }
0x5b: {  	_ =	shalt  }
0x5c: {  	_ =	shalt  }
0x5d: {  	_ =	shalt  }
0x5e: {  	_ =	shalt  }
0x5f: {  	_ =	shalt  }
0x60: {  	_ =	shalt  }
0x61: {  	_ =	shalt  }
0x62: {  	_ =	shalt  }
0x63: {  	_ =	shalt  }
0x64: {  	_ =	shalt  }
0x65: {  	_ =	shalt  }
0x66: {  	_ =	shalt  }
0x67: {  	_ =	shalt  }
0x68: {  	_ =	shalt  }
0x69: {  	_ =	shalt  }
0x6a: {  	_ =	shalt  }
0x6b: {  	_ =	shalt  }
0x6c: {  	_ =	shalt  }
0x6d: {  	_ =	shalt  }
0x6e: {  	_ =	shalt  }
0x6f: {  	_ =	shalt  }
0x70: {  	_ =	shalt  }
0x71: {  	_ =	shalt  }
0x72: {  	_ =	shalt  }
0x73: {  	_ =	shalt  }
0x74: {  	_ =	shalt  }
0x75: {  	_ =	shalt  }
0x76: {  	_ =	shalt  }
0x77: {  	_ =	shalt  }
0x78: {  	_ =	shalt  }
0x79: {  	_ =	shalt  }
0x7a: {  	_ =	shalt  }
0x7b: {  	_ =	shalt  }
0x7c: {  	_ =	shalt  }
0x7d: {  	_ =	shalt  }
0x7e: {  	_ =	shalt  }
0x7f: {  	_ =	shalt  }
0x80: {  	_ =	shalt  }
0x81: {  	_ =	shalt  }
0x82: {  	_ =	shalt  }
0x83: {  	_ =	shalt  }
0x84: {  	_ =	shalt  }
0x85: {  	_ =	shalt  }
0x86: {  	_ =	shalt  }
0x87: {  	_ =	shalt  }
.Lfunc_end0:
.L_simem_size_0:
called_computation_lowered:
.L_overlay_start_0:
0x88: {  	s2 =	sld [smem:$0x3FD9]  }
0x89: {  	s3 =	sld [smem:$0x3FFE];
	_ =	sdelay $0x1  }
0x8a: {  	s1 =	srdreg.scid  }
0x8b: {  	s0 =	sand.u32 $0x1, s1  }
0x8c: {  	s17 =	sshll.u32 s0, $0xA;
	s2 =	sadd.s32 s3, s2  }
0x8d: {  	s2 =	sadd.s32 s2, s17  }
0x8e: {  	[smem:$0x3FC6] =	sst s2  }
0x8f: {  	_ = 	snop  }
0x90: {  	s2 =	sld [smem:$0x3FD0];
	(tm) =	ssettm $0x1  }
0x91: {  	s18 =	sld [smem:$0x3FFB];
	_ =	sdelay $0x3  }
0x92: {  	_ =	strace s18  }
0x93: {  	s3 =	sld [smem:$0x3FFC];
	_ =	sdelay $0x3  }
0x94: {  	_ =	strace s3  }
0x95: {  	s3 =	sld [smem:$0x3FFD];
	_ =	sdelay $0x3  }
0x96: {  	_ =	strace s3  }
0x97: {  	_ =	strace $0x8FFFFFFF  }
0x98: {  	s19 =	sld [smem:$0x3FDB];
	_ =	sdelay $0x1  }
0x99: {  	s4 =	simm.s32 $_scs_section_size  }
0x9a: {  	s5 =	simm.s32 $_size__tile_overlayer_lowered;
	s6 =	simm.s32 $_tile_overlayer_lowered  }
0x9b: {  	s22 =	simm.s32 $0x1BFF;
	s21 =	sshll.u32 s6, $0x1;
	s3 =	sadd.s32 s4, s19  }
0x9c: {  	s7 =	simm.s32 $0x0;
	s20 =	sshll.u32 s5, $0x1;
	s5 =	sadd.s32 s21, s3  }
0x9d: {  	[timem:s7], [sflag:s22] =	dma.local [hbm:s5], s20  }
0x9e: {  	_ =	swait.ge [sflag:s22], s20  }
0x9f: {  	s4 =	ssub.s32 $0x0, s20;
	[sflag:s22] =	ssyncset.done $0x0  }
0xa0: {  	[sflag:s22] =	ssyncadd.s32 s4;
	_ =	sdelay $0x1  }
0xa1: {  	s23 =	simm.s32 $0x1B8B  }
0xa2: {  	_ =	swait.ge [sflag:s23], $0x1  }
0xa3: {  	[sflag:s23] =	ssyncset.done $0x0  }
0xa4: {  	s25 =	simm.s32 $0x1B8E;
	s24 =	sld [smem:$0x3FFE];
	[sflag:s23] =	ssyncadd.s32 $0xFFFFFFFF  }
0xa5: {  	s26 =	simm.s32 $execute0_lowered;
	[smem:$0x3FD2] =	sst s25  }
0xa6: {  	s5 =	sshll.u32 s26, $0x1;
	_ =	strace $0x80000046;
	[dreg:$0x1] =	wrdreg $0xFFFFFFFF  }
0xa7: {  	s28 =	simm.s32 $_size_execute0_lowered;
	s3 =	sadd.s32 s3, s5;
	[dreg:$0x0] =	wrdreg $0x0  }
0xa8: {  	s5 =	sshll.u32 s28, $0x1;
	[dreg:$0x2] =	wrdreg s3  }
0xa9: {  	[dreg:$0x3] =	wrdreg s5  }
0xaa: {  	[dreg:$0x4] =	wrdreg $0xC0  }
0xab: {  	_ =	task [dreg:s7], $0x5FFFF  }
0xac: {  	[dreg:$0x1] =	wrdreg $0xFFFFFFFF  }
0xad: {  	[dreg:$0x0] =	wrdreg $0x60  }
0xae: {  	[dreg:$0x2] =	wrdreg s24  }
0xaf: {  	[dreg:$0x3] =	wrdreg s2  }
0xb0: {  	[dreg:$0x4] =	wrdreg $0x9  }
0xb1: {  	_ =	task.clear_ibuf [dreg:s7], $0x5FFFF;
	_ =	strace $0x90000046  }
0xb2: {  	s29 =	simm.s32 $0x9;
	_ =	strace $0x80000048  }
0xb3: {  	_ =	swait.ge [sflag:s29], $0x1  }
0xb4: {  	[sflag:s29] =	ssyncadd.s32 $0xFFFFFFFF  }
0xb5: {  	_ =	strace $0x90000048  }
0xb6: {  	_ =	sfence  }
0xb7: {  	s30 =	sld [smem:$0x0];
	_ =	sdelay $0x2  }
0xb8: {  	s31 =	sshll.u32 s1, $0xD;
	s1 =	sshrl.u32 s1, $0x2  }
0xb9: {  	s3 =	sand.u32 $0x4000, s31;
	s1 =	sadd.s32 s1, s30  }
0xba: {  	s0 =	sor.u32 s3, s0;
	s1 =	sshll.u32 s1, $0x11  }
0xbb: {  	s0 =	sor.u32 s1, s0  }
0xbc: {  	s0 =	sadd.s32 $0x8F2B, s0  }
0xbd: {  	[sflag:s0] =	ssyncadd.remote.s32 $0x1  }
0xbe: {  	_ =	sfence.sel $0xFFFF  }
0xbf: {  	[dreg:$0x0] =	wrdreg $0xFFFFFFFF;
	(pc) =	sbr.abs _section_cstart, $3  }
0xc0: {  	[dreg:$0x1] =	wrdreg $0xFFFFFFFF  }
0xc1: {  	_ =	task.clear_ibuf [dreg:s7], $0x2FFFF;
	_ =	strace $0x9FFFFFFF  }
0xc2: {  	(tm) =	ssettm $0x7FFFFFFF  }
0xc3: {  	_ =	shalt  }
tec
execute0_lowered:
.L_overlay_start_1:
0x0: {  	(tag) =	ssettag $0x1  }
0x1: {  	s0 =	rddreg [dreg:$0x0]  }
0x2: {  	s1 =	srdreg.scid;
	s2 =	stileid.u32;
	s3 =	simm.s32 $0x0  }
0x3: {  	s13 =	simm.s32 $0x1;
	s14 =	simm.s32 $0x5900;
	s15 =	simm.s32 $0x400  }
0x4: {  	s16 =	simm.s32 $0x8000;
	s1 =	sand.u32 $0x1, s1;
	s2 =	sshll.u32 s2, $0x1  }
0x5: {  	v1 =	vlaneseq.u32;
	s18 =	simm.s32 $0x2;
	s19 =	simm.s32 $0x4;
	s2 =	sor.u32 s1, s2  }
0x6: {  	s20 =	simm.s32 $0x7980;
	v0 =	vmul.u32 $0x41, v1;
	s1 =	ssub.s32 $0x2, s1;
	s29 =	sshll.u32 s2, $0x4  }
0x7: {  	[smem:$0x7FF] =	sst s3;
	s5 =	sshrl.u32 s1, $0x1;
	s3 =	sadd.s32 s29, s0  }
0x8: {  	s4 =	sadd.s32 $0x6800, s0;
	v1 =	vand.u32 $0x7, v1;
	v2 =	vadd.s32 $0x410, v0;
	s30 =	ssub.s32 s1, s5;
	s31 =	sadd.s32 $0x400, s3  }
0x9: {  	_ =	strace $0x80000047;
	v3 =	vadd.s32 $0x820, v0;
	v4 =	vadd.s32 $0xC30, v0;
	v5 =	vadd.s32 $0x1040, v0;
	s0 =	smax.u32 s30, $0x1;
	[dreg:$0x3] =	wrdreg s31  }
0xa: {  	s6 =	sshll.u32 s2, $0x7;
	v6 =	vadd.s32 $0x1450, v0;
	v7 =	vadd.s32 $0x1860, v0;
	v8 =	vadd.s32 $0x1C70, v0;
	s1 =	simm.s32 $0x0;
	[dreg:$0x4] =	wrdreg s0  }
.LBB2_1:
0xb: {  	[dreg:$0x5] =	wrdreg s1  }
0xc: {  	s0 =	simm.s32 $0x0;
	s29 =	rddreg [dreg:$0x3]  }
0xd: {  	s2 =	simm.s32 $0x80;
	s3 =	simm.s32 $0x1000;
	s30 =	simm.s32 $0x5  }
0xe: {  	[tilespmem:s0], [sflag:$0x5] =	stream.strided.gather [hbm4b:s29+s2], $0x1900, s3, s2, $0x38;
	[tilespmem:$0xDA00] =	vst v63  }
0xf: {  	_ =	swait.ge [sflag:s30], $0x1900  }
0x10: {  	[sflag:s30] =	ssyncset.done $0x0  }
0x11: {  	s31 =	simm.s32 $0x1900;
	s24 =	simm.s32 $0x0;
	[sflag:s30] =	ssyncadd.s32 $0xFFFFE700  }
0x12: {  	[tilespmem:s31], [sflag:$0x1] =	stream.indirect.gather [hbm4b:s4+s2], $0x40, s0, s2, $0xb8;
	[tilespmem:$0xDA00] =	vst v63  }
.LBB2_2:
0x13: {  	s25 =	sshllo.u32 s24, $0x1  }
0x14: {  	s0 =	sshll.u32 s25, $0x7  }
0x15: {  	s1 =	simm.s32 $0x80;
	s2 =	simm.s32 $0x3900;
	s0 =	sand.u32 $0x3FFFFF80, s0  }
0x16: {  	[tilespmem:s2], [sflag:$0x2] =	stream.indirect.gather [hbm4b:s4+s1], $0x40, s0, s1, $0xb8;
	[tilespmem:$0xDA00] =	vst v63  }
0x17: {  	_ =	swait.ge [sflag:s13], $0x2000  }
0x18: {  	p0 =	seq.s32 s24, $0x0;
	[sflag:s13] =	ssyncset.done $0x0  }
0x19: {  	s0 =	simm.s32 @!p0 $0x3;
	[sflag:s13] =	ssyncadd.s32 $0xFFFFE000  }
0x1a: {  	_ =	swait.ge @!p0 [sflag:s0], $0x2000  }
0x1b: {  	[sflag:s0] =	ssyncset.done @!p0 $0x0  }
0x1c: {  	s1 =	simm.s32 $0x1A00;
	[sflag:s0] =	ssyncadd.s32 @!p0 $0xFFFFE000  }
0x1d: {  	v9 =	vld [tilespmem:s1+$0xFFFFFF00];
	_ =	sdelay $0x3  }
0x1e: {  	s0 =	simm.s32 $0x1F7  }
0x1f: {  	[tilespmem:s0+$0x5709] =	vst v9  }
0x20: {  	v9 =	vld [tilespmem:s1+$0xFFFFFF10];
	_ =	sdelay $0x4  }
0x21: {  	[tilespmem:s0+$0x5719] =	vst v9  }
0x22: {  	v9 =	vld [tilespmem:s1+$0xFFFFFF20];
	_ =	sdelay $0x4  }
0x23: {  	[tilespmem:s0+$0x5729] =	vst v9  }
0x24: {  	v9 =	vld [tilespmem:s1+$0xFFFFFF30];
	_ =	sdelay $0x4  }
0x25: {  	[tilespmem:s0+$0x5739] =	vst v9  }
0x26: {  	v9 =	vld [tilespmem:s1+$0xFFFFFF40];
	_ =	sdelay $0x4  }
0x27: {  	[tilespmem:s0+$0x574A] =	vst v9  }
0x28: {  	v9 =	vld [tilespmem:s1+$0xFFFFFF50]  }
0x29: {  	s5 =	simm.s32 $0x1C00  }
0x2a: {  	v10 =	vld [tilespmem:s5+$0xFFFFFF00];
	_ =	sdelay $0x2  }
0x2b: {  	[tilespmem:s0+$0x575A] =	vst v9  }
0x2c: {  	s3 =	simm.s32 $0x3FF;
	v9 =	vld [tilespmem:s1+$0xFFFFFF60]  }
0x2d: {  	[tilespmem:s3+$0x5709] =	vst v10  }
0x2e: {  	v10 =	vld [tilespmem:s5+$0xFFFFFF10];
	_ =	sdelay $0x2  }
0x2f: {  	[tilespmem:s0+$0x576A] =	vst v9  }
0x30: {  	v9 =	vld [tilespmem:s1+$0xFFFFFF70]  }
0x31: {  	[tilespmem:s3+$0x5719] =	vst v10  }
0x32: {  	v10 =	vld [tilespmem:s5+$0xFFFFFF20];
	_ =	sdelay $0x2  }
0x33: {  	[tilespmem:s0+$0x577A] =	vst v9  }
0x34: {  	v9 =	vld [tilespmem:s1+$0xFFFFFF80]  }
0x35: {  	[tilespmem:s3+$0x5729] =	vst v10  }
0x36: {  	v10 =	vld [tilespmem:s5+$0xFFFFFF30];
	_ =	sdelay $0x2  }
0x37: {  	[tilespmem:s0+$0x578B] =	vst v9  }
0x38: {  	v9 =	vld [tilespmem:s1+$0xFFFFFF90]  }
0x39: {  	[tilespmem:s3+$0x5739] =	vst v10  }
0x3a: {  	v10 =	vld [tilespmem:s5+$0xFFFFFF40];
	_ =	sdelay $0x2  }
0x3b: {  	[tilespmem:s0+$0x579B] =	vst v9  }
0x3c: {  	v9 =	vld [tilespmem:s1+$0xFFFFFFA0]  }
0x3d: {  	[tilespmem:s3+$0x574A] =	vst v10  }
0x3e: {  	v10 =	vld [tilespmem:s5+$0xFFFFFF50]  }
0x3f: {  	s9 =	simm.s32 $0x1E00  }
0x40: {  	v11 =	vld [tilespmem:s9+$0xFFFFFF00]  }
0x41: {  	[tilespmem:s0+$0x57AB] =	vst v9  }
0x42: {  	v9 =	vld [tilespmem:s1+$0xFFFFFFB0]  }
0x43: {  	[tilespmem:s3+$0x575A] =	vst v10  }
0x44: {  	s7 =	simm.s32 $0x607;
	v10 =	vld [tilespmem:s5+$0xFFFFFF60]  }
0x45: {  	[tilespmem:s7+$0x5709] =	vst v11  }
0x46: {  	v11 =	vld [tilespmem:s9+$0xFFFFFF10]  }
0x47: {  	[tilespmem:s0+$0x57BB] =	vst v9  }
0x48: {  	v9 =	vld [tilespmem:s1+$0xFFFFFFC0]  }
0x49: {  	[tilespmem:s3+$0x576A] =	vst v10  }
0x4a: {  	v10 =	vld [tilespmem:s5+$0xFFFFFF70]  }
0x4b: {  	[tilespmem:s7+$0x5719] =	vst v11  }
0x4c: {  	v11 =	vld [tilespmem:s9+$0xFFFFFF20]  }
0x4d: {  	[tilespmem:s0+$0x57CC] =	vst v9  }
0x4e: {  	v9 =	vld [tilespmem:s1+$0xFFFFFFD0]  }
0x4f: {  	[tilespmem:s3+$0x577A] =	vst v10  }
0x50: {  	v10 =	vld [tilespmem:s5+$0xFFFFFF80]  }
0x51: {  	[tilespmem:s7+$0x5729] =	vst v11  }
0x52: {  	v11 =	vld [tilespmem:s9+$0xFFFFFF30]  }
0x53: {  	[tilespmem:s0+$0x57DC] =	vst v9  }
0x54: {  	v9 =	vld [tilespmem:s1+$0xFFFFFFE0]  }
0x55: {  	[tilespmem:s3+$0x578B] =	vst v10  }
0x56: {  	v10 =	vld [tilespmem:s5+$0xFFFFFF90]  }
0x57: {  	[tilespmem:s7+$0x5739] =	vst v11  }
0x58: {  	v11 =	vld [tilespmem:s9+$0xFFFFFF40]  }
0x59: {  	[tilespmem:s0+$0x57EC] =	vst v9  }
0x5a: {  	v9 =	vld [tilespmem:s1+$0xFFFFFFF0]  }
0x5b: {  	[tilespmem:s3+$0x579B] =	vst v10  }
0x5c: {  	v10 =	vld [tilespmem:s5+$0xFFFFFFA0]  }
0x5d: {  	[tilespmem:s7+$0x574A] =	vst v11  }
0x5e: {  	s11 =	simm.s32 $0x2000;
	v11 =	vld [tilespmem:s9+$0xFFFFFF50]  }
0x5f: {  	[tilespmem:s0+$0x57FC] =	vst v9;
	v9 =	vld [tilespmem:s11+$0xFFFFFF00]  }
0x60: {  	v12 =	vld [tilespmem:s1+$0x0]  }
0x61: {  	[tilespmem:s3+$0x57AB] =	vst v10  }
0x62: {  	v10 =	vld [tilespmem:s5+$0xFFFFFFB0]  }
0x63: {  	s10 =	simm.s32 $0x80F;
	[tilespmem:s7+$0x575A] =	vst v11  }
0x64: {  	v11 =	vld [tilespmem:s9+$0xFFFFFF60];
	[tilespmem:s10+$0x5709] =	vst v9  }
0x65: {  	v9 =	vld [tilespmem:s11+$0xFFFFFF10];
	[tilespmem:s0+$0x580D] =	vst v12  }
0x66: {  	v12 =	vld [tilespmem:s1+$0x10]  }
0x67: {  	[tilespmem:s3+$0x57BB] =	vst v10  }
0x68: {  	v10 =	vld [tilespmem:s5+$0xFFFFFFC0]  }
0x69: {  	[tilespmem:s7+$0x576A] =	vst v11  }
0x6a: {  	v11 =	vld [tilespmem:s9+$0xFFFFFF70];
	[tilespmem:s10+$0x5719] =	vst v9  }
0x6b: {  	v9 =	vld [tilespmem:s11+$0xFFFFFF20];
	[tilespmem:s0+$0x581D] =	vst v12  }
0x6c: {  	v12 =	vld [tilespmem:s1+$0x20]  }
0x6d: {  	[tilespmem:s3+$0x57CC] =	vst v10  }
0x6e: {  	v10 =	vld [tilespmem:s5+$0xFFFFFFD0]  }
0x6f: {  	[tilespmem:s7+$0x577A] =	vst v11  }
0x70: {  	v11 =	vld [tilespmem:s9+$0xFFFFFF80];
	[tilespmem:s10+$0x5729] =	vst v9  }
0x71: {  	v9 =	vld [tilespmem:s11+$0xFFFFFF30];
	[tilespmem:s0+$0x582D] =	vst v12  }
0x72: {  	v12 =	vld [tilespmem:s1+$0x30]  }
0x73: {  	[tilespmem:s3+$0x57DC] =	vst v10  }
0x74: {  	v10 =	vld [tilespmem:s5+$0xFFFFFFE0]  }
0x75: {  	[tilespmem:s7+$0x578B] =	vst v11  }
0x76: {  	v11 =	vld [tilespmem:s9+$0xFFFFFF90];
	[tilespmem:s10+$0x5739] =	vst v9  }
0x77: {  	v9 =	vld [tilespmem:s11+$0xFFFFFF40];
	[tilespmem:s0+$0x583D] =	vst v12  }
0x78: {  	v12 =	vld [tilespmem:s1+$0x40]  }
0x79: {  	[tilespmem:s3+$0x57EC] =	vst v10  }
0x7a: {  	v10 =	vld [tilespmem:s5+$0xFFFFFFF0]  }
0x7b: {  	[tilespmem:s7+$0x579B] =	vst v11  }
0x7c: {  	v11 =	vld [tilespmem:s9+$0xFFFFFFA0];
	[tilespmem:s10+$0x574A] =	vst v9  }
0x7d: {  	v9 =	vld [tilespmem:s11+$0xFFFFFF50];
	[tilespmem:s0+$0x584E] =	vst v12  }
0x7e: {  	s22 =	simm.s32 $0x2200;
	v12 =	vld [tilespmem:s1+$0x50]  }
0x7f: {  	[tilespmem:s3+$0x57FC] =	vst v10;
	v10 =	vld [tilespmem:s22+$0xFFFFFF00]  }
0x80: {  	v13 =	vld [tilespmem:s5+$0x0]  }
0x81: {  	[tilespmem:s7+$0x57AB] =	vst v11  }
0x82: {  	v11 =	vld [tilespmem:s9+$0xFFFFFFB0];
	[tilespmem:s10+$0x575A] =	vst v9  }
0x83: {  	s12 =	simm.s32 $0xA17;
	v9 =	vld [tilespmem:s11+$0xFFFFFF60];
	[tilespmem:s0+$0x585E] =	vst v12  }
0x84: {  	[tilespmem:s12+$0x5709] =	vst v10;
	v10 =	vld [tilespmem:s1+$0x60]  }
0x85: {  	[tilespmem:s3+$0x580D] =	vst v13;
	v12 =	vld [tilespmem:s22+$0xFFFFFF10]  }
0x86: {  	v13 =	vld [tilespmem:s5+$0x10]  }
0x87: {  	[tilespmem:s7+$0x57BB] =	vst v11  }
0x88: {  	v11 =	vld [tilespmem:s9+$0xFFFFFFC0];
	[tilespmem:s10+$0x576A] =	vst v9  }
0x89: {  	v9 =	vld [tilespmem:s11+$0xFFFFFF70];
	[tilespmem:s0+$0x586E] =	vst v10  }
0x8a: {  	[tilespmem:s12+$0x5719] =	vst v12;
	v10 =	vld [tilespmem:s1+$0x70]  }
0x8b: {  	[tilespmem:s3+$0x581D] =	vst v13;
	v12 =	vld [tilespmem:s22+$0xFFFFFF20]  }
0x8c: {  	v13 =	vld [tilespmem:s5+$0x20]  }
0x8d: {  	[tilespmem:s7+$0x57CC] =	vst v11  }
0x8e: {  	v11 =	vld [tilespmem:s9+$0xFFFFFFD0];
	[tilespmem:s10+$0x577A] =	vst v9  }
0x8f: {  	v9 =	vld [tilespmem:s11+$0xFFFFFF80];
	[tilespmem:s0+$0x587E] =	vst v10  }
0x90: {  	[tilespmem:s12+$0x5729] =	vst v12;
	v10 =	vld [tilespmem:s1+$0x80]  }
0x91: {  	[tilespmem:s3+$0x582D] =	vst v13;
	v12 =	vld [tilespmem:s22+$0xFFFFFF30]  }
0x92: {  	v13 =	vld [tilespmem:s5+$0x30]  }
0x93: {  	[tilespmem:s7+$0x57DC] =	vst v11  }
0x94: {  	v11 =	vld [tilespmem:s9+$0xFFFFFFE0];
	[tilespmem:s10+$0x578B] =	vst v9  }
0x95: {  	v9 =	vld [tilespmem:s11+$0xFFFFFF90];
	[tilespmem:s0+$0x588F] =	vst v10  }
0x96: {  	[tilespmem:s12+$0x5739] =	vst v12;
	v10 =	vld [tilespmem:s1+$0x90]  }
0x97: {  	[tilespmem:s3+$0x583D] =	vst v13;
	v12 =	vld [tilespmem:s22+$0xFFFFFF40]  }
0x98: {  	v13 =	vld [tilespmem:s5+$0x40]  }
0x99: {  	[tilespmem:s7+$0x57EC] =	vst v11  }
0x9a: {  	v14 =	vld [tilespmem:s9+$0xFFFFFFF0];
	[tilespmem:s10+$0x579B] =	vst v9  }
0x9b: {  	v15 =	vld [tilespmem:s11+$0xFFFFFFA0];
	[tilespmem:s0+$0x589F] =	vst v10  }
0x9c: {  	[tilespmem:s12+$0x574A] =	vst v12;
	v11 =	vld [tilespmem:s1+$0xA0]  }
0x9d: {  	[tilespmem:s3+$0x584E] =	vst v13;
	v9 =	vld [tilespmem:s22+$0xFFFFFF50]  }
0x9e: {  	s23 =	simm.s32 $0x2400;
	v10 =	vld [tilespmem:s5+$0x50]  }
0x9f: {  	[tilespmem:s7+$0x57FC] =	vst v14;
	v12 =	vld [tilespmem:s23+$0xFFFFFF00]  }
0xa0: {  	s8 =	simm.s32 $0x389C;
	s2 =	simm.s32 $0x307C;
	v13 =	vld [tilespmem:s9+$0x0];
	[tilespmem:s10+$0x57AB] =	vst v15  }
.LBB2_3:
0xa1: {  	p1 =	sne.s32 s8, $0x81BC;
	v14 =	vld [tilespmem:s11+$0xFFFFFFB0];
	[tilespmem:s0+$0x58AF] =	vst v11  }
0xa2: {  	[tilespmem:s12+$0x575A] =	vst v9;
	v9 =	vld [tilespmem:s1+$0xB0]  }
0xa3: {  	s17 =	sshra.s32 s2, $0x2;
	s2 =	smov.u32 s8;
	v11 =	vld [tilespmem:s22+$0xFFFFFF60];
	[tilespmem:s3+$0x585E] =	vst v10  }
0xa4: {  	[tilespmem:s17+$0x5709] =	vst v12;
	v10 =	vld [tilespmem:s5+$0x60]  }
0xa5: {  	v12 =	vld [tilespmem:s23+$0xFFFFFF10];
	[tilespmem:s7+$0x580D] =	vst v13  }
0xa6: {  	[tilespmem:s10+$0x57BB] =	vst v14;
	v13 =	vld [tilespmem:s9+$0x10]  }
0xa7: {  	v14 =	vld [tilespmem:s11+$0xFFFFFFC0];
	[tilespmem:s0+$0x58BF] =	vst v9  }
0xa8: {  	[tilespmem:s12+$0x576A] =	vst v11;
	v9 =	vld [tilespmem:s1+$0xC0]  }
0xa9: {  	v11 =	vld [tilespmem:s22+$0xFFFFFF70];
	[tilespmem:s3+$0x586E] =	vst v10  }
0xaa: {  	[tilespmem:s17+$0x5719] =	vst v12;
	v10 =	vld [tilespmem:s5+$0x70]  }
0xab: {  	v12 =	vld [tilespmem:s23+$0xFFFFFF20];
	[tilespmem:s7+$0x581D] =	vst v13  }
0xac: {  	[tilespmem:s10+$0x57CC] =	vst v14;
	v13 =	vld [tilespmem:s9+$0x20]  }
0xad: {  	v14 =	vld [tilespmem:s11+$0xFFFFFFD0];
	[tilespmem:s0+$0x58D0] =	vst v9  }
0xae: {  	[tilespmem:s12+$0x577A] =	vst v11;
	v9 =	vld [tilespmem:s1+$0xD0]  }
0xaf: {  	v11 =	vld [tilespmem:s22+$0xFFFFFF80];
	[tilespmem:s3+$0x587E] =	vst v10  }
0xb0: {  	[tilespmem:s17+$0x5729] =	vst v12;
	v10 =	vld [tilespmem:s5+$0x80]  }
0xb1: {  	v12 =	vld [tilespmem:s23+$0xFFFFFF30];
	[tilespmem:s7+$0x582D] =	vst v13  }
0xb2: {  	[tilespmem:s10+$0x57DC] =	vst v14;
	v13 =	vld [tilespmem:s9+$0x30]  }
0xb3: {  	v14 =	vld [tilespmem:s11+$0xFFFFFFE0];
	[tilespmem:s0+$0x58E0] =	vst v9  }
0xb4: {  	[tilespmem:s12+$0x578B] =	vst v11;
	v9 =	vld [tilespmem:s1+$0xE0]  }
0xb5: {  	v11 =	vld [tilespmem:s22+$0xFFFFFF90];
	[tilespmem:s3+$0x588F] =	vst v10  }
0xb6: {  	[tilespmem:s17+$0x5739] =	vst v12;
	v10 =	vld [tilespmem:s5+$0x90]  }
0xb7: {  	v12 =	vld [tilespmem:s23+$0xFFFFFF40];
	[tilespmem:s7+$0x583D] =	vst v13  }
0xb8: {  	[tilespmem:s10+$0x57EC] =	vst v14;
	v13 =	vld [tilespmem:s9+$0x40]  }
0xb9: {  	v14 =	vld [tilespmem:s11+$0xFFFFFFF0];
	[tilespmem:s0+$0x58F0] =	vst v9  }
0xba: {  	[tilespmem:s12+$0x579B] =	vst v11;
	v15 =	vld [tilespmem:s1+$0xF0];
	s1 =	smov.u32 s5;
	s5 =	smov.u32 s9;
	s9 =	smov.u32 s11  }
0xbb: {  	s11 =	smov.u32 s22;
	v16 =	vld [tilespmem:s22+$0xFFFFFFA0];
	[tilespmem:s3+$0x589F] =	vst v10;
	s22 =	smov.u32 s23  }
.Ltmp0:
0xbc: {  	[tilespmem:s17+$0x574A] =	vst v12;
	v11 =	vld [tilespmem:s1+$0xA0];
	(pc) =	sbr.rel @p1 .LBB2_3-.Ltmp0, $4  }
0xbd: {  	v9 =	vld [tilespmem:s23+$0xFFFFFF50];
	[tilespmem:s7+$0x584E] =	vst v13  }
0xbe: {  	s23 =	sadd.s32 $0x200, s23;
	[tilespmem:s10+$0x57FC] =	vst v14;
	v10 =	vld [tilespmem:s5+$0x50]  }
0xbf: {  	v12 =	vld [tilespmem:s23+$0xFFFFFF00];
	[tilespmem:s0+$0x5900] =	vst v15;
	s0 =	smov.u32 s3;
	s3 =	smov.u32 s7;
	s7 =	smov.u32 s10  }
0xc0: {  	s8 =	sadd.s32 $0x820, s8;
	s10 =	smov.u32 s12;
	[tilespmem:s12+$0x57AB] =	vst v16;
	v13 =	vld [tilespmem:s9+$0x0];
	s12 =	smov.u32 s17  }
0xc1: {  	_ =	sdelay $0x1  }
0xc2: {  	v14 =	vld [tilespmem:s11+$0xFFFFFFB0];
	[tilespmem:s0+$0x58AF] =	vst v11;
	s8 =	sshra.s32 s2, $0x2  }
0xc3: {  	v11 =	vld [tilespmem:s1+$0xB0];
	[tilespmem:s8+$0x5709] =	vst v12  }
0xc4: {  	[tilespmem:s12+$0x575A] =	vst v9;
	v9 =	vld [tilespmem:s23+$0xFFFFFF10]  }
0xc5: {  	[tilespmem:s3+$0x585E] =	vst v10;
	v12 =	vld [tilespmem:s22+$0xFFFFFF60]  }
0xc6: {  	[tilespmem:s7+$0x580D] =	vst v13  }
0xc7: {  	v10 =	vld [tilespmem:s5+$0x60];
	[tilespmem:s10+$0x57BB] =	vst v14  }
0xc8: {  	v13 =	vld [tilespmem:s9+$0x10];
	[tilespmem:s0+$0x58BF] =	vst v11  }
0xc9: {  	v14 =	vld [tilespmem:s11+$0xFFFFFFC0];
	[tilespmem:s8+$0x5719] =	vst v9  }
0xca: {  	[tilespmem:s12+$0x576A] =	vst v12;
	v12 =	vld [tilespmem:s23+$0xFFFFFF20]  }
0xcb: {  	v11 =	vld [tilespmem:s1+$0xC0]  }
0xcc: {  	[tilespmem:s3+$0x586E] =	vst v10;
	v15 =	vld [tilespmem:s22+$0xFFFFFF70]  }
0xcd: {  	v10 =	vld [tilespmem:s5+$0x70];
	[tilespmem:s7+$0x581D] =	vst v13  }
0xce: {  	[tilespmem:s10+$0x57CC] =	vst v14;
	v13 =	vld [tilespmem:s9+$0x20]  }
0xcf: {  	v14 =	vld [tilespmem:s11+$0xFFFFFFD0];
	[tilespmem:s8+$0x5729] =	vst v12  }
0xd0: {  	[tilespmem:s0+$0x58D0] =	vst v11;
	v11 =	vld [tilespmem:s23+$0xFFFFFF30]  }
0xd1: {  	v9 =	vld [tilespmem:s1+$0xD0];
	[tilespmem:s12+$0x577A] =	vst v15  }
0xd2: {  	[tilespmem:s3+$0x587E] =	vst v10;
	v12 =	vld [tilespmem:s22+$0xFFFFFF80]  }
0xd3: {  	v10 =	vld [tilespmem:s5+$0x80];
	[tilespmem:s7+$0x582D] =	vst v13  }
0xd4: {  	[tilespmem:s10+$0x57DC] =	vst v14;
	v13 =	vld [tilespmem:s9+$0x30]  }
0xd5: {  	v14 =	vld [tilespmem:s11+$0xFFFFFFE0];
	[tilespmem:s8+$0x5739] =	vst v11  }
0xd6: {  	v11 =	vld [tilespmem:s23+$0xFFFFFF40];
	_ =	sdelay $0x4  }
0xd7: {  	[tilespmem:s8+$0x574A] =	vst v11  }
0xd8: {  	v11 =	vld [tilespmem:s23+$0xFFFFFF50];
	_ =	sdelay $0x4  }
0xd9: {  	[tilespmem:s8+$0x575A] =	vst v11  }
0xda: {  	v11 =	vld [tilespmem:s23+$0xFFFFFF60];
	_ =	sdelay $0x4  }
0xdb: {  	[tilespmem:s8+$0x576A] =	vst v11  }
0xdc: {  	v11 =	vld [tilespmem:s23+$0xFFFFFF70];
	_ =	sdelay $0x4  }
0xdd: {  	[tilespmem:s8+$0x577A] =	vst v11  }
0xde: {  	v11 =	vld [tilespmem:s23+$0xFFFFFF80];
	_ =	sdelay $0x3  }
0xdf: {  	[tilespmem:s12+$0x578B] =	vst v12  }
0xe0: {  	v12 =	vld [tilespmem:s22+$0xFFFFFF90];
	[tilespmem:s8+$0x578B] =	vst v11  }
0xe1: {  	v11 =	vld [tilespmem:s23+$0xFFFFFF90];
	_ =	sdelay $0x3  }
0xe2: {  	[tilespmem:s12+$0x579B] =	vst v12  }
0xe3: {  	v12 =	vld [tilespmem:s22+$0xFFFFFFA0];
	[tilespmem:s8+$0x579B] =	vst v11  }
0xe4: {  	v11 =	vld [tilespmem:s23+$0xFFFFFFA0];
	_ =	sdelay $0x3  }
0xe5: {  	[tilespmem:s12+$0x57AB] =	vst v12  }
0xe6: {  	v12 =	vld [tilespmem:s22+$0xFFFFFFB0];
	[tilespmem:s8+$0x57AB] =	vst v11  }
0xe7: {  	v11 =	vld [tilespmem:s23+$0xFFFFFFB0];
	_ =	sdelay $0x3  }
0xe8: {  	[tilespmem:s12+$0x57BB] =	vst v12  }
0xe9: {  	v12 =	vld [tilespmem:s22+$0xFFFFFFC0];
	[tilespmem:s8+$0x57BB] =	vst v11  }
0xea: {  	v11 =	vld [tilespmem:s23+$0xFFFFFFC0];
	_ =	sdelay $0x3  }
0xeb: {  	[tilespmem:s12+$0x57CC] =	vst v12  }
0xec: {  	v12 =	vld [tilespmem:s22+$0xFFFFFFD0];
	[tilespmem:s8+$0x57CC] =	vst v11  }
0xed: {  	v11 =	vld [tilespmem:s23+$0xFFFFFFD0];
	_ =	sdelay $0x3  }
0xee: {  	[tilespmem:s12+$0x57DC] =	vst v12  }
0xef: {  	v12 =	vld [tilespmem:s22+$0xFFFFFFE0];
	[tilespmem:s8+$0x57DC] =	vst v11  }
0xf0: {  	v11 =	vld [tilespmem:s23+$0xFFFFFFE0];
	_ =	sdelay $0x2  }
0xf1: {  	[tilespmem:s10+$0x57EC] =	vst v14  }
0xf2: {  	v14 =	vld [tilespmem:s11+$0xFFFFFFF0];
	[tilespmem:s12+$0x57EC] =	vst v12  }
0xf3: {  	v12 =	vld [tilespmem:s22+$0xFFFFFFF0];
	[tilespmem:s8+$0x57EC] =	vst v11  }
0xf4: {  	v11 =	vld [tilespmem:s23+$0xFFFFFFF0];
	_ =	sdelay $0x2  }
0xf5: {  	[tilespmem:s10+$0x57FC] =	vst v14  }
0xf6: {  	v14 =	vld [tilespmem:s11+$0x0];
	[tilespmem:s12+$0x57FC] =	vst v12  }
0xf7: {  	v12 =	vld [tilespmem:s22+$0x0];
	[tilespmem:s8+$0x57FC] =	vst v11  }
0xf8: {  	v11 =	vld [tilespmem:s23+$0x0];
	_ =	sdelay $0x2  }
0xf9: {  	[tilespmem:s10+$0x580D] =	vst v14  }
0xfa: {  	v14 =	vld [tilespmem:s11+$0x10];
	[tilespmem:s12+$0x580D] =	vst v12  }
0xfb: {  	v12 =	vld [tilespmem:s22+$0x10];
	[tilespmem:s8+$0x580D] =	vst v11  }
0xfc: {  	v11 =	vld [tilespmem:s23+$0x10];
	_ =	sdelay $0x2  }
0xfd: {  	[tilespmem:s10+$0x581D] =	vst v14  }
0xfe: {  	v14 =	vld [tilespmem:s11+$0x20];
	[tilespmem:s12+$0x581D] =	vst v12  }
0xff: {  	v12 =	vld [tilespmem:s22+$0x20];
	[tilespmem:s8+$0x581D] =	vst v11  }
0x100: {  	v11 =	vld [tilespmem:s23+$0x20];
	_ =	sdelay $0x2  }
0x101: {  	[tilespmem:s10+$0x582D] =	vst v14  }
0x102: {  	v14 =	vld [tilespmem:s11+$0x30];
	[tilespmem:s12+$0x582D] =	vst v12  }
0x103: {  	v12 =	vld [tilespmem:s22+$0x30];
	[tilespmem:s8+$0x582D] =	vst v11  }
0x104: {  	v11 =	vld [tilespmem:s23+$0x30];
	_ =	sdelay $0x1  }
0x105: {  	[tilespmem:s7+$0x583D] =	vst v13  }
0x106: {  	v13 =	vld [tilespmem:s9+$0x40];
	[tilespmem:s10+$0x583D] =	vst v14  }
0x107: {  	v14 =	vld [tilespmem:s11+$0x40];
	[tilespmem:s12+$0x583D] =	vst v12  }
0x108: {  	v12 =	vld [tilespmem:s22+$0x40];
	[tilespmem:s8+$0x583D] =	vst v11  }
0x109: {  	v11 =	vld [tilespmem:s23+$0x40];
	_ =	sdelay $0x1  }
0x10a: {  	[tilespmem:s7+$0x584E] =	vst v13  }
0x10b: {  	v13 =	vld [tilespmem:s9+$0x50];
	[tilespmem:s10+$0x584E] =	vst v14  }
0x10c: {  	v14 =	vld [tilespmem:s11+$0x50];
	[tilespmem:s12+$0x584E] =	vst v12  }
0x10d: {  	v12 =	vld [tilespmem:s22+$0x50];
	[tilespmem:s8+$0x584E] =	vst v11  }
0x10e: {  	v11 =	vld [tilespmem:s23+$0x50];
	_ =	sdelay $0x1  }
0x10f: {  	[tilespmem:s7+$0x585E] =	vst v13  }
0x110: {  	v13 =	vld [tilespmem:s9+$0x60];
	[tilespmem:s10+$0x585E] =	vst v14  }
0x111: {  	v14 =	vld [tilespmem:s11+$0x60];
	[tilespmem:s12+$0x585E] =	vst v12  }
0x112: {  	v12 =	vld [tilespmem:s22+$0x60];
	[tilespmem:s8+$0x585E] =	vst v11  }
0x113: {  	v11 =	vld [tilespmem:s23+$0x60];
	_ =	sdelay $0x1  }
0x114: {  	[tilespmem:s7+$0x586E] =	vst v13  }
0x115: {  	v13 =	vld [tilespmem:s9+$0x70];
	[tilespmem:s10+$0x586E] =	vst v14  }
0x116: {  	v14 =	vld [tilespmem:s11+$0x70];
	[tilespmem:s12+$0x586E] =	vst v12  }
0x117: {  	v12 =	vld [tilespmem:s22+$0x70];
	[tilespmem:s8+$0x586E] =	vst v11  }
0x118: {  	v11 =	vld [tilespmem:s23+$0x70];
	_ =	sdelay $0x1  }
0x119: {  	[tilespmem:s7+$0x587E] =	vst v13  }
0x11a: {  	v13 =	vld [tilespmem:s9+$0x80];
	[tilespmem:s10+$0x587E] =	vst v14  }
0x11b: {  	v14 =	vld [tilespmem:s11+$0x80];
	[tilespmem:s12+$0x587E] =	vst v12  }
0x11c: {  	v12 =	vld [tilespmem:s22+$0x80];
	[tilespmem:s8+$0x587E] =	vst v11  }
0x11d: {  	v11 =	vld [tilespmem:s23+$0x80]  }
0x11e: {  	[tilespmem:s3+$0x588F] =	vst v10  }
0x11f: {  	v10 =	vld [tilespmem:s5+$0x90];
	[tilespmem:s7+$0x588F] =	vst v13  }
0x120: {  	v13 =	vld [tilespmem:s9+$0x90];
	[tilespmem:s10+$0x588F] =	vst v14  }
0x121: {  	v14 =	vld [tilespmem:s11+$0x90];
	[tilespmem:s12+$0x588F] =	vst v12  }
0x122: {  	v12 =	vld [tilespmem:s22+$0x90];
	[tilespmem:s8+$0x588F] =	vst v11  }
0x123: {  	v11 =	vld [tilespmem:s23+$0x90]  }
0x124: {  	[tilespmem:s3+$0x589F] =	vst v10  }
0x125: {  	v10 =	vld [tilespmem:s5+$0xA0];
	[tilespmem:s7+$0x589F] =	vst v13  }
0x126: {  	v13 =	vld [tilespmem:s9+$0xA0];
	[tilespmem:s10+$0x589F] =	vst v14  }
0x127: {  	v14 =	vld [tilespmem:s11+$0xA0];
	[tilespmem:s12+$0x589F] =	vst v12  }
0x128: {  	v12 =	vld [tilespmem:s22+$0xA0];
	[tilespmem:s8+$0x589F] =	vst v11  }
0x129: {  	v11 =	vld [tilespmem:s23+$0xA0]  }
0x12a: {  	[tilespmem:s3+$0x58AF] =	vst v10  }
0x12b: {  	v10 =	vld [tilespmem:s5+$0xB0];
	[tilespmem:s7+$0x58AF] =	vst v13  }
0x12c: {  	v13 =	vld [tilespmem:s9+$0xB0];
	[tilespmem:s10+$0x58AF] =	vst v14  }
0x12d: {  	v14 =	vld [tilespmem:s11+$0xB0];
	[tilespmem:s12+$0x58AF] =	vst v12  }
0x12e: {  	v12 =	vld [tilespmem:s22+$0xB0];
	[tilespmem:s8+$0x58AF] =	vst v11  }
0x12f: {  	v11 =	vld [tilespmem:s23+$0xB0]  }
0x130: {  	[tilespmem:s3+$0x58BF] =	vst v10  }
0x131: {  	v10 =	vld [tilespmem:s5+$0xC0];
	[tilespmem:s7+$0x58BF] =	vst v13  }
0x132: {  	v13 =	vld [tilespmem:s9+$0xC0];
	[tilespmem:s10+$0x58BF] =	vst v14  }
0x133: {  	v14 =	vld [tilespmem:s11+$0xC0];
	[tilespmem:s12+$0x58BF] =	vst v12  }
0x134: {  	v12 =	vld [tilespmem:s22+$0xC0];
	[tilespmem:s8+$0x58BF] =	vst v11  }
0x135: {  	v11 =	vld [tilespmem:s23+$0xC0]  }
0x136: {  	[tilespmem:s3+$0x58D0] =	vst v10  }
0x137: {  	v10 =	vld [tilespmem:s5+$0xD0];
	[tilespmem:s7+$0x58D0] =	vst v13  }
0x138: {  	v13 =	vld [tilespmem:s9+$0xD0];
	[tilespmem:s10+$0x58D0] =	vst v14  }
0x139: {  	v14 =	vld [tilespmem:s11+$0xD0];
	[tilespmem:s12+$0x58D0] =	vst v12  }
0x13a: {  	v12 =	vld [tilespmem:s22+$0xD0];
	[tilespmem:s8+$0x58D0] =	vst v11  }
0x13b: {  	[tilespmem:s0+$0x58E0] =	vst v9;
	v9 =	vld [tilespmem:s23+$0xD0]  }
0x13c: {  	[tilespmem:s3+$0x58E0] =	vst v10;
	v11 =	vld [tilespmem:s1+$0xE0]  }
0x13d: {  	v10 =	vld [tilespmem:s5+$0xE0];
	[tilespmem:s7+$0x58E0] =	vst v13  }
0x13e: {  	v13 =	vld [tilespmem:s9+$0xE0];
	[tilespmem:s10+$0x58E0] =	vst v14  }
0x13f: {  	v14 =	vld [tilespmem:s11+$0xE0];
	[tilespmem:s12+$0x58E0] =	vst v12  }
0x140: {  	v12 =	vld [tilespmem:s22+$0xE0];
	[tilespmem:s8+$0x58E0] =	vst v9  }
0x141: {  	[tilespmem:s0+$0x58F0] =	vst v11;
	v9 =	vld [tilespmem:s23+$0xE0]  }
0x142: {  	[tilespmem:s3+$0x58F0] =	vst v10;
	v11 =	vld [tilespmem:s1+$0xF0]  }
0x143: {  	v10 =	vld [tilespmem:s5+$0xF0];
	[tilespmem:s7+$0x58F0] =	vst v13  }
0x144: {  	v13 =	vld [tilespmem:s9+$0xF0];
	[tilespmem:s10+$0x58F0] =	vst v14  }
0x145: {  	s9 =	simm.s32 $0x0;
	v14 =	vld [tilespmem:s11+$0xF0];
	[tilespmem:s12+$0x58F0] =	vst v12  }
0x146: {  	v12 =	vld [tilespmem:s22+$0xF0];
	[tilespmem:s8+$0x58F0] =	vst v9;
	v9 =	vadd.s32 s9, v0  }
0x147: {  	[tilespmem:s0+$0x5900] =	vst v11;
	v11 =	vld [tilespmem:s23+$0xF0];
	v9 =	vand.u32 $0x7F8, v9  }
0x148: {  	[tilespmem:s3+$0x5900] =	vst v10;
	v9 =	vor.u32 v1, v9  }
0x149: {  	[tilespmem:s7+$0x5900] =	vst v13  }
0x14a: {  	[tilespmem:s10+$0x5900] =	vst v14  }
0x14b: {  	[tilespmem:s12+$0x5900] =	vst v12  }
0x14c: {  	v10 =	vadd.s32 s9, v2;
	[tilespmem:s8+$0x5900] =	vst v11  }
0x14d: {  	v10 =	vand.u32 $0xFF8, v10;
	v9 =	vld.idx.msk [tilespmem:v9+s14+$0x0], $0xffff  }
0x14e: {  	v10 =	vor.u32 v1, v10;
	_ =	sdelay $0x2  }
0x14f: {  	s26 =	simm.s32 $0x9C00  }
0x150: {  	[tilespmem:s26+$0xFFFFFE00] =	vst v9;
	v9 =	vadd.s32 s9, v3  }
0x151: {  	v10 =	vld.idx.msk [tilespmem:v10+s14+$0x0], $0xffff;
	v9 =	vand.u32 $0xFF8, v9  }
0x152: {  	v9 =	vor.u32 v1, v9;
	_ =	sdelay $0x3  }
0x153: {  	[tilespmem:s26+$0xFFFFFE10] =	vst v10;
	v10 =	vadd.s32 s9, v4  }
0x154: {  	v9 =	vld.idx.msk [tilespmem:v9+s14+$0x0], $0xffff;
	v10 =	vand.u32 $0x1FF8, v10  }
0x155: {  	v10 =	vor.u32 v1, v10;
	_ =	sdelay $0x3  }
0x156: {  	[tilespmem:s26+$0xFFFFFE20] =	vst v9;
	v9 =	vadd.s32 s9, v5  }
0x157: {  	v10 =	vld.idx.msk [tilespmem:v10+s14+$0x0], $0xffff;
	v9 =	vand.u32 $0x1FF8, v9  }
0x158: {  	v9 =	vor.u32 v1, v9;
	_ =	sdelay $0x3  }
0x159: {  	[tilespmem:s26+$0xFFFFFE30] =	vst v10;
	v10 =	vadd.s32 s9, v6  }
0x15a: {  	v9 =	vld.idx.msk [tilespmem:v9+s14+$0x0], $0xffff;
	v10 =	vand.u32 $0x3FF8, v10  }
0x15b: {  	v10 =	vor.u32 v1, v10;
	_ =	sdelay $0x3  }
0x15c: {  	[tilespmem:s26+$0xFFFFFE40] =	vst v9;
	v9 =	vadd.s32 s9, v7  }
0x15d: {  	v10 =	vld.idx.msk [tilespmem:v10+s14+$0x0], $0xffff;
	v9 =	vand.u32 $0x3FF8, v9  }
0x15e: {  	v9 =	vor.u32 v1, v9;
	_ =	sdelay $0x3  }
0x15f: {  	[tilespmem:s26+$0xFFFFFE50] =	vst v10;
	v10 =	vadd.s32 s9, v8  }
0x160: {  	v9 =	vld.idx.msk [tilespmem:v9+s14+$0x0], $0xffff;
	v10 =	vand.u32 $0x7FF8, v10  }
0x161: {  	v10 =	vor.u32 v1, v10;
	_ =	sdelay $0x3  }
0x162: {  	[tilespmem:s26+$0xFFFFFE60] =	vst v9  }
0x163: {  	s11 =	simm.s32 $0x1;
	v9 =	vld.idx.msk [tilespmem:v10+s14+$0x0], $0xffff  }
0x164: {  	v10 =	vadd.s32 s11, v0;
	_ =	sdelay $0x3  }
0x165: {  	[tilespmem:s26+$0xFFFFFE70] =	vst v9  }
0x166: {  	v9 =	vld.idx.msk [tilespmem:v10+s14+$0x0], $0xffff  }
0x167: {  	v10 =	vadd.s32 s11, v2;
	_ =	sdelay $0x3  }
0x168: {  	[tilespmem:s26+$0xFFFFFE80] =	vst v9  }
0x169: {  	v9 =	vld.idx.msk [tilespmem:v10+s14+$0x0], $0xffff  }
0x16a: {  	v10 =	vadd.s32 s11, v3;
	_ =	sdelay $0x1  }
0x16b: {  	s12 =	simm.s32 $0x8  }
0x16c: {  	v11 =	vadd.s32 s12, v0  }
0x16d: {  	[tilespmem:s26+$0xFFFFFE90] =	vst v9;
	v9 =	vand.u32 $0x7F8, v11  }
0x16e: {  	v10 =	vld.idx.msk [tilespmem:v10+s14+$0x0], $0xffff;
	v9 =	vor.u32 v1, v9  }
0x16f: {  	v11 =	vadd.s32 s11, v4;
	_ =	sdelay $0x2  }
0x170: {  	v12 =	vadd.s32 s12, v2  }
0x171: {  	v9 =	vld.idx.msk [tilespmem:v9+s14+$0x0], $0xffff;
	[tilespmem:s26+$0xFFFFFEA0] =	vst v10;
	v10 =	vand.u32 $0xFF8, v12  }
0x172: {  	v11 =	vld.idx.msk [tilespmem:v11+s14+$0x0], $0xffff;
	v10 =	vor.u32 v1, v10  }
0x173: {  	v12 =	vadd.s32 s11, v5;
	_ =	sdelay $0x1  }
0x174: {  	s28 =	simm.s32 $0xA000  }
0x175: {  	[tilespmem:s28+$0xFFFFFE00] =	vst v9;
	v9 =	vadd.s32 s12, v3  }
0x176: {  	v10 =	vld.idx.msk [tilespmem:v10+s14+$0x0], $0xffff;
	[tilespmem:s26+$0xFFFFFEB0] =	vst v11;
	v9 =	vand.u32 $0xFF8, v9  }
0x177: {  	v11 =	vld.idx.msk [tilespmem:v12+s14+$0x0], $0xffff;
	v9 =	vor.u32 v1, v9  }
0x178: {  	v12 =	vadd.s32 s11, v6;
	_ =	sdelay $0x2  }
0x179: {  	[tilespmem:s28+$0xFFFFFE10] =	vst v10;
	v10 =	vadd.s32 s12, v4  }
0x17a: {  	v9 =	vld.idx.msk [tilespmem:v9+s14+$0x0], $0xffff;
	[tilespmem:s26+$0xFFFFFEC0] =	vst v11;
	v10 =	vand.u32 $0x1FF8, v10  }
0x17b: {  	v11 =	vld.idx.msk [tilespmem:v12+s14+$0x0], $0xffff;
	v10 =	vor.u32 v1, v10  }
0x17c: {  	v12 =	vadd.s32 s11, v7;
	_ =	sdelay $0x2  }
0x17d: {  	[tilespmem:s28+$0xFFFFFE20] =	vst v9;
	v9 =	vadd.s32 s12, v5  }
0x17e: {  	v10 =	vld.idx.msk [tilespmem:v10+s14+$0x0], $0xffff;
	[tilespmem:s26+$0xFFFFFED0] =	vst v11;
	v9 =	vand.u32 $0x1FF8, v9  }
0x17f: {  	v11 =	vld.idx.msk [tilespmem:v12+s14+$0x0], $0xffff;
	v9 =	vor.u32 v1, v9  }
0x180: {  	v12 =	vadd.s32 s11, v8;
	_ =	sdelay $0x2  }
0x181: {  	[tilespmem:s28+$0xFFFFFE30] =	vst v10;
	v10 =	vadd.s32 s12, v6  }
0x182: {  	v9 =	vld.idx.msk [tilespmem:v9+s14+$0x0], $0xffff;
	[tilespmem:s26+$0xFFFFFEE0] =	vst v11;
	v10 =	vand.u32 $0x3FF8, v10  }
0x183: {  	s17 =	simm.s32 $0x2;
	v11 =	vld.idx.msk [tilespmem:v12+s14+$0x0], $0xffff;
	v10 =	vor.u32 v1, v10  }
0x184: {  	v12 =	vadd.s32 s17, v0;
	_ =	sdelay $0x2  }
0x185: {  	[tilespmem:s28+$0xFFFFFE40] =	vst v9;
	v9 =	vadd.s32 s12, v7  }
0x186: {  	v10 =	vld.idx.msk [tilespmem:v10+s14+$0x0], $0xffff;
	[tilespmem:s26+$0xFFFFFEF0] =	vst v11;
	v9 =	vand.u32 $0x3FF8, v9  }
0x187: {  	v11 =	vld.idx.msk [tilespmem:v12+s14+$0x0], $0xffff;
	v9 =	vor.u32 v1, v9  }
0x188: {  	v12 =	vadd.s32 s17, v2;
	_ =	sdelay $0x2  }
0x189: {  	[tilespmem:s28+$0xFFFFFE50] =	vst v10;
	v10 =	vadd.s32 s12, v8  }
0x18a: {  	v9 =	vld.idx.msk [tilespmem:v9+s14+$0x0], $0xffff;
	[tilespmem:s26+$0xFFFFFF00] =	vst v11;
	v10 =	vand.u32 $0x7FF8, v10  }
0x18b: {  	v11 =	vld.idx.msk [tilespmem:v12+s14+$0x0], $0xffff;
	v10 =	vor.u32 v1, v10  }
0x18c: {  	v12 =	vadd.s32 s17, v3;
	_ =	sdelay $0x2  }
0x18d: {  	[tilespmem:s28+$0xFFFFFE60] =	vst v9  }
0x18e: {  	s21 =	simm.s32 $0x9;
	v9 =	vld.idx.msk [tilespmem:v10+s14+$0x0], $0xffff;
	[tilespmem:s26+$0xFFFFFF10] =	vst v11  }
0x18f: {  	v11 =	vadd.s32 s21, v0;
	v10 =	vld.idx.msk [tilespmem:v12+s14+$0x0], $0xffff  }
0x190: {  	v12 =	vadd.s32 s17, v4;
	_ =	sdelay $0x2  }
0x191: {  	[tilespmem:s28+$0xFFFFFE70] =	vst v9  }
0x192: {  	v9 =	vld.idx.msk [tilespmem:v11+s14+$0x0], $0xffff;
	[tilespmem:s26+$0xFFFFFF20] =	vst v10  }
0x193: {  	v11 =	vadd.s32 s21, v2;
	v10 =	vld.idx.msk [tilespmem:v12+s14+$0x0], $0xffff  }
0x194: {  	v12 =	vadd.s32 s17, v5;
	_ =	sdelay $0x2  }
0x195: {  	[tilespmem:s28+$0xFFFFFE80] =	vst v9  }
0x196: {  	v9 =	vld.idx.msk [tilespmem:v11+s14+$0x0], $0xffff;
	[tilespmem:s26+$0xFFFFFF30] =	vst v10  }
0x197: {  	v11 =	vadd.s32 s21, v3;
	v10 =	vld.idx.msk [tilespmem:v12+s14+$0x0], $0xffff  }
0x198: {  	v12 =	vadd.s32 s17, v6  }
0x199: {  	s22 =	simm.s32 $0x10  }
0x19a: {  	v13 =	vadd.s32 s22, v0  }
0x19b: {  	[tilespmem:s28+$0xFFFFFE90] =	vst v9;
	v9 =	vand.u32 $0x7F8, v13  }
0x19c: {  	v11 =	vld.idx.msk [tilespmem:v11+s14+$0x0], $0xffff;
	[tilespmem:s26+$0xFFFFFF40] =	vst v10;
	v9 =	vor.u32 v1, v9  }
0x19d: {  	v10 =	vld.idx.msk [tilespmem:v12+s14+$0x0], $0xffff;
	v12 =	vadd.s32 s21, v4  }
0x19e: {  	v13 =	vadd.s32 s17, v7;
	_ =	sdelay $0x1  }
0x19f: {  	v14 =	vadd.s32 s22, v2  }
0x1a0: {  	v9 =	vld.idx.msk [tilespmem:v9+s14+$0x0], $0xffff;
	[tilespmem:s28+$0xFFFFFEA0] =	vst v11;
	v11 =	vand.u32 $0xFF8, v14  }
0x1a1: {  	v12 =	vld.idx.msk [tilespmem:v12+s14+$0x0], $0xffff;
	[tilespmem:s26+$0xFFFFFF50] =	vst v10;
	v10 =	vor.u32 v1, v11  }
0x1a2: {  	v11 =	vld.idx.msk [tilespmem:v13+s14+$0x0], $0xffff;
	v13 =	vadd.s32 s21, v5  }
0x1a3: {  	v14 =	vadd.s32 s17, v8  }
0x1a4: {  	s29 =	simm.s32 $0xA400  }
0x1a5: {  	[tilespmem:s29+$0xFFFFFE00] =	vst v9;
	v9 =	vadd.s32 s22, v3  }
0x1a6: {  	v10 =	vld.idx.msk [tilespmem:v10+s14+$0x0], $0xffff;
	[tilespmem:s28+$0xFFFFFEB0] =	vst v12;
	v9 =	vand.u32 $0xFF8, v9  }
0x1a7: {  	v12 =	vld.idx.msk [tilespmem:v13+s14+$0x0], $0xffff;
	[tilespmem:s26+$0xFFFFFF60] =	vst v11;
	v9 =	vor.u32 v1, v9  }
0x1a8: {  	s23 =	simm.s32 $0x3;
	v13 =	vadd.s32 s21, v6;
	v11 =	vld.idx.msk [tilespmem:v14+s14+$0x0], $0xffff  }
0x1a9: {  	v14 =	vadd.s32 s23, v0;
	_ =	sdelay $0x1  }
0x1aa: {  	[tilespmem:s29+$0xFFFFFE10] =	vst v10;
	v10 =	vadd.s32 s22, v4  }
0x1ab: {  	v9 =	vld.idx.msk [tilespmem:v9+s14+$0x0], $0xffff;
	[tilespmem:s28+$0xFFFFFEC0] =	vst v12;
	v10 =	vand.u32 $0x1FF8, v10  }
0x1ac: {  	v12 =	vld.idx.msk [tilespmem:v13+s14+$0x0], $0xffff;
	[tilespmem:s26+$0xFFFFFF70] =	vst v11;
	v10 =	vor.u32 v1, v10  }
0x1ad: {  	v13 =	vadd.s32 s21, v7;
	v11 =	vld.idx.msk [tilespmem:v14+s14+$0x0], $0xffff  }
0x1ae: {  	v14 =	vadd.s32 s23, v2;
	_ =	sdelay $0x1  }
0x1af: {  	[tilespmem:s29+$0xFFFFFE20] =	vst v9;
	v9 =	vadd.s32 s22, v5  }
0x1b0: {  	v10 =	vld.idx.msk [tilespmem:v10+s14+$0x0], $0xffff;
	[tilespmem:s28+$0xFFFFFED0] =	vst v12;
	v9 =	vand.u32 $0x1FF8, v9  }
0x1b1: {  	v12 =	vld.idx.msk [tilespmem:v13+s14+$0x0], $0xffff;
	[tilespmem:s26+$0xFFFFFF80] =	vst v11;
	v9 =	vor.u32 v1, v9  }
0x1b2: {  	v13 =	vadd.s32 s21, v8;
	v11 =	vld.idx.msk [tilespmem:v14+s14+$0x0], $0xffff  }
0x1b3: {  	v14 =	vadd.s32 s23, v3;
	_ =	sdelay $0x1  }
0x1b4: {  	[tilespmem:s29+$0xFFFFFE30] =	vst v10;
	v10 =	vadd.s32 s22, v6  }
0x1b5: {  	v9 =	vld.idx.msk [tilespmem:v9+s14+$0x0], $0xffff;
	[tilespmem:s28+$0xFFFFFEE0] =	vst v12;
	v10 =	vand.u32 $0x3FF8, v10  }
0x1b6: {  	s2 =	simm.s32 $0xA;
	v12 =	vld.idx.msk [tilespmem:v13+s14+$0x0], $0xffff;
	[tilespmem:s26+$0xFFFFFF90] =	vst v11;
	v10 =	vor.u32 v1, v10  }
0x1b7: {  	v13 =	vadd.s32 s2, v0;
	v11 =	vld.idx.msk [tilespmem:v14+s14+$0x0], $0xffff  }
0x1b8: {  	v14 =	vadd.s32 s23, v4;
	_ =	sdelay $0x1  }
0x1b9: {  	[tilespmem:s29+$0xFFFFFE40] =	vst v9;
	v9 =	vadd.s32 s22, v7  }
0x1ba: {  	v10 =	vld.idx.msk [tilespmem:v10+s14+$0x0], $0xffff;
	[tilespmem:s28+$0xFFFFFEF0] =	vst v12;
	v9 =	vand.u32 $0x3FF8, v9  }
0x1bb: {  	v12 =	vld.idx.msk [tilespmem:v13+s14+$0x0], $0xffff;
	[tilespmem:s26+$0xFFFFFFA0] =	vst v11;
	v9 =	vor.u32 v1, v9  }
0x1bc: {  	v13 =	vadd.s32 s2, v2;
	v11 =	vld.idx.msk [tilespmem:v14+s14+$0x0], $0xffff  }
0x1bd: {  	v14 =	vadd.s32 s23, v5;
	_ =	sdelay $0x1  }
0x1be: {  	[tilespmem:s29+$0xFFFFFE50] =	vst v10;
	v10 =	vadd.s32 s22, v8  }
0x1bf: {  	v9 =	vld.idx.msk [tilespmem:v9+s14+$0x0], $0xffff;
	[tilespmem:s28+$0xFFFFFF00] =	vst v12;
	v10 =	vand.u32 $0x7FF8, v10  }
0x1c0: {  	v12 =	vld.idx.msk [tilespmem:v13+s14+$0x0], $0xffff;
	[tilespmem:s26+$0xFFFFFFB0] =	vst v11;
	v10 =	vor.u32 v1, v10  }
0x1c1: {  	v13 =	vadd.s32 s2, v3;
	v11 =	vld.idx.msk [tilespmem:v14+s14+$0x0], $0xffff  }
0x1c2: {  	v14 =	vadd.s32 s23, v6;
	_ =	sdelay $0x1  }
0x1c3: {  	[tilespmem:s29+$0xFFFFFE60] =	vst v9  }
0x1c4: {  	s5 =	simm.s32 $0x11;
	v9 =	vld.idx.msk [tilespmem:v10+s14+$0x0], $0xffff;
	[tilespmem:s28+$0xFFFFFF10] =	vst v12  }
0x1c5: {  	v10 =	vld.idx.msk [tilespmem:v13+s14+$0x0], $0xffff;
	[tilespmem:s26+$0xFFFFFFC0] =	vst v11;
	v11 =	vadd.s32 s5, v0  }
0x1c6: {  	v13 =	vadd.s32 s2, v4;
	v12 =	vld.idx.msk [tilespmem:v14+s14+$0x0], $0xffff  }
0x1c7: {  	v14 =	vadd.s32 s23, v7;
	_ =	sdelay $0x1  }
0x1c8: {  	[tilespmem:s29+$0xFFFFFE70] =	vst v9  }
0x1c9: {  	v9 =	vld.idx.msk [tilespmem:v11+s14+$0x0], $0xffff;
	[tilespmem:s28+$0xFFFFFF20] =	vst v10  }
0x1ca: {  	v11 =	vadd.s32 s5, v2;
	v10 =	vld.idx.msk [tilespmem:v13+s14+$0x0], $0xffff;
	[tilespmem:s26+$0xFFFFFFD0] =	vst v12  }
0x1cb: {  	v13 =	vadd.s32 s2, v5;
	v12 =	vld.idx.msk [tilespmem:v14+s14+$0x0], $0xffff  }
0x1cc: {  	v14 =	vadd.s32 s23, v8;
	_ =	sdelay $0x1  }
0x1cd: {  	[tilespmem:s29+$0xFFFFFE80] =	vst v9  }
0x1ce: {  	v9 =	vld.idx.msk [tilespmem:v11+s14+$0x0], $0xffff;
	[tilespmem:s28+$0xFFFFFF30] =	vst v10  }
0x1cf: {  	v11 =	vadd.s32 s5, v3;
	v10 =	vld.idx.msk [tilespmem:v13+s14+$0x0], $0xffff;
	[tilespmem:s26+$0xFFFFFFE0] =	vst v12  }
0x1d0: {  	s7 =	simm.s32 $0x4;
	v13 =	vadd.s32 s2, v6;
	v12 =	vld.idx.msk [tilespmem:v14+s14+$0x0], $0xffff  }
0x1d1: {  	s8 =	simm.s32 $0x18;
	v14 =	vadd.s32 s7, v0  }
0x1d2: {  	v15 =	vadd.s32 s8, v0  }
0x1d3: {  	[tilespmem:s29+$0xFFFFFE90] =	vst v9;
	v9 =	vand.u32 $0x7F8, v15  }
0x1d4: {  	v11 =	vld.idx.msk [tilespmem:v11+s14+$0x0], $0xffff;
	[tilespmem:s28+$0xFFFFFF40] =	vst v10;
	v9 =	vor.u32 v1, v9  }
0x1d5: {  	v10 =	vld.idx.msk [tilespmem:v13+s14+$0x0], $0xffff;
	[tilespmem:s26+$0xFFFFFFF0] =	vst v12;
	v12 =	vadd.s32 s5, v4  }
0x1d6: {  	v13 =	vld.idx.msk [tilespmem:v14+s14+$0x0], $0xffff;
	v14 =	vadd.s32 s2, v7  }
0x1d7: {  	v15 =	vadd.s32 s7, v2  }
0x1d8: {  	v16 =	vadd.s32 s8, v2  }
0x1d9: {  	v9 =	vld.idx.msk [tilespmem:v9+s14+$0x0], $0xffff;
	[tilespmem:s29+$0xFFFFFEA0] =	vst v11;
	v11 =	vand.u32 $0xFF8, v16  }
0x1da: {  	v12 =	vld.idx.msk [tilespmem:v12+s14+$0x0], $0xffff;
	[tilespmem:s28+$0xFFFFFF50] =	vst v10;
	v10 =	vor.u32 v1, v11  }
0x1db: {  	v11 =	vld.idx.msk [tilespmem:v14+s14+$0x0], $0xffff;
	[tilespmem:s26+$0x0] =	vst v13;
	v13 =	vadd.s32 s5, v5  }
0x1dc: {  	v14 =	vld.idx.msk [tilespmem:v15+s14+$0x0], $0xffff;
	v15 =	vadd.s32 s2, v8  }
0x1dd: {  	s30 =	simm.s32 $0xA800;
	v16 =	vadd.s32 s7, v3  }
0x1de: {  	[tilespmem:s30+$0xFFFFFE00] =	vst v9;
	v9 =	vadd.s32 s8, v3  }
0x1df: {  	v10 =	vld.idx.msk [tilespmem:v10+s14+$0x0], $0xffff;
	[tilespmem:s29+$0xFFFFFEB0] =	vst v12;
	v9 =	vand.u32 $0xFF8, v9  }
0x1e0: {  	v12 =	vld.idx.msk [tilespmem:v13+s14+$0x0], $0xffff;
	[tilespmem:s28+$0xFFFFFF60] =	vst v11;
	v9 =	vor.u32 v1, v9  }
0x1e1: {  	s9 =	simm.s32 $0xB;
	v13 =	vadd.s32 s5, v6;
	v11 =	vld.idx.msk [tilespmem:v15+s14+$0x0], $0xffff;
	[tilespmem:s26+$0x10] =	vst v14  }
0x1e2: {  	v15 =	vadd.s32 s9, v0;
	v14 =	vld.idx.msk [tilespmem:v16+s14+$0x0], $0xffff  }
0x1e3: {  	v16 =	vadd.s32 s7, v4  }
0x1e4: {  	[tilespmem:s30+$0xFFFFFE10] =	vst v10;
	v10 =	vadd.s32 s8, v4  }
0x1e5: {  	v9 =	vld.idx.msk [tilespmem:v9+s14+$0x0], $0xffff;
	[tilespmem:s29+$0xFFFFFEC0] =	vst v12;
	v10 =	vand.u32 $0x1FF8, v10  }
0x1e6: {  	v12 =	vld.idx.msk [tilespmem:v13+s14+$0x0], $0xffff;
	[tilespmem:s28+$0xFFFFFF70] =	vst v11;
	v10 =	vor.u32 v1, v10  }
0x1e7: {  	v13 =	vadd.s32 s5, v7;
	v11 =	vld.idx.msk [tilespmem:v15+s14+$0x0], $0xffff;
	[tilespmem:s26+$0x20] =	vst v14  }
0x1e8: {  	v15 =	vadd.s32 s9, v2;
	v14 =	vld.idx.msk [tilespmem:v16+s14+$0x0], $0xffff  }
0x1e9: {  	v16 =	vadd.s32 s7, v5  }
0x1ea: {  	[tilespmem:s30+$0xFFFFFE20] =	vst v9;
	v9 =	vadd.s32 s8, v5  }
0x1eb: {  	v10 =	vld.idx.msk [tilespmem:v10+s14+$0x0], $0xffff;
	[tilespmem:s29+$0xFFFFFED0] =	vst v12;
	v9 =	vand.u32 $0x1FF8, v9  }
0x1ec: {  	v12 =	vld.idx.msk [tilespmem:v13+s14+$0x0], $0xffff;
	[tilespmem:s28+$0xFFFFFF80] =	vst v11;
	v9 =	vor.u32 v1, v9  }
0x1ed: {  	v13 =	vadd.s32 s5, v8;
	v11 =	vld.idx.msk [tilespmem:v15+s14+$0x0], $0xffff;
	[tilespmem:s26+$0x30] =	vst v14  }
0x1ee: {  	v15 =	vadd.s32 s9, v3;
	v14 =	vld.idx.msk [tilespmem:v16+s14+$0x0], $0xffff  }
0x1ef: {  	v16 =	vadd.s32 s7, v6  }
0x1f0: {  	[tilespmem:s30+$0xFFFFFE30] =	vst v10;
	v10 =	vadd.s32 s8, v6  }
0x1f1: {  	v9 =	vld.idx.msk [tilespmem:v9+s14+$0x0], $0xffff;
	[tilespmem:s29+$0xFFFFFEE0] =	vst v12;
	v10 =	vand.u32 $0x3FF8, v10  }
0x1f2: {  	s10 =	simm.s32 $0x12;
	v12 =	vld.idx.msk [tilespmem:v13+s14+$0x0], $0xffff;
	[tilespmem:s28+$0xFFFFFF90] =	vst v11;
	v10 =	vor.u32 v1, v10  }
0x1f3: {  	v13 =	vadd.s32 s10, v0;
	v11 =	vld.idx.msk [tilespmem:v15+s14+$0x0], $0xffff;
	[tilespmem:s26+$0x40] =	vst v14  }
0x1f4: {  	v15 =	vadd.s32 s9, v4;
	v14 =	vld.idx.msk [tilespmem:v16+s14+$0x0], $0xffff  }
0x1f5: {  	v16 =	vadd.s32 s7, v7  }
0x1f6: {  	[tilespmem:s30+$0xFFFFFE40] =	vst v9;
	v9 =	vadd.s32 s8, v7  }
0x1f7: {  	v10 =	vld.idx.msk [tilespmem:v10+s14+$0x0], $0xffff;
	[tilespmem:s29+$0xFFFFFEF0] =	vst v12;
	v9 =	vand.u32 $0x3FF8, v9  }
0x1f8: {  	v12 =	vld.idx.msk [tilespmem:v13+s14+$0x0], $0xffff;
	[tilespmem:s28+$0xFFFFFFA0] =	vst v11;
	v9 =	vor.u32 v1, v9  }
0x1f9: {  	v13 =	vadd.s32 s10, v2;
	v11 =	vld.idx.msk [tilespmem:v15+s14+$0x0], $0xffff;
	[tilespmem:s26+$0x50] =	vst v14  }
0x1fa: {  	v15 =	vadd.s32 s9, v5;
	v14 =	vld.idx.msk [tilespmem:v16+s14+$0x0], $0xffff  }
0x1fb: {  	v16 =	vadd.s32 s7, v8  }
0x1fc: {  	[tilespmem:s30+$0xFFFFFE50] =	vst v10;
	v10 =	vadd.s32 s8, v8  }
0x1fd: {  	v9 =	vld.idx.msk [tilespmem:v9+s14+$0x0], $0xffff;
	[tilespmem:s29+$0xFFFFFF00] =	vst v12;
	v10 =	vand.u32 $0x7FF8, v10  }
0x1fe: {  	v12 =	vld.idx.msk [tilespmem:v13+s14+$0x0], $0xffff;
	[tilespmem:s28+$0xFFFFFFB0] =	vst v11;
	v10 =	vor.u32 v1, v10  }
0x1ff: {  	v13 =	vadd.s32 s10, v3;
	v11 =	vld.idx.msk [tilespmem:v15+s14+$0x0], $0xffff;
	[tilespmem:s26+$0x60] =	vst v14  }
0x200: {  	s11 =	simm.s32 $0x5;
	v15 =	vadd.s32 s9, v6;
	v14 =	vld.idx.msk [tilespmem:v16+s14+$0x0], $0xffff  }
0x201: {  	v16 =	vadd.s32 s11, v0  }
0x202: {  	[tilespmem:s30+$0xFFFFFE60] =	vst v9  }
0x203: {  	s12 =	simm.s32 $0x19;
	v9 =	vld.idx.msk [tilespmem:v10+s14+$0x0], $0xffff;
	[tilespmem:s29+$0xFFFFFF10] =	vst v12  }
0x204: {  	v10 =	vld.idx.msk [tilespmem:v13+s14+$0x0], $0xffff;
	[tilespmem:s28+$0xFFFFFFC0] =	vst v11;
	v11 =	vadd.s32 s12, v0  }
0x205: {  	v13 =	vadd.s32 s10, v4;
	v12 =	vld.idx.msk [tilespmem:v15+s14+$0x0], $0xffff;
	[tilespmem:s26+$0x70] =	vst v14  }
0x206: {  	v15 =	vadd.s32 s9, v7;
	v14 =	vld.idx.msk [tilespmem:v16+s14+$0x0], $0xffff  }
0x207: {  	v16 =	vadd.s32 s11, v2  }
0x208: {  	[tilespmem:s30+$0xFFFFFE70] =	vst v9  }
0x209: {  	v9 =	vld.idx.msk [tilespmem:v11+s14+$0x0], $0xffff;
	[tilespmem:s29+$0xFFFFFF20] =	vst v10  }
0x20a: {  	v11 =	vadd.s32 s12, v2;
	v10 =	vld.idx.msk [tilespmem:v13+s14+$0x0], $0xffff;
	[tilespmem:s28+$0xFFFFFFD0] =	vst v12  }
0x20b: {  	v13 =	vadd.s32 s10, v5;
	v12 =	vld.idx.msk [tilespmem:v15+s14+$0x0], $0xffff;
	[tilespmem:s26+$0x80] =	vst v14  }
0x20c: {  	v15 =	vadd.s32 s9, v8;
	v14 =	vld.idx.msk [tilespmem:v16+s14+$0x0], $0xffff  }
0x20d: {  	v16 =	vadd.s32 s11, v3  }
0x20e: {  	[tilespmem:s30+$0xFFFFFE80] =	vst v9  }
0x20f: {  	v9 =	vld.idx.msk [tilespmem:v11+s14+$0x0], $0xffff;
	[tilespmem:s29+$0xFFFFFF30] =	vst v10  }
0x210: {  	v11 =	vadd.s32 s12, v3;
	v10 =	vld.idx.msk [tilespmem:v13+s14+$0x0], $0xffff;
	[tilespmem:s28+$0xFFFFFFE0] =	vst v12  }
0x211: {  	s17 =	simm.s32 $0xC;
	v13 =	vadd.s32 s10, v6;
	v12 =	vld.idx.msk [tilespmem:v15+s14+$0x0], $0xffff;
	[tilespmem:s26+$0x90] =	vst v14  }
0x212: {  	s21 =	simm.s32 $0x20;
	v15 =	vadd.s32 s17, v0;
	v14 =	vld.idx.msk [tilespmem:v16+s14+$0x0], $0xffff  }
0x213: {  	v17 =	vadd.s32 s21, v0;
	v16 =	vadd.s32 s11, v4  }
0x214: {  	[tilespmem:s30+$0xFFFFFE90] =	vst v9;
	v9 =	vand.u32 $0x7F8, v17  }
0x215: {  	v11 =	vld.idx.msk [tilespmem:v11+s14+$0x0], $0xffff;
	[tilespmem:s29+$0xFFFFFF40] =	vst v10;
	v9 =	vor.u32 v1, v9  }
0x216: {  	v10 =	vld.idx.msk [tilespmem:v13+s14+$0x0], $0xffff;
	[tilespmem:s28+$0xFFFFFFF0] =	vst v12;
	v12 =	vadd.s32 s12, v4  }
0x217: {  	v13 =	vld.idx.msk [tilespmem:v15+s14+$0x0], $0xffff;
	[tilespmem:s26+$0xA0] =	vst v14;
	v14 =	vadd.s32 s10, v7  }
0x218: {  	v15 =	vld.idx.msk [tilespmem:v16+s14+$0x0], $0xffff;
	v16 =	vadd.s32 s17, v2  }
0x219: {  	v18 =	vadd.s32 s21, v2;
	v17 =	vadd.s32 s11, v5  }
0x21a: {  	v9 =	vld.idx.msk [tilespmem:v9+s14+$0x0], $0xffff;
	[tilespmem:s30+$0xFFFFFEA0] =	vst v11;
	v11 =	vand.u32 $0xFF8, v18  }
0x21b: {  	v12 =	vld.idx.msk [tilespmem:v12+s14+$0x0], $0xffff;
	[tilespmem:s29+$0xFFFFFF50] =	vst v10;
	v10 =	vor.u32 v1, v11  }
0x21c: {  	v11 =	vld.idx.msk [tilespmem:v14+s14+$0x0], $0xffff;
	[tilespmem:s28+$0x0] =	vst v13;
	v13 =	vadd.s32 s12, v5  }
0x21d: {  	v14 =	vld.idx.msk [tilespmem:v16+s14+$0x0], $0xffff;
	[tilespmem:s26+$0xB0] =	vst v15;
	v15 =	vadd.s32 s10, v8  }
0x21e: {  	s31 =	simm.s32 $0xAC00;
	v16 =	vld.idx.msk [tilespmem:v17+s14+$0x0], $0xffff;
	v17 =	vadd.s32 s17, v3  }
0x21f: {  	v18 =	vadd.s32 s21, v3;
	[tilespmem:s31+$0xFFFFFE00] =	vst v9;
	v9 =	vadd.s32 s11, v6  }
0x220: {  	v10 =	vld.idx.msk [tilespmem:v10+s14+$0x0], $0xffff;
	[tilespmem:s30+$0xFFFFFEB0] =	vst v12;
	v12 =	vand.u32 $0xFF8, v18  }
0x221: {  	v13 =	vld.idx.msk [tilespmem:v13+s14+$0x0], $0xffff;
	[tilespmem:s29+$0xFFFFFF60] =	vst v11;
	v11 =	vor.u32 v1, v12  }
0x222: {  	s22 =	simm.s32 $0x13;
	v12 =	vld.idx.msk [tilespmem:v15+s14+$0x0], $0xffff;
	[tilespmem:s28+$0x10] =	vst v14;
	v14 =	vadd.s32 s12, v6  }
0x223: {  	v15 =	vld.idx.msk [tilespmem:v17+s14+$0x0], $0xffff;
	[tilespmem:s26+$0xC0] =	vst v16;
	v16 =	vadd.s32 s22, v0  }
0x224: {  	v17 =	vadd.s32 s17, v4;
	v9 =	vld.idx.msk [tilespmem:v9+s14+$0x0], $0xffff  }
0x225: {  	v18 =	vadd.s32 s21, v4;
	[tilespmem:s31+$0xFFFFFE10] =	vst v10;
	v10 =	vadd.s32 s11, v7  }
0x226: {  	v11 =	vld.idx.msk [tilespmem:v11+s14+$0x0], $0xffff;
	[tilespmem:s30+$0xFFFFFEC0] =	vst v13;
	v13 =	vand.u32 $0x1FF8, v18  }
0x227: {  	v14 =	vld.idx.msk [tilespmem:v14+s14+$0x0], $0xffff;
	[tilespmem:s29+$0xFFFFFF70] =	vst v12;
	v12 =	vor.u32 v1, v13  }
0x228: {  	v13 =	vld.idx.msk [tilespmem:v16+s14+$0x0], $0xffff;
	[tilespmem:s28+$0x20] =	vst v15;
	v15 =	vadd.s32 s12, v7  }
0x229: {  	v16 =	vld.idx.msk [tilespmem:v17+s14+$0x0], $0xffff;
	[tilespmem:s26+$0xD0] =	vst v9;
	v9 =	vadd.s32 s22, v2  }
0x22a: {  	v17 =	vadd.s32 s17, v5;
	v10 =	vld.idx.msk [tilespmem:v10+s14+$0x0], $0xffff  }
0x22b: {  	v18 =	vadd.s32 s21, v5;
	[tilespmem:s31+$0xFFFFFE20] =	vst v11;
	v11 =	vadd.s32 s11, v8  }
0x22c: {  	v12 =	vld.idx.msk [tilespmem:v12+s14+$0x0], $0xffff;
	[tilespmem:s30+$0xFFFFFED0] =	vst v14;
	v14 =	vand.u32 $0x1FF8, v18  }
0x22d: {  	v15 =	vld.idx.msk [tilespmem:v15+s14+$0x0], $0xffff;
	[tilespmem:s29+$0xFFFFFF80] =	vst v13;
	v13 =	vor.u32 v1, v14  }
0x22e: {  	v14 =	vadd.s32 s12, v8;
	v9 =	vld.idx.msk [tilespmem:v9+s14+$0x0], $0xffff;
	[tilespmem:s28+$0x30] =	vst v16  }
0x22f: {  	v16 =	vld.idx.msk [tilespmem:v17+s14+$0x0], $0xffff;
	[tilespmem:s26+$0xE0] =	vst v10;
	v10 =	vadd.s32 s22, v3  }
0x230: {  	s10 =	simm.s32 $0x6;
	v17 =	vadd.s32 s17, v6;
	v11 =	vld.idx.msk [tilespmem:v11+s14+$0x0], $0xffff  }
0x231: {  	v18 =	vadd.s32 s21, v6;
	[tilespmem:s31+$0xFFFFFE30] =	vst v12;
	v12 =	vadd.s32 s10, v0  }
0x232: {  	v13 =	vld.idx.msk [tilespmem:v13+s14+$0x0], $0xffff;
	[tilespmem:s30+$0xFFFFFEE0] =	vst v15;
	v15 =	vand.u32 $0x3FF8, v18  }
0x233: {  	s12 =	simm.s32 $0x1A;
	v14 =	vld.idx.msk [tilespmem:v14+s14+$0x0], $0xffff;
	[tilespmem:s29+$0xFFFFFF90] =	vst v9;
	v9 =	vor.u32 v1, v15  }
0x234: {  	v15 =	vadd.s32 s12, v0;
	v10 =	vld.idx.msk [tilespmem:v10+s14+$0x0], $0xffff;
	[tilespmem:s28+$0x40] =	vst v16  }
0x235: {  	v16 =	vld.idx.msk [tilespmem:v17+s14+$0x0], $0xffff;
	[tilespmem:s26+$0xF0] =	vst v11;
	v11 =	vadd.s32 s22, v4  }
0x236: {  	v17 =	vadd.s32 s17, v7;
	v12 =	vld.idx.msk [tilespmem:v12+s14+$0x0], $0xffff  }
0x237: {  	v18 =	vadd.s32 s21, v7;
	[tilespmem:s31+$0xFFFFFE40] =	vst v13;
	v13 =	vadd.s32 s10, v2  }
0x238: {  	v9 =	vld.idx.msk [tilespmem:v9+s14+$0x0], $0xffff;
	[tilespmem:s30+$0xFFFFFEF0] =	vst v14;
	v14 =	vand.u32 $0x3FF8, v18  }
0x239: {  	v15 =	vld.idx.msk [tilespmem:v15+s14+$0x0], $0xffff;
	[tilespmem:s29+$0xFFFFFFA0] =	vst v10;
	v10 =	vor.u32 v1, v14  }
0x23a: {  	v14 =	vadd.s32 s12, v2;
	v11 =	vld.idx.msk [tilespmem:v11+s14+$0x0], $0xffff;
	[tilespmem:s28+$0x50] =	vst v16  }
0x23b: {  	v16 =	vld.idx.msk [tilespmem:v17+s14+$0x0], $0xffff;
	[tilespmem:s26+$0x100] =	vst v12;
	v12 =	vadd.s32 s22, v5  }
0x23c: {  	v17 =	vadd.s32 s17, v8;
	v13 =	vld.idx.msk [tilespmem:v13+s14+$0x0], $0xffff  }
0x23d: {  	v18 =	vadd.s32 s21, v8;
	[tilespmem:s31+$0xFFFFFE50] =	vst v9;
	v9 =	vadd.s32 s10, v3  }
0x23e: {  	v10 =	vld.idx.msk [tilespmem:v10+s14+$0x0], $0xffff;
	[tilespmem:s30+$0xFFFFFF00] =	vst v15;
	v15 =	vand.u32 $0x7FF8, v18  }
0x23f: {  	v14 =	vld.idx.msk [tilespmem:v14+s14+$0x0], $0xffff;
	[tilespmem:s29+$0xFFFFFFB0] =	vst v11;
	v11 =	vor.u32 v1, v15  }
0x240: {  	v15 =	vadd.s32 s12, v3;
	v12 =	vld.idx.msk [tilespmem:v12+s14+$0x0], $0xffff;
	[tilespmem:s28+$0x60] =	vst v16  }
0x241: {  	s23 =	simm.s32 $0xD;
	v16 =	vld.idx.msk [tilespmem:v17+s14+$0x0], $0xffff;
	[tilespmem:s26+$0x110] =	vst v13;
	v13 =	vadd.s32 s22, v6  }
0x242: {  	v17 =	vadd.s32 s23, v0;
	v9 =	vld.idx.msk [tilespmem:v9+s14+$0x0], $0xffff  }
0x243: {  	[tilespmem:s31+$0xFFFFFE60] =	vst v10  }
0x244: {  	s17 =	simm.s32 $0x21;
	v10 =	vadd.s32 s10, v4;
	v11 =	vld.idx.msk [tilespmem:v11+s14+$0x0], $0xffff;
	[tilespmem:s30+$0xFFFFFF10] =	vst v14  }
0x245: {  	v14 =	vld.idx.msk [tilespmem:v15+s14+$0x0], $0xffff;
	[tilespmem:s29+$0xFFFFFFC0] =	vst v12;
	v12 =	vadd.s32 s17, v0  }
0x246: {  	v15 =	vadd.s32 s12, v4;
	v13 =	vld.idx.msk [tilespmem:v13+s14+$0x0], $0xffff;
	[tilespmem:s28+$0x70] =	vst v16  }
0x247: {  	v16 =	vld.idx.msk [tilespmem:v17+s14+$0x0], $0xffff;
	[tilespmem:s26+$0x120] =	vst v9;
	v9 =	vadd.s32 s22, v7  }
0x248: {  	v17 =	vadd.s32 s23, v2  }
0x249: {  	v10 =	vld.idx.msk [tilespmem:v10+s14+$0x0], $0xffff;
	[tilespmem:s31+$0xFFFFFE70] =	vst v11  }
0x24a: {  	v11 =	vadd.s32 s10, v5;
	v12 =	vld.idx.msk [tilespmem:v12+s14+$0x0], $0xffff;
	[tilespmem:s30+$0xFFFFFF20] =	vst v14  }
0x24b: {  	v14 =	vld.idx.msk [tilespmem:v15+s14+$0x0], $0xffff;
	[tilespmem:s29+$0xFFFFFFD0] =	vst v13  }
0x24c: {  	v13 =	vadd.s32 s17, v2;
	v9 =	vld.idx.msk [tilespmem:v9+s14+$0x0], $0xffff;
	[tilespmem:s28+$0x80] =	vst v16  }
0x24d: {  	v15 =	vadd.s32 s12, v5;
	v17 =	vld.idx.msk [tilespmem:v17+s14+$0x0], $0xffff  }
0x24e: {  	[tilespmem:s26+$0x130] =	vst v10;
	v10 =	vadd.s32 s22, v8  }
0x24f: {  	v18 =	vadd.s32 s23, v3;
	v11 =	vld.idx.msk [tilespmem:v11+s14+$0x0], $0xffff;
	[tilespmem:s31+$0xFFFFFE80] =	vst v12  }
0x250: {  	v19 =	vadd.s32 s10, v6;
	[tilespmem:s30+$0xFFFFFF30] =	vst v14  }
0x251: {  	v16 =	vld.idx.msk [tilespmem:v13+s14+$0x0], $0xffff;
	[tilespmem:s29+$0xFFFFFFE0] =	vst v9  }
0x252: {  	v14 =	vld.idx.msk [tilespmem:v15+s14+$0x0], $0xffff;
	[tilespmem:s28+$0x90] =	vst v17;
	v17 =	vadd.s32 s17, v3  }
0x253: {  	s3 =	simm.s32 $0xF;
	s1 =	simm.s32 $0x27;
	s11 =	simm.s32 $0x14;
	v15 =	vadd.s32 s12, v6;
	v12 =	vld.idx.msk [tilespmem:v10+s14+$0x0], $0xffff  }
0x254: {  	s0 =	simm.s32 $0x2F;
	s5 =	simm.s32 $0x1F;
	s7 =	simm.s32 $0x7;
	v13 =	vadd.s32 s11, v0;
	v10 =	vld.idx.msk [tilespmem:v18+s14+$0x0], $0xffff;
	[tilespmem:s26+$0x140] =	vst v11  }
0x255: {  	s8 =	simm.s32 $0x28;
	s9 =	simm.s32 $0x17;
	s22 =	simm.s32 $0x37;
	v11 =	vadd.s32 s23, v4;
	v9 =	vld.idx.msk [tilespmem:v19+s14+$0x0], $0xffff  }
.LBB2_5:
0x256: {  	p1 =	sne.s32 s22, $0x3F;
	v18 =	vadd.s32 s8, v0;
	[tilespmem:s31+$0xFFFFFE90] =	vst v16;
	v16 =	vadd.s32 s10, v7;
	s21 =	smov.u32 s31  }
0x257: {  	v18 =	vand.u32 $0x7F8, v18;
	v17 =	vld.idx.msk [tilespmem:v17+s14+$0x0], $0xffff;
	[tilespmem:s30+$0xFFFFFF40] =	vst v14  }
0x258: {  	v14 =	vor.u32 v1, v18;
	v15 =	vld.idx.msk [tilespmem:v15+s14+$0x0], $0xffff;
	[tilespmem:s29+$0xFFFFFFF0] =	vst v12  }
0x259: {  	v12 =	vadd.s32 s17, v4;
	v13 =	vld.idx.msk [tilespmem:v13+s14+$0x0], $0xffff;
	[tilespmem:s28+$0xA0] =	vst v10  }
0x25a: {  	v10 =	vadd.s32 s12, v7;
	v11 =	vld.idx.msk [tilespmem:v11+s14+$0x0], $0xffff;
	[tilespmem:s26+$0x150] =	vst v9  }
0x25b: {  	v9 =	vadd.s32 s11, v2;
	v16 =	vld.idx.msk [tilespmem:v16+s14+$0x0], $0xffff  }
0x25c: {  	v18 =	vadd.s32 s23, v5  }
0x25d: {  	v19 =	vadd.s32 s8, v2;
	v14 =	vld.idx.msk [tilespmem:v14+s14+$0x0], $0xffff;
	[tilespmem:s31+$0xFFFFFEA0] =	vst v17;
	v17 =	vadd.s32 s10, v8  }
0x25e: {  	v19 =	vand.u32 $0xFF8, v19;
	v12 =	vld.idx.msk [tilespmem:v12+s14+$0x0], $0xffff;
	[tilespmem:s30+$0xFFFFFF50] =	vst v15  }
0x25f: {  	v15 =	vor.u32 v1, v19;
	v10 =	vld.idx.msk [tilespmem:v10+s14+$0x0], $0xffff;
	[tilespmem:s29+$0x0] =	vst v13  }
0x260: {  	v13 =	vadd.s32 s17, v5;
	v9 =	vld.idx.msk [tilespmem:v9+s14+$0x0], $0xffff;
	[tilespmem:s28+$0xB0] =	vst v11  }
0x261: {  	v11 =	vadd.s32 s12, v8;
	v18 =	vld.idx.msk [tilespmem:v18+s14+$0x0], $0xffff;
	[tilespmem:s26+$0x160] =	vst v16  }
0x262: {  	s31 =	sadd.s32 $0x400, s31;
	v16 =	vadd.s32 s11, v3;
	v17 =	vld.idx.msk [tilespmem:v17+s14+$0x0], $0xffff  }
0x263: {  	[tilespmem:s31+$0xFFFFFE00] =	vst v14;
	v14 =	vadd.s32 s23, v6  }
0x264: {  	v19 =	vadd.s32 s8, v3;
	v15 =	vld.idx.msk [tilespmem:v15+s14+$0x0], $0xffff;
	[tilespmem:s21+$0xFFFFFEB0] =	vst v12;
	v12 =	vadd.s32 s7, v0  }
0x265: {  	v19 =	vand.u32 $0xFF8, v19;
	v13 =	vld.idx.msk [tilespmem:v13+s14+$0x0], $0xffff;
	[tilespmem:s30+$0xFFFFFF60] =	vst v10  }
0x266: {  	v10 =	vor.u32 v1, v19;
	v11 =	vld.idx.msk [tilespmem:v11+s14+$0x0], $0xffff;
	[tilespmem:s29+$0x10] =	vst v9  }
0x267: {  	s2 =	sadd.s32 $0xFFFFFFFC, s5;
	v9 =	vadd.s32 s17, v6;
	v16 =	vld.idx.msk [tilespmem:v16+s14+$0x0], $0xffff;
	[tilespmem:s28+$0xC0] =	vst v18  }
0x268: {  	v18 =	vadd.s32 s2, v0;
	v14 =	vld.idx.msk [tilespmem:v14+s14+$0x0], $0xffff;
	[tilespmem:s26+$0x170] =	vst v17  }
0x269: {  	v17 =	vadd.s32 s11, v4;
	v12 =	vld.idx.msk [tilespmem:v12+s14+$0x0], $0xffff  }
0x26a: {  	[tilespmem:s31+$0xFFFFFE10] =	vst v15;
	v15 =	vadd.s32 s23, v7  }
0x26b: {  	v19 =	vadd.s32 s8, v4;
	v10 =	vld.idx.msk [tilespmem:v10+s14+$0x0], $0xffff;
	[tilespmem:s21+$0xFFFFFEC0] =	vst v13;
	v13 =	vadd.s32 s7, v2  }
0x26c: {  	v19 =	vand.u32 $0x1FF8, v19;
	v9 =	vld.idx.msk [tilespmem:v9+s14+$0x0], $0xffff;
	[tilespmem:s30+$0xFFFFFF70] =	vst v11  }
0x26d: {  	v11 =	vor.u32 v1, v19;
	v18 =	vld.idx.msk [tilespmem:v18+s14+$0x0], $0xffff;
	[tilespmem:s29+$0x20] =	vst v16  }
0x26e: {  	v16 =	vadd.s32 s17, v7;
	v17 =	vld.idx.msk [tilespmem:v17+s14+$0x0], $0xffff;
	[tilespmem:s28+$0xD0] =	vst v14  }
0x26f: {  	v14 =	vadd.s32 s2, v2;
	v15 =	vld.idx.msk [tilespmem:v15+s14+$0x0], $0xffff;
	[tilespmem:s26+$0x180] =	vst v12  }
0x270: {  	v12 =	vadd.s32 s11, v5;
	v13 =	vld.idx.msk [tilespmem:v13+s14+$0x0], $0xffff  }
0x271: {  	[tilespmem:s31+$0xFFFFFE20] =	vst v10;
	v10 =	vadd.s32 s23, v8  }
0x272: {  	v19 =	vadd.s32 s8, v5;
	v11 =	vld.idx.msk [tilespmem:v11+s14+$0x0], $0xffff;
	[tilespmem:s21+$0xFFFFFED0] =	vst v9;
	v9 =	vadd.s32 s7, v3  }
0x273: {  	v19 =	vand.u32 $0x1FF8, v19;
	v16 =	vld.idx.msk [tilespmem:v16+s14+$0x0], $0xffff;
	[tilespmem:s30+$0xFFFFFF80] =	vst v18  }
0x274: {  	v18 =	vor.u32 v1, v19;
	v14 =	vld.idx.msk [tilespmem:v14+s14+$0x0], $0xffff;
	[tilespmem:s29+$0x30] =	vst v17  }
0x275: {  	v17 =	vadd.s32 s17, v8;
	v12 =	vld.idx.msk [tilespmem:v12+s14+$0x0], $0xffff;
	[tilespmem:s28+$0xE0] =	vst v15  }
0x276: {  	v15 =	vadd.s32 s2, v3;
	v10 =	vld.idx.msk [tilespmem:v10+s14+$0x0], $0xffff;
	[tilespmem:s26+$0x190] =	vst v13  }
0x277: {  	s10 =	sadd.s32 $0xFFFFFFFF, s3;
	v13 =	vadd.s32 s11, v6;
	v9 =	vld.idx.msk [tilespmem:v9+s14+$0x0], $0xffff  }
0x278: {  	[tilespmem:s31+$0xFFFFFE30] =	vst v11;
	v11 =	vadd.s32 s10, v0  }
0x279: {  	v19 =	vadd.s32 s8, v6;
	v18 =	vld.idx.msk [tilespmem:v18+s14+$0x0], $0xffff;
	[tilespmem:s21+$0xFFFFFEE0] =	vst v16;
	v16 =	vadd.s32 s7, v4  }
0x27a: {  	v19 =	vand.u32 $0x3FF8, v19;
	v17 =	vld.idx.msk [tilespmem:v17+s14+$0x0], $0xffff;
	[tilespmem:s30+$0xFFFFFF90] =	vst v14  }
0x27b: {  	s12 =	sadd.s32 $0xFFFFFFFB, s1;
	v14 =	vor.u32 v1, v19;
	v15 =	vld.idx.msk [tilespmem:v15+s14+$0x0], $0xffff;
	[tilespmem:s29+$0x40] =	vst v12  }
0x27c: {  	v12 =	vadd.s32 s12, v0;
	v13 =	vld.idx.msk [tilespmem:v13+s14+$0x0], $0xffff;
	[tilespmem:s28+$0xF0] =	vst v10  }
0x27d: {  	v10 =	vadd.s32 s2, v4;
	v11 =	vld.idx.msk [tilespmem:v11+s14+$0x0], $0xffff;
	[tilespmem:s26+$0x1A0] =	vst v9  }
0x27e: {  	v9 =	vadd.s32 s11, v7;
	v16 =	vld.idx.msk [tilespmem:v16+s14+$0x0], $0xffff  }
0x27f: {  	[tilespmem:s31+$0xFFFFFE40] =	vst v18;
	v18 =	vadd.s32 s10, v2  }
0x280: {  	v19 =	vadd.s32 s8, v7;
	v14 =	vld.idx.msk [tilespmem:v14+s14+$0x0], $0xffff;
	[tilespmem:s21+$0xFFFFFEF0] =	vst v17;
	v17 =	vadd.s32 s7, v5  }
0x281: {  	v19 =	vand.u32 $0x3FF8, v19;
	v12 =	vld.idx.msk [tilespmem:v12+s14+$0x0], $0xffff;
	[tilespmem:s30+$0xFFFFFFA0] =	vst v15  }
0x282: {  	v15 =	vor.u32 v1, v19;
	v10 =	vld.idx.msk [tilespmem:v10+s14+$0x0], $0xffff;
	[tilespmem:s29+$0x50] =	vst v13  }
0x283: {  	v13 =	vadd.s32 s12, v2;
	v9 =	vld.idx.msk [tilespmem:v9+s14+$0x0], $0xffff;
	[tilespmem:s28+$0x100] =	vst v11  }
0x284: {  	v11 =	vadd.s32 s2, v5;
	v18 =	vld.idx.msk [tilespmem:v18+s14+$0x0], $0xffff;
	[tilespmem:s26+$0x1B0] =	vst v16  }
0x285: {  	v16 =	vadd.s32 s11, v8;
	v17 =	vld.idx.msk [tilespmem:v17+s14+$0x0], $0xffff  }
0x286: {  	[tilespmem:s31+$0xFFFFFE50] =	vst v14;
	v14 =	vadd.s32 s10, v3  }
0x287: {  	v19 =	vadd.s32 s8, v8;
	v15 =	vld.idx.msk [tilespmem:v15+s14+$0x0], $0xffff;
	[tilespmem:s21+$0xFFFFFF00] =	vst v12;
	v12 =	vadd.s32 s7, v6  }
0x288: {  	v19 =	vand.u32 $0x7FF8, v19;
	v13 =	vld.idx.msk [tilespmem:v13+s14+$0x0], $0xffff;
	[tilespmem:s30+$0xFFFFFFB0] =	vst v10  }
0x289: {  	v10 =	vor.u32 v1, v19;
	v11 =	vld.idx.msk [tilespmem:v11+s14+$0x0], $0xffff;
	[tilespmem:s29+$0x60] =	vst v9  }
0x28a: {  	v9 =	vadd.s32 s12, v3;
	v16 =	vld.idx.msk [tilespmem:v16+s14+$0x0], $0xffff;
	[tilespmem:s28+$0x110] =	vst v18  }
0x28b: {  	s23 =	sadd.s32 $0xFFFFFFFE, s9;
	v18 =	vadd.s32 s2, v6;
	v14 =	vld.idx.msk [tilespmem:v14+s14+$0x0], $0xffff;
	[tilespmem:s26+$0x1C0] =	vst v17  }
0x28c: {  	v17 =	vadd.s32 s23, v0;
	v12 =	vld.idx.msk [tilespmem:v12+s14+$0x0], $0xffff  }
0x28d: {  	[tilespmem:s31+$0xFFFFFE60] =	vst v15;
	v15 =	vadd.s32 s10, v4  }
0x28e: {  	v10 =	vld.idx.msk [tilespmem:v10+s14+$0x0], $0xffff;
	[tilespmem:s21+$0xFFFFFF10] =	vst v13;
	v13 =	vadd.s32 s7, v7  }
0x28f: {  	s17 =	sadd.s32 $0xFFFFFFFA, s0;
	v9 =	vld.idx.msk [tilespmem:v9+s14+$0x0], $0xffff;
	[tilespmem:s30+$0xFFFFFFC0] =	vst v11  }
0x290: {  	v11 =	vadd.s32 s17, v0;
	v18 =	vld.idx.msk [tilespmem:v18+s14+$0x0], $0xffff;
	[tilespmem:s29+$0x70] =	vst v16  }
0x291: {  	v16 =	vadd.s32 s12, v4;
	v17 =	vld.idx.msk [tilespmem:v17+s14+$0x0], $0xffff;
	[tilespmem:s28+$0x120] =	vst v14  }
0x292: {  	v14 =	vadd.s32 s2, v7;
	v15 =	vld.idx.msk [tilespmem:v15+s14+$0x0], $0xffff;
	[tilespmem:s26+$0x1D0] =	vst v12  }
0x293: {  	v12 =	vadd.s32 s23, v2;
	v13 =	vld.idx.msk [tilespmem:v13+s14+$0x0], $0xffff  }
0x294: {  	[tilespmem:s31+$0xFFFFFE70] =	vst v10;
	v10 =	vadd.s32 s10, v5  }
0x295: {  	v11 =	vld.idx.msk [tilespmem:v11+s14+$0x0], $0xffff;
	[tilespmem:s21+$0xFFFFFF20] =	vst v9;
	v9 =	vadd.s32 s7, v8;
	s7 =	smov.u32 s3;
	s3 =	smov.u32 s9;
	s9 =	smov.u32 s5  }
0x296: {  	s5 =	smov.u32 s1;
	s1 =	smov.u32 s0;
	s0 =	smov.u32 s22;
	v19 =	vld.idx.msk [tilespmem:v16+s14+$0x0], $0xffff;
	[tilespmem:s30+$0xFFFFFFD0] =	vst v18  }
0x297: {  	v16 =	vadd.s32 s17, v2;
	v18 =	vld.idx.msk [tilespmem:v14+s14+$0x0], $0xffff;
	[tilespmem:s29+$0x80] =	vst v17  }
0x298: {  	v14 =	vadd.s32 s12, v5;
	v20 =	vld.idx.msk [tilespmem:v12+s14+$0x0], $0xffff;
	[tilespmem:s28+$0x130] =	vst v15  }
0x299: {  	v12 =	vadd.s32 s2, v8;
	v21 =	vld.idx.msk [tilespmem:v10+s14+$0x0], $0xffff;
	[tilespmem:s26+$0x1E0] =	vst v13  }
0x29a: {  	v10 =	vadd.s32 s23, v3;
	v22 =	vld.idx.msk [tilespmem:v9+s14+$0x0], $0xffff  }
0x29b: {  	v9 =	vadd.s32 s10, v6;
	[tilespmem:s31+$0xFFFFFE80] =	vst v11  }
0x29c: {  	v16 =	vld.idx.msk [tilespmem:v16+s14+$0x0], $0xffff;
	[tilespmem:s21+$0xFFFFFF30] =	vst v19  }
.Ltmp1:
0x29d: {  	v14 =	vld.idx.msk [tilespmem:v14+s14+$0x0], $0xffff;
	[tilespmem:s30+$0xFFFFFFE0] =	vst v18;
	(pc) =	sbr.rel @p1 .LBB2_5-.Ltmp1, $4  }
0x29e: {  	v17 =	vadd.s32 s17, v3;
	v12 =	vld.idx.msk [tilespmem:v12+s14+$0x0], $0xffff;
	[tilespmem:s29+$0x90] =	vst v20  }
0x29f: {  	s11 =	sadd.s32 $0xFFFFFFFD, s9;
	v15 =	vadd.s32 s12, v6;
	v10 =	vld.idx.msk [tilespmem:v10+s14+$0x0], $0xffff;
	[tilespmem:s28+$0x140] =	vst v21  }
0x2a0: {  	v13 =	vadd.s32 s11, v0;
	v9 =	vld.idx.msk [tilespmem:v9+s14+$0x0], $0xffff;
	[tilespmem:s26+$0x1F0] =	vst v22;
	s26 =	smov.u32 s28;
	s28 =	smov.u32 s29;
	s29 =	smov.u32 s30  }
0x2a1: {  	s22 =	sadd.s32 $0x8, s22;
	s8 =	sadd.s32 $0xFFFFFFF9, s0;
	v11 =	vadd.s32 s23, v4;
	s30 =	smov.u32 s21  }
0x2a2: {  	v18 =	vadd.s32 s8, v0  }
0x2a3: {  	v18 =	vand.u32 $0x7F8, v18  }
0x2a4: {  	v18 =	vor.u32 v1, v18;
	_ =	sdelay $0x3  }
0x2a5: {  	v19 =	vadd.s32 s8, v2  }
0x2a6: {  	v19 =	vand.u32 $0xFF8, v19;
	v18 =	vld.idx.msk [tilespmem:v18+s14+$0x0], $0xffff  }
0x2a7: {  	v19 =	vor.u32 v1, v19;
	_ =	sdelay $0x2  }
0x2a8: {  	s22 =	sadd.s32 $0x400, s31  }
0x2a9: {  	v32 =	vadd.s32 s8, v3;
	[tilespmem:s22+$0xFFFFFE00] =	vst v18  }
0x2aa: {  	v18 =	vand.u32 $0xFF8, v32;
	v19 =	vld.idx.msk [tilespmem:v19+s14+$0x0], $0xffff  }
0x2ab: {  	v18 =	vor.u32 v1, v18;
	_ =	sdelay $0x3  }
0x2ac: {  	v33 =	vadd.s32 s8, v4;
	[tilespmem:s22+$0xFFFFFE10] =	vst v19  }
0x2ad: {  	v19 =	vand.u32 $0x1FF8, v33;
	v18 =	vld.idx.msk [tilespmem:v18+s14+$0x0], $0xffff  }
0x2ae: {  	v19 =	vor.u32 v1, v19;
	_ =	sdelay $0x3  }
0x2af: {  	v34 =	vadd.s32 s8, v5;
	[tilespmem:s22+$0xFFFFFE20] =	vst v18  }
0x2b0: {  	v18 =	vand.u32 $0x1FF8, v34;
	v19 =	vld.idx.msk [tilespmem:v19+s14+$0x0], $0xffff  }
0x2b1: {  	v18 =	vor.u32 v1, v18;
	_ =	sdelay $0x3  }
0x2b2: {  	v35 =	vadd.s32 s8, v6;
	[tilespmem:s22+$0xFFFFFE30] =	vst v19  }
0x2b3: {  	v19 =	vand.u32 $0x3FF8, v35;
	v18 =	vld.idx.msk [tilespmem:v18+s14+$0x0], $0xffff  }
0x2b4: {  	v19 =	vor.u32 v1, v19;
	_ =	sdelay $0x3  }
0x2b5: {  	v36 =	vadd.s32 s8, v7;
	[tilespmem:s22+$0xFFFFFE40] =	vst v18  }
0x2b6: {  	v18 =	vand.u32 $0x3FF8, v36;
	v19 =	vld.idx.msk [tilespmem:v19+s14+$0x0], $0xffff  }
0x2b7: {  	v18 =	vor.u32 v1, v18;
	_ =	sdelay $0x3  }
0x2b8: {  	v37 =	vadd.s32 s8, v8;
	[tilespmem:s22+$0xFFFFFE50] =	vst v19  }
0x2b9: {  	v19 =	vand.u32 $0x7FF8, v37;
	v18 =	vld.idx.msk [tilespmem:v18+s14+$0x0], $0xffff  }
0x2ba: {  	v19 =	vor.u32 v1, v19;
	_ =	sdelay $0x3  }
0x2bb: {  	[tilespmem:s22+$0xFFFFFE60] =	vst v18  }
0x2bc: {  	s2 =	sadd.s32 $0xFFFFFFFA, s0;
	v18 =	vld.idx.msk [tilespmem:v19+s14+$0x0], $0xffff  }
0x2bd: {  	v38 =	vadd.s32 s2, v0;
	_ =	sdelay $0x3  }
0x2be: {  	[tilespmem:s22+$0xFFFFFE70] =	vst v18  }
0x2bf: {  	v18 =	vld.idx.msk [tilespmem:v38+s14+$0x0], $0xffff  }
0x2c0: {  	v39 =	vadd.s32 s2, v2;
	_ =	sdelay $0x3  }
0x2c1: {  	[tilespmem:s22+$0xFFFFFE80] =	vst v18  }
0x2c2: {  	v18 =	vld.idx.msk [tilespmem:v39+s14+$0x0], $0xffff  }
0x2c3: {  	v40 =	vadd.s32 s2, v3;
	_ =	sdelay $0x1  }
0x2c4: {  	[tilespmem:s31+$0xFFFFFE90] =	vst v16  }
0x2c5: {  	v16 =	vld.idx.msk [tilespmem:v17+s14+$0x0], $0xffff  }
0x2c6: {  	v41 =	vadd.s32 s17, v4;
	[tilespmem:s22+$0xFFFFFE90] =	vst v18  }
0x2c7: {  	v18 =	vld.idx.msk [tilespmem:v40+s14+$0x0], $0xffff  }
0x2c8: {  	v42 =	vadd.s32 s2, v4;
	_ =	sdelay $0x1  }
0x2c9: {  	[tilespmem:s31+$0xFFFFFEA0] =	vst v16  }
0x2ca: {  	v16 =	vld.idx.msk [tilespmem:v41+s14+$0x0], $0xffff  }
0x2cb: {  	v43 =	vadd.s32 s17, v5;
	[tilespmem:s22+$0xFFFFFEA0] =	vst v18  }
0x2cc: {  	v18 =	vld.idx.msk [tilespmem:v42+s14+$0x0], $0xffff  }
0x2cd: {  	v44 =	vadd.s32 s2, v5;
	_ =	sdelay $0x1  }
0x2ce: {  	[tilespmem:s31+$0xFFFFFEB0] =	vst v16  }
0x2cf: {  	v16 =	vld.idx.msk [tilespmem:v43+s14+$0x0], $0xffff  }
0x2d0: {  	v45 =	vadd.s32 s17, v6;
	[tilespmem:s22+$0xFFFFFEB0] =	vst v18  }
0x2d1: {  	v18 =	vld.idx.msk [tilespmem:v44+s14+$0x0], $0xffff  }
0x2d2: {  	v46 =	vadd.s32 s2, v6;
	_ =	sdelay $0x1  }
0x2d3: {  	[tilespmem:s31+$0xFFFFFEC0] =	vst v16  }
0x2d4: {  	v16 =	vld.idx.msk [tilespmem:v45+s14+$0x0], $0xffff  }
0x2d5: {  	v47 =	vadd.s32 s17, v7;
	[tilespmem:s22+$0xFFFFFEC0] =	vst v18  }
0x2d6: {  	v18 =	vld.idx.msk [tilespmem:v46+s14+$0x0], $0xffff  }
0x2d7: {  	v48 =	vadd.s32 s2, v7;
	_ =	sdelay $0x1  }
0x2d8: {  	[tilespmem:s31+$0xFFFFFED0] =	vst v16  }
0x2d9: {  	v16 =	vld.idx.msk [tilespmem:v47+s14+$0x0], $0xffff  }
0x2da: {  	v49 =	vadd.s32 s17, v8;
	[tilespmem:s22+$0xFFFFFED0] =	vst v18  }
0x2db: {  	v18 =	vld.idx.msk [tilespmem:v48+s14+$0x0], $0xffff  }
0x2dc: {  	v50 =	vadd.s32 s2, v8;
	_ =	sdelay $0x1  }
0x2dd: {  	[tilespmem:s31+$0xFFFFFEE0] =	vst v16  }
0x2de: {  	s17 =	sadd.s32 $0xFFFFFFFB, s1;
	v16 =	vld.idx.msk [tilespmem:v49+s14+$0x0], $0xffff  }
0x2df: {  	v51 =	vadd.s32 s17, v0;
	[tilespmem:s22+$0xFFFFFEE0] =	vst v18  }
0x2e0: {  	s21 =	sadd.s32 $0xFFFFFFFB, s0;
	v18 =	vld.idx.msk [tilespmem:v50+s14+$0x0], $0xffff  }
0x2e1: {  	v52 =	vadd.s32 s21, v0;
	_ =	sdelay $0x1  }
0x2e2: {  	[tilespmem:s31+$0xFFFFFEF0] =	vst v16  }
0x2e3: {  	v16 =	vld.idx.msk [tilespmem:v51+s14+$0x0], $0xffff  }
0x2e4: {  	v53 =	vadd.s32 s17, v2;
	[tilespmem:s22+$0xFFFFFEF0] =	vst v18  }
0x2e5: {  	v18 =	vld.idx.msk [tilespmem:v52+s14+$0x0], $0xffff  }
0x2e6: {  	v54 =	vadd.s32 s21, v2;
	_ =	sdelay $0x1  }
0x2e7: {  	[tilespmem:s31+$0xFFFFFF00] =	vst v16  }
0x2e8: {  	v16 =	vld.idx.msk [tilespmem:v53+s14+$0x0], $0xffff  }
0x2e9: {  	v55 =	vadd.s32 s17, v3;
	[tilespmem:s22+$0xFFFFFF00] =	vst v18  }
0x2ea: {  	v18 =	vld.idx.msk [tilespmem:v54+s14+$0x0], $0xffff  }
0x2eb: {  	v56 =	vadd.s32 s21, v3;
	_ =	sdelay $0x1  }
0x2ec: {  	[tilespmem:s31+$0xFFFFFF10] =	vst v16  }
0x2ed: {  	v16 =	vld.idx.msk [tilespmem:v55+s14+$0x0], $0xffff  }
0x2ee: {  	v57 =	vadd.s32 s17, v4;
	[tilespmem:s22+$0xFFFFFF10] =	vst v18  }
0x2ef: {  	v18 =	vld.idx.msk [tilespmem:v56+s14+$0x0], $0xffff  }
0x2f0: {  	v58 =	vadd.s32 s21, v4;
	_ =	sdelay $0x1  }
0x2f1: {  	[tilespmem:s31+$0xFFFFFF20] =	vst v16  }
0x2f2: {  	v16 =	vld.idx.msk [tilespmem:v57+s14+$0x0], $0xffff  }
0x2f3: {  	v59 =	vadd.s32 s17, v5;
	[tilespmem:s22+$0xFFFFFF20] =	vst v18  }
0x2f4: {  	v18 =	vld.idx.msk [tilespmem:v58+s14+$0x0], $0xffff  }
0x2f5: {  	v60 =	vadd.s32 s21, v5;
	_ =	sdelay $0x1  }
0x2f6: {  	[tilespmem:s31+$0xFFFFFF30] =	vst v16  }
0x2f7: {  	v16 =	vld.idx.msk [tilespmem:v59+s14+$0x0], $0xffff  }
0x2f8: {  	v61 =	vadd.s32 s17, v6;
	[tilespmem:s22+$0xFFFFFF30] =	vst v18  }
0x2f9: {  	v18 =	vld.idx.msk [tilespmem:v60+s14+$0x0], $0xffff  }
0x2fa: {  	v62 =	vadd.s32 s21, v6  }
0x2fb: {  	[tilespmem:s30+$0xFFFFFF40] =	vst v14  }
0x2fc: {  	v14 =	vld.idx.msk [tilespmem:v15+s14+$0x0], $0xffff;
	[tilespmem:s31+$0xFFFFFF40] =	vst v16  }
0x2fd: {  	v63 =	vadd.s32 s12, v7;
	v16 =	vld.idx.msk [tilespmem:v61+s14+$0x0], $0xffff  }
0x2fe: {  	v21 =	vadd.s32 s17, v7;
	[tilespmem:s22+$0xFFFFFF40] =	vst v18  }
0x2ff: {  	v18 =	vld.idx.msk [tilespmem:v62+s14+$0x0], $0xffff  }
0x300: {  	v22 =	vadd.s32 s21, v7  }
0x301: {  	[tilespmem:s30+$0xFFFFFF50] =	vst v14  }
0x302: {  	v14 =	vld.idx.msk [tilespmem:v63+s14+$0x0], $0xffff;
	[tilespmem:s31+$0xFFFFFF50] =	vst v16  }
0x303: {  	v23 =	vadd.s32 s12, v8;
	v16 =	vld.idx.msk [tilespmem:v21+s14+$0x0], $0xffff  }
0x304: {  	v24 =	vadd.s32 s17, v8;
	[tilespmem:s22+$0xFFFFFF50] =	vst v18  }
0x305: {  	v18 =	vld.idx.msk [tilespmem:v22+s14+$0x0], $0xffff  }
0x306: {  	v25 =	vadd.s32 s21, v8  }
0x307: {  	[tilespmem:s30+$0xFFFFFF60] =	vst v14  }
0x308: {  	s12 =	sadd.s32 $0xFFFFFFFC, s5;
	v14 =	vld.idx.msk [tilespmem:v23+s14+$0x0], $0xffff;
	[tilespmem:s31+$0xFFFFFF60] =	vst v16  }
0x309: {  	v26 =	vadd.s32 s12, v0;
	s17 =	sadd.s32 $0xFFFFFFFC, s1;
	v16 =	vld.idx.msk [tilespmem:v24+s14+$0x0], $0xffff  }
0x30a: {  	v27 =	vadd.s32 s17, v0;
	[tilespmem:s22+$0xFFFFFF60] =	vst v18  }
0x30b: {  	s21 =	sadd.s32 $0xFFFFFFFC, s0;
	v18 =	vld.idx.msk [tilespmem:v25+s14+$0x0], $0xffff  }
0x30c: {  	v28 =	vadd.s32 s21, v0  }
0x30d: {  	[tilespmem:s30+$0xFFFFFF70] =	vst v14  }
0x30e: {  	v14 =	vld.idx.msk [tilespmem:v26+s14+$0x0], $0xffff;
	[tilespmem:s31+$0xFFFFFF70] =	vst v16  }
0x30f: {  	v29 =	vadd.s32 s12, v2;
	v16 =	vld.idx.msk [tilespmem:v27+s14+$0x0], $0xffff  }
0x310: {  	v30 =	vadd.s32 s17, v2;
	[tilespmem:s22+$0xFFFFFF70] =	vst v18  }
0x311: {  	v18 =	vld.idx.msk [tilespmem:v28+s14+$0x0], $0xffff  }
0x312: {  	v31 =	vadd.s32 s21, v2  }
0x313: {  	[tilespmem:s30+$0xFFFFFF80] =	vst v14  }
0x314: {  	v14 =	vld.idx.msk [tilespmem:v29+s14+$0x0], $0xffff;
	[tilespmem:s31+$0xFFFFFF80] =	vst v16  }
0x315: {  	v32 =	vadd.s32 s12, v3;
	v16 =	vld.idx.msk [tilespmem:v30+s14+$0x0], $0xffff  }
0x316: {  	v33 =	vadd.s32 s17, v3;
	[tilespmem:s22+$0xFFFFFF80] =	vst v18  }
0x317: {  	v18 =	vld.idx.msk [tilespmem:v31+s14+$0x0], $0xffff  }
0x318: {  	v34 =	vadd.s32 s21, v3  }
0x319: {  	[tilespmem:s30+$0xFFFFFF90] =	vst v14  }
0x31a: {  	v14 =	vld.idx.msk [tilespmem:v32+s14+$0x0], $0xffff;
	[tilespmem:s31+$0xFFFFFF90] =	vst v16  }
0x31b: {  	v35 =	vadd.s32 s12, v4;
	v16 =	vld.idx.msk [tilespmem:v33+s14+$0x0], $0xffff  }
0x31c: {  	v36 =	vadd.s32 s17, v4;
	[tilespmem:s22+$0xFFFFFF90] =	vst v18  }
0x31d: {  	v18 =	vld.idx.msk [tilespmem:v34+s14+$0x0], $0xffff  }
0x31e: {  	v37 =	vadd.s32 s21, v4  }
0x31f: {  	[tilespmem:s30+$0xFFFFFFA0] =	vst v14  }
0x320: {  	v14 =	vld.idx.msk [tilespmem:v35+s14+$0x0], $0xffff;
	[tilespmem:s31+$0xFFFFFFA0] =	vst v16  }
0x321: {  	v38 =	vadd.s32 s12, v5;
	v16 =	vld.idx.msk [tilespmem:v36+s14+$0x0], $0xffff  }
0x322: {  	v39 =	vadd.s32 s17, v5;
	[tilespmem:s22+$0xFFFFFFA0] =	vst v18  }
0x323: {  	v18 =	vld.idx.msk [tilespmem:v37+s14+$0x0], $0xffff  }
0x324: {  	v40 =	vadd.s32 s21, v5  }
0x325: {  	[tilespmem:s30+$0xFFFFFFB0] =	vst v14  }
0x326: {  	v14 =	vld.idx.msk [tilespmem:v38+s14+$0x0], $0xffff;
	[tilespmem:s31+$0xFFFFFFB0] =	vst v16  }
0x327: {  	v41 =	vadd.s32 s12, v6;
	v16 =	vld.idx.msk [tilespmem:v39+s14+$0x0], $0xffff  }
0x328: {  	v42 =	vadd.s32 s17, v6;
	[tilespmem:s22+$0xFFFFFFB0] =	vst v18  }
0x329: {  	v18 =	vld.idx.msk [tilespmem:v40+s14+$0x0], $0xffff  }
0x32a: {  	v43 =	vadd.s32 s21, v6  }
0x32b: {  	[tilespmem:s30+$0xFFFFFFC0] =	vst v14  }
0x32c: {  	v14 =	vld.idx.msk [tilespmem:v41+s14+$0x0], $0xffff;
	[tilespmem:s31+$0xFFFFFFC0] =	vst v16  }
0x32d: {  	v44 =	vadd.s32 s12, v7;
	v16 =	vld.idx.msk [tilespmem:v42+s14+$0x0], $0xffff  }
0x32e: {  	v45 =	vadd.s32 s17, v7;
	[tilespmem:s22+$0xFFFFFFC0] =	vst v18  }
0x32f: {  	v18 =	vld.idx.msk [tilespmem:v43+s14+$0x0], $0xffff  }
0x330: {  	v46 =	vadd.s32 s21, v7  }
0x331: {  	[tilespmem:s30+$0xFFFFFFD0] =	vst v14  }
0x332: {  	v14 =	vld.idx.msk [tilespmem:v44+s14+$0x0], $0xffff;
	[tilespmem:s31+$0xFFFFFFD0] =	vst v16  }
0x333: {  	v47 =	vadd.s32 s12, v8;
	v16 =	vld.idx.msk [tilespmem:v45+s14+$0x0], $0xffff  }
0x334: {  	v48 =	vadd.s32 s17, v8;
	[tilespmem:s22+$0xFFFFFFD0] =	vst v18  }
0x335: {  	v18 =	vld.idx.msk [tilespmem:v46+s14+$0x0], $0xffff  }
0x336: {  	v49 =	vadd.s32 s21, v8  }
0x337: {  	[tilespmem:s30+$0xFFFFFFE0] =	vst v14  }
0x338: {  	s12 =	sadd.s32 $0xFFFFFFFD, s5;
	v14 =	vld.idx.msk [tilespmem:v47+s14+$0x0], $0xffff;
	[tilespmem:s31+$0xFFFFFFE0] =	vst v16  }
0x339: {  	s17 =	sadd.s32 $0xFFFFFFFD, s1;
	v50 =	vadd.s32 s12, v0;
	v16 =	vld.idx.msk [tilespmem:v48+s14+$0x0], $0xffff  }
0x33a: {  	v51 =	vadd.s32 s17, v0;
	[tilespmem:s22+$0xFFFFFFE0] =	vst v18  }
0x33b: {  	[tilespmem:s29+$0xFFFFFFF0] =	vst v12;
	s21 =	sadd.s32 $0xFFFFFFFD, s0;
	v18 =	vld.idx.msk [tilespmem:v49+s14+$0x0], $0xffff  }
0x33c: {  	v12 =	vld.idx.msk [tilespmem:v13+s14+$0x0], $0xffff;
	v52 =	vadd.s32 s21, v0  }
0x33d: {  	v53 =	vadd.s32 s11, v2;
	[tilespmem:s30+$0xFFFFFFF0] =	vst v14  }
0x33e: {  	v14 =	vld.idx.msk [tilespmem:v50+s14+$0x0], $0xffff;
	[tilespmem:s31+$0xFFFFFFF0] =	vst v16  }
0x33f: {  	v54 =	vadd.s32 s12, v2;
	v16 =	vld.idx.msk [tilespmem:v51+s14+$0x0], $0xffff  }
0x340: {  	v55 =	vadd.s32 s17, v2;
	[tilespmem:s22+$0xFFFFFFF0] =	vst v18  }
0x341: {  	[tilespmem:s29+$0x0] =	vst v12;
	v18 =	vld.idx.msk [tilespmem:v52+s14+$0x0], $0xffff  }
0x342: {  	v12 =	vld.idx.msk [tilespmem:v53+s14+$0x0], $0xffff;
	v56 =	vadd.s32 s21, v2  }
0x343: {  	v57 =	vadd.s32 s11, v3;
	[tilespmem:s30+$0x0] =	vst v14  }
0x344: {  	v14 =	vld.idx.msk [tilespmem:v54+s14+$0x0], $0xffff;
	[tilespmem:s31+$0x0] =	vst v16  }
0x345: {  	v58 =	vadd.s32 s12, v3;
	v16 =	vld.idx.msk [tilespmem:v55+s14+$0x0], $0xffff  }
0x346: {  	v59 =	vadd.s32 s17, v3;
	[tilespmem:s22+$0x0] =	vst v18  }
0x347: {  	[tilespmem:s29+$0x10] =	vst v12;
	v18 =	vld.idx.msk [tilespmem:v56+s14+$0x0], $0xffff  }
0x348: {  	v12 =	vld.idx.msk [tilespmem:v57+s14+$0x0], $0xffff;
	v60 =	vadd.s32 s21, v3  }
0x349: {  	v61 =	vadd.s32 s11, v4;
	[tilespmem:s30+$0x10] =	vst v14  }
0x34a: {  	v14 =	vld.idx.msk [tilespmem:v58+s14+$0x0], $0xffff;
	[tilespmem:s31+$0x10] =	vst v16  }
0x34b: {  	v62 =	vadd.s32 s12, v4;
	v16 =	vld.idx.msk [tilespmem:v59+s14+$0x0], $0xffff  }
0x34c: {  	v63 =	vadd.s32 s17, v4;
	[tilespmem:s22+$0x10] =	vst v18  }
0x34d: {  	[tilespmem:s29+$0x20] =	vst v12;
	v18 =	vld.idx.msk [tilespmem:v60+s14+$0x0], $0xffff  }
0x34e: {  	v12 =	vld.idx.msk [tilespmem:v61+s14+$0x0], $0xffff;
	v21 =	vadd.s32 s21, v4  }
0x34f: {  	[tilespmem:s30+$0x20] =	vst v14;
	v22 =	vadd.s32 s11, v5  }
0x350: {  	v14 =	vld.idx.msk [tilespmem:v62+s14+$0x0], $0xffff;
	[tilespmem:s31+$0x20] =	vst v16  }
0x351: {  	v23 =	vadd.s32 s12, v5;
	v16 =	vld.idx.msk [tilespmem:v63+s14+$0x0], $0xffff  }
0x352: {  	v24 =	vadd.s32 s17, v5;
	[tilespmem:s22+$0x20] =	vst v18  }
0x353: {  	[tilespmem:s29+$0x30] =	vst v12;
	v18 =	vld.idx.msk [tilespmem:v21+s14+$0x0], $0xffff  }
0x354: {  	v12 =	vld.idx.msk [tilespmem:v22+s14+$0x0], $0xffff;
	v25 =	vadd.s32 s21, v5  }
0x355: {  	v26 =	vadd.s32 s11, v6;
	[tilespmem:s30+$0x30] =	vst v14  }
0x356: {  	v14 =	vld.idx.msk [tilespmem:v23+s14+$0x0], $0xffff;
	[tilespmem:s31+$0x30] =	vst v16  }
0x357: {  	v27 =	vadd.s32 s12, v6;
	v16 =	vld.idx.msk [tilespmem:v24+s14+$0x0], $0xffff  }
0x358: {  	v28 =	vadd.s32 s17, v6;
	[tilespmem:s22+$0x30] =	vst v18  }
0x359: {  	[tilespmem:s29+$0x40] =	vst v12;
	v18 =	vld.idx.msk [tilespmem:v25+s14+$0x0], $0xffff  }
0x35a: {  	v29 =	vadd.s32 s21, v6;
	v12 =	vld.idx.msk [tilespmem:v26+s14+$0x0], $0xffff  }
0x35b: {  	v30 =	vadd.s32 s11, v7;
	[tilespmem:s30+$0x40] =	vst v14  }
0x35c: {  	v14 =	vld.idx.msk [tilespmem:v27+s14+$0x0], $0xffff;
	[tilespmem:s31+$0x40] =	vst v16  }
0x35d: {  	v31 =	vadd.s32 s12, v7;
	v16 =	vld.idx.msk [tilespmem:v28+s14+$0x0], $0xffff  }
0x35e: {  	v32 =	vadd.s32 s17, v7;
	[tilespmem:s22+$0x40] =	vst v18  }
0x35f: {  	[tilespmem:s29+$0x50] =	vst v12;
	v18 =	vld.idx.msk [tilespmem:v29+s14+$0x0], $0xffff  }
0x360: {  	v33 =	vadd.s32 s21, v7;
	v12 =	vld.idx.msk [tilespmem:v30+s14+$0x0], $0xffff  }
0x361: {  	[tilespmem:s30+$0x50] =	vst v14;
	v34 =	vadd.s32 s11, v8  }
0x362: {  	v14 =	vld.idx.msk [tilespmem:v31+s14+$0x0], $0xffff;
	[tilespmem:s31+$0x50] =	vst v16  }
0x363: {  	v35 =	vadd.s32 s12, v8;
	v16 =	vld.idx.msk [tilespmem:v32+s14+$0x0], $0xffff  }
0x364: {  	v36 =	vadd.s32 s17, v8;
	[tilespmem:s22+$0x50] =	vst v18  }
0x365: {  	[tilespmem:s29+$0x60] =	vst v12;
	v18 =	vld.idx.msk [tilespmem:v33+s14+$0x0], $0xffff  }
0x366: {  	s11 =	sadd.s32 $0xFFFFFFFE, s9;
	v12 =	vld.idx.msk [tilespmem:v34+s14+$0x0], $0xffff;
	v37 =	vadd.s32 s21, v8  }
0x367: {  	v38 =	vadd.s32 s11, v0;
	[tilespmem:s30+$0x60] =	vst v14  }
0x368: {  	s12 =	sadd.s32 $0xFFFFFFFE, s5;
	v14 =	vld.idx.msk [tilespmem:v35+s14+$0x0], $0xffff;
	[tilespmem:s31+$0x60] =	vst v16  }
0x369: {  	s17 =	sadd.s32 $0xFFFFFFFE, s1;
	v39 =	vadd.s32 s12, v0;
	v16 =	vld.idx.msk [tilespmem:v36+s14+$0x0], $0xffff  }
0x36a: {  	v40 =	vadd.s32 s17, v0;
	[tilespmem:s22+$0x60] =	vst v18  }
0x36b: {  	s21 =	sadd.s32 $0xFFFFFFFE, s0;
	[tilespmem:s29+$0x70] =	vst v12;
	v18 =	vld.idx.msk [tilespmem:v37+s14+$0x0], $0xffff  }
0x36c: {  	v41 =	vadd.s32 s21, v0;
	v12 =	vld.idx.msk [tilespmem:v38+s14+$0x0], $0xffff  }
0x36d: {  	v42 =	vadd.s32 s11, v2;
	[tilespmem:s30+$0x70] =	vst v14  }
0x36e: {  	v14 =	vld.idx.msk [tilespmem:v39+s14+$0x0], $0xffff;
	[tilespmem:s31+$0x70] =	vst v16  }
0x36f: {  	v43 =	vadd.s32 s12, v2;
	v16 =	vld.idx.msk [tilespmem:v40+s14+$0x0], $0xffff  }
0x370: {  	v44 =	vadd.s32 s17, v2;
	[tilespmem:s22+$0x70] =	vst v18  }
0x371: {  	[tilespmem:s29+$0x80] =	vst v12;
	v18 =	vld.idx.msk [tilespmem:v41+s14+$0x0], $0xffff  }
0x372: {  	v45 =	vadd.s32 s21, v2;
	v12 =	vld.idx.msk [tilespmem:v42+s14+$0x0], $0xffff  }
0x373: {  	[tilespmem:s30+$0x80] =	vst v14;
	v46 =	vadd.s32 s11, v3  }
0x374: {  	v14 =	vld.idx.msk [tilespmem:v43+s14+$0x0], $0xffff;
	[tilespmem:s31+$0x80] =	vst v16  }
0x375: {  	v47 =	vadd.s32 s12, v3;
	v16 =	vld.idx.msk [tilespmem:v44+s14+$0x0], $0xffff  }
0x376: {  	v48 =	vadd.s32 s17, v3;
	[tilespmem:s22+$0x80] =	vst v18  }
0x377: {  	[tilespmem:s29+$0x90] =	vst v12;
	v18 =	vld.idx.msk [tilespmem:v45+s14+$0x0], $0xffff  }
0x378: {  	v12 =	vld.idx.msk [tilespmem:v46+s14+$0x0], $0xffff;
	v49 =	vadd.s32 s21, v3  }
0x379: {  	v50 =	vadd.s32 s11, v4;
	[tilespmem:s30+$0x90] =	vst v14  }
0x37a: {  	v14 =	vld.idx.msk [tilespmem:v47+s14+$0x0], $0xffff;
	[tilespmem:s31+$0x90] =	vst v16  }
0x37b: {  	[tilespmem:s28+$0xA0] =	vst v10;
	v51 =	vadd.s32 s12, v4;
	v16 =	vld.idx.msk [tilespmem:v48+s14+$0x0], $0xffff  }
0x37c: {  	v11 =	vld.idx.msk [tilespmem:v11+s14+$0x0], $0xffff;
	v52 =	vadd.s32 s17, v4;
	[tilespmem:s22+$0x90] =	vst v18  }
0x37d: {  	v53 =	vadd.s32 s23, v5;
	[tilespmem:s29+$0xA0] =	vst v12;
	v18 =	vld.idx.msk [tilespmem:v49+s14+$0x0], $0xffff  }
0x37e: {  	v10 =	vadd.s32 s21, v4;
	v13 =	vld.idx.msk [tilespmem:v50+s14+$0x0], $0xffff  }
0x37f: {  	v54 =	vadd.s32 s11, v5;
	[tilespmem:s30+$0xA0] =	vst v14  }
0x380: {  	v15 =	vld.idx.msk [tilespmem:v51+s14+$0x0], $0xffff;
	[tilespmem:s31+$0xA0] =	vst v16  }
0x381: {  	[tilespmem:s28+$0xB0] =	vst v11;
	v55 =	vadd.s32 s12, v5;
	v17 =	vld.idx.msk [tilespmem:v52+s14+$0x0], $0xffff  }
0x382: {  	v12 =	vld.idx.msk [tilespmem:v53+s14+$0x0], $0xffff;
	v56 =	vadd.s32 s17, v5;
	[tilespmem:s22+$0xA0] =	vst v18  }
0x383: {  	v57 =	vadd.s32 s23, v6;
	[tilespmem:s29+$0xB0] =	vst v13;
	v10 =	vld.idx.msk [tilespmem:v10+s14+$0x0], $0xffff  }
0x384: {  	v11 =	vadd.s32 s21, v5;
	v14 =	vld.idx.msk [tilespmem:v54+s14+$0x0], $0xffff  }
0x385: {  	v58 =	vadd.s32 s11, v6;
	[tilespmem:s30+$0xB0] =	vst v15  }
0x386: {  	v16 =	vld.idx.msk [tilespmem:v55+s14+$0x0], $0xffff;
	[tilespmem:s31+$0xB0] =	vst v17  }
0x387: {  	v59 =	vadd.s32 s12, v6;
	[tilespmem:s28+$0xC0] =	vst v12;
	v18 =	vld.idx.msk [tilespmem:v56+s14+$0x0], $0xffff  }
0x388: {  	v13 =	vld.idx.msk [tilespmem:v57+s14+$0x0], $0xffff;
	[tilespmem:s22+$0xB0] =	vst v10;
	v10 =	vadd.s32 s17, v6  }
0x389: {  	v61 =	vadd.s32 s23, v7;
	[tilespmem:s29+$0xC0] =	vst v14;
	v11 =	vld.idx.msk [tilespmem:v11+s14+$0x0], $0xffff  }
0x38a: {  	v15 =	vld.idx.msk [tilespmem:v58+s14+$0x0], $0xffff;
	v60 =	vadd.s32 s21, v6  }
0x38b: {  	v62 =	vadd.s32 s11, v7;
	[tilespmem:s30+$0xC0] =	vst v16  }
0x38c: {  	v17 =	vld.idx.msk [tilespmem:v59+s14+$0x0], $0xffff;
	[tilespmem:s31+$0xC0] =	vst v18  }
0x38d: {  	v63 =	vadd.s32 s12, v7;
	[tilespmem:s28+$0xD0] =	vst v13;
	v10 =	vld.idx.msk [tilespmem:v10+s14+$0x0], $0xffff  }
0x38e: {  	v14 =	vld.idx.msk [tilespmem:v61+s14+$0x0], $0xffff;
	[tilespmem:s22+$0xC0] =	vst v11;
	v11 =	vadd.s32 s17, v7  }
0x38f: {  	v22 =	vadd.s32 s23, v8;
	[tilespmem:s29+$0xD0] =	vst v15;
	v12 =	vld.idx.msk [tilespmem:v60+s14+$0x0], $0xffff  }
0x390: {  	v16 =	vld.idx.msk [tilespmem:v62+s14+$0x0], $0xffff;
	v21 =	vadd.s32 s21, v7  }
0x391: {  	v23 =	vadd.s32 s11, v8;
	[tilespmem:s30+$0xD0] =	vst v17  }
0x392: {  	v18 =	vld.idx.msk [tilespmem:v63+s14+$0x0], $0xffff;
	[tilespmem:s31+$0xD0] =	vst v10  }
0x393: {  	[tilespmem:s28+$0xE0] =	vst v14;
	v10 =	vadd.s32 s12, v8;
	v11 =	vld.idx.msk [tilespmem:v11+s14+$0x0], $0xffff  }
0x394: {  	s8 =	sadd.s32 $0xFFFFFFFF, s3;
	v24 =	vadd.s32 s17, v8;
	v15 =	vld.idx.msk [tilespmem:v22+s14+$0x0], $0xffff;
	[tilespmem:s22+$0xD0] =	vst v12  }
0x395: {  	v26 =	vadd.s32 s8, v0;
	[tilespmem:s29+$0xE0] =	vst v16;
	v13 =	vld.idx.msk [tilespmem:v21+s14+$0x0], $0xffff  }
0x396: {  	s11 =	sadd.s32 $0xFFFFFFFF, s9;
	v17 =	vld.idx.msk [tilespmem:v23+s14+$0x0], $0xffff;
	v25 =	vadd.s32 s21, v8  }
0x397: {  	v27 =	vadd.s32 s11, v0;
	[tilespmem:s30+$0xE0] =	vst v18  }
0x398: {  	s12 =	sadd.s32 $0xFFFFFFFF, s5;
	v10 =	vld.idx.msk [tilespmem:v10+s14+$0x0], $0xffff;
	[tilespmem:s31+$0xE0] =	vst v11  }
0x399: {  	[tilespmem:s28+$0xF0] =	vst v15;
	s21 =	sadd.s32 $0xFFFFFFFF, s1;
	v11 =	vadd.s32 s12, v0;
	v12 =	vld.idx.msk [tilespmem:v24+s14+$0x0], $0xffff  }
0x39a: {  	v16 =	vld.idx.msk [tilespmem:v26+s14+$0x0], $0xffff;
	v28 =	vadd.s32 s21, v0;
	[tilespmem:s22+$0xE0] =	vst v13  }
0x39b: {  	s23 =	sadd.s32 $0xFFFFFFFF, s0;
	v30 =	vadd.s32 s8, v2;
	[tilespmem:s29+$0xF0] =	vst v17;
	v14 =	vld.idx.msk [tilespmem:v25+s14+$0x0], $0xffff  }
0x39c: {  	v29 =	vadd.s32 s23, v0;
	v18 =	vld.idx.msk [tilespmem:v27+s14+$0x0], $0xffff  }
0x39d: {  	[tilespmem:s30+$0xF0] =	vst v10;
	v10 =	vadd.s32 s11, v2  }
0x39e: {  	v11 =	vld.idx.msk [tilespmem:v11+s14+$0x0], $0xffff;
	[tilespmem:s31+$0xF0] =	vst v12  }
0x39f: {  	[tilespmem:s28+$0x100] =	vst v16;
	v31 =	vadd.s32 s12, v2;
	v13 =	vld.idx.msk [tilespmem:v28+s14+$0x0], $0xffff  }
0x3a0: {  	v32 =	vadd.s32 s21, v2;
	v17 =	vld.idx.msk [tilespmem:v30+s14+$0x0], $0xffff;
	[tilespmem:s22+$0xF0] =	vst v14  }
0x3a1: {  	v34 =	vadd.s32 s8, v3;
	[tilespmem:s29+$0x100] =	vst v18;
	v15 =	vld.idx.msk [tilespmem:v29+s14+$0x0], $0xffff  }
0x3a2: {  	v33 =	vadd.s32 s23, v2;
	v10 =	vld.idx.msk [tilespmem:v10+s14+$0x0], $0xffff  }
0x3a3: {  	[tilespmem:s30+$0x100] =	vst v11;
	v11 =	vadd.s32 s11, v3  }
0x3a4: {  	v12 =	vld.idx.msk [tilespmem:v31+s14+$0x0], $0xffff;
	[tilespmem:s31+$0x100] =	vst v13  }
0x3a5: {  	[tilespmem:s28+$0x110] =	vst v17;
	v35 =	vadd.s32 s12, v3;
	v14 =	vld.idx.msk [tilespmem:v32+s14+$0x0], $0xffff  }
0x3a6: {  	v36 =	vadd.s32 s21, v3;
	v18 =	vld.idx.msk [tilespmem:v34+s14+$0x0], $0xffff;
	[tilespmem:s22+$0x100] =	vst v15  }
0x3a7: {  	[tilespmem:s29+$0x110] =	vst v10;
	v10 =	vadd.s32 s8, v4;
	v16 =	vld.idx.msk [tilespmem:v33+s14+$0x0], $0xffff  }
0x3a8: {  	v37 =	vadd.s32 s23, v3;
	v11 =	vld.idx.msk [tilespmem:v11+s14+$0x0], $0xffff  }
0x3a9: {  	[tilespmem:s30+$0x110] =	vst v12  }
0x3aa: {  	v38 =	vadd.s32 s11, v4;
	v13 =	vld.idx.msk [tilespmem:v35+s14+$0x0], $0xffff;
	[tilespmem:s31+$0x110] =	vst v14  }
0x3ab: {  	v39 =	vadd.s32 s12, v4;
	[tilespmem:s28+$0x120] =	vst v18;
	v15 =	vld.idx.msk [tilespmem:v36+s14+$0x0], $0xffff  }
0x3ac: {  	v40 =	vadd.s32 s21, v4;
	v10 =	vld.idx.msk [tilespmem:v10+s14+$0x0], $0xffff;
	[tilespmem:s22+$0x110] =	vst v16  }
0x3ad: {  	[tilespmem:s29+$0x120] =	vst v11;
	v11 =	vadd.s32 s8, v5;
	v17 =	vld.idx.msk [tilespmem:v37+s14+$0x0], $0xffff  }
0x3ae: {  	v41 =	vadd.s32 s23, v4  }
0x3af: {  	v12 =	vld.idx.msk [tilespmem:v38+s14+$0x0], $0xffff;
	[tilespmem:s30+$0x120] =	vst v13  }
0x3b0: {  	v42 =	vadd.s32 s11, v5;
	v14 =	vld.idx.msk [tilespmem:v39+s14+$0x0], $0xffff;
	[tilespmem:s31+$0x120] =	vst v15  }
0x3b1: {  	v43 =	vadd.s32 s12, v5;
	[tilespmem:s28+$0x130] =	vst v10;
	v16 =	vld.idx.msk [tilespmem:v40+s14+$0x0], $0xffff  }
0x3b2: {  	v44 =	vadd.s32 s21, v5;
	v11 =	vld.idx.msk [tilespmem:v11+s14+$0x0], $0xffff;
	[tilespmem:s22+$0x120] =	vst v17  }
0x3b3: {  	v45 =	vadd.s32 s8, v6;
	v18 =	vld.idx.msk [tilespmem:v41+s14+$0x0], $0xffff  }
0x3b4: {  	v10 =	vadd.s32 s23, v5;
	[tilespmem:s29+$0x130] =	vst v12  }
0x3b5: {  	v13 =	vld.idx.msk [tilespmem:v42+s14+$0x0], $0xffff;
	[tilespmem:s30+$0x130] =	vst v14  }
0x3b6: {  	v46 =	vadd.s32 s11, v6;
	v15 =	vld.idx.msk [tilespmem:v43+s14+$0x0], $0xffff;
	[tilespmem:s31+$0x130] =	vst v16  }
0x3b7: {  	v47 =	vadd.s32 s12, v6;
	[tilespmem:s28+$0x140] =	vst v11;
	v17 =	vld.idx.msk [tilespmem:v44+s14+$0x0], $0xffff  }
0x3b8: {  	v48 =	vadd.s32 s21, v6;
	v12 =	vld.idx.msk [tilespmem:v45+s14+$0x0], $0xffff;
	[tilespmem:s22+$0x130] =	vst v18  }
0x3b9: {  	v50 =	vadd.s32 s8, v7;
	v10 =	vld.idx.msk [tilespmem:v10+s14+$0x0], $0xffff  }
0x3ba: {  	v11 =	vadd.s32 s23, v6;
	[tilespmem:s29+$0x140] =	vst v13  }
0x3bb: {  	v49 =	vadd.s32 s10, v7;
	v14 =	vld.idx.msk [tilespmem:v46+s14+$0x0], $0xffff;
	[tilespmem:s30+$0x140] =	vst v15  }
0x3bc: {  	v16 =	vld.idx.msk [tilespmem:v47+s14+$0x0], $0xffff;
	[tilespmem:s31+$0x140] =	vst v17  }
0x3bd: {  	v51 =	vadd.s32 s11, v7;
	[tilespmem:s28+$0x150] =	vst v12;
	v18 =	vld.idx.msk [tilespmem:v48+s14+$0x0], $0xffff  }
0x3be: {  	v52 =	vadd.s32 s12, v7;
	v13 =	vld.idx.msk [tilespmem:v50+s14+$0x0], $0xffff;
	[tilespmem:s22+$0x140] =	vst v10  }
0x3bf: {  	[tilespmem:s26+$0x150] =	vst v9;
	v9 =	vadd.s32 s21, v7;
	v10 =	vld.idx.msk [tilespmem:v11+s14+$0x0], $0xffff  }
0x3c0: {  	v53 =	vadd.s32 s23, v7;
	[tilespmem:s29+$0x150] =	vst v14;
	v11 =	vld.idx.msk [tilespmem:v49+s14+$0x0], $0xffff  }
0x3c1: {  	v55 =	vadd.s32 s8, v8;
	[tilespmem:s30+$0x150] =	vst v16  }
0x3c2: {  	v54 =	vadd.s32 s10, v8;
	v15 =	vld.idx.msk [tilespmem:v51+s14+$0x0], $0xffff;
	[tilespmem:s31+$0x150] =	vst v18  }
0x3c3: {  	v56 =	vadd.s32 s11, v8;
	v17 =	vld.idx.msk [tilespmem:v52+s14+$0x0], $0xffff;
	[tilespmem:s28+$0x160] =	vst v13  }
0x3c4: {  	v57 =	vadd.s32 s12, v8;
	v9 =	vld.idx.msk [tilespmem:v9+s14+$0x0], $0xffff;
	[tilespmem:s22+$0x150] =	vst v10  }
0x3c5: {  	[tilespmem:s26+$0x160] =	vst v11;
	v10 =	vadd.s32 s21, v8;
	v11 =	vld.idx.msk [tilespmem:v53+s14+$0x0], $0xffff  }
0x3c6: {  	v59 =	vadd.s32 s23, v8;
	v14 =	vld.idx.msk [tilespmem:v55+s14+$0x0], $0xffff  }
0x3c7: {  	v61 =	vadd.s32 s3, v0;
	[tilespmem:s29+$0x160] =	vst v15;
	v58 =	vld.idx.msk [tilespmem:v54+s14+$0x0], $0xffff  }
0x3c8: {  	v60 =	vadd.s32 s7, v0;
	v16 =	vld.idx.msk [tilespmem:v56+s14+$0x0], $0xffff;
	[tilespmem:s30+$0x160] =	vst v17  }
0x3c9: {  	v62 =	vadd.s32 s9, v0;
	v18 =	vld.idx.msk [tilespmem:v57+s14+$0x0], $0xffff;
	[tilespmem:s31+$0x160] =	vst v9  }
0x3ca: {  	v9 =	vadd.s32 s5, v0;
	v10 =	vld.idx.msk [tilespmem:v10+s14+$0x0], $0xffff;
	[tilespmem:s22+$0x160] =	vst v11  }
0x3cb: {  	[tilespmem:s28+$0x170] =	vst v14;
	v11 =	vadd.s32 s1, v0;
	v63 =	vld.idx.msk [tilespmem:v59+s14+$0x0], $0xffff  }
0x3cc: {  	v22 =	vadd.s32 s0, v0;
	v15 =	vld.idx.msk [tilespmem:v61+s14+$0x0], $0xffff;
	[tilespmem:s26+$0x170] =	vst v58  }
0x3cd: {  	v24 =	vadd.s32 s3, v2;
	[tilespmem:s29+$0x170] =	vst v16;
	v21 =	vld.idx.msk [tilespmem:v60+s14+$0x0], $0xffff  }
0x3ce: {  	v23 =	vadd.s32 s7, v2;
	v17 =	vld.idx.msk [tilespmem:v62+s14+$0x0], $0xffff;
	[tilespmem:s30+$0x170] =	vst v18  }
0x3cf: {  	v25 =	vadd.s32 s9, v2;
	v9 =	vld.idx.msk [tilespmem:v9+s14+$0x0], $0xffff;
	[tilespmem:s31+$0x170] =	vst v10  }
0x3d0: {  	v10 =	vadd.s32 s5, v2;
	v11 =	vld.idx.msk [tilespmem:v11+s14+$0x0], $0xffff;
	[tilespmem:s22+$0x170] =	vst v63  }
0x3d1: {  	v26 =	vadd.s32 s1, v2;
	[tilespmem:s28+$0x180] =	vst v15;
	v27 =	vld.idx.msk [tilespmem:v22+s14+$0x0], $0xffff  }
0x3d2: {  	v29 =	vadd.s32 s0, v2;
	v16 =	vld.idx.msk [tilespmem:v24+s14+$0x0], $0xffff;
	[tilespmem:s26+$0x180] =	vst v21  }
0x3d3: {  	v31 =	vadd.s32 s3, v3;
	[tilespmem:s29+$0x180] =	vst v17;
	v28 =	vld.idx.msk [tilespmem:v23+s14+$0x0], $0xffff  }
0x3d4: {  	v30 =	vadd.s32 s7, v3;
	v18 =	vld.idx.msk [tilespmem:v25+s14+$0x0], $0xffff;
	[tilespmem:s30+$0x180] =	vst v9  }
0x3d5: {  	v9 =	vadd.s32 s9, v3;
	v10 =	vld.idx.msk [tilespmem:v10+s14+$0x0], $0xffff;
	[tilespmem:s31+$0x180] =	vst v11  }
0x3d6: {  	v11 =	vadd.s32 s5, v3;
	v12 =	vld.idx.msk [tilespmem:v26+s14+$0x0], $0xffff;
	[tilespmem:s22+$0x180] =	vst v27  }
0x3d7: {  	v32 =	vadd.s32 s1, v3;
	[tilespmem:s28+$0x190] =	vst v16;
	v33 =	vld.idx.msk [tilespmem:v29+s14+$0x0], $0xffff  }
0x3d8: {  	v35 =	vadd.s32 s0, v3;
	v17 =	vld.idx.msk [tilespmem:v31+s14+$0x0], $0xffff;
	[tilespmem:s26+$0x190] =	vst v28  }
0x3d9: {  	v37 =	vadd.s32 s3, v4;
	[tilespmem:s29+$0x190] =	vst v18;
	v34 =	vld.idx.msk [tilespmem:v30+s14+$0x0], $0xffff  }
0x3da: {  	v36 =	vadd.s32 s7, v4;
	v9 =	vld.idx.msk [tilespmem:v9+s14+$0x0], $0xffff;
	[tilespmem:s30+$0x190] =	vst v10  }
0x3db: {  	v10 =	vadd.s32 s9, v4;
	v11 =	vld.idx.msk [tilespmem:v11+s14+$0x0], $0xffff;
	[tilespmem:s31+$0x190] =	vst v12  }
0x3dc: {  	v38 =	vadd.s32 s5, v4;
	v13 =	vld.idx.msk [tilespmem:v32+s14+$0x0], $0xffff;
	[tilespmem:s22+$0x190] =	vst v33  }
0x3dd: {  	v39 =	vadd.s32 s1, v4;
	[tilespmem:s28+$0x1A0] =	vst v17;
	v40 =	vld.idx.msk [tilespmem:v35+s14+$0x0], $0xffff  }
0x3de: {  	v42 =	vadd.s32 s0, v4;
	v18 =	vld.idx.msk [tilespmem:v37+s14+$0x0], $0xffff;
	[tilespmem:s26+$0x1A0] =	vst v34  }
0x3df: {  	[tilespmem:s29+$0x1A0] =	vst v9;
	v9 =	vadd.s32 s3, v5;
	v41 =	vld.idx.msk [tilespmem:v36+s14+$0x0], $0xffff  }
0x3e0: {  	v43 =	vadd.s32 s7, v5;
	v10 =	vld.idx.msk [tilespmem:v10+s14+$0x0], $0xffff;
	[tilespmem:s30+$0x1A0] =	vst v11  }
0x3e1: {  	v11 =	vadd.s32 s9, v5;
	v12 =	vld.idx.msk [tilespmem:v38+s14+$0x0], $0xffff;
	[tilespmem:s31+$0x1A0] =	vst v13  }
0x3e2: {  	v44 =	vadd.s32 s5, v5;
	v14 =	vld.idx.msk [tilespmem:v39+s14+$0x0], $0xffff;
	[tilespmem:s22+$0x1A0] =	vst v40  }
0x3e3: {  	v45 =	vadd.s32 s1, v5;
	[tilespmem:s28+$0x1B0] =	vst v18;
	v46 =	vld.idx.msk [tilespmem:v42+s14+$0x0], $0xffff  }
0x3e4: {  	v48 =	vadd.s32 s0, v5;
	v9 =	vld.idx.msk [tilespmem:v9+s14+$0x0], $0xffff;
	[tilespmem:s26+$0x1B0] =	vst v41  }
0x3e5: {  	[tilespmem:s29+$0x1B0] =	vst v10;
	v10 =	vadd.s32 s3, v6;
	v47 =	vld.idx.msk [tilespmem:v43+s14+$0x0], $0xffff  }
0x3e6: {  	v49 =	vadd.s32 s7, v6;
	v11 =	vld.idx.msk [tilespmem:v11+s14+$0x0], $0xffff;
	[tilespmem:s30+$0x1B0] =	vst v12  }
0x3e7: {  	v50 =	vadd.s32 s9, v6;
	v13 =	vld.idx.msk [tilespmem:v44+s14+$0x0], $0xffff;
	[tilespmem:s31+$0x1B0] =	vst v14  }
0x3e8: {  	v51 =	vadd.s32 s5, v6;
	v15 =	vld.idx.msk [tilespmem:v45+s14+$0x0], $0xffff;
	[tilespmem:s22+$0x1B0] =	vst v46  }
0x3e9: {  	v52 =	vadd.s32 s1, v6;
	[tilespmem:s28+$0x1C0] =	vst v9;
	v53 =	vld.idx.msk [tilespmem:v48+s14+$0x0], $0xffff  }
0x3ea: {  	v9 =	vadd.s32 s0, v6;
	v10 =	vld.idx.msk [tilespmem:v10+s14+$0x0], $0xffff;
	[tilespmem:s26+$0x1C0] =	vst v47  }
0x3eb: {  	[tilespmem:s29+$0x1C0] =	vst v11;
	v11 =	vadd.s32 s3, v7;
	v54 =	vld.idx.msk [tilespmem:v49+s14+$0x0], $0xffff  }
0x3ec: {  	v55 =	vadd.s32 s7, v7;
	v12 =	vld.idx.msk [tilespmem:v50+s14+$0x0], $0xffff;
	[tilespmem:s30+$0x1C0] =	vst v13  }
0x3ed: {  	v56 =	vadd.s32 s9, v7;
	v14 =	vld.idx.msk [tilespmem:v51+s14+$0x0], $0xffff;
	[tilespmem:s31+$0x1C0] =	vst v15  }
0x3ee: {  	v57 =	vadd.s32 s5, v7;
	v16 =	vld.idx.msk [tilespmem:v52+s14+$0x0], $0xffff;
	[tilespmem:s22+$0x1C0] =	vst v53  }
0x3ef: {  	v58 =	vadd.s32 s1, v7;
	[tilespmem:s28+$0x1D0] =	vst v10;
	v9 =	vld.idx.msk [tilespmem:v9+s14+$0x0], $0xffff  }
0x3f0: {  	v10 =	vadd.s32 s0, v7;
	v11 =	vld.idx.msk [tilespmem:v11+s14+$0x0], $0xffff;
	[tilespmem:s26+$0x1D0] =	vst v54  }
0x3f1: {  	v60 =	vadd.s32 s3, v8;
	[tilespmem:s29+$0x1D0] =	vst v12;
	v18 =	vld.idx.msk [tilespmem:v55+s14+$0x0], $0xffff  }
0x3f2: {  	v59 =	vadd.s32 s7, v8;
	v13 =	vld.idx.msk [tilespmem:v56+s14+$0x0], $0xffff;
	[tilespmem:s30+$0x1D0] =	vst v14  }
0x3f3: {  	v61 =	vadd.s32 s9, v8;
	v15 =	vld.idx.msk [tilespmem:v57+s14+$0x0], $0xffff;
	[tilespmem:s31+$0x1D0] =	vst v16  }
0x3f4: {  	v62 =	vadd.s32 s5, v8;
	v17 =	vld.idx.msk [tilespmem:v58+s14+$0x0], $0xffff;
	[tilespmem:s22+$0x1D0] =	vst v9  }
0x3f5: {  	[tilespmem:s28+$0x1E0] =	vst v11;
	v9 =	vadd.s32 s1, v8;
	v10 =	vld.idx.msk [tilespmem:v10+s14+$0x0], $0xffff  }
0x3f6: {  	v11 =	vadd.s32 s0, v8;
	v12 =	vld.idx.msk [tilespmem:v60+s14+$0x0], $0xffff;
	[tilespmem:s26+$0x1E0] =	vst v18  }
0x3f7: {  	[tilespmem:s29+$0x1E0] =	vst v13;
	v18 =	vld.idx.msk [tilespmem:v59+s14+$0x0], $0xffff  }
0x3f8: {  	v13 =	vld.idx.msk [tilespmem:v61+s14+$0x0], $0xffff;
	[tilespmem:s30+$0x1E0] =	vst v15  }
0x3f9: {  	v63 =	vld.idx.msk [tilespmem:v62+s14+$0x0], $0xffff;
	[tilespmem:s31+$0x1E0] =	vst v17  }
0x3fa: {  	v9 =	vld.idx.msk [tilespmem:v9+s14+$0x0], $0xffff;
	[tilespmem:s22+$0x1E0] =	vst v10  }
0x3fb: {  	[tilespmem:s28+$0x1F0] =	vst v12;
	v10 =	vld.idx.msk [tilespmem:v11+s14+$0x0], $0xffff  }
0x3fc: {  	p1 =	sne.s32 s24, $0x18;
	[tilespmem:s26+$0x1F0] =	vst v18  }
.Ltmp2:
0x3fd: {  	[tilespmem:s29+$0x1F0] =	vst v13;
	(pc) =	sbr.rel @p1 .LBB2_8-.Ltmp2, $4  }
0x3fe: {  	s29 =	sshll.u32 s24, $0x10;
	[tilespmem:s30+$0x1F0] =	vst v63;
	s30 =	rddreg [dreg:$0x1]  }
0x3ff: {  	s0 =	sadd.s32 s30, s29;
	[tilespmem:s31+$0x1F0] =	vst v9  }
0x400: {  	s0 =	sadd.s32 s6, s0;
	s31 =	simm.s32 $0x9A00;
	[tilespmem:s22+$0x1F0] =	vst v10  }
0x401: {  	[hbm4b:s0+s15] =	stream.strided.scatter [tilespmem:s31], [sflag:$0x3], $0x2000, s16, s15, $0x38;
	[tilespmem:$0xDA00] =	vst v63  }
.Ltmp3:
0x402: {  	(pc) =	sbr.rel .LBB2_9-.Ltmp3, $4  }
0x403: {  	_ = 	snop  }
0x404: {  	_ =	swait.ge [sflag:s18], $0x2000  }
0x405: {  	[sflag:s18] =	ssyncset.done $0x0  }
0x406: {  	[sflag:s18] =	ssyncadd.s32 $0xFFFFE000  }
.LBB2_8:
0x407: {  	s0 =	sshll.u32 s24, $0x8  }
0x408: {  	s1 =	simm.s32 $0x80;
	s0 =	sand.u32 $0x3FFFFF00, s0  }
.Ltmp4:
0x409: {  	s2 =	simm.s32 $0x1900;
	s0 =	sadd.s32 $0x100, s0;
	(pc) =	sbr.rel @p0 .LBB2_10-.Ltmp4, $4  }
0x40a: {  	[tilespmem:s2], [sflag:$0x1] =	stream.indirect.gather [hbm4b:s4+s1], $0x40, s0, s1, $0xb8;
	[tilespmem:$0xDA00] =	vst v63  }
0x40b: {  	_ =	swait.ge [sflag:s18], $0x2000  }
0x40c: {  	[sflag:s18] =	ssyncset.done $0x0  }
0x40d: {  	[sflag:s18] =	ssyncadd.s32 $0xFFFFE000  }
.LBB2_9:
0x40e: {  	_ =	swait.ge [sflag:s19], $0x2000  }
0x40f: {  	[sflag:s19] =	ssyncset.done $0x0  }
0x410: {  	[sflag:s19] =	ssyncadd.s32 $0xFFFFE000  }
.LBB2_10:
0x411: {  	s1 =	simm.s32 $0x3A00  }
0x412: {  	v9 =	vld [tilespmem:s1+$0xFFFFFF00];
	_ =	sdelay $0x3  }
0x413: {  	s0 =	simm.s32 $0x1F7  }
0x414: {  	[tilespmem:s0+$0x7789] =	vst v9  }
0x415: {  	v9 =	vld [tilespmem:s1+$0xFFFFFF10];
	_ =	sdelay $0x4  }
0x416: {  	[tilespmem:s0+$0x7799] =	vst v9  }
0x417: {  	v9 =	vld [tilespmem:s1+$0xFFFFFF20];
	_ =	sdelay $0x4  }
0x418: {  	[tilespmem:s0+$0x77A9] =	vst v9  }
0x419: {  	v9 =	vld [tilespmem:s1+$0xFFFFFF30];
	_ =	sdelay $0x4  }
0x41a: {  	[tilespmem:s0+$0x77B9] =	vst v9  }
0x41b: {  	v9 =	vld [tilespmem:s1+$0xFFFFFF40];
	_ =	sdelay $0x4  }
0x41c: {  	[tilespmem:s0+$0x77CA] =	vst v9  }
0x41d: {  	v9 =	vld [tilespmem:s1+$0xFFFFFF50]  }
0x41e: {  	s5 =	simm.s32 $0x3C00  }
0x41f: {  	v10 =	vld [tilespmem:s5+$0xFFFFFF00];
	_ =	sdelay $0x2  }
0x420: {  	[tilespmem:s0+$0x77DA] =	vst v9  }
0x421: {  	s3 =	simm.s32 $0x3FF;
	v9 =	vld [tilespmem:s1+$0xFFFFFF60]  }
0x422: {  	[tilespmem:s3+$0x7789] =	vst v10  }
0x423: {  	v10 =	vld [tilespmem:s5+$0xFFFFFF10];
	_ =	sdelay $0x2  }
0x424: {  	[tilespmem:s0+$0x77EA] =	vst v9  }
0x425: {  	v9 =	vld [tilespmem:s1+$0xFFFFFF70]  }
0x426: {  	[tilespmem:s3+$0x7799] =	vst v10  }
0x427: {  	v10 =	vld [tilespmem:s5+$0xFFFFFF20];
	_ =	sdelay $0x2  }
0x428: {  	[tilespmem:s0+$0x77FA] =	vst v9  }
0x429: {  	v9 =	vld [tilespmem:s1+$0xFFFFFF80]  }
0x42a: {  	[tilespmem:s3+$0x77A9] =	vst v10  }
0x42b: {  	v10 =	vld [tilespmem:s5+$0xFFFFFF30];
	_ =	sdelay $0x2  }
0x42c: {  	[tilespmem:s0+$0x780B] =	vst v9  }
0x42d: {  	v9 =	vld [tilespmem:s1+$0xFFFFFF90]  }
0x42e: {  	[tilespmem:s3+$0x77B9] =	vst v10  }
0x42f: {  	v10 =	vld [tilespmem:s5+$0xFFFFFF40];
	_ =	sdelay $0x2  }
0x430: {  	[tilespmem:s0+$0x781B] =	vst v9  }
0x431: {  	v9 =	vld [tilespmem:s1+$0xFFFFFFA0]  }
0x432: {  	[tilespmem:s3+$0x77CA] =	vst v10  }
0x433: {  	v10 =	vld [tilespmem:s5+$0xFFFFFF50]  }
0x434: {  	s9 =	simm.s32 $0x3E00  }
0x435: {  	v11 =	vld [tilespmem:s9+$0xFFFFFF00]  }
0x436: {  	[tilespmem:s0+$0x782B] =	vst v9  }
0x437: {  	v9 =	vld [tilespmem:s1+$0xFFFFFFB0]  }
0x438: {  	[tilespmem:s3+$0x77DA] =	vst v10  }
0x439: {  	s7 =	simm.s32 $0x607;
	v10 =	vld [tilespmem:s5+$0xFFFFFF60]  }
0x43a: {  	[tilespmem:s7+$0x7789] =	vst v11  }
0x43b: {  	v11 =	vld [tilespmem:s9+$0xFFFFFF10]  }
0x43c: {  	[tilespmem:s0+$0x783B] =	vst v9  }
0x43d: {  	v9 =	vld [tilespmem:s1+$0xFFFFFFC0]  }
0x43e: {  	[tilespmem:s3+$0x77EA] =	vst v10  }
0x43f: {  	v10 =	vld [tilespmem:s5+$0xFFFFFF70]  }
0x440: {  	[tilespmem:s7+$0x7799] =	vst v11  }
0x441: {  	v11 =	vld [tilespmem:s9+$0xFFFFFF20]  }
0x442: {  	[tilespmem:s0+$0x784C] =	vst v9  }
0x443: {  	v9 =	vld [tilespmem:s1+$0xFFFFFFD0]  }
0x444: {  	[tilespmem:s3+$0x77FA] =	vst v10  }
0x445: {  	v10 =	vld [tilespmem:s5+$0xFFFFFF80]  }
0x446: {  	[tilespmem:s7+$0x77A9] =	vst v11  }
0x447: {  	v11 =	vld [tilespmem:s9+$0xFFFFFF30]  }
0x448: {  	[tilespmem:s0+$0x785C] =	vst v9  }
0x449: {  	v9 =	vld [tilespmem:s1+$0xFFFFFFE0]  }
0x44a: {  	[tilespmem:s3+$0x780B] =	vst v10  }
0x44b: {  	v10 =	vld [tilespmem:s5+$0xFFFFFF90]  }
0x44c: {  	[tilespmem:s7+$0x77B9] =	vst v11  }
0x44d: {  	v11 =	vld [tilespmem:s9+$0xFFFFFF40]  }
0x44e: {  	[tilespmem:s0+$0x786C] =	vst v9  }
0x44f: {  	v9 =	vld [tilespmem:s1+$0xFFFFFFF0]  }
0x450: {  	[tilespmem:s3+$0x781B] =	vst v10  }
0x451: {  	v10 =	vld [tilespmem:s5+$0xFFFFFFA0]  }
0x452: {  	[tilespmem:s7+$0x77CA] =	vst v11  }
0x453: {  	s11 =	simm.s32 $0x4000;
	v11 =	vld [tilespmem:s9+$0xFFFFFF50]  }
0x454: {  	[tilespmem:s0+$0x787C] =	vst v9;
	v9 =	vld [tilespmem:s11+$0xFFFFFF00]  }
0x455: {  	v12 =	vld [tilespmem:s1+$0x0]  }
0x456: {  	[tilespmem:s3+$0x782B] =	vst v10  }
0x457: {  	v10 =	vld [tilespmem:s5+$0xFFFFFFB0]  }
0x458: {  	s10 =	simm.s32 $0x80F;
	[tilespmem:s7+$0x77DA] =	vst v11  }
0x459: {  	v11 =	vld [tilespmem:s9+$0xFFFFFF60];
	[tilespmem:s10+$0x7789] =	vst v9  }
0x45a: {  	v9 =	vld [tilespmem:s11+$0xFFFFFF10];
	[tilespmem:s0+$0x788D] =	vst v12  }
0x45b: {  	v12 =	vld [tilespmem:s1+$0x10]  }
0x45c: {  	[tilespmem:s3+$0x783B] =	vst v10  }
0x45d: {  	v10 =	vld [tilespmem:s5+$0xFFFFFFC0]  }
0x45e: {  	[tilespmem:s7+$0x77EA] =	vst v11  }
0x45f: {  	v11 =	vld [tilespmem:s9+$0xFFFFFF70];
	[tilespmem:s10+$0x7799] =	vst v9  }
0x460: {  	v9 =	vld [tilespmem:s11+$0xFFFFFF20];
	[tilespmem:s0+$0x789D] =	vst v12  }
0x461: {  	v12 =	vld [tilespmem:s1+$0x20]  }
0x462: {  	[tilespmem:s3+$0x784C] =	vst v10  }
0x463: {  	v10 =	vld [tilespmem:s5+$0xFFFFFFD0]  }
0x464: {  	[tilespmem:s7+$0x77FA] =	vst v11  }
0x465: {  	v11 =	vld [tilespmem:s9+$0xFFFFFF80];
	[tilespmem:s10+$0x77A9] =	vst v9  }
0x466: {  	v9 =	vld [tilespmem:s11+$0xFFFFFF30];
	[tilespmem:s0+$0x78AD] =	vst v12  }
0x467: {  	v12 =	vld [tilespmem:s1+$0x30]  }
0x468: {  	[tilespmem:s3+$0x785C] =	vst v10  }
0x469: {  	v10 =	vld [tilespmem:s5+$0xFFFFFFE0]  }
0x46a: {  	[tilespmem:s7+$0x780B] =	vst v11  }
0x46b: {  	v11 =	vld [tilespmem:s9+$0xFFFFFF90];
	[tilespmem:s10+$0x77B9] =	vst v9  }
0x46c: {  	v9 =	vld [tilespmem:s11+$0xFFFFFF40];
	[tilespmem:s0+$0x78BD] =	vst v12  }
0x46d: {  	v12 =	vld [tilespmem:s1+$0x40]  }
0x46e: {  	[tilespmem:s3+$0x786C] =	vst v10  }
0x46f: {  	v10 =	vld [tilespmem:s5+$0xFFFFFFF0]  }
0x470: {  	[tilespmem:s7+$0x781B] =	vst v11  }
0x471: {  	v11 =	vld [tilespmem:s9+$0xFFFFFFA0];
	[tilespmem:s10+$0x77CA] =	vst v9  }
0x472: {  	v9 =	vld [tilespmem:s11+$0xFFFFFF50];
	[tilespmem:s0+$0x78CE] =	vst v12  }
0x473: {  	s22 =	simm.s32 $0x4200;
	v12 =	vld [tilespmem:s1+$0x50]  }
0x474: {  	[tilespmem:s3+$0x787C] =	vst v10;
	v10 =	vld [tilespmem:s22+$0xFFFFFF00]  }
0x475: {  	v13 =	vld [tilespmem:s5+$0x0]  }
0x476: {  	[tilespmem:s7+$0x782B] =	vst v11  }
0x477: {  	v11 =	vld [tilespmem:s9+$0xFFFFFFB0];
	[tilespmem:s10+$0x77DA] =	vst v9  }
0x478: {  	s12 =	simm.s32 $0xA17;
	v9 =	vld [tilespmem:s11+$0xFFFFFF60];
	[tilespmem:s0+$0x78DE] =	vst v12  }
0x479: {  	[tilespmem:s12+$0x7789] =	vst v10;
	v10 =	vld [tilespmem:s1+$0x60]  }
0x47a: {  	[tilespmem:s3+$0x788D] =	vst v13;
	v12 =	vld [tilespmem:s22+$0xFFFFFF10]  }
0x47b: {  	v13 =	vld [tilespmem:s5+$0x10]  }
0x47c: {  	[tilespmem:s7+$0x783B] =	vst v11  }
0x47d: {  	v11 =	vld [tilespmem:s9+$0xFFFFFFC0];
	[tilespmem:s10+$0x77EA] =	vst v9  }
0x47e: {  	v9 =	vld [tilespmem:s11+$0xFFFFFF70];
	[tilespmem:s0+$0x78EE] =	vst v10  }
0x47f: {  	[tilespmem:s12+$0x7799] =	vst v12;
	v10 =	vld [tilespmem:s1+$0x70]  }
0x480: {  	[tilespmem:s3+$0x789D] =	vst v13;
	v12 =	vld [tilespmem:s22+$0xFFFFFF20]  }
0x481: {  	v13 =	vld [tilespmem:s5+$0x20]  }
0x482: {  	[tilespmem:s7+$0x784C] =	vst v11  }
0x483: {  	v11 =	vld [tilespmem:s9+$0xFFFFFFD0];
	[tilespmem:s10+$0x77FA] =	vst v9  }
0x484: {  	v9 =	vld [tilespmem:s11+$0xFFFFFF80];
	[tilespmem:s0+$0x78FE] =	vst v10  }
0x485: {  	[tilespmem:s12+$0x77A9] =	vst v12;
	v10 =	vld [tilespmem:s1+$0x80]  }
0x486: {  	[tilespmem:s3+$0x78AD] =	vst v13;
	v12 =	vld [tilespmem:s22+$0xFFFFFF30]  }
0x487: {  	v13 =	vld [tilespmem:s5+$0x30]  }
0x488: {  	[tilespmem:s7+$0x785C] =	vst v11  }
0x489: {  	v11 =	vld [tilespmem:s9+$0xFFFFFFE0];
	[tilespmem:s10+$0x780B] =	vst v9  }
0x48a: {  	v9 =	vld [tilespmem:s11+$0xFFFFFF90];
	[tilespmem:s0+$0x790F] =	vst v10  }
0x48b: {  	[tilespmem:s12+$0x77B9] =	vst v12;
	v10 =	vld [tilespmem:s1+$0x90]  }
0x48c: {  	[tilespmem:s3+$0x78BD] =	vst v13;
	v12 =	vld [tilespmem:s22+$0xFFFFFF40]  }
0x48d: {  	v13 =	vld [tilespmem:s5+$0x40]  }
0x48e: {  	[tilespmem:s7+$0x786C] =	vst v11  }
0x48f: {  	v14 =	vld [tilespmem:s9+$0xFFFFFFF0];
	[tilespmem:s10+$0x781B] =	vst v9  }
0x490: {  	v15 =	vld [tilespmem:s11+$0xFFFFFFA0];
	[tilespmem:s0+$0x791F] =	vst v10  }
0x491: {  	[tilespmem:s12+$0x77CA] =	vst v12;
	v11 =	vld [tilespmem:s1+$0xA0]  }
0x492: {  	[tilespmem:s3+$0x78CE] =	vst v13;
	v9 =	vld [tilespmem:s22+$0xFFFFFF50]  }
0x493: {  	s23 =	simm.s32 $0x4400;
	v10 =	vld [tilespmem:s5+$0x50]  }
0x494: {  	[tilespmem:s7+$0x787C] =	vst v14;
	v12 =	vld [tilespmem:s23+$0xFFFFFF00]  }
0x495: {  	s2 =	simm.s32 $0x307C;
	s8 =	simm.s32 $0x389C;
	v13 =	vld [tilespmem:s9+$0x0];
	[tilespmem:s10+$0x782B] =	vst v15  }
.LBB2_11:
0x496: {  	p0 =	sne.s32 s8, $0x81BC;
	v14 =	vld [tilespmem:s11+$0xFFFFFFB0];
	[tilespmem:s0+$0x792F] =	vst v11  }
0x497: {  	[tilespmem:s12+$0x77DA] =	vst v9;
	v9 =	vld [tilespmem:s1+$0xB0]  }
0x498: {  	s17 =	sshra.s32 s2, $0x2;
	s2 =	smov.u32 s8;
	v11 =	vld [tilespmem:s22+$0xFFFFFF60];
	[tilespmem:s3+$0x78DE] =	vst v10  }
0x499: {  	[tilespmem:s17+$0x7789] =	vst v12;
	v10 =	vld [tilespmem:s5+$0x60]  }
0x49a: {  	v12 =	vld [tilespmem:s23+$0xFFFFFF10];
	[tilespmem:s7+$0x788D] =	vst v13  }
0x49b: {  	[tilespmem:s10+$0x783B] =	vst v14;
	v13 =	vld [tilespmem:s9+$0x10]  }
0x49c: {  	v14 =	vld [tilespmem:s11+$0xFFFFFFC0];
	[tilespmem:s0+$0x793F] =	vst v9  }
0x49d: {  	[tilespmem:s12+$0x77EA] =	vst v11;
	v9 =	vld [tilespmem:s1+$0xC0]  }
0x49e: {  	v11 =	vld [tilespmem:s22+$0xFFFFFF70];
	[tilespmem:s3+$0x78EE] =	vst v10  }
0x49f: {  	[tilespmem:s17+$0x7799] =	vst v12;
	v10 =	vld [tilespmem:s5+$0x70]  }
0x4a0: {  	v12 =	vld [tilespmem:s23+$0xFFFFFF20];
	[tilespmem:s7+$0x789D] =	vst v13  }
0x4a1: {  	[tilespmem:s10+$0x784C] =	vst v14;
	v13 =	vld [tilespmem:s9+$0x20]  }
0x4a2: {  	v14 =	vld [tilespmem:s11+$0xFFFFFFD0];
	[tilespmem:s0+$0x7950] =	vst v9  }
0x4a3: {  	[tilespmem:s12+$0x77FA] =	vst v11;
	v9 =	vld [tilespmem:s1+$0xD0]  }
0x4a4: {  	v11 =	vld [tilespmem:s22+$0xFFFFFF80];
	[tilespmem:s3+$0x78FE] =	vst v10  }
0x4a5: {  	[tilespmem:s17+$0x77A9] =	vst v12;
	v10 =	vld [tilespmem:s5+$0x80]  }
0x4a6: {  	v12 =	vld [tilespmem:s23+$0xFFFFFF30];
	[tilespmem:s7+$0x78AD] =	vst v13  }
0x4a7: {  	[tilespmem:s10+$0x785C] =	vst v14;
	v13 =	vld [tilespmem:s9+$0x30]  }
0x4a8: {  	v14 =	vld [tilespmem:s11+$0xFFFFFFE0];
	[tilespmem:s0+$0x7960] =	vst v9  }
0x4a9: {  	[tilespmem:s12+$0x780B] =	vst v11;
	v9 =	vld [tilespmem:s1+$0xE0]  }
0x4aa: {  	v11 =	vld [tilespmem:s22+$0xFFFFFF90];
	[tilespmem:s3+$0x790F] =	vst v10  }
0x4ab: {  	[tilespmem:s17+$0x77B9] =	vst v12;
	v10 =	vld [tilespmem:s5+$0x90]  }
0x4ac: {  	v12 =	vld [tilespmem:s23+$0xFFFFFF40];
	[tilespmem:s7+$0x78BD] =	vst v13  }
0x4ad: {  	[tilespmem:s10+$0x786C] =	vst v14;
	v13 =	vld [tilespmem:s9+$0x40]  }
0x4ae: {  	v14 =	vld [tilespmem:s11+$0xFFFFFFF0];
	[tilespmem:s0+$0x7970] =	vst v9  }
0x4af: {  	[tilespmem:s12+$0x781B] =	vst v11;
	v15 =	vld [tilespmem:s1+$0xF0];
	s1 =	smov.u32 s5;
	s5 =	smov.u32 s9;
	s9 =	smov.u32 s11  }
0x4b0: {  	s11 =	smov.u32 s22;
	v16 =	vld [tilespmem:s22+$0xFFFFFFA0];
	[tilespmem:s3+$0x791F] =	vst v10;
	s22 =	smov.u32 s23  }
.Ltmp5:
0x4b1: {  	[tilespmem:s17+$0x77CA] =	vst v12;
	v11 =	vld [tilespmem:s1+$0xA0];
	(pc) =	sbr.rel @p0 .LBB2_11-.Ltmp5, $4  }
0x4b2: {  	v9 =	vld [tilespmem:s23+$0xFFFFFF50];
	[tilespmem:s7+$0x78CE] =	vst v13  }
0x4b3: {  	s23 =	sadd.s32 $0x200, s23;
	[tilespmem:s10+$0x787C] =	vst v14;
	v10 =	vld [tilespmem:s5+$0x50]  }
0x4b4: {  	v12 =	vld [tilespmem:s23+$0xFFFFFF00];
	[tilespmem:s0+$0x7980] =	vst v15;
	s0 =	smov.u32 s3;
	s3 =	smov.u32 s7;
	s7 =	smov.u32 s10  }
0x4b5: {  	s8 =	sadd.s32 $0x820, s8;
	s10 =	smov.u32 s12;
	[tilespmem:s12+$0x782B] =	vst v16;
	v13 =	vld [tilespmem:s9+$0x0];
	s12 =	smov.u32 s17  }
0x4b6: {  	_ =	sdelay $0x1  }
0x4b7: {  	v14 =	vld [tilespmem:s11+$0xFFFFFFB0];
	[tilespmem:s0+$0x792F] =	vst v11;
	s8 =	sshra.s32 s2, $0x2  }
0x4b8: {  	v11 =	vld [tilespmem:s1+$0xB0];
	[tilespmem:s8+$0x7789] =	vst v12  }
0x4b9: {  	[tilespmem:s12+$0x77DA] =	vst v9;
	v9 =	vld [tilespmem:s23+$0xFFFFFF10]  }
0x4ba: {  	[tilespmem:s3+$0x78DE] =	vst v10;
	v12 =	vld [tilespmem:s22+$0xFFFFFF60]  }
0x4bb: {  	[tilespmem:s7+$0x788D] =	vst v13  }
0x4bc: {  	v10 =	vld [tilespmem:s5+$0x60];
	[tilespmem:s10+$0x783B] =	vst v14  }
0x4bd: {  	v13 =	vld [tilespmem:s9+$0x10];
	[tilespmem:s0+$0x793F] =	vst v11  }
0x4be: {  	v14 =	vld [tilespmem:s11+$0xFFFFFFC0];
	[tilespmem:s8+$0x7799] =	vst v9  }
0x4bf: {  	[tilespmem:s12+$0x77EA] =	vst v12;
	v12 =	vld [tilespmem:s23+$0xFFFFFF20]  }
0x4c0: {  	v11 =	vld [tilespmem:s1+$0xC0]  }
0x4c1: {  	[tilespmem:s3+$0x78EE] =	vst v10;
	v15 =	vld [tilespmem:s22+$0xFFFFFF70]  }
0x4c2: {  	v10 =	vld [tilespmem:s5+$0x70];
	[tilespmem:s7+$0x789D] =	vst v13  }
0x4c3: {  	[tilespmem:s10+$0x784C] =	vst v14;
	v13 =	vld [tilespmem:s9+$0x20]  }
0x4c4: {  	v14 =	vld [tilespmem:s11+$0xFFFFFFD0];
	[tilespmem:s8+$0x77A9] =	vst v12  }
0x4c5: {  	[tilespmem:s0+$0x7950] =	vst v11;
	v11 =	vld [tilespmem:s23+$0xFFFFFF30]  }
0x4c6: {  	v9 =	vld [tilespmem:s1+$0xD0];
	[tilespmem:s12+$0x77FA] =	vst v15  }
0x4c7: {  	[tilespmem:s3+$0x78FE] =	vst v10;
	v12 =	vld [tilespmem:s22+$0xFFFFFF80]  }
0x4c8: {  	v10 =	vld [tilespmem:s5+$0x80];
	[tilespmem:s7+$0x78AD] =	vst v13  }
0x4c9: {  	[tilespmem:s10+$0x785C] =	vst v14;
	v13 =	vld [tilespmem:s9+$0x30]  }
0x4ca: {  	v14 =	vld [tilespmem:s11+$0xFFFFFFE0];
	[tilespmem:s8+$0x77B9] =	vst v11  }
0x4cb: {  	v11 =	vld [tilespmem:s23+$0xFFFFFF40];
	_ =	sdelay $0x4  }
0x4cc: {  	[tilespmem:s8+$0x77CA] =	vst v11  }
0x4cd: {  	v11 =	vld [tilespmem:s23+$0xFFFFFF50];
	_ =	sdelay $0x4  }
0x4ce: {  	[tilespmem:s8+$0x77DA] =	vst v11  }
0x4cf: {  	v11 =	vld [tilespmem:s23+$0xFFFFFF60];
	_ =	sdelay $0x4  }
0x4d0: {  	[tilespmem:s8+$0x77EA] =	vst v11  }
0x4d1: {  	v11 =	vld [tilespmem:s23+$0xFFFFFF70];
	_ =	sdelay $0x4  }
0x4d2: {  	[tilespmem:s8+$0x77FA] =	vst v11  }
0x4d3: {  	v11 =	vld [tilespmem:s23+$0xFFFFFF80];
	_ =	sdelay $0x3  }
0x4d4: {  	[tilespmem:s12+$0x780B] =	vst v12  }
0x4d5: {  	v12 =	vld [tilespmem:s22+$0xFFFFFF90];
	[tilespmem:s8+$0x780B] =	vst v11  }
0x4d6: {  	v11 =	vld [tilespmem:s23+$0xFFFFFF90];
	_ =	sdelay $0x3  }
0x4d7: {  	[tilespmem:s12+$0x781B] =	vst v12  }
0x4d8: {  	v12 =	vld [tilespmem:s22+$0xFFFFFFA0];
	[tilespmem:s8+$0x781B] =	vst v11  }
0x4d9: {  	v11 =	vld [tilespmem:s23+$0xFFFFFFA0];
	_ =	sdelay $0x3  }
0x4da: {  	[tilespmem:s12+$0x782B] =	vst v12  }
0x4db: {  	v12 =	vld [tilespmem:s22+$0xFFFFFFB0];
	[tilespmem:s8+$0x782B] =	vst v11  }
0x4dc: {  	v11 =	vld [tilespmem:s23+$0xFFFFFFB0];
	_ =	sdelay $0x3  }
0x4dd: {  	[tilespmem:s12+$0x783B] =	vst v12  }
0x4de: {  	v12 =	vld [tilespmem:s22+$0xFFFFFFC0];
	[tilespmem:s8+$0x783B] =	vst v11  }
0x4df: {  	v11 =	vld [tilespmem:s23+$0xFFFFFFC0];
	_ =	sdelay $0x3  }
0x4e0: {  	[tilespmem:s12+$0x784C] =	vst v12  }
0x4e1: {  	v12 =	vld [tilespmem:s22+$0xFFFFFFD0];
	[tilespmem:s8+$0x784C] =	vst v11  }
0x4e2: {  	v11 =	vld [tilespmem:s23+$0xFFFFFFD0];
	_ =	sdelay $0x3  }
0x4e3: {  	[tilespmem:s12+$0x785C] =	vst v12  }
0x4e4: {  	v12 =	vld [tilespmem:s22+$0xFFFFFFE0];
	[tilespmem:s8+$0x785C] =	vst v11  }
0x4e5: {  	v11 =	vld [tilespmem:s23+$0xFFFFFFE0];
	_ =	sdelay $0x2  }
0x4e6: {  	[tilespmem:s10+$0x786C] =	vst v14  }
0x4e7: {  	v14 =	vld [tilespmem:s11+$0xFFFFFFF0];
	[tilespmem:s12+$0x786C] =	vst v12  }
0x4e8: {  	v12 =	vld [tilespmem:s22+$0xFFFFFFF0];
	[tilespmem:s8+$0x786C] =	vst v11  }
0x4e9: {  	v11 =	vld [tilespmem:s23+$0xFFFFFFF0];
	_ =	sdelay $0x2  }
0x4ea: {  	[tilespmem:s10+$0x787C] =	vst v14  }
0x4eb: {  	v14 =	vld [tilespmem:s11+$0x0];
	[tilespmem:s12+$0x787C] =	vst v12  }
0x4ec: {  	v12 =	vld [tilespmem:s22+$0x0];
	[tilespmem:s8+$0x787C] =	vst v11  }
0x4ed: {  	v11 =	vld [tilespmem:s23+$0x0];
	_ =	sdelay $0x2  }
0x4ee: {  	[tilespmem:s10+$0x788D] =	vst v14  }
0x4ef: {  	v14 =	vld [tilespmem:s11+$0x10];
	[tilespmem:s12+$0x788D] =	vst v12  }
0x4f0: {  	v12 =	vld [tilespmem:s22+$0x10];
	[tilespmem:s8+$0x788D] =	vst v11  }
0x4f1: {  	v11 =	vld [tilespmem:s23+$0x10];
	_ =	sdelay $0x2  }
0x4f2: {  	[tilespmem:s10+$0x789D] =	vst v14  }
0x4f3: {  	v14 =	vld [tilespmem:s11+$0x20];
	[tilespmem:s12+$0x789D] =	vst v12  }
0x4f4: {  	v12 =	vld [tilespmem:s22+$0x20];
	[tilespmem:s8+$0x789D] =	vst v11  }
0x4f5: {  	v11 =	vld [tilespmem:s23+$0x20];
	_ =	sdelay $0x2  }
0x4f6: {  	[tilespmem:s10+$0x78AD] =	vst v14  }
0x4f7: {  	v14 =	vld [tilespmem:s11+$0x30];
	[tilespmem:s12+$0x78AD] =	vst v12  }
0x4f8: {  	v12 =	vld [tilespmem:s22+$0x30];
	[tilespmem:s8+$0x78AD] =	vst v11  }
0x4f9: {  	v11 =	vld [tilespmem:s23+$0x30];
	_ =	sdelay $0x1  }
0x4fa: {  	[tilespmem:s7+$0x78BD] =	vst v13  }
0x4fb: {  	v13 =	vld [tilespmem:s9+$0x40];
	[tilespmem:s10+$0x78BD] =	vst v14  }
0x4fc: {  	v14 =	vld [tilespmem:s11+$0x40];
	[tilespmem:s12+$0x78BD] =	vst v12  }
0x4fd: {  	v12 =	vld [tilespmem:s22+$0x40];
	[tilespmem:s8+$0x78BD] =	vst v11  }
0x4fe: {  	v11 =	vld [tilespmem:s23+$0x40];
	_ =	sdelay $0x1  }
0x4ff: {  	[tilespmem:s7+$0x78CE] =	vst v13  }
0x500: {  	v13 =	vld [tilespmem:s9+$0x50];
	[tilespmem:s10+$0x78CE] =	vst v14  }
0x501: {  	v14 =	vld [tilespmem:s11+$0x50];
	[tilespmem:s12+$0x78CE] =	vst v12  }
0x502: {  	v12 =	vld [tilespmem:s22+$0x50];
	[tilespmem:s8+$0x78CE] =	vst v11  }
0x503: {  	v11 =	vld [tilespmem:s23+$0x50];
	_ =	sdelay $0x1  }
0x504: {  	[tilespmem:s7+$0x78DE] =	vst v13  }
0x505: {  	v13 =	vld [tilespmem:s9+$0x60];
	[tilespmem:s10+$0x78DE] =	vst v14  }
0x506: {  	v14 =	vld [tilespmem:s11+$0x60];
	[tilespmem:s12+$0x78DE] =	vst v12  }
0x507: {  	v12 =	vld [tilespmem:s22+$0x60];
	[tilespmem:s8+$0x78DE] =	vst v11  }
0x508: {  	v11 =	vld [tilespmem:s23+$0x60];
	_ =	sdelay $0x1  }
0x509: {  	[tilespmem:s7+$0x78EE] =	vst v13  }
0x50a: {  	v13 =	vld [tilespmem:s9+$0x70];
	[tilespmem:s10+$0x78EE] =	vst v14  }
0x50b: {  	v14 =	vld [tilespmem:s11+$0x70];
	[tilespmem:s12+$0x78EE] =	vst v12  }
0x50c: {  	v12 =	vld [tilespmem:s22+$0x70];
	[tilespmem:s8+$0x78EE] =	vst v11  }
0x50d: {  	v11 =	vld [tilespmem:s23+$0x70];
	_ =	sdelay $0x1  }
0x50e: {  	[tilespmem:s7+$0x78FE] =	vst v13  }
0x50f: {  	v13 =	vld [tilespmem:s9+$0x80];
	[tilespmem:s10+$0x78FE] =	vst v14  }
0x510: {  	v14 =	vld [tilespmem:s11+$0x80];
	[tilespmem:s12+$0x78FE] =	vst v12  }
0x511: {  	v12 =	vld [tilespmem:s22+$0x80];
	[tilespmem:s8+$0x78FE] =	vst v11  }
0x512: {  	v11 =	vld [tilespmem:s23+$0x80]  }
0x513: {  	[tilespmem:s3+$0x790F] =	vst v10  }
0x514: {  	v10 =	vld [tilespmem:s5+$0x90];
	[tilespmem:s7+$0x790F] =	vst v13  }
0x515: {  	v13 =	vld [tilespmem:s9+$0x90];
	[tilespmem:s10+$0x790F] =	vst v14  }
0x516: {  	v14 =	vld [tilespmem:s11+$0x90];
	[tilespmem:s12+$0x790F] =	vst v12  }
0x517: {  	v12 =	vld [tilespmem:s22+$0x90];
	[tilespmem:s8+$0x790F] =	vst v11  }
0x518: {  	v11 =	vld [tilespmem:s23+$0x90]  }
0x519: {  	[tilespmem:s3+$0x791F] =	vst v10  }
0x51a: {  	v10 =	vld [tilespmem:s5+$0xA0];
	[tilespmem:s7+$0x791F] =	vst v13  }
0x51b: {  	v13 =	vld [tilespmem:s9+$0xA0];
	[tilespmem:s10+$0x791F] =	vst v14  }
0x51c: {  	v14 =	vld [tilespmem:s11+$0xA0];
	[tilespmem:s12+$0x791F] =	vst v12  }
0x51d: {  	v12 =	vld [tilespmem:s22+$0xA0];
	[tilespmem:s8+$0x791F] =	vst v11  }
0x51e: {  	v11 =	vld [tilespmem:s23+$0xA0]  }
0x51f: {  	[tilespmem:s3+$0x792F] =	vst v10  }
0x520: {  	v10 =	vld [tilespmem:s5+$0xB0];
	[tilespmem:s7+$0x792F] =	vst v13  }
0x521: {  	v13 =	vld [tilespmem:s9+$0xB0];
	[tilespmem:s10+$0x792F] =	vst v14  }
0x522: {  	v14 =	vld [tilespmem:s11+$0xB0];
	[tilespmem:s12+$0x792F] =	vst v12  }
0x523: {  	v12 =	vld [tilespmem:s22+$0xB0];
	[tilespmem:s8+$0x792F] =	vst v11  }
0x524: {  	v11 =	vld [tilespmem:s23+$0xB0]  }
0x525: {  	[tilespmem:s3+$0x793F] =	vst v10  }
0x526: {  	v10 =	vld [tilespmem:s5+$0xC0];
	[tilespmem:s7+$0x793F] =	vst v13  }
0x527: {  	v13 =	vld [tilespmem:s9+$0xC0];
	[tilespmem:s10+$0x793F] =	vst v14  }
0x528: {  	v14 =	vld [tilespmem:s11+$0xC0];
	[tilespmem:s12+$0x793F] =	vst v12  }
0x529: {  	v12 =	vld [tilespmem:s22+$0xC0];
	[tilespmem:s8+$0x793F] =	vst v11  }
0x52a: {  	v11 =	vld [tilespmem:s23+$0xC0]  }
0x52b: {  	[tilespmem:s3+$0x7950] =	vst v10  }
0x52c: {  	v10 =	vld [tilespmem:s5+$0xD0];
	[tilespmem:s7+$0x7950] =	vst v13  }
0x52d: {  	v13 =	vld [tilespmem:s9+$0xD0];
	[tilespmem:s10+$0x7950] =	vst v14  }
0x52e: {  	v14 =	vld [tilespmem:s11+$0xD0];
	[tilespmem:s12+$0x7950] =	vst v12  }
0x52f: {  	v12 =	vld [tilespmem:s22+$0xD0];
	[tilespmem:s8+$0x7950] =	vst v11  }
0x530: {  	[tilespmem:s0+$0x7960] =	vst v9;
	v9 =	vld [tilespmem:s23+$0xD0]  }
0x531: {  	[tilespmem:s3+$0x7960] =	vst v10;
	v11 =	vld [tilespmem:s1+$0xE0]  }
0x532: {  	v10 =	vld [tilespmem:s5+$0xE0];
	[tilespmem:s7+$0x7960] =	vst v13  }
0x533: {  	v13 =	vld [tilespmem:s9+$0xE0];
	[tilespmem:s10+$0x7960] =	vst v14  }
0x534: {  	v14 =	vld [tilespmem:s11+$0xE0];
	[tilespmem:s12+$0x7960] =	vst v12  }
0x535: {  	v12 =	vld [tilespmem:s22+$0xE0];
	[tilespmem:s8+$0x7960] =	vst v9  }
0x536: {  	[tilespmem:s0+$0x7970] =	vst v11;
	v9 =	vld [tilespmem:s23+$0xE0]  }
0x537: {  	[tilespmem:s3+$0x7970] =	vst v10;
	v11 =	vld [tilespmem:s1+$0xF0]  }
0x538: {  	v10 =	vld [tilespmem:s5+$0xF0];
	[tilespmem:s7+$0x7970] =	vst v13  }
0x539: {  	v13 =	vld [tilespmem:s9+$0xF0];
	[tilespmem:s10+$0x7970] =	vst v14  }
0x53a: {  	s9 =	simm.s32 $0x0;
	v14 =	vld [tilespmem:s11+$0xF0];
	[tilespmem:s12+$0x7970] =	vst v12  }
0x53b: {  	v12 =	vld [tilespmem:s22+$0xF0];
	[tilespmem:s8+$0x7970] =	vst v9;
	v9 =	vadd.s32 s9, v0  }
0x53c: {  	[tilespmem:s0+$0x7980] =	vst v11;
	v11 =	vld [tilespmem:s23+$0xF0];
	v9 =	vand.u32 $0x7F8, v9  }
0x53d: {  	[tilespmem:s3+$0x7980] =	vst v10;
	v9 =	vor.u32 v1, v9  }
0x53e: {  	[tilespmem:s7+$0x7980] =	vst v13  }
0x53f: {  	[tilespmem:s10+$0x7980] =	vst v14  }
0x540: {  	[tilespmem:s12+$0x7980] =	vst v12  }
0x541: {  	v10 =	vadd.s32 s9, v2;
	[tilespmem:s8+$0x7980] =	vst v11  }
0x542: {  	v10 =	vand.u32 $0xFF8, v10;
	v9 =	vld.idx.msk [tilespmem:v9+s20+$0x0], $0xffff  }
0x543: {  	v10 =	vor.u32 v1, v10;
	_ =	sdelay $0x2  }
0x544: {  	s26 =	simm.s32 $0xBC00  }
0x545: {  	[tilespmem:s26+$0xFFFFFE00] =	vst v9;
	v9 =	vadd.s32 s9, v3  }
0x546: {  	v10 =	vld.idx.msk [tilespmem:v10+s20+$0x0], $0xffff;
	v9 =	vand.u32 $0xFF8, v9  }
0x547: {  	v9 =	vor.u32 v1, v9;
	_ =	sdelay $0x3  }
0x548: {  	[tilespmem:s26+$0xFFFFFE10] =	vst v10;
	v10 =	vadd.s32 s9, v4  }
0x549: {  	v9 =	vld.idx.msk [tilespmem:v9+s20+$0x0], $0xffff;
	v10 =	vand.u32 $0x1FF8, v10  }
0x54a: {  	v10 =	vor.u32 v1, v10;
	_ =	sdelay $0x3  }
0x54b: {  	[tilespmem:s26+$0xFFFFFE20] =	vst v9;
	v9 =	vadd.s32 s9, v5  }
0x54c: {  	v10 =	vld.idx.msk [tilespmem:v10+s20+$0x0], $0xffff;
	v9 =	vand.u32 $0x1FF8, v9  }
0x54d: {  	v9 =	vor.u32 v1, v9;
	_ =	sdelay $0x3  }
0x54e: {  	[tilespmem:s26+$0xFFFFFE30] =	vst v10;
	v10 =	vadd.s32 s9, v6  }
0x54f: {  	v9 =	vld.idx.msk [tilespmem:v9+s20+$0x0], $0xffff;
	v10 =	vand.u32 $0x3FF8, v10  }
0x550: {  	v10 =	vor.u32 v1, v10;
	_ =	sdelay $0x3  }
0x551: {  	[tilespmem:s26+$0xFFFFFE40] =	vst v9;
	v9 =	vadd.s32 s9, v7  }
0x552: {  	v10 =	vld.idx.msk [tilespmem:v10+s20+$0x0], $0xffff;
	v9 =	vand.u32 $0x3FF8, v9  }
0x553: {  	v9 =	vor.u32 v1, v9;
	_ =	sdelay $0x3  }
0x554: {  	[tilespmem:s26+$0xFFFFFE50] =	vst v10;
	v10 =	vadd.s32 s9, v8  }
0x555: {  	v9 =	vld.idx.msk [tilespmem:v9+s20+$0x0], $0xffff;
	v10 =	vand.u32 $0x7FF8, v10  }
0x556: {  	v10 =	vor.u32 v1, v10;
	_ =	sdelay $0x3  }
0x557: {  	[tilespmem:s26+$0xFFFFFE60] =	vst v9  }
0x558: {  	s11 =	simm.s32 $0x1;
	v9 =	vld.idx.msk [tilespmem:v10+s20+$0x0], $0xffff  }
0x559: {  	v10 =	vadd.s32 s11, v0;
	_ =	sdelay $0x3  }
0x55a: {  	[tilespmem:s26+$0xFFFFFE70] =	vst v9  }
0x55b: {  	v9 =	vld.idx.msk [tilespmem:v10+s20+$0x0], $0xffff  }
0x55c: {  	v10 =	vadd.s32 s11, v2;
	_ =	sdelay $0x3  }
0x55d: {  	[tilespmem:s26+$0xFFFFFE80] =	vst v9  }
0x55e: {  	v9 =	vld.idx.msk [tilespmem:v10+s20+$0x0], $0xffff  }
0x55f: {  	v10 =	vadd.s32 s11, v3;
	_ =	sdelay $0x1  }
0x560: {  	s12 =	simm.s32 $0x8  }
0x561: {  	v11 =	vadd.s32 s12, v0  }
0x562: {  	[tilespmem:s26+$0xFFFFFE90] =	vst v9;
	v9 =	vand.u32 $0x7F8, v11  }
0x563: {  	v10 =	vld.idx.msk [tilespmem:v10+s20+$0x0], $0xffff;
	v9 =	vor.u32 v1, v9  }
0x564: {  	v11 =	vadd.s32 s11, v4;
	_ =	sdelay $0x2  }
0x565: {  	v12 =	vadd.s32 s12, v2  }
0x566: {  	v9 =	vld.idx.msk [tilespmem:v9+s20+$0x0], $0xffff;
	[tilespmem:s26+$0xFFFFFEA0] =	vst v10;
	v10 =	vand.u32 $0xFF8, v12  }
0x567: {  	v11 =	vld.idx.msk [tilespmem:v11+s20+$0x0], $0xffff;
	v10 =	vor.u32 v1, v10  }
0x568: {  	v12 =	vadd.s32 s11, v5;
	_ =	sdelay $0x1  }
0x569: {  	s28 =	simm.s32 $0xC000  }
0x56a: {  	[tilespmem:s28+$0xFFFFFE00] =	vst v9;
	v9 =	vadd.s32 s12, v3  }
0x56b: {  	v10 =	vld.idx.msk [tilespmem:v10+s20+$0x0], $0xffff;
	[tilespmem:s26+$0xFFFFFEB0] =	vst v11;
	v9 =	vand.u32 $0xFF8, v9  }
0x56c: {  	v11 =	vld.idx.msk [tilespmem:v12+s20+$0x0], $0xffff;
	v9 =	vor.u32 v1, v9  }
0x56d: {  	v12 =	vadd.s32 s11, v6;
	_ =	sdelay $0x2  }
0x56e: {  	[tilespmem:s28+$0xFFFFFE10] =	vst v10;
	v10 =	vadd.s32 s12, v4  }
0x56f: {  	v9 =	vld.idx.msk [tilespmem:v9+s20+$0x0], $0xffff;
	[tilespmem:s26+$0xFFFFFEC0] =	vst v11;
	v10 =	vand.u32 $0x1FF8, v10  }
0x570: {  	v11 =	vld.idx.msk [tilespmem:v12+s20+$0x0], $0xffff;
	v10 =	vor.u32 v1, v10  }
0x571: {  	v12 =	vadd.s32 s11, v7;
	_ =	sdelay $0x2  }
0x572: {  	[tilespmem:s28+$0xFFFFFE20] =	vst v9;
	v9 =	vadd.s32 s12, v5  }
0x573: {  	v10 =	vld.idx.msk [tilespmem:v10+s20+$0x0], $0xffff;
	[tilespmem:s26+$0xFFFFFED0] =	vst v11;
	v9 =	vand.u32 $0x1FF8, v9  }
0x574: {  	v11 =	vld.idx.msk [tilespmem:v12+s20+$0x0], $0xffff;
	v9 =	vor.u32 v1, v9  }
0x575: {  	v12 =	vadd.s32 s11, v8;
	_ =	sdelay $0x2  }
0x576: {  	[tilespmem:s28+$0xFFFFFE30] =	vst v10;
	v10 =	vadd.s32 s12, v6  }
0x577: {  	v9 =	vld.idx.msk [tilespmem:v9+s20+$0x0], $0xffff;
	[tilespmem:s26+$0xFFFFFEE0] =	vst v11;
	v10 =	vand.u32 $0x3FF8, v10  }
0x578: {  	s17 =	simm.s32 $0x2;
	v11 =	vld.idx.msk [tilespmem:v12+s20+$0x0], $0xffff;
	v10 =	vor.u32 v1, v10  }
0x579: {  	v12 =	vadd.s32 s17, v0;
	_ =	sdelay $0x2  }
0x57a: {  	[tilespmem:s28+$0xFFFFFE40] =	vst v9;
	v9 =	vadd.s32 s12, v7  }
0x57b: {  	v10 =	vld.idx.msk [tilespmem:v10+s20+$0x0], $0xffff;
	[tilespmem:s26+$0xFFFFFEF0] =	vst v11;
	v9 =	vand.u32 $0x3FF8, v9  }
0x57c: {  	v11 =	vld.idx.msk [tilespmem:v12+s20+$0x0], $0xffff;
	v9 =	vor.u32 v1, v9  }
0x57d: {  	v12 =	vadd.s32 s17, v2;
	_ =	sdelay $0x2  }
0x57e: {  	[tilespmem:s28+$0xFFFFFE50] =	vst v10;
	v10 =	vadd.s32 s12, v8  }
0x57f: {  	v9 =	vld.idx.msk [tilespmem:v9+s20+$0x0], $0xffff;
	[tilespmem:s26+$0xFFFFFF00] =	vst v11;
	v10 =	vand.u32 $0x7FF8, v10  }
0x580: {  	v11 =	vld.idx.msk [tilespmem:v12+s20+$0x0], $0xffff;
	v10 =	vor.u32 v1, v10  }
0x581: {  	v12 =	vadd.s32 s17, v3;
	_ =	sdelay $0x2  }
0x582: {  	[tilespmem:s28+$0xFFFFFE60] =	vst v9  }
0x583: {  	s21 =	simm.s32 $0x9;
	v9 =	vld.idx.msk [tilespmem:v10+s20+$0x0], $0xffff;
	[tilespmem:s26+$0xFFFFFF10] =	vst v11  }
0x584: {  	v11 =	vadd.s32 s21, v0;
	v10 =	vld.idx.msk [tilespmem:v12+s20+$0x0], $0xffff  }
0x585: {  	v12 =	vadd.s32 s17, v4;
	_ =	sdelay $0x2  }
0x586: {  	[tilespmem:s28+$0xFFFFFE70] =	vst v9  }
0x587: {  	v9 =	vld.idx.msk [tilespmem:v11+s20+$0x0], $0xffff;
	[tilespmem:s26+$0xFFFFFF20] =	vst v10  }
0x588: {  	v11 =	vadd.s32 s21, v2;
	v10 =	vld.idx.msk [tilespmem:v12+s20+$0x0], $0xffff  }
0x589: {  	v12 =	vadd.s32 s17, v5;
	_ =	sdelay $0x2  }
0x58a: {  	[tilespmem:s28+$0xFFFFFE80] =	vst v9  }
0x58b: {  	v9 =	vld.idx.msk [tilespmem:v11+s20+$0x0], $0xffff;
	[tilespmem:s26+$0xFFFFFF30] =	vst v10  }
0x58c: {  	v11 =	vadd.s32 s21, v3;
	v10 =	vld.idx.msk [tilespmem:v12+s20+$0x0], $0xffff  }
0x58d: {  	v12 =	vadd.s32 s17, v6  }
0x58e: {  	s22 =	simm.s32 $0x10  }
0x58f: {  	v13 =	vadd.s32 s22, v0  }
0x590: {  	[tilespmem:s28+$0xFFFFFE90] =	vst v9;
	v9 =	vand.u32 $0x7F8, v13  }
0x591: {  	v11 =	vld.idx.msk [tilespmem:v11+s20+$0x0], $0xffff;
	[tilespmem:s26+$0xFFFFFF40] =	vst v10;
	v9 =	vor.u32 v1, v9  }
0x592: {  	v10 =	vld.idx.msk [tilespmem:v12+s20+$0x0], $0xffff;
	v12 =	vadd.s32 s21, v4  }
0x593: {  	v13 =	vadd.s32 s17, v7;
	_ =	sdelay $0x1  }
0x594: {  	v14 =	vadd.s32 s22, v2  }
0x595: {  	v9 =	vld.idx.msk [tilespmem:v9+s20+$0x0], $0xffff;
	[tilespmem:s28+$0xFFFFFEA0] =	vst v11;
	v11 =	vand.u32 $0xFF8, v14  }
0x596: {  	v12 =	vld.idx.msk [tilespmem:v12+s20+$0x0], $0xffff;
	[tilespmem:s26+$0xFFFFFF50] =	vst v10;
	v10 =	vor.u32 v1, v11  }
0x597: {  	v11 =	vld.idx.msk [tilespmem:v13+s20+$0x0], $0xffff;
	v13 =	vadd.s32 s21, v5  }
0x598: {  	v14 =	vadd.s32 s17, v8  }
0x599: {  	s29 =	simm.s32 $0xC400  }
0x59a: {  	[tilespmem:s29+$0xFFFFFE00] =	vst v9;
	v9 =	vadd.s32 s22, v3  }
0x59b: {  	v10 =	vld.idx.msk [tilespmem:v10+s20+$0x0], $0xffff;
	[tilespmem:s28+$0xFFFFFEB0] =	vst v12;
	v9 =	vand.u32 $0xFF8, v9  }
0x59c: {  	v12 =	vld.idx.msk [tilespmem:v13+s20+$0x0], $0xffff;
	[tilespmem:s26+$0xFFFFFF60] =	vst v11;
	v9 =	vor.u32 v1, v9  }
0x59d: {  	s23 =	simm.s32 $0x3;
	v13 =	vadd.s32 s21, v6;
	v11 =	vld.idx.msk [tilespmem:v14+s20+$0x0], $0xffff  }
0x59e: {  	v14 =	vadd.s32 s23, v0;
	_ =	sdelay $0x1  }
0x59f: {  	[tilespmem:s29+$0xFFFFFE10] =	vst v10;
	v10 =	vadd.s32 s22, v4  }
0x5a0: {  	v9 =	vld.idx.msk [tilespmem:v9+s20+$0x0], $0xffff;
	[tilespmem:s28+$0xFFFFFEC0] =	vst v12;
	v10 =	vand.u32 $0x1FF8, v10  }
0x5a1: {  	v12 =	vld.idx.msk [tilespmem:v13+s20+$0x0], $0xffff;
	[tilespmem:s26+$0xFFFFFF70] =	vst v11;
	v10 =	vor.u32 v1, v10  }
0x5a2: {  	v13 =	vadd.s32 s21, v7;
	v11 =	vld.idx.msk [tilespmem:v14+s20+$0x0], $0xffff  }
0x5a3: {  	v14 =	vadd.s32 s23, v2;
	_ =	sdelay $0x1  }
0x5a4: {  	[tilespmem:s29+$0xFFFFFE20] =	vst v9;
	v9 =	vadd.s32 s22, v5  }
0x5a5: {  	v10 =	vld.idx.msk [tilespmem:v10+s20+$0x0], $0xffff;
	[tilespmem:s28+$0xFFFFFED0] =	vst v12;
	v9 =	vand.u32 $0x1FF8, v9  }
0x5a6: {  	v12 =	vld.idx.msk [tilespmem:v13+s20+$0x0], $0xffff;
	[tilespmem:s26+$0xFFFFFF80] =	vst v11;
	v9 =	vor.u32 v1, v9  }
0x5a7: {  	v13 =	vadd.s32 s21, v8;
	v11 =	vld.idx.msk [tilespmem:v14+s20+$0x0], $0xffff  }
0x5a8: {  	v14 =	vadd.s32 s23, v3;
	_ =	sdelay $0x1  }
0x5a9: {  	[tilespmem:s29+$0xFFFFFE30] =	vst v10;
	v10 =	vadd.s32 s22, v6  }
0x5aa: {  	v9 =	vld.idx.msk [tilespmem:v9+s20+$0x0], $0xffff;
	[tilespmem:s28+$0xFFFFFEE0] =	vst v12;
	v10 =	vand.u32 $0x3FF8, v10  }
0x5ab: {  	s2 =	simm.s32 $0xA;
	v12 =	vld.idx.msk [tilespmem:v13+s20+$0x0], $0xffff;
	[tilespmem:s26+$0xFFFFFF90] =	vst v11;
	v10 =	vor.u32 v1, v10  }
0x5ac: {  	v13 =	vadd.s32 s2, v0;
	v11 =	vld.idx.msk [tilespmem:v14+s20+$0x0], $0xffff  }
0x5ad: {  	v14 =	vadd.s32 s23, v4;
	_ =	sdelay $0x1  }
0x5ae: {  	[tilespmem:s29+$0xFFFFFE40] =	vst v9;
	v9 =	vadd.s32 s22, v7  }
0x5af: {  	v10 =	vld.idx.msk [tilespmem:v10+s20+$0x0], $0xffff;
	[tilespmem:s28+$0xFFFFFEF0] =	vst v12;
	v9 =	vand.u32 $0x3FF8, v9  }
0x5b0: {  	v12 =	vld.idx.msk [tilespmem:v13+s20+$0x0], $0xffff;
	[tilespmem:s26+$0xFFFFFFA0] =	vst v11;
	v9 =	vor.u32 v1, v9  }
0x5b1: {  	v13 =	vadd.s32 s2, v2;
	v11 =	vld.idx.msk [tilespmem:v14+s20+$0x0], $0xffff  }
0x5b2: {  	v14 =	vadd.s32 s23, v5;
	_ =	sdelay $0x1  }
0x5b3: {  	[tilespmem:s29+$0xFFFFFE50] =	vst v10;
	v10 =	vadd.s32 s22, v8  }
0x5b4: {  	v9 =	vld.idx.msk [tilespmem:v9+s20+$0x0], $0xffff;
	[tilespmem:s28+$0xFFFFFF00] =	vst v12;
	v10 =	vand.u32 $0x7FF8, v10  }
0x5b5: {  	v12 =	vld.idx.msk [tilespmem:v13+s20+$0x0], $0xffff;
	[tilespmem:s26+$0xFFFFFFB0] =	vst v11;
	v10 =	vor.u32 v1, v10  }
0x5b6: {  	v13 =	vadd.s32 s2, v3;
	v11 =	vld.idx.msk [tilespmem:v14+s20+$0x0], $0xffff  }
0x5b7: {  	v14 =	vadd.s32 s23, v6;
	_ =	sdelay $0x1  }
0x5b8: {  	[tilespmem:s29+$0xFFFFFE60] =	vst v9  }
0x5b9: {  	s5 =	simm.s32 $0x11;
	v9 =	vld.idx.msk [tilespmem:v10+s20+$0x0], $0xffff;
	[tilespmem:s28+$0xFFFFFF10] =	vst v12  }
0x5ba: {  	v10 =	vld.idx.msk [tilespmem:v13+s20+$0x0], $0xffff;
	[tilespmem:s26+$0xFFFFFFC0] =	vst v11;
	v11 =	vadd.s32 s5, v0  }
0x5bb: {  	v13 =	vadd.s32 s2, v4;
	v12 =	vld.idx.msk [tilespmem:v14+s20+$0x0], $0xffff  }
0x5bc: {  	v14 =	vadd.s32 s23, v7;
	_ =	sdelay $0x1  }
0x5bd: {  	[tilespmem:s29+$0xFFFFFE70] =	vst v9  }
0x5be: {  	v9 =	vld.idx.msk [tilespmem:v11+s20+$0x0], $0xffff;
	[tilespmem:s28+$0xFFFFFF20] =	vst v10  }
0x5bf: {  	v11 =	vadd.s32 s5, v2;
	v10 =	vld.idx.msk [tilespmem:v13+s20+$0x0], $0xffff;
	[tilespmem:s26+$0xFFFFFFD0] =	vst v12  }
0x5c0: {  	v13 =	vadd.s32 s2, v5;
	v12 =	vld.idx.msk [tilespmem:v14+s20+$0x0], $0xffff  }
0x5c1: {  	v14 =	vadd.s32 s23, v8;
	_ =	sdelay $0x1  }
0x5c2: {  	[tilespmem:s29+$0xFFFFFE80] =	vst v9  }
0x5c3: {  	v9 =	vld.idx.msk [tilespmem:v11+s20+$0x0], $0xffff;
	[tilespmem:s28+$0xFFFFFF30] =	vst v10  }
0x5c4: {  	v11 =	vadd.s32 s5, v3;
	v10 =	vld.idx.msk [tilespmem:v13+s20+$0x0], $0xffff;
	[tilespmem:s26+$0xFFFFFFE0] =	vst v12  }
0x5c5: {  	s7 =	simm.s32 $0x4;
	v13 =	vadd.s32 s2, v6;
	v12 =	vld.idx.msk [tilespmem:v14+s20+$0x0], $0xffff  }
0x5c6: {  	s8 =	simm.s32 $0x18;
	v14 =	vadd.s32 s7, v0  }
0x5c7: {  	v15 =	vadd.s32 s8, v0  }
0x5c8: {  	[tilespmem:s29+$0xFFFFFE90] =	vst v9;
	v9 =	vand.u32 $0x7F8, v15  }
0x5c9: {  	v11 =	vld.idx.msk [tilespmem:v11+s20+$0x0], $0xffff;
	[tilespmem:s28+$0xFFFFFF40] =	vst v10;
	v9 =	vor.u32 v1, v9  }
0x5ca: {  	v10 =	vld.idx.msk [tilespmem:v13+s20+$0x0], $0xffff;
	[tilespmem:s26+$0xFFFFFFF0] =	vst v12;
	v12 =	vadd.s32 s5, v4  }
0x5cb: {  	v13 =	vld.idx.msk [tilespmem:v14+s20+$0x0], $0xffff;
	v14 =	vadd.s32 s2, v7  }
0x5cc: {  	v15 =	vadd.s32 s7, v2  }
0x5cd: {  	v16 =	vadd.s32 s8, v2  }
0x5ce: {  	v9 =	vld.idx.msk [tilespmem:v9+s20+$0x0], $0xffff;
	[tilespmem:s29+$0xFFFFFEA0] =	vst v11;
	v11 =	vand.u32 $0xFF8, v16  }
0x5cf: {  	v12 =	vld.idx.msk [tilespmem:v12+s20+$0x0], $0xffff;
	[tilespmem:s28+$0xFFFFFF50] =	vst v10;
	v10 =	vor.u32 v1, v11  }
0x5d0: {  	v11 =	vld.idx.msk [tilespmem:v14+s20+$0x0], $0xffff;
	[tilespmem:s26+$0x0] =	vst v13;
	v13 =	vadd.s32 s5, v5  }
0x5d1: {  	v14 =	vld.idx.msk [tilespmem:v15+s20+$0x0], $0xffff;
	v15 =	vadd.s32 s2, v8  }
0x5d2: {  	s30 =	simm.s32 $0xC800;
	v16 =	vadd.s32 s7, v3  }
0x5d3: {  	[tilespmem:s30+$0xFFFFFE00] =	vst v9;
	v9 =	vadd.s32 s8, v3  }
0x5d4: {  	v10 =	vld.idx.msk [tilespmem:v10+s20+$0x0], $0xffff;
	[tilespmem:s29+$0xFFFFFEB0] =	vst v12;
	v9 =	vand.u32 $0xFF8, v9  }
0x5d5: {  	v12 =	vld.idx.msk [tilespmem:v13+s20+$0x0], $0xffff;
	[tilespmem:s28+$0xFFFFFF60] =	vst v11;
	v9 =	vor.u32 v1, v9  }
0x5d6: {  	s9 =	simm.s32 $0xB;
	v13 =	vadd.s32 s5, v6;
	v11 =	vld.idx.msk [tilespmem:v15+s20+$0x0], $0xffff;
	[tilespmem:s26+$0x10] =	vst v14  }
0x5d7: {  	v15 =	vadd.s32 s9, v0;
	v14 =	vld.idx.msk [tilespmem:v16+s20+$0x0], $0xffff  }
0x5d8: {  	v16 =	vadd.s32 s7, v4  }
0x5d9: {  	[tilespmem:s30+$0xFFFFFE10] =	vst v10;
	v10 =	vadd.s32 s8, v4  }
0x5da: {  	v9 =	vld.idx.msk [tilespmem:v9+s20+$0x0], $0xffff;
	[tilespmem:s29+$0xFFFFFEC0] =	vst v12;
	v10 =	vand.u32 $0x1FF8, v10  }
0x5db: {  	v12 =	vld.idx.msk [tilespmem:v13+s20+$0x0], $0xffff;
	[tilespmem:s28+$0xFFFFFF70] =	vst v11;
	v10 =	vor.u32 v1, v10  }
0x5dc: {  	v13 =	vadd.s32 s5, v7;
	v11 =	vld.idx.msk [tilespmem:v15+s20+$0x0], $0xffff;
	[tilespmem:s26+$0x20] =	vst v14  }
0x5dd: {  	v15 =	vadd.s32 s9, v2;
	v14 =	vld.idx.msk [tilespmem:v16+s20+$0x0], $0xffff  }
0x5de: {  	v16 =	vadd.s32 s7, v5  }
0x5df: {  	[tilespmem:s30+$0xFFFFFE20] =	vst v9;
	v9 =	vadd.s32 s8, v5  }
0x5e0: {  	v10 =	vld.idx.msk [tilespmem:v10+s20+$0x0], $0xffff;
	[tilespmem:s29+$0xFFFFFED0] =	vst v12;
	v9 =	vand.u32 $0x1FF8, v9  }
0x5e1: {  	v12 =	vld.idx.msk [tilespmem:v13+s20+$0x0], $0xffff;
	[tilespmem:s28+$0xFFFFFF80] =	vst v11;
	v9 =	vor.u32 v1, v9  }
0x5e2: {  	v13 =	vadd.s32 s5, v8;
	v11 =	vld.idx.msk [tilespmem:v15+s20+$0x0], $0xffff;
	[tilespmem:s26+$0x30] =	vst v14  }
0x5e3: {  	v15 =	vadd.s32 s9, v3;
	v14 =	vld.idx.msk [tilespmem:v16+s20+$0x0], $0xffff  }
0x5e4: {  	v16 =	vadd.s32 s7, v6  }
0x5e5: {  	[tilespmem:s30+$0xFFFFFE30] =	vst v10;
	v10 =	vadd.s32 s8, v6  }
0x5e6: {  	v9 =	vld.idx.msk [tilespmem:v9+s20+$0x0], $0xffff;
	[tilespmem:s29+$0xFFFFFEE0] =	vst v12;
	v10 =	vand.u32 $0x3FF8, v10  }
0x5e7: {  	s10 =	simm.s32 $0x12;
	v12 =	vld.idx.msk [tilespmem:v13+s20+$0x0], $0xffff;
	[tilespmem:s28+$0xFFFFFF90] =	vst v11;
	v10 =	vor.u32 v1, v10  }
0x5e8: {  	v13 =	vadd.s32 s10, v0;
	v11 =	vld.idx.msk [tilespmem:v15+s20+$0x0], $0xffff;
	[tilespmem:s26+$0x40] =	vst v14  }
0x5e9: {  	v15 =	vadd.s32 s9, v4;
	v14 =	vld.idx.msk [tilespmem:v16+s20+$0x0], $0xffff  }
0x5ea: {  	v16 =	vadd.s32 s7, v7  }
0x5eb: {  	[tilespmem:s30+$0xFFFFFE40] =	vst v9;
	v9 =	vadd.s32 s8, v7  }
0x5ec: {  	v10 =	vld.idx.msk [tilespmem:v10+s20+$0x0], $0xffff;
	[tilespmem:s29+$0xFFFFFEF0] =	vst v12;
	v9 =	vand.u32 $0x3FF8, v9  }
0x5ed: {  	v12 =	vld.idx.msk [tilespmem:v13+s20+$0x0], $0xffff;
	[tilespmem:s28+$0xFFFFFFA0] =	vst v11;
	v9 =	vor.u32 v1, v9  }
0x5ee: {  	v13 =	vadd.s32 s10, v2;
	v11 =	vld.idx.msk [tilespmem:v15+s20+$0x0], $0xffff;
	[tilespmem:s26+$0x50] =	vst v14  }
0x5ef: {  	v15 =	vadd.s32 s9, v5;
	v14 =	vld.idx.msk [tilespmem:v16+s20+$0x0], $0xffff  }
0x5f0: {  	v16 =	vadd.s32 s7, v8  }
0x5f1: {  	[tilespmem:s30+$0xFFFFFE50] =	vst v10;
	v10 =	vadd.s32 s8, v8  }
0x5f2: {  	v9 =	vld.idx.msk [tilespmem:v9+s20+$0x0], $0xffff;
	[tilespmem:s29+$0xFFFFFF00] =	vst v12;
	v10 =	vand.u32 $0x7FF8, v10  }
0x5f3: {  	v12 =	vld.idx.msk [tilespmem:v13+s20+$0x0], $0xffff;
	[tilespmem:s28+$0xFFFFFFB0] =	vst v11;
	v10 =	vor.u32 v1, v10  }
0x5f4: {  	v13 =	vadd.s32 s10, v3;
	v11 =	vld.idx.msk [tilespmem:v15+s20+$0x0], $0xffff;
	[tilespmem:s26+$0x60] =	vst v14  }
0x5f5: {  	s11 =	simm.s32 $0x5;
	v15 =	vadd.s32 s9, v6;
	v14 =	vld.idx.msk [tilespmem:v16+s20+$0x0], $0xffff  }
0x5f6: {  	v16 =	vadd.s32 s11, v0  }
0x5f7: {  	[tilespmem:s30+$0xFFFFFE60] =	vst v9  }
0x5f8: {  	s12 =	simm.s32 $0x19;
	v9 =	vld.idx.msk [tilespmem:v10+s20+$0x0], $0xffff;
	[tilespmem:s29+$0xFFFFFF10] =	vst v12  }
0x5f9: {  	v10 =	vld.idx.msk [tilespmem:v13+s20+$0x0], $0xffff;
	[tilespmem:s28+$0xFFFFFFC0] =	vst v11;
	v11 =	vadd.s32 s12, v0  }
0x5fa: {  	v13 =	vadd.s32 s10, v4;
	v12 =	vld.idx.msk [tilespmem:v15+s20+$0x0], $0xffff;
	[tilespmem:s26+$0x70] =	vst v14  }
0x5fb: {  	v15 =	vadd.s32 s9, v7;
	v14 =	vld.idx.msk [tilespmem:v16+s20+$0x0], $0xffff  }
0x5fc: {  	v16 =	vadd.s32 s11, v2  }
0x5fd: {  	[tilespmem:s30+$0xFFFFFE70] =	vst v9  }
0x5fe: {  	v9 =	vld.idx.msk [tilespmem:v11+s20+$0x0], $0xffff;
	[tilespmem:s29+$0xFFFFFF20] =	vst v10  }
0x5ff: {  	v11 =	vadd.s32 s12, v2;
	v10 =	vld.idx.msk [tilespmem:v13+s20+$0x0], $0xffff;
	[tilespmem:s28+$0xFFFFFFD0] =	vst v12  }
0x600: {  	v13 =	vadd.s32 s10, v5;
	v12 =	vld.idx.msk [tilespmem:v15+s20+$0x0], $0xffff;
	[tilespmem:s26+$0x80] =	vst v14  }
0x601: {  	v15 =	vadd.s32 s9, v8;
	v14 =	vld.idx.msk [tilespmem:v16+s20+$0x0], $0xffff  }
0x602: {  	v16 =	vadd.s32 s11, v3  }
0x603: {  	[tilespmem:s30+$0xFFFFFE80] =	vst v9  }
0x604: {  	v9 =	vld.idx.msk [tilespmem:v11+s20+$0x0], $0xffff;
	[tilespmem:s29+$0xFFFFFF30] =	vst v10  }
0x605: {  	v11 =	vadd.s32 s12, v3;
	v10 =	vld.idx.msk [tilespmem:v13+s20+$0x0], $0xffff;
	[tilespmem:s28+$0xFFFFFFE0] =	vst v12  }
0x606: {  	s17 =	simm.s32 $0xC;
	v13 =	vadd.s32 s10, v6;
	v12 =	vld.idx.msk [tilespmem:v15+s20+$0x0], $0xffff;
	[tilespmem:s26+$0x90] =	vst v14  }
0x607: {  	s21 =	simm.s32 $0x20;
	v15 =	vadd.s32 s17, v0;
	v14 =	vld.idx.msk [tilespmem:v16+s20+$0x0], $0xffff  }
0x608: {  	v17 =	vadd.s32 s21, v0;
	v16 =	vadd.s32 s11, v4  }
0x609: {  	[tilespmem:s30+$0xFFFFFE90] =	vst v9;
	v9 =	vand.u32 $0x7F8, v17  }
0x60a: {  	v11 =	vld.idx.msk [tilespmem:v11+s20+$0x0], $0xffff;
	[tilespmem:s29+$0xFFFFFF40] =	vst v10;
	v9 =	vor.u32 v1, v9  }
0x60b: {  	v10 =	vld.idx.msk [tilespmem:v13+s20+$0x0], $0xffff;
	[tilespmem:s28+$0xFFFFFFF0] =	vst v12;
	v12 =	vadd.s32 s12, v4  }
0x60c: {  	v13 =	vld.idx.msk [tilespmem:v15+s20+$0x0], $0xffff;
	[tilespmem:s26+$0xA0] =	vst v14;
	v14 =	vadd.s32 s10, v7  }
0x60d: {  	v15 =	vld.idx.msk [tilespmem:v16+s20+$0x0], $0xffff;
	v16 =	vadd.s32 s17, v2  }
0x60e: {  	v18 =	vadd.s32 s21, v2;
	v17 =	vadd.s32 s11, v5  }
0x60f: {  	v9 =	vld.idx.msk [tilespmem:v9+s20+$0x0], $0xffff;
	[tilespmem:s30+$0xFFFFFEA0] =	vst v11;
	v11 =	vand.u32 $0xFF8, v18  }
0x610: {  	v12 =	vld.idx.msk [tilespmem:v12+s20+$0x0], $0xffff;
	[tilespmem:s29+$0xFFFFFF50] =	vst v10;
	v10 =	vor.u32 v1, v11  }
0x611: {  	v11 =	vld.idx.msk [tilespmem:v14+s20+$0x0], $0xffff;
	[tilespmem:s28+$0x0] =	vst v13;
	v13 =	vadd.s32 s12, v5  }
0x612: {  	v14 =	vld.idx.msk [tilespmem:v16+s20+$0x0], $0xffff;
	[tilespmem:s26+$0xB0] =	vst v15;
	v15 =	vadd.s32 s10, v8  }
0x613: {  	s31 =	simm.s32 $0xCC00;
	v16 =	vld.idx.msk [tilespmem:v17+s20+$0x0], $0xffff;
	v17 =	vadd.s32 s17, v3  }
0x614: {  	v18 =	vadd.s32 s21, v3;
	[tilespmem:s31+$0xFFFFFE00] =	vst v9;
	v9 =	vadd.s32 s11, v6  }
0x615: {  	v10 =	vld.idx.msk [tilespmem:v10+s20+$0x0], $0xffff;
	[tilespmem:s30+$0xFFFFFEB0] =	vst v12;
	v12 =	vand.u32 $0xFF8, v18  }
0x616: {  	v13 =	vld.idx.msk [tilespmem:v13+s20+$0x0], $0xffff;
	[tilespmem:s29+$0xFFFFFF60] =	vst v11;
	v11 =	vor.u32 v1, v12  }
0x617: {  	s22 =	simm.s32 $0x13;
	v12 =	vld.idx.msk [tilespmem:v15+s20+$0x0], $0xffff;
	[tilespmem:s28+$0x10] =	vst v14;
	v14 =	vadd.s32 s12, v6  }
0x618: {  	v15 =	vld.idx.msk [tilespmem:v17+s20+$0x0], $0xffff;
	[tilespmem:s26+$0xC0] =	vst v16;
	v16 =	vadd.s32 s22, v0  }
0x619: {  	v17 =	vadd.s32 s17, v4;
	v9 =	vld.idx.msk [tilespmem:v9+s20+$0x0], $0xffff  }
0x61a: {  	v18 =	vadd.s32 s21, v4;
	[tilespmem:s31+$0xFFFFFE10] =	vst v10;
	v10 =	vadd.s32 s11, v7  }
0x61b: {  	v11 =	vld.idx.msk [tilespmem:v11+s20+$0x0], $0xffff;
	[tilespmem:s30+$0xFFFFFEC0] =	vst v13;
	v13 =	vand.u32 $0x1FF8, v18  }
0x61c: {  	v14 =	vld.idx.msk [tilespmem:v14+s20+$0x0], $0xffff;
	[tilespmem:s29+$0xFFFFFF70] =	vst v12;
	v12 =	vor.u32 v1, v13  }
0x61d: {  	v13 =	vld.idx.msk [tilespmem:v16+s20+$0x0], $0xffff;
	[tilespmem:s28+$0x20] =	vst v15;
	v15 =	vadd.s32 s12, v7  }
0x61e: {  	v16 =	vld.idx.msk [tilespmem:v17+s20+$0x0], $0xffff;
	[tilespmem:s26+$0xD0] =	vst v9;
	v9 =	vadd.s32 s22, v2  }
0x61f: {  	v17 =	vadd.s32 s17, v5;
	v10 =	vld.idx.msk [tilespmem:v10+s20+$0x0], $0xffff  }
0x620: {  	v18 =	vadd.s32 s21, v5;
	[tilespmem:s31+$0xFFFFFE20] =	vst v11;
	v11 =	vadd.s32 s11, v8  }
0x621: {  	v12 =	vld.idx.msk [tilespmem:v12+s20+$0x0], $0xffff;
	[tilespmem:s30+$0xFFFFFED0] =	vst v14;
	v14 =	vand.u32 $0x1FF8, v18  }
0x622: {  	v15 =	vld.idx.msk [tilespmem:v15+s20+$0x0], $0xffff;
	[tilespmem:s29+$0xFFFFFF80] =	vst v13;
	v13 =	vor.u32 v1, v14  }
0x623: {  	v14 =	vadd.s32 s12, v8;
	v9 =	vld.idx.msk [tilespmem:v9+s20+$0x0], $0xffff;
	[tilespmem:s28+$0x30] =	vst v16  }
0x624: {  	v16 =	vld.idx.msk [tilespmem:v17+s20+$0x0], $0xffff;
	[tilespmem:s26+$0xE0] =	vst v10;
	v10 =	vadd.s32 s22, v3  }
0x625: {  	s10 =	simm.s32 $0x6;
	v17 =	vadd.s32 s17, v6;
	v11 =	vld.idx.msk [tilespmem:v11+s20+$0x0], $0xffff  }
0x626: {  	v18 =	vadd.s32 s21, v6;
	[tilespmem:s31+$0xFFFFFE30] =	vst v12;
	v12 =	vadd.s32 s10, v0  }
0x627: {  	v13 =	vld.idx.msk [tilespmem:v13+s20+$0x0], $0xffff;
	[tilespmem:s30+$0xFFFFFEE0] =	vst v15;
	v15 =	vand.u32 $0x3FF8, v18  }
0x628: {  	s12 =	simm.s32 $0x1A;
	v14 =	vld.idx.msk [tilespmem:v14+s20+$0x0], $0xffff;
	[tilespmem:s29+$0xFFFFFF90] =	vst v9;
	v9 =	vor.u32 v1, v15  }
0x629: {  	v15 =	vadd.s32 s12, v0;
	v10 =	vld.idx.msk [tilespmem:v10+s20+$0x0], $0xffff;
	[tilespmem:s28+$0x40] =	vst v16  }
0x62a: {  	v16 =	vld.idx.msk [tilespmem:v17+s20+$0x0], $0xffff;
	[tilespmem:s26+$0xF0] =	vst v11;
	v11 =	vadd.s32 s22, v4  }
0x62b: {  	v17 =	vadd.s32 s17, v7;
	v12 =	vld.idx.msk [tilespmem:v12+s20+$0x0], $0xffff  }
0x62c: {  	v18 =	vadd.s32 s21, v7;
	[tilespmem:s31+$0xFFFFFE40] =	vst v13;
	v13 =	vadd.s32 s10, v2  }
0x62d: {  	v9 =	vld.idx.msk [tilespmem:v9+s20+$0x0], $0xffff;
	[tilespmem:s30+$0xFFFFFEF0] =	vst v14;
	v14 =	vand.u32 $0x3FF8, v18  }
0x62e: {  	v15 =	vld.idx.msk [tilespmem:v15+s20+$0x0], $0xffff;
	[tilespmem:s29+$0xFFFFFFA0] =	vst v10;
	v10 =	vor.u32 v1, v14  }
0x62f: {  	v14 =	vadd.s32 s12, v2;
	v11 =	vld.idx.msk [tilespmem:v11+s20+$0x0], $0xffff;
	[tilespmem:s28+$0x50] =	vst v16  }
0x630: {  	v16 =	vld.idx.msk [tilespmem:v17+s20+$0x0], $0xffff;
	[tilespmem:s26+$0x100] =	vst v12;
	v12 =	vadd.s32 s22, v5  }
0x631: {  	v17 =	vadd.s32 s17, v8;
	v13 =	vld.idx.msk [tilespmem:v13+s20+$0x0], $0xffff  }
0x632: {  	v18 =	vadd.s32 s21, v8;
	[tilespmem:s31+$0xFFFFFE50] =	vst v9;
	v9 =	vadd.s32 s10, v3  }
0x633: {  	v10 =	vld.idx.msk [tilespmem:v10+s20+$0x0], $0xffff;
	[tilespmem:s30+$0xFFFFFF00] =	vst v15;
	v15 =	vand.u32 $0x7FF8, v18  }
0x634: {  	v14 =	vld.idx.msk [tilespmem:v14+s20+$0x0], $0xffff;
	[tilespmem:s29+$0xFFFFFFB0] =	vst v11;
	v11 =	vor.u32 v1, v15  }
0x635: {  	v15 =	vadd.s32 s12, v3;
	v12 =	vld.idx.msk [tilespmem:v12+s20+$0x0], $0xffff;
	[tilespmem:s28+$0x60] =	vst v16  }
0x636: {  	s23 =	simm.s32 $0xD;
	v16 =	vld.idx.msk [tilespmem:v17+s20+$0x0], $0xffff;
	[tilespmem:s26+$0x110] =	vst v13;
	v13 =	vadd.s32 s22, v6  }
0x637: {  	v17 =	vadd.s32 s23, v0;
	v9 =	vld.idx.msk [tilespmem:v9+s20+$0x0], $0xffff  }
0x638: {  	[tilespmem:s31+$0xFFFFFE60] =	vst v10  }
0x639: {  	s17 =	simm.s32 $0x21;
	v10 =	vadd.s32 s10, v4;
	v11 =	vld.idx.msk [tilespmem:v11+s20+$0x0], $0xffff;
	[tilespmem:s30+$0xFFFFFF10] =	vst v14  }
0x63a: {  	v14 =	vld.idx.msk [tilespmem:v15+s20+$0x0], $0xffff;
	[tilespmem:s29+$0xFFFFFFC0] =	vst v12;
	v12 =	vadd.s32 s17, v0  }
0x63b: {  	v15 =	vadd.s32 s12, v4;
	v13 =	vld.idx.msk [tilespmem:v13+s20+$0x0], $0xffff;
	[tilespmem:s28+$0x70] =	vst v16  }
0x63c: {  	v16 =	vld.idx.msk [tilespmem:v17+s20+$0x0], $0xffff;
	[tilespmem:s26+$0x120] =	vst v9;
	v9 =	vadd.s32 s22, v7  }
0x63d: {  	v17 =	vadd.s32 s23, v2  }
0x63e: {  	v10 =	vld.idx.msk [tilespmem:v10+s20+$0x0], $0xffff;
	[tilespmem:s31+$0xFFFFFE70] =	vst v11  }
0x63f: {  	v11 =	vadd.s32 s10, v5;
	v12 =	vld.idx.msk [tilespmem:v12+s20+$0x0], $0xffff;
	[tilespmem:s30+$0xFFFFFF20] =	vst v14  }
0x640: {  	v14 =	vld.idx.msk [tilespmem:v15+s20+$0x0], $0xffff;
	[tilespmem:s29+$0xFFFFFFD0] =	vst v13  }
0x641: {  	v13 =	vadd.s32 s17, v2;
	v9 =	vld.idx.msk [tilespmem:v9+s20+$0x0], $0xffff;
	[tilespmem:s28+$0x80] =	vst v16  }
0x642: {  	v15 =	vadd.s32 s12, v5;
	v17 =	vld.idx.msk [tilespmem:v17+s20+$0x0], $0xffff  }
0x643: {  	[tilespmem:s26+$0x130] =	vst v10;
	v10 =	vadd.s32 s22, v8  }
0x644: {  	v18 =	vadd.s32 s23, v3;
	v11 =	vld.idx.msk [tilespmem:v11+s20+$0x0], $0xffff;
	[tilespmem:s31+$0xFFFFFE80] =	vst v12  }
0x645: {  	v19 =	vadd.s32 s10, v6;
	[tilespmem:s30+$0xFFFFFF30] =	vst v14  }
0x646: {  	v16 =	vld.idx.msk [tilespmem:v13+s20+$0x0], $0xffff;
	[tilespmem:s29+$0xFFFFFFE0] =	vst v9  }
0x647: {  	v14 =	vld.idx.msk [tilespmem:v15+s20+$0x0], $0xffff;
	[tilespmem:s28+$0x90] =	vst v17;
	v17 =	vadd.s32 s17, v3  }
0x648: {  	s3 =	simm.s32 $0xF;
	s1 =	simm.s32 $0x27;
	s11 =	simm.s32 $0x14;
	v15 =	vadd.s32 s12, v6;
	v12 =	vld.idx.msk [tilespmem:v10+s20+$0x0], $0xffff  }
0x649: {  	s0 =	simm.s32 $0x2F;
	s5 =	simm.s32 $0x1F;
	s7 =	simm.s32 $0x7;
	v13 =	vadd.s32 s11, v0;
	v10 =	vld.idx.msk [tilespmem:v18+s20+$0x0], $0xffff;
	[tilespmem:s26+$0x140] =	vst v11  }
0x64a: {  	s8 =	simm.s32 $0x28;
	s9 =	simm.s32 $0x17;
	s22 =	simm.s32 $0x37;
	v11 =	vadd.s32 s23, v4;
	v9 =	vld.idx.msk [tilespmem:v19+s20+$0x0], $0xffff  }
.LBB2_13:
0x64b: {  	p0 =	sne.s32 s22, $0x3F;
	v18 =	vadd.s32 s8, v0;
	[tilespmem:s31+$0xFFFFFE90] =	vst v16;
	v16 =	vadd.s32 s10, v7;
	s21 =	smov.u32 s31  }
0x64c: {  	v18 =	vand.u32 $0x7F8, v18;
	v17 =	vld.idx.msk [tilespmem:v17+s20+$0x0], $0xffff;
	[tilespmem:s30+$0xFFFFFF40] =	vst v14  }
0x64d: {  	v14 =	vor.u32 v1, v18;
	v15 =	vld.idx.msk [tilespmem:v15+s20+$0x0], $0xffff;
	[tilespmem:s29+$0xFFFFFFF0] =	vst v12  }
0x64e: {  	v12 =	vadd.s32 s17, v4;
	v13 =	vld.idx.msk [tilespmem:v13+s20+$0x0], $0xffff;
	[tilespmem:s28+$0xA0] =	vst v10  }
0x64f: {  	v10 =	vadd.s32 s12, v7;
	v11 =	vld.idx.msk [tilespmem:v11+s20+$0x0], $0xffff;
	[tilespmem:s26+$0x150] =	vst v9  }
0x650: {  	v9 =	vadd.s32 s11, v2;
	v16 =	vld.idx.msk [tilespmem:v16+s20+$0x0], $0xffff  }
0x651: {  	v18 =	vadd.s32 s23, v5  }
0x652: {  	v19 =	vadd.s32 s8, v2;
	v14 =	vld.idx.msk [tilespmem:v14+s20+$0x0], $0xffff;
	[tilespmem:s31+$0xFFFFFEA0] =	vst v17;
	v17 =	vadd.s32 s10, v8  }
0x653: {  	v19 =	vand.u32 $0xFF8, v19;
	v12 =	vld.idx.msk [tilespmem:v12+s20+$0x0], $0xffff;
	[tilespmem:s30+$0xFFFFFF50] =	vst v15  }
0x654: {  	v15 =	vor.u32 v1, v19;
	v10 =	vld.idx.msk [tilespmem:v10+s20+$0x0], $0xffff;
	[tilespmem:s29+$0x0] =	vst v13  }
0x655: {  	v13 =	vadd.s32 s17, v5;
	v9 =	vld.idx.msk [tilespmem:v9+s20+$0x0], $0xffff;
	[tilespmem:s28+$0xB0] =	vst v11  }
0x656: {  	v11 =	vadd.s32 s12, v8;
	v18 =	vld.idx.msk [tilespmem:v18+s20+$0x0], $0xffff;
	[tilespmem:s26+$0x160] =	vst v16  }
0x657: {  	s31 =	sadd.s32 $0x400, s31;
	v16 =	vadd.s32 s11, v3;
	v17 =	vld.idx.msk [tilespmem:v17+s20+$0x0], $0xffff  }
0x658: {  	[tilespmem:s31+$0xFFFFFE00] =	vst v14;
	v14 =	vadd.s32 s23, v6  }
0x659: {  	v19 =	vadd.s32 s8, v3;
	v15 =	vld.idx.msk [tilespmem:v15+s20+$0x0], $0xffff;
	[tilespmem:s21+$0xFFFFFEB0] =	vst v12;
	v12 =	vadd.s32 s7, v0  }
0x65a: {  	v19 =	vand.u32 $0xFF8, v19;
	v13 =	vld.idx.msk [tilespmem:v13+s20+$0x0], $0xffff;
	[tilespmem:s30+$0xFFFFFF60] =	vst v10  }
0x65b: {  	v10 =	vor.u32 v1, v19;
	v11 =	vld.idx.msk [tilespmem:v11+s20+$0x0], $0xffff;
	[tilespmem:s29+$0x10] =	vst v9  }
0x65c: {  	s2 =	sadd.s32 $0xFFFFFFFC, s5;
	v9 =	vadd.s32 s17, v6;
	v16 =	vld.idx.msk [tilespmem:v16+s20+$0x0], $0xffff;
	[tilespmem:s28+$0xC0] =	vst v18  }
0x65d: {  	v18 =	vadd.s32 s2, v0;
	v14 =	vld.idx.msk [tilespmem:v14+s20+$0x0], $0xffff;
	[tilespmem:s26+$0x170] =	vst v17  }
0x65e: {  	v17 =	vadd.s32 s11, v4;
	v12 =	vld.idx.msk [tilespmem:v12+s20+$0x0], $0xffff  }
0x65f: {  	[tilespmem:s31+$0xFFFFFE10] =	vst v15;
	v15 =	vadd.s32 s23, v7  }
0x660: {  	v19 =	vadd.s32 s8, v4;
	v10 =	vld.idx.msk [tilespmem:v10+s20+$0x0], $0xffff;
	[tilespmem:s21+$0xFFFFFEC0] =	vst v13;
	v13 =	vadd.s32 s7, v2  }
0x661: {  	v19 =	vand.u32 $0x1FF8, v19;
	v9 =	vld.idx.msk [tilespmem:v9+s20+$0x0], $0xffff;
	[tilespmem:s30+$0xFFFFFF70] =	vst v11  }
0x662: {  	v11 =	vor.u32 v1, v19;
	v18 =	vld.idx.msk [tilespmem:v18+s20+$0x0], $0xffff;
	[tilespmem:s29+$0x20] =	vst v16  }
0x663: {  	v16 =	vadd.s32 s17, v7;
	v17 =	vld.idx.msk [tilespmem:v17+s20+$0x0], $0xffff;
	[tilespmem:s28+$0xD0] =	vst v14  }
0x664: {  	v14 =	vadd.s32 s2, v2;
	v15 =	vld.idx.msk [tilespmem:v15+s20+$0x0], $0xffff;
	[tilespmem:s26+$0x180] =	vst v12  }
0x665: {  	v12 =	vadd.s32 s11, v5;
	v13 =	vld.idx.msk [tilespmem:v13+s20+$0x0], $0xffff  }
0x666: {  	[tilespmem:s31+$0xFFFFFE20] =	vst v10;
	v10 =	vadd.s32 s23, v8  }
0x667: {  	v19 =	vadd.s32 s8, v5;
	v11 =	vld.idx.msk [tilespmem:v11+s20+$0x0], $0xffff;
	[tilespmem:s21+$0xFFFFFED0] =	vst v9;
	v9 =	vadd.s32 s7, v3  }
0x668: {  	v19 =	vand.u32 $0x1FF8, v19;
	v16 =	vld.idx.msk [tilespmem:v16+s20+$0x0], $0xffff;
	[tilespmem:s30+$0xFFFFFF80] =	vst v18  }
0x669: {  	v18 =	vor.u32 v1, v19;
	v14 =	vld.idx.msk [tilespmem:v14+s20+$0x0], $0xffff;
	[tilespmem:s29+$0x30] =	vst v17  }
0x66a: {  	v17 =	vadd.s32 s17, v8;
	v12 =	vld.idx.msk [tilespmem:v12+s20+$0x0], $0xffff;
	[tilespmem:s28+$0xE0] =	vst v15  }
0x66b: {  	v15 =	vadd.s32 s2, v3;
	v10 =	vld.idx.msk [tilespmem:v10+s20+$0x0], $0xffff;
	[tilespmem:s26+$0x190] =	vst v13  }
0x66c: {  	s10 =	sadd.s32 $0xFFFFFFFF, s3;
	v13 =	vadd.s32 s11, v6;
	v9 =	vld.idx.msk [tilespmem:v9+s20+$0x0], $0xffff  }
0x66d: {  	[tilespmem:s31+$0xFFFFFE30] =	vst v11;
	v11 =	vadd.s32 s10, v0  }
0x66e: {  	v19 =	vadd.s32 s8, v6;
	v18 =	vld.idx.msk [tilespmem:v18+s20+$0x0], $0xffff;
	[tilespmem:s21+$0xFFFFFEE0] =	vst v16;
	v16 =	vadd.s32 s7, v4  }
0x66f: {  	v19 =	vand.u32 $0x3FF8, v19;
	v17 =	vld.idx.msk [tilespmem:v17+s20+$0x0], $0xffff;
	[tilespmem:s30+$0xFFFFFF90] =	vst v14  }
0x670: {  	s12 =	sadd.s32 $0xFFFFFFFB, s1;
	v14 =	vor.u32 v1, v19;
	v15 =	vld.idx.msk [tilespmem:v15+s20+$0x0], $0xffff;
	[tilespmem:s29+$0x40] =	vst v12  }
0x671: {  	v12 =	vadd.s32 s12, v0;
	v13 =	vld.idx.msk [tilespmem:v13+s20+$0x0], $0xffff;
	[tilespmem:s28+$0xF0] =	vst v10  }
0x672: {  	v10 =	vadd.s32 s2, v4;
	v11 =	vld.idx.msk [tilespmem:v11+s20+$0x0], $0xffff;
	[tilespmem:s26+$0x1A0] =	vst v9  }
0x673: {  	v9 =	vadd.s32 s11, v7;
	v16 =	vld.idx.msk [tilespmem:v16+s20+$0x0], $0xffff  }
0x674: {  	[tilespmem:s31+$0xFFFFFE40] =	vst v18;
	v18 =	vadd.s32 s10, v2  }
0x675: {  	v19 =	vadd.s32 s8, v7;
	v14 =	vld.idx.msk [tilespmem:v14+s20+$0x0], $0xffff;
	[tilespmem:s21+$0xFFFFFEF0] =	vst v17;
	v17 =	vadd.s32 s7, v5  }
0x676: {  	v19 =	vand.u32 $0x3FF8, v19;
	v12 =	vld.idx.msk [tilespmem:v12+s20+$0x0], $0xffff;
	[tilespmem:s30+$0xFFFFFFA0] =	vst v15  }
0x677: {  	v15 =	vor.u32 v1, v19;
	v10 =	vld.idx.msk [tilespmem:v10+s20+$0x0], $0xffff;
	[tilespmem:s29+$0x50] =	vst v13  }
0x678: {  	v13 =	vadd.s32 s12, v2;
	v9 =	vld.idx.msk [tilespmem:v9+s20+$0x0], $0xffff;
	[tilespmem:s28+$0x100] =	vst v11  }
0x679: {  	v11 =	vadd.s32 s2, v5;
	v18 =	vld.idx.msk [tilespmem:v18+s20+$0x0], $0xffff;
	[tilespmem:s26+$0x1B0] =	vst v16  }
0x67a: {  	v16 =	vadd.s32 s11, v8;
	v17 =	vld.idx.msk [tilespmem:v17+s20+$0x0], $0xffff  }
0x67b: {  	[tilespmem:s31+$0xFFFFFE50] =	vst v14;
	v14 =	vadd.s32 s10, v3  }
0x67c: {  	v19 =	vadd.s32 s8, v8;
	v15 =	vld.idx.msk [tilespmem:v15+s20+$0x0], $0xffff;
	[tilespmem:s21+$0xFFFFFF00] =	vst v12;
	v12 =	vadd.s32 s7, v6  }
0x67d: {  	v19 =	vand.u32 $0x7FF8, v19;
	v13 =	vld.idx.msk [tilespmem:v13+s20+$0x0], $0xffff;
	[tilespmem:s30+$0xFFFFFFB0] =	vst v10  }
0x67e: {  	v10 =	vor.u32 v1, v19;
	v11 =	vld.idx.msk [tilespmem:v11+s20+$0x0], $0xffff;
	[tilespmem:s29+$0x60] =	vst v9  }
0x67f: {  	v9 =	vadd.s32 s12, v3;
	v16 =	vld.idx.msk [tilespmem:v16+s20+$0x0], $0xffff;
	[tilespmem:s28+$0x110] =	vst v18  }
0x680: {  	s23 =	sadd.s32 $0xFFFFFFFE, s9;
	v18 =	vadd.s32 s2, v6;
	v14 =	vld.idx.msk [tilespmem:v14+s20+$0x0], $0xffff;
	[tilespmem:s26+$0x1C0] =	vst v17  }
0x681: {  	v17 =	vadd.s32 s23, v0;
	v12 =	vld.idx.msk [tilespmem:v12+s20+$0x0], $0xffff  }
0x682: {  	[tilespmem:s31+$0xFFFFFE60] =	vst v15;
	v15 =	vadd.s32 s10, v4  }
0x683: {  	v10 =	vld.idx.msk [tilespmem:v10+s20+$0x0], $0xffff;
	[tilespmem:s21+$0xFFFFFF10] =	vst v13;
	v13 =	vadd.s32 s7, v7  }
0x684: {  	s17 =	sadd.s32 $0xFFFFFFFA, s0;
	v9 =	vld.idx.msk [tilespmem:v9+s20+$0x0], $0xffff;
	[tilespmem:s30+$0xFFFFFFC0] =	vst v11  }
0x685: {  	v11 =	vadd.s32 s17, v0;
	v18 =	vld.idx.msk [tilespmem:v18+s20+$0x0], $0xffff;
	[tilespmem:s29+$0x70] =	vst v16  }
0x686: {  	v16 =	vadd.s32 s12, v4;
	v17 =	vld.idx.msk [tilespmem:v17+s20+$0x0], $0xffff;
	[tilespmem:s28+$0x120] =	vst v14  }
0x687: {  	v14 =	vadd.s32 s2, v7;
	v15 =	vld.idx.msk [tilespmem:v15+s20+$0x0], $0xffff;
	[tilespmem:s26+$0x1D0] =	vst v12  }
0x688: {  	v12 =	vadd.s32 s23, v2;
	v13 =	vld.idx.msk [tilespmem:v13+s20+$0x0], $0xffff  }
0x689: {  	[tilespmem:s31+$0xFFFFFE70] =	vst v10;
	v10 =	vadd.s32 s10, v5  }
0x68a: {  	v11 =	vld.idx.msk [tilespmem:v11+s20+$0x0], $0xffff;
	[tilespmem:s21+$0xFFFFFF20] =	vst v9;
	v9 =	vadd.s32 s7, v8;
	s7 =	smov.u32 s3;
	s3 =	smov.u32 s9;
	s9 =	smov.u32 s5  }
0x68b: {  	s5 =	smov.u32 s1;
	s1 =	smov.u32 s0;
	s0 =	smov.u32 s22;
	v19 =	vld.idx.msk [tilespmem:v16+s20+$0x0], $0xffff;
	[tilespmem:s30+$0xFFFFFFD0] =	vst v18  }
0x68c: {  	v16 =	vadd.s32 s17, v2;
	v18 =	vld.idx.msk [tilespmem:v14+s20+$0x0], $0xffff;
	[tilespmem:s29+$0x80] =	vst v17  }
0x68d: {  	v14 =	vadd.s32 s12, v5;
	v20 =	vld.idx.msk [tilespmem:v12+s20+$0x0], $0xffff;
	[tilespmem:s28+$0x130] =	vst v15  }
0x68e: {  	v12 =	vadd.s32 s2, v8;
	v21 =	vld.idx.msk [tilespmem:v10+s20+$0x0], $0xffff;
	[tilespmem:s26+$0x1E0] =	vst v13  }
0x68f: {  	v10 =	vadd.s32 s23, v3;
	v22 =	vld.idx.msk [tilespmem:v9+s20+$0x0], $0xffff  }
0x690: {  	v9 =	vadd.s32 s10, v6;
	[tilespmem:s31+$0xFFFFFE80] =	vst v11  }
0x691: {  	v16 =	vld.idx.msk [tilespmem:v16+s20+$0x0], $0xffff;
	[tilespmem:s21+$0xFFFFFF30] =	vst v19  }
.Ltmp6:
0x692: {  	v14 =	vld.idx.msk [tilespmem:v14+s20+$0x0], $0xffff;
	[tilespmem:s30+$0xFFFFFFE0] =	vst v18;
	(pc) =	sbr.rel @p0 .LBB2_13-.Ltmp6, $4  }
0x693: {  	v17 =	vadd.s32 s17, v3;
	v12 =	vld.idx.msk [tilespmem:v12+s20+$0x0], $0xffff;
	[tilespmem:s29+$0x90] =	vst v20  }
0x694: {  	s11 =	sadd.s32 $0xFFFFFFFD, s9;
	v15 =	vadd.s32 s12, v6;
	v10 =	vld.idx.msk [tilespmem:v10+s20+$0x0], $0xffff;
	[tilespmem:s28+$0x140] =	vst v21  }
0x695: {  	v13 =	vadd.s32 s11, v0;
	v9 =	vld.idx.msk [tilespmem:v9+s20+$0x0], $0xffff;
	[tilespmem:s26+$0x1F0] =	vst v22;
	s26 =	smov.u32 s28;
	s28 =	smov.u32 s29;
	s29 =	smov.u32 s30  }
0x696: {  	s22 =	sadd.s32 $0x8, s22;
	s8 =	sadd.s32 $0xFFFFFFF9, s0;
	v11 =	vadd.s32 s23, v4;
	s30 =	smov.u32 s21  }
0x697: {  	v18 =	vadd.s32 s8, v0  }
0x698: {  	v18 =	vand.u32 $0x7F8, v18  }
0x699: {  	v18 =	vor.u32 v1, v18;
	_ =	sdelay $0x3  }
0x69a: {  	v19 =	vadd.s32 s8, v2  }
0x69b: {  	v19 =	vand.u32 $0xFF8, v19;
	v18 =	vld.idx.msk [tilespmem:v18+s20+$0x0], $0xffff  }
0x69c: {  	v19 =	vor.u32 v1, v19;
	_ =	sdelay $0x2  }
0x69d: {  	s22 =	sadd.s32 $0x400, s31  }
0x69e: {  	v32 =	vadd.s32 s8, v3;
	[tilespmem:s22+$0xFFFFFE00] =	vst v18  }
0x69f: {  	v18 =	vand.u32 $0xFF8, v32;
	v19 =	vld.idx.msk [tilespmem:v19+s20+$0x0], $0xffff  }
0x6a0: {  	v18 =	vor.u32 v1, v18;
	_ =	sdelay $0x3  }
0x6a1: {  	v33 =	vadd.s32 s8, v4;
	[tilespmem:s22+$0xFFFFFE10] =	vst v19  }
0x6a2: {  	v19 =	vand.u32 $0x1FF8, v33;
	v18 =	vld.idx.msk [tilespmem:v18+s20+$0x0], $0xffff  }
0x6a3: {  	v19 =	vor.u32 v1, v19;
	_ =	sdelay $0x3  }
0x6a4: {  	v34 =	vadd.s32 s8, v5;
	[tilespmem:s22+$0xFFFFFE20] =	vst v18  }
0x6a5: {  	v18 =	vand.u32 $0x1FF8, v34;
	v19 =	vld.idx.msk [tilespmem:v19+s20+$0x0], $0xffff  }
0x6a6: {  	v18 =	vor.u32 v1, v18;
	_ =	sdelay $0x3  }
0x6a7: {  	v35 =	vadd.s32 s8, v6;
	[tilespmem:s22+$0xFFFFFE30] =	vst v19  }
0x6a8: {  	v19 =	vand.u32 $0x3FF8, v35;
	v18 =	vld.idx.msk [tilespmem:v18+s20+$0x0], $0xffff  }
0x6a9: {  	v19 =	vor.u32 v1, v19;
	_ =	sdelay $0x3  }
0x6aa: {  	v36 =	vadd.s32 s8, v7;
	[tilespmem:s22+$0xFFFFFE40] =	vst v18  }
0x6ab: {  	v18 =	vand.u32 $0x3FF8, v36;
	v19 =	vld.idx.msk [tilespmem:v19+s20+$0x0], $0xffff  }
0x6ac: {  	v18 =	vor.u32 v1, v18;
	_ =	sdelay $0x3  }
0x6ad: {  	v37 =	vadd.s32 s8, v8;
	[tilespmem:s22+$0xFFFFFE50] =	vst v19  }
0x6ae: {  	v19 =	vand.u32 $0x7FF8, v37;
	v18 =	vld.idx.msk [tilespmem:v18+s20+$0x0], $0xffff  }
0x6af: {  	v19 =	vor.u32 v1, v19;
	_ =	sdelay $0x3  }
0x6b0: {  	[tilespmem:s22+$0xFFFFFE60] =	vst v18  }
0x6b1: {  	s2 =	sadd.s32 $0xFFFFFFFA, s0;
	v18 =	vld.idx.msk [tilespmem:v19+s20+$0x0], $0xffff  }
0x6b2: {  	v38 =	vadd.s32 s2, v0;
	_ =	sdelay $0x3  }
0x6b3: {  	[tilespmem:s22+$0xFFFFFE70] =	vst v18  }
0x6b4: {  	v18 =	vld.idx.msk [tilespmem:v38+s20+$0x0], $0xffff  }
0x6b5: {  	v39 =	vadd.s32 s2, v2;
	_ =	sdelay $0x3  }
0x6b6: {  	[tilespmem:s22+$0xFFFFFE80] =	vst v18  }
0x6b7: {  	v18 =	vld.idx.msk [tilespmem:v39+s20+$0x0], $0xffff  }
0x6b8: {  	v40 =	vadd.s32 s2, v3;
	_ =	sdelay $0x1  }
0x6b9: {  	[tilespmem:s31+$0xFFFFFE90] =	vst v16  }
0x6ba: {  	v16 =	vld.idx.msk [tilespmem:v17+s20+$0x0], $0xffff  }
0x6bb: {  	v41 =	vadd.s32 s17, v4;
	[tilespmem:s22+$0xFFFFFE90] =	vst v18  }
0x6bc: {  	v18 =	vld.idx.msk [tilespmem:v40+s20+$0x0], $0xffff  }
0x6bd: {  	v42 =	vadd.s32 s2, v4;
	_ =	sdelay $0x1  }
0x6be: {  	[tilespmem:s31+$0xFFFFFEA0] =	vst v16  }
0x6bf: {  	v16 =	vld.idx.msk [tilespmem:v41+s20+$0x0], $0xffff  }
0x6c0: {  	v43 =	vadd.s32 s17, v5;
	[tilespmem:s22+$0xFFFFFEA0] =	vst v18  }
0x6c1: {  	v18 =	vld.idx.msk [tilespmem:v42+s20+$0x0], $0xffff  }
0x6c2: {  	v44 =	vadd.s32 s2, v5;
	_ =	sdelay $0x1  }
0x6c3: {  	[tilespmem:s31+$0xFFFFFEB0] =	vst v16  }
0x6c4: {  	v16 =	vld.idx.msk [tilespmem:v43+s20+$0x0], $0xffff  }
0x6c5: {  	v45 =	vadd.s32 s17, v6;
	[tilespmem:s22+$0xFFFFFEB0] =	vst v18  }
0x6c6: {  	v18 =	vld.idx.msk [tilespmem:v44+s20+$0x0], $0xffff  }
0x6c7: {  	v46 =	vadd.s32 s2, v6;
	_ =	sdelay $0x1  }
0x6c8: {  	[tilespmem:s31+$0xFFFFFEC0] =	vst v16  }
0x6c9: {  	v16 =	vld.idx.msk [tilespmem:v45+s20+$0x0], $0xffff  }
0x6ca: {  	v47 =	vadd.s32 s17, v7;
	[tilespmem:s22+$0xFFFFFEC0] =	vst v18  }
0x6cb: {  	v18 =	vld.idx.msk [tilespmem:v46+s20+$0x0], $0xffff  }
0x6cc: {  	v48 =	vadd.s32 s2, v7;
	_ =	sdelay $0x1  }
0x6cd: {  	[tilespmem:s31+$0xFFFFFED0] =	vst v16  }
0x6ce: {  	v16 =	vld.idx.msk [tilespmem:v47+s20+$0x0], $0xffff  }
0x6cf: {  	v49 =	vadd.s32 s17, v8;
	[tilespmem:s22+$0xFFFFFED0] =	vst v18  }
0x6d0: {  	v18 =	vld.idx.msk [tilespmem:v48+s20+$0x0], $0xffff  }
0x6d1: {  	v50 =	vadd.s32 s2, v8;
	_ =	sdelay $0x1  }
0x6d2: {  	[tilespmem:s31+$0xFFFFFEE0] =	vst v16  }
0x6d3: {  	s17 =	sadd.s32 $0xFFFFFFFB, s1;
	v16 =	vld.idx.msk [tilespmem:v49+s20+$0x0], $0xffff  }
0x6d4: {  	v51 =	vadd.s32 s17, v0;
	[tilespmem:s22+$0xFFFFFEE0] =	vst v18  }
0x6d5: {  	s21 =	sadd.s32 $0xFFFFFFFB, s0;
	v18 =	vld.idx.msk [tilespmem:v50+s20+$0x0], $0xffff  }
0x6d6: {  	v52 =	vadd.s32 s21, v0;
	_ =	sdelay $0x1  }
0x6d7: {  	[tilespmem:s31+$0xFFFFFEF0] =	vst v16  }
0x6d8: {  	v16 =	vld.idx.msk [tilespmem:v51+s20+$0x0], $0xffff  }
0x6d9: {  	v53 =	vadd.s32 s17, v2;
	[tilespmem:s22+$0xFFFFFEF0] =	vst v18  }
0x6da: {  	v18 =	vld.idx.msk [tilespmem:v52+s20+$0x0], $0xffff  }
0x6db: {  	v54 =	vadd.s32 s21, v2;
	_ =	sdelay $0x1  }
0x6dc: {  	[tilespmem:s31+$0xFFFFFF00] =	vst v16  }
0x6dd: {  	v16 =	vld.idx.msk [tilespmem:v53+s20+$0x0], $0xffff  }
0x6de: {  	v55 =	vadd.s32 s17, v3;
	[tilespmem:s22+$0xFFFFFF00] =	vst v18  }
0x6df: {  	v18 =	vld.idx.msk [tilespmem:v54+s20+$0x0], $0xffff  }
0x6e0: {  	v56 =	vadd.s32 s21, v3;
	_ =	sdelay $0x1  }
0x6e1: {  	[tilespmem:s31+$0xFFFFFF10] =	vst v16  }
0x6e2: {  	v16 =	vld.idx.msk [tilespmem:v55+s20+$0x0], $0xffff  }
0x6e3: {  	v57 =	vadd.s32 s17, v4;
	[tilespmem:s22+$0xFFFFFF10] =	vst v18  }
0x6e4: {  	v18 =	vld.idx.msk [tilespmem:v56+s20+$0x0], $0xffff  }
0x6e5: {  	v58 =	vadd.s32 s21, v4;
	_ =	sdelay $0x1  }
0x6e6: {  	[tilespmem:s31+$0xFFFFFF20] =	vst v16  }
0x6e7: {  	v16 =	vld.idx.msk [tilespmem:v57+s20+$0x0], $0xffff  }
0x6e8: {  	v59 =	vadd.s32 s17, v5;
	[tilespmem:s22+$0xFFFFFF20] =	vst v18  }
0x6e9: {  	v18 =	vld.idx.msk [tilespmem:v58+s20+$0x0], $0xffff  }
0x6ea: {  	v60 =	vadd.s32 s21, v5;
	_ =	sdelay $0x1  }
0x6eb: {  	[tilespmem:s31+$0xFFFFFF30] =	vst v16  }
0x6ec: {  	v16 =	vld.idx.msk [tilespmem:v59+s20+$0x0], $0xffff  }
0x6ed: {  	v61 =	vadd.s32 s17, v6;
	[tilespmem:s22+$0xFFFFFF30] =	vst v18  }
0x6ee: {  	v18 =	vld.idx.msk [tilespmem:v60+s20+$0x0], $0xffff  }
0x6ef: {  	v62 =	vadd.s32 s21, v6  }
0x6f0: {  	[tilespmem:s30+$0xFFFFFF40] =	vst v14  }
0x6f1: {  	v14 =	vld.idx.msk [tilespmem:v15+s20+$0x0], $0xffff;
	[tilespmem:s31+$0xFFFFFF40] =	vst v16  }
0x6f2: {  	v63 =	vadd.s32 s12, v7;
	v16 =	vld.idx.msk [tilespmem:v61+s20+$0x0], $0xffff  }
0x6f3: {  	v21 =	vadd.s32 s17, v7;
	[tilespmem:s22+$0xFFFFFF40] =	vst v18  }
0x6f4: {  	v18 =	vld.idx.msk [tilespmem:v62+s20+$0x0], $0xffff  }
0x6f5: {  	v22 =	vadd.s32 s21, v7  }
0x6f6: {  	[tilespmem:s30+$0xFFFFFF50] =	vst v14  }
0x6f7: {  	v14 =	vld.idx.msk [tilespmem:v63+s20+$0x0], $0xffff;
	[tilespmem:s31+$0xFFFFFF50] =	vst v16  }
0x6f8: {  	v23 =	vadd.s32 s12, v8;
	v16 =	vld.idx.msk [tilespmem:v21+s20+$0x0], $0xffff  }
0x6f9: {  	v24 =	vadd.s32 s17, v8;
	[tilespmem:s22+$0xFFFFFF50] =	vst v18  }
0x6fa: {  	v18 =	vld.idx.msk [tilespmem:v22+s20+$0x0], $0xffff  }
0x6fb: {  	v25 =	vadd.s32 s21, v8  }
0x6fc: {  	[tilespmem:s30+$0xFFFFFF60] =	vst v14  }
0x6fd: {  	s12 =	sadd.s32 $0xFFFFFFFC, s5;
	v14 =	vld.idx.msk [tilespmem:v23+s20+$0x0], $0xffff;
	[tilespmem:s31+$0xFFFFFF60] =	vst v16  }
0x6fe: {  	v26 =	vadd.s32 s12, v0;
	s17 =	sadd.s32 $0xFFFFFFFC, s1;
	v16 =	vld.idx.msk [tilespmem:v24+s20+$0x0], $0xffff  }
0x6ff: {  	v27 =	vadd.s32 s17, v0;
	[tilespmem:s22+$0xFFFFFF60] =	vst v18  }
0x700: {  	s21 =	sadd.s32 $0xFFFFFFFC, s0;
	v18 =	vld.idx.msk [tilespmem:v25+s20+$0x0], $0xffff  }
0x701: {  	v28 =	vadd.s32 s21, v0  }
0x702: {  	[tilespmem:s30+$0xFFFFFF70] =	vst v14  }
0x703: {  	v14 =	vld.idx.msk [tilespmem:v26+s20+$0x0], $0xffff;
	[tilespmem:s31+$0xFFFFFF70] =	vst v16  }
0x704: {  	v29 =	vadd.s32 s12, v2;
	v16 =	vld.idx.msk [tilespmem:v27+s20+$0x0], $0xffff  }
0x705: {  	v30 =	vadd.s32 s17, v2;
	[tilespmem:s22+$0xFFFFFF70] =	vst v18  }
0x706: {  	v18 =	vld.idx.msk [tilespmem:v28+s20+$0x0], $0xffff  }
0x707: {  	v31 =	vadd.s32 s21, v2  }
0x708: {  	[tilespmem:s30+$0xFFFFFF80] =	vst v14  }
0x709: {  	v14 =	vld.idx.msk [tilespmem:v29+s20+$0x0], $0xffff;
	[tilespmem:s31+$0xFFFFFF80] =	vst v16  }
0x70a: {  	v32 =	vadd.s32 s12, v3;
	v16 =	vld.idx.msk [tilespmem:v30+s20+$0x0], $0xffff  }
0x70b: {  	v33 =	vadd.s32 s17, v3;
	[tilespmem:s22+$0xFFFFFF80] =	vst v18  }
0x70c: {  	v18 =	vld.idx.msk [tilespmem:v31+s20+$0x0], $0xffff  }
0x70d: {  	v34 =	vadd.s32 s21, v3  }
0x70e: {  	[tilespmem:s30+$0xFFFFFF90] =	vst v14  }
0x70f: {  	v14 =	vld.idx.msk [tilespmem:v32+s20+$0x0], $0xffff;
	[tilespmem:s31+$0xFFFFFF90] =	vst v16  }
0x710: {  	v35 =	vadd.s32 s12, v4;
	v16 =	vld.idx.msk [tilespmem:v33+s20+$0x0], $0xffff  }
0x711: {  	v36 =	vadd.s32 s17, v4;
	[tilespmem:s22+$0xFFFFFF90] =	vst v18  }
0x712: {  	v18 =	vld.idx.msk [tilespmem:v34+s20+$0x0], $0xffff  }
0x713: {  	v37 =	vadd.s32 s21, v4  }
0x714: {  	[tilespmem:s30+$0xFFFFFFA0] =	vst v14  }
0x715: {  	v14 =	vld.idx.msk [tilespmem:v35+s20+$0x0], $0xffff;
	[tilespmem:s31+$0xFFFFFFA0] =	vst v16  }
0x716: {  	v38 =	vadd.s32 s12, v5;
	v16 =	vld.idx.msk [tilespmem:v36+s20+$0x0], $0xffff  }
0x717: {  	v39 =	vadd.s32 s17, v5;
	[tilespmem:s22+$0xFFFFFFA0] =	vst v18  }
0x718: {  	v18 =	vld.idx.msk [tilespmem:v37+s20+$0x0], $0xffff  }
0x719: {  	v40 =	vadd.s32 s21, v5  }
0x71a: {  	[tilespmem:s30+$0xFFFFFFB0] =	vst v14  }
0x71b: {  	v14 =	vld.idx.msk [tilespmem:v38+s20+$0x0], $0xffff;
	[tilespmem:s31+$0xFFFFFFB0] =	vst v16  }
0x71c: {  	v41 =	vadd.s32 s12, v6;
	v16 =	vld.idx.msk [tilespmem:v39+s20+$0x0], $0xffff  }
0x71d: {  	v42 =	vadd.s32 s17, v6;
	[tilespmem:s22+$0xFFFFFFB0] =	vst v18  }
0x71e: {  	v18 =	vld.idx.msk [tilespmem:v40+s20+$0x0], $0xffff  }
0x71f: {  	v43 =	vadd.s32 s21, v6  }
0x720: {  	[tilespmem:s30+$0xFFFFFFC0] =	vst v14  }
0x721: {  	v14 =	vld.idx.msk [tilespmem:v41+s20+$0x0], $0xffff;
	[tilespmem:s31+$0xFFFFFFC0] =	vst v16  }
0x722: {  	v44 =	vadd.s32 s12, v7;
	v16 =	vld.idx.msk [tilespmem:v42+s20+$0x0], $0xffff  }
0x723: {  	v45 =	vadd.s32 s17, v7;
	[tilespmem:s22+$0xFFFFFFC0] =	vst v18  }
0x724: {  	v18 =	vld.idx.msk [tilespmem:v43+s20+$0x0], $0xffff  }
0x725: {  	v46 =	vadd.s32 s21, v7  }
0x726: {  	[tilespmem:s30+$0xFFFFFFD0] =	vst v14  }
0x727: {  	v14 =	vld.idx.msk [tilespmem:v44+s20+$0x0], $0xffff;
	[tilespmem:s31+$0xFFFFFFD0] =	vst v16  }
0x728: {  	v47 =	vadd.s32 s12, v8;
	v16 =	vld.idx.msk [tilespmem:v45+s20+$0x0], $0xffff  }
0x729: {  	v48 =	vadd.s32 s17, v8;
	[tilespmem:s22+$0xFFFFFFD0] =	vst v18  }
0x72a: {  	v18 =	vld.idx.msk [tilespmem:v46+s20+$0x0], $0xffff  }
0x72b: {  	v49 =	vadd.s32 s21, v8  }
0x72c: {  	[tilespmem:s30+$0xFFFFFFE0] =	vst v14  }
0x72d: {  	s12 =	sadd.s32 $0xFFFFFFFD, s5;
	v14 =	vld.idx.msk [tilespmem:v47+s20+$0x0], $0xffff;
	[tilespmem:s31+$0xFFFFFFE0] =	vst v16  }
0x72e: {  	s17 =	sadd.s32 $0xFFFFFFFD, s1;
	v50 =	vadd.s32 s12, v0;
	v16 =	vld.idx.msk [tilespmem:v48+s20+$0x0], $0xffff  }
0x72f: {  	v51 =	vadd.s32 s17, v0;
	[tilespmem:s22+$0xFFFFFFE0] =	vst v18  }
0x730: {  	[tilespmem:s29+$0xFFFFFFF0] =	vst v12;
	s21 =	sadd.s32 $0xFFFFFFFD, s0;
	v18 =	vld.idx.msk [tilespmem:v49+s20+$0x0], $0xffff  }
0x731: {  	v12 =	vld.idx.msk [tilespmem:v13+s20+$0x0], $0xffff;
	v52 =	vadd.s32 s21, v0  }
0x732: {  	v53 =	vadd.s32 s11, v2;
	[tilespmem:s30+$0xFFFFFFF0] =	vst v14  }
0x733: {  	v14 =	vld.idx.msk [tilespmem:v50+s20+$0x0], $0xffff;
	[tilespmem:s31+$0xFFFFFFF0] =	vst v16  }
0x734: {  	v54 =	vadd.s32 s12, v2;
	v16 =	vld.idx.msk [tilespmem:v51+s20+$0x0], $0xffff  }
0x735: {  	v55 =	vadd.s32 s17, v2;
	[tilespmem:s22+$0xFFFFFFF0] =	vst v18  }
0x736: {  	[tilespmem:s29+$0x0] =	vst v12;
	v18 =	vld.idx.msk [tilespmem:v52+s20+$0x0], $0xffff  }
0x737: {  	v12 =	vld.idx.msk [tilespmem:v53+s20+$0x0], $0xffff;
	v56 =	vadd.s32 s21, v2  }
0x738: {  	v57 =	vadd.s32 s11, v3;
	[tilespmem:s30+$0x0] =	vst v14  }
0x739: {  	v14 =	vld.idx.msk [tilespmem:v54+s20+$0x0], $0xffff;
	[tilespmem:s31+$0x0] =	vst v16  }
0x73a: {  	v58 =	vadd.s32 s12, v3;
	v16 =	vld.idx.msk [tilespmem:v55+s20+$0x0], $0xffff  }
0x73b: {  	v59 =	vadd.s32 s17, v3;
	[tilespmem:s22+$0x0] =	vst v18  }
0x73c: {  	[tilespmem:s29+$0x10] =	vst v12;
	v18 =	vld.idx.msk [tilespmem:v56+s20+$0x0], $0xffff  }
0x73d: {  	v12 =	vld.idx.msk [tilespmem:v57+s20+$0x0], $0xffff;
	v60 =	vadd.s32 s21, v3  }
0x73e: {  	v61 =	vadd.s32 s11, v4;
	[tilespmem:s30+$0x10] =	vst v14  }
0x73f: {  	v14 =	vld.idx.msk [tilespmem:v58+s20+$0x0], $0xffff;
	[tilespmem:s31+$0x10] =	vst v16  }
0x740: {  	v62 =	vadd.s32 s12, v4;
	v16 =	vld.idx.msk [tilespmem:v59+s20+$0x0], $0xffff  }
0x741: {  	v63 =	vadd.s32 s17, v4;
	[tilespmem:s22+$0x10] =	vst v18  }
0x742: {  	[tilespmem:s29+$0x20] =	vst v12;
	v18 =	vld.idx.msk [tilespmem:v60+s20+$0x0], $0xffff  }
0x743: {  	v12 =	vld.idx.msk [tilespmem:v61+s20+$0x0], $0xffff;
	v21 =	vadd.s32 s21, v4  }
0x744: {  	[tilespmem:s30+$0x20] =	vst v14;
	v22 =	vadd.s32 s11, v5  }
0x745: {  	v14 =	vld.idx.msk [tilespmem:v62+s20+$0x0], $0xffff;
	[tilespmem:s31+$0x20] =	vst v16  }
0x746: {  	v23 =	vadd.s32 s12, v5;
	v16 =	vld.idx.msk [tilespmem:v63+s20+$0x0], $0xffff  }
0x747: {  	v24 =	vadd.s32 s17, v5;
	[tilespmem:s22+$0x20] =	vst v18  }
0x748: {  	[tilespmem:s29+$0x30] =	vst v12;
	v18 =	vld.idx.msk [tilespmem:v21+s20+$0x0], $0xffff  }
0x749: {  	v12 =	vld.idx.msk [tilespmem:v22+s20+$0x0], $0xffff;
	v25 =	vadd.s32 s21, v5  }
0x74a: {  	v26 =	vadd.s32 s11, v6;
	[tilespmem:s30+$0x30] =	vst v14  }
0x74b: {  	v14 =	vld.idx.msk [tilespmem:v23+s20+$0x0], $0xffff;
	[tilespmem:s31+$0x30] =	vst v16  }
0x74c: {  	v27 =	vadd.s32 s12, v6;
	v16 =	vld.idx.msk [tilespmem:v24+s20+$0x0], $0xffff  }
0x74d: {  	v28 =	vadd.s32 s17, v6;
	[tilespmem:s22+$0x30] =	vst v18  }
0x74e: {  	[tilespmem:s29+$0x40] =	vst v12;
	v18 =	vld.idx.msk [tilespmem:v25+s20+$0x0], $0xffff  }
0x74f: {  	v29 =	vadd.s32 s21, v6;
	v12 =	vld.idx.msk [tilespmem:v26+s20+$0x0], $0xffff  }
0x750: {  	v30 =	vadd.s32 s11, v7;
	[tilespmem:s30+$0x40] =	vst v14  }
0x751: {  	v14 =	vld.idx.msk [tilespmem:v27+s20+$0x0], $0xffff;
	[tilespmem:s31+$0x40] =	vst v16  }
0x752: {  	v31 =	vadd.s32 s12, v7;
	v16 =	vld.idx.msk [tilespmem:v28+s20+$0x0], $0xffff  }
0x753: {  	v32 =	vadd.s32 s17, v7;
	[tilespmem:s22+$0x40] =	vst v18  }
0x754: {  	[tilespmem:s29+$0x50] =	vst v12;
	v18 =	vld.idx.msk [tilespmem:v29+s20+$0x0], $0xffff  }
0x755: {  	v33 =	vadd.s32 s21, v7;
	v12 =	vld.idx.msk [tilespmem:v30+s20+$0x0], $0xffff  }
0x756: {  	[tilespmem:s30+$0x50] =	vst v14;
	v34 =	vadd.s32 s11, v8  }
0x757: {  	v14 =	vld.idx.msk [tilespmem:v31+s20+$0x0], $0xffff;
	[tilespmem:s31+$0x50] =	vst v16  }
0x758: {  	v35 =	vadd.s32 s12, v8;
	v16 =	vld.idx.msk [tilespmem:v32+s20+$0x0], $0xffff  }
0x759: {  	v36 =	vadd.s32 s17, v8;
	[tilespmem:s22+$0x50] =	vst v18  }
0x75a: {  	[tilespmem:s29+$0x60] =	vst v12;
	v18 =	vld.idx.msk [tilespmem:v33+s20+$0x0], $0xffff  }
0x75b: {  	s11 =	sadd.s32 $0xFFFFFFFE, s9;
	v12 =	vld.idx.msk [tilespmem:v34+s20+$0x0], $0xffff;
	v37 =	vadd.s32 s21, v8  }
0x75c: {  	v38 =	vadd.s32 s11, v0;
	[tilespmem:s30+$0x60] =	vst v14  }
0x75d: {  	s12 =	sadd.s32 $0xFFFFFFFE, s5;
	v14 =	vld.idx.msk [tilespmem:v35+s20+$0x0], $0xffff;
	[tilespmem:s31+$0x60] =	vst v16  }
0x75e: {  	s17 =	sadd.s32 $0xFFFFFFFE, s1;
	v39 =	vadd.s32 s12, v0;
	v16 =	vld.idx.msk [tilespmem:v36+s20+$0x0], $0xffff  }
0x75f: {  	v40 =	vadd.s32 s17, v0;
	[tilespmem:s22+$0x60] =	vst v18  }
0x760: {  	s21 =	sadd.s32 $0xFFFFFFFE, s0;
	[tilespmem:s29+$0x70] =	vst v12;
	v18 =	vld.idx.msk [tilespmem:v37+s20+$0x0], $0xffff  }
0x761: {  	v41 =	vadd.s32 s21, v0;
	v12 =	vld.idx.msk [tilespmem:v38+s20+$0x0], $0xffff  }
0x762: {  	v42 =	vadd.s32 s11, v2;
	[tilespmem:s30+$0x70] =	vst v14  }
0x763: {  	v14 =	vld.idx.msk [tilespmem:v39+s20+$0x0], $0xffff;
	[tilespmem:s31+$0x70] =	vst v16  }
0x764: {  	v43 =	vadd.s32 s12, v2;
	v16 =	vld.idx.msk [tilespmem:v40+s20+$0x0], $0xffff  }
0x765: {  	v44 =	vadd.s32 s17, v2;
	[tilespmem:s22+$0x70] =	vst v18  }
0x766: {  	[tilespmem:s29+$0x80] =	vst v12;
	v18 =	vld.idx.msk [tilespmem:v41+s20+$0x0], $0xffff  }
0x767: {  	v45 =	vadd.s32 s21, v2;
	v12 =	vld.idx.msk [tilespmem:v42+s20+$0x0], $0xffff  }
0x768: {  	[tilespmem:s30+$0x80] =	vst v14;
	v46 =	vadd.s32 s11, v3  }
0x769: {  	v14 =	vld.idx.msk [tilespmem:v43+s20+$0x0], $0xffff;
	[tilespmem:s31+$0x80] =	vst v16  }
0x76a: {  	v47 =	vadd.s32 s12, v3;
	v16 =	vld.idx.msk [tilespmem:v44+s20+$0x0], $0xffff  }
0x76b: {  	v48 =	vadd.s32 s17, v3;
	[tilespmem:s22+$0x80] =	vst v18  }
0x76c: {  	[tilespmem:s29+$0x90] =	vst v12;
	v18 =	vld.idx.msk [tilespmem:v45+s20+$0x0], $0xffff  }
0x76d: {  	v12 =	vld.idx.msk [tilespmem:v46+s20+$0x0], $0xffff;
	v49 =	vadd.s32 s21, v3  }
0x76e: {  	v50 =	vadd.s32 s11, v4;
	[tilespmem:s30+$0x90] =	vst v14  }
0x76f: {  	v14 =	vld.idx.msk [tilespmem:v47+s20+$0x0], $0xffff;
	[tilespmem:s31+$0x90] =	vst v16  }
0x770: {  	[tilespmem:s28+$0xA0] =	vst v10;
	v51 =	vadd.s32 s12, v4;
	v16 =	vld.idx.msk [tilespmem:v48+s20+$0x0], $0xffff  }
0x771: {  	v11 =	vld.idx.msk [tilespmem:v11+s20+$0x0], $0xffff;
	v52 =	vadd.s32 s17, v4;
	[tilespmem:s22+$0x90] =	vst v18  }
0x772: {  	v53 =	vadd.s32 s23, v5;
	[tilespmem:s29+$0xA0] =	vst v12;
	v18 =	vld.idx.msk [tilespmem:v49+s20+$0x0], $0xffff  }
0x773: {  	v10 =	vadd.s32 s21, v4;
	v13 =	vld.idx.msk [tilespmem:v50+s20+$0x0], $0xffff  }
0x774: {  	v54 =	vadd.s32 s11, v5;
	[tilespmem:s30+$0xA0] =	vst v14  }
0x775: {  	v15 =	vld.idx.msk [tilespmem:v51+s20+$0x0], $0xffff;
	[tilespmem:s31+$0xA0] =	vst v16  }
0x776: {  	[tilespmem:s28+$0xB0] =	vst v11;
	v55 =	vadd.s32 s12, v5;
	v17 =	vld.idx.msk [tilespmem:v52+s20+$0x0], $0xffff  }
0x777: {  	v12 =	vld.idx.msk [tilespmem:v53+s20+$0x0], $0xffff;
	v56 =	vadd.s32 s17, v5;
	[tilespmem:s22+$0xA0] =	vst v18  }
0x778: {  	v57 =	vadd.s32 s23, v6;
	[tilespmem:s29+$0xB0] =	vst v13;
	v10 =	vld.idx.msk [tilespmem:v10+s20+$0x0], $0xffff  }
0x779: {  	v11 =	vadd.s32 s21, v5;
	v14 =	vld.idx.msk [tilespmem:v54+s20+$0x0], $0xffff  }
0x77a: {  	v58 =	vadd.s32 s11, v6;
	[tilespmem:s30+$0xB0] =	vst v15  }
0x77b: {  	v16 =	vld.idx.msk [tilespmem:v55+s20+$0x0], $0xffff;
	[tilespmem:s31+$0xB0] =	vst v17  }
0x77c: {  	v59 =	vadd.s32 s12, v6;
	[tilespmem:s28+$0xC0] =	vst v12;
	v18 =	vld.idx.msk [tilespmem:v56+s20+$0x0], $0xffff  }
0x77d: {  	v13 =	vld.idx.msk [tilespmem:v57+s20+$0x0], $0xffff;
	[tilespmem:s22+$0xB0] =	vst v10;
	v10 =	vadd.s32 s17, v6  }
0x77e: {  	v61 =	vadd.s32 s23, v7;
	[tilespmem:s29+$0xC0] =	vst v14;
	v11 =	vld.idx.msk [tilespmem:v11+s20+$0x0], $0xffff  }
0x77f: {  	v15 =	vld.idx.msk [tilespmem:v58+s20+$0x0], $0xffff;
	v60 =	vadd.s32 s21, v6  }
0x780: {  	v62 =	vadd.s32 s11, v7;
	[tilespmem:s30+$0xC0] =	vst v16  }
0x781: {  	v17 =	vld.idx.msk [tilespmem:v59+s20+$0x0], $0xffff;
	[tilespmem:s31+$0xC0] =	vst v18  }
0x782: {  	v63 =	vadd.s32 s12, v7;
	[tilespmem:s28+$0xD0] =	vst v13;
	v10 =	vld.idx.msk [tilespmem:v10+s20+$0x0], $0xffff  }
0x783: {  	v14 =	vld.idx.msk [tilespmem:v61+s20+$0x0], $0xffff;
	[tilespmem:s22+$0xC0] =	vst v11;
	v11 =	vadd.s32 s17, v7  }
0x784: {  	v22 =	vadd.s32 s23, v8;
	[tilespmem:s29+$0xD0] =	vst v15;
	v12 =	vld.idx.msk [tilespmem:v60+s20+$0x0], $0xffff  }
0x785: {  	v16 =	vld.idx.msk [tilespmem:v62+s20+$0x0], $0xffff;
	v21 =	vadd.s32 s21, v7  }
0x786: {  	v23 =	vadd.s32 s11, v8;
	[tilespmem:s30+$0xD0] =	vst v17  }
0x787: {  	v18 =	vld.idx.msk [tilespmem:v63+s20+$0x0], $0xffff;
	[tilespmem:s31+$0xD0] =	vst v10  }
0x788: {  	[tilespmem:s28+$0xE0] =	vst v14;
	v10 =	vadd.s32 s12, v8;
	v11 =	vld.idx.msk [tilespmem:v11+s20+$0x0], $0xffff  }
0x789: {  	s8 =	sadd.s32 $0xFFFFFFFF, s3;
	v24 =	vadd.s32 s17, v8;
	v15 =	vld.idx.msk [tilespmem:v22+s20+$0x0], $0xffff;
	[tilespmem:s22+$0xD0] =	vst v12  }
0x78a: {  	v26 =	vadd.s32 s8, v0;
	[tilespmem:s29+$0xE0] =	vst v16;
	v13 =	vld.idx.msk [tilespmem:v21+s20+$0x0], $0xffff  }
0x78b: {  	s11 =	sadd.s32 $0xFFFFFFFF, s9;
	v17 =	vld.idx.msk [tilespmem:v23+s20+$0x0], $0xffff;
	v25 =	vadd.s32 s21, v8  }
0x78c: {  	v27 =	vadd.s32 s11, v0;
	[tilespmem:s30+$0xE0] =	vst v18  }
0x78d: {  	s12 =	sadd.s32 $0xFFFFFFFF, s5;
	v10 =	vld.idx.msk [tilespmem:v10+s20+$0x0], $0xffff;
	[tilespmem:s31+$0xE0] =	vst v11  }
0x78e: {  	[tilespmem:s28+$0xF0] =	vst v15;
	s21 =	sadd.s32 $0xFFFFFFFF, s1;
	v11 =	vadd.s32 s12, v0;
	v12 =	vld.idx.msk [tilespmem:v24+s20+$0x0], $0xffff  }
0x78f: {  	v16 =	vld.idx.msk [tilespmem:v26+s20+$0x0], $0xffff;
	v28 =	vadd.s32 s21, v0;
	[tilespmem:s22+$0xE0] =	vst v13  }
0x790: {  	s23 =	sadd.s32 $0xFFFFFFFF, s0;
	v30 =	vadd.s32 s8, v2;
	[tilespmem:s29+$0xF0] =	vst v17;
	v14 =	vld.idx.msk [tilespmem:v25+s20+$0x0], $0xffff  }
0x791: {  	v29 =	vadd.s32 s23, v0;
	v18 =	vld.idx.msk [tilespmem:v27+s20+$0x0], $0xffff  }
0x792: {  	[tilespmem:s30+$0xF0] =	vst v10;
	v10 =	vadd.s32 s11, v2  }
0x793: {  	v11 =	vld.idx.msk [tilespmem:v11+s20+$0x0], $0xffff;
	[tilespmem:s31+$0xF0] =	vst v12  }
0x794: {  	[tilespmem:s28+$0x100] =	vst v16;
	v31 =	vadd.s32 s12, v2;
	v13 =	vld.idx.msk [tilespmem:v28+s20+$0x0], $0xffff  }
0x795: {  	v32 =	vadd.s32 s21, v2;
	v17 =	vld.idx.msk [tilespmem:v30+s20+$0x0], $0xffff;
	[tilespmem:s22+$0xF0] =	vst v14  }
0x796: {  	v34 =	vadd.s32 s8, v3;
	[tilespmem:s29+$0x100] =	vst v18;
	v15 =	vld.idx.msk [tilespmem:v29+s20+$0x0], $0xffff  }
0x797: {  	v33 =	vadd.s32 s23, v2;
	v10 =	vld.idx.msk [tilespmem:v10+s20+$0x0], $0xffff  }
0x798: {  	[tilespmem:s30+$0x100] =	vst v11;
	v11 =	vadd.s32 s11, v3  }
0x799: {  	v12 =	vld.idx.msk [tilespmem:v31+s20+$0x0], $0xffff;
	[tilespmem:s31+$0x100] =	vst v13  }
0x79a: {  	[tilespmem:s28+$0x110] =	vst v17;
	v35 =	vadd.s32 s12, v3;
	v14 =	vld.idx.msk [tilespmem:v32+s20+$0x0], $0xffff  }
0x79b: {  	v36 =	vadd.s32 s21, v3;
	v18 =	vld.idx.msk [tilespmem:v34+s20+$0x0], $0xffff;
	[tilespmem:s22+$0x100] =	vst v15  }
0x79c: {  	[tilespmem:s29+$0x110] =	vst v10;
	v10 =	vadd.s32 s8, v4;
	v16 =	vld.idx.msk [tilespmem:v33+s20+$0x0], $0xffff  }
0x79d: {  	v37 =	vadd.s32 s23, v3;
	v11 =	vld.idx.msk [tilespmem:v11+s20+$0x0], $0xffff  }
0x79e: {  	[tilespmem:s30+$0x110] =	vst v12  }
0x79f: {  	v38 =	vadd.s32 s11, v4;
	v13 =	vld.idx.msk [tilespmem:v35+s20+$0x0], $0xffff;
	[tilespmem:s31+$0x110] =	vst v14  }
0x7a0: {  	v39 =	vadd.s32 s12, v4;
	[tilespmem:s28+$0x120] =	vst v18;
	v15 =	vld.idx.msk [tilespmem:v36+s20+$0x0], $0xffff  }
0x7a1: {  	v40 =	vadd.s32 s21, v4;
	v10 =	vld.idx.msk [tilespmem:v10+s20+$0x0], $0xffff;
	[tilespmem:s22+$0x110] =	vst v16  }
0x7a2: {  	[tilespmem:s29+$0x120] =	vst v11;
	v11 =	vadd.s32 s8, v5;
	v17 =	vld.idx.msk [tilespmem:v37+s20+$0x0], $0xffff  }
0x7a3: {  	v41 =	vadd.s32 s23, v4  }
0x7a4: {  	v12 =	vld.idx.msk [tilespmem:v38+s20+$0x0], $0xffff;
	[tilespmem:s30+$0x120] =	vst v13  }
0x7a5: {  	v42 =	vadd.s32 s11, v5;
	v14 =	vld.idx.msk [tilespmem:v39+s20+$0x0], $0xffff;
	[tilespmem:s31+$0x120] =	vst v15  }
0x7a6: {  	v43 =	vadd.s32 s12, v5;
	[tilespmem:s28+$0x130] =	vst v10;
	v16 =	vld.idx.msk [tilespmem:v40+s20+$0x0], $0xffff  }
0x7a7: {  	v44 =	vadd.s32 s21, v5;
	v11 =	vld.idx.msk [tilespmem:v11+s20+$0x0], $0xffff;
	[tilespmem:s22+$0x120] =	vst v17  }
0x7a8: {  	v45 =	vadd.s32 s8, v6;
	v18 =	vld.idx.msk [tilespmem:v41+s20+$0x0], $0xffff  }
0x7a9: {  	v10 =	vadd.s32 s23, v5;
	[tilespmem:s29+$0x130] =	vst v12  }
0x7aa: {  	v13 =	vld.idx.msk [tilespmem:v42+s20+$0x0], $0xffff;
	[tilespmem:s30+$0x130] =	vst v14  }
0x7ab: {  	v46 =	vadd.s32 s11, v6;
	v15 =	vld.idx.msk [tilespmem:v43+s20+$0x0], $0xffff;
	[tilespmem:s31+$0x130] =	vst v16  }
0x7ac: {  	v47 =	vadd.s32 s12, v6;
	[tilespmem:s28+$0x140] =	vst v11;
	v17 =	vld.idx.msk [tilespmem:v44+s20+$0x0], $0xffff  }
0x7ad: {  	v48 =	vadd.s32 s21, v6;
	v12 =	vld.idx.msk [tilespmem:v45+s20+$0x0], $0xffff;
	[tilespmem:s22+$0x130] =	vst v18  }
0x7ae: {  	v50 =	vadd.s32 s8, v7;
	v10 =	vld.idx.msk [tilespmem:v10+s20+$0x0], $0xffff  }
0x7af: {  	v11 =	vadd.s32 s23, v6;
	[tilespmem:s29+$0x140] =	vst v13  }
0x7b0: {  	v49 =	vadd.s32 s10, v7;
	v14 =	vld.idx.msk [tilespmem:v46+s20+$0x0], $0xffff;
	[tilespmem:s30+$0x140] =	vst v15  }
0x7b1: {  	v16 =	vld.idx.msk [tilespmem:v47+s20+$0x0], $0xffff;
	[tilespmem:s31+$0x140] =	vst v17  }
0x7b2: {  	v51 =	vadd.s32 s11, v7;
	[tilespmem:s28+$0x150] =	vst v12;
	v18 =	vld.idx.msk [tilespmem:v48+s20+$0x0], $0xffff  }
0x7b3: {  	v52 =	vadd.s32 s12, v7;
	v13 =	vld.idx.msk [tilespmem:v50+s20+$0x0], $0xffff;
	[tilespmem:s22+$0x140] =	vst v10  }
0x7b4: {  	[tilespmem:s26+$0x150] =	vst v9;
	v9 =	vadd.s32 s21, v7;
	v10 =	vld.idx.msk [tilespmem:v11+s20+$0x0], $0xffff  }
0x7b5: {  	v53 =	vadd.s32 s23, v7;
	[tilespmem:s29+$0x150] =	vst v14;
	v11 =	vld.idx.msk [tilespmem:v49+s20+$0x0], $0xffff  }
0x7b6: {  	v55 =	vadd.s32 s8, v8;
	[tilespmem:s30+$0x150] =	vst v16  }
0x7b7: {  	v54 =	vadd.s32 s10, v8;
	v15 =	vld.idx.msk [tilespmem:v51+s20+$0x0], $0xffff;
	[tilespmem:s31+$0x150] =	vst v18  }
0x7b8: {  	v56 =	vadd.s32 s11, v8;
	v17 =	vld.idx.msk [tilespmem:v52+s20+$0x0], $0xffff;
	[tilespmem:s28+$0x160] =	vst v13  }
0x7b9: {  	v57 =	vadd.s32 s12, v8;
	v9 =	vld.idx.msk [tilespmem:v9+s20+$0x0], $0xffff;
	[tilespmem:s22+$0x150] =	vst v10  }
0x7ba: {  	[tilespmem:s26+$0x160] =	vst v11;
	v10 =	vadd.s32 s21, v8;
	v11 =	vld.idx.msk [tilespmem:v53+s20+$0x0], $0xffff  }
0x7bb: {  	v59 =	vadd.s32 s23, v8;
	v14 =	vld.idx.msk [tilespmem:v55+s20+$0x0], $0xffff  }
0x7bc: {  	v61 =	vadd.s32 s3, v0;
	[tilespmem:s29+$0x160] =	vst v15;
	v58 =	vld.idx.msk [tilespmem:v54+s20+$0x0], $0xffff  }
0x7bd: {  	v60 =	vadd.s32 s7, v0;
	v16 =	vld.idx.msk [tilespmem:v56+s20+$0x0], $0xffff;
	[tilespmem:s30+$0x160] =	vst v17  }
0x7be: {  	v62 =	vadd.s32 s9, v0;
	v18 =	vld.idx.msk [tilespmem:v57+s20+$0x0], $0xffff;
	[tilespmem:s31+$0x160] =	vst v9  }
0x7bf: {  	v9 =	vadd.s32 s5, v0;
	v10 =	vld.idx.msk [tilespmem:v10+s20+$0x0], $0xffff;
	[tilespmem:s22+$0x160] =	vst v11  }
0x7c0: {  	[tilespmem:s28+$0x170] =	vst v14;
	v11 =	vadd.s32 s1, v0;
	v63 =	vld.idx.msk [tilespmem:v59+s20+$0x0], $0xffff  }
0x7c1: {  	v22 =	vadd.s32 s0, v0;
	v15 =	vld.idx.msk [tilespmem:v61+s20+$0x0], $0xffff;
	[tilespmem:s26+$0x170] =	vst v58  }
0x7c2: {  	v24 =	vadd.s32 s3, v2;
	[tilespmem:s29+$0x170] =	vst v16;
	v21 =	vld.idx.msk [tilespmem:v60+s20+$0x0], $0xffff  }
0x7c3: {  	v23 =	vadd.s32 s7, v2;
	v17 =	vld.idx.msk [tilespmem:v62+s20+$0x0], $0xffff;
	[tilespmem:s30+$0x170] =	vst v18  }
0x7c4: {  	v25 =	vadd.s32 s9, v2;
	v9 =	vld.idx.msk [tilespmem:v9+s20+$0x0], $0xffff;
	[tilespmem:s31+$0x170] =	vst v10  }
0x7c5: {  	v10 =	vadd.s32 s5, v2;
	v11 =	vld.idx.msk [tilespmem:v11+s20+$0x0], $0xffff;
	[tilespmem:s22+$0x170] =	vst v63  }
0x7c6: {  	v26 =	vadd.s32 s1, v2;
	[tilespmem:s28+$0x180] =	vst v15;
	v27 =	vld.idx.msk [tilespmem:v22+s20+$0x0], $0xffff  }
0x7c7: {  	v29 =	vadd.s32 s0, v2;
	v16 =	vld.idx.msk [tilespmem:v24+s20+$0x0], $0xffff;
	[tilespmem:s26+$0x180] =	vst v21  }
0x7c8: {  	v31 =	vadd.s32 s3, v3;
	[tilespmem:s29+$0x180] =	vst v17;
	v28 =	vld.idx.msk [tilespmem:v23+s20+$0x0], $0xffff  }
0x7c9: {  	v30 =	vadd.s32 s7, v3;
	v18 =	vld.idx.msk [tilespmem:v25+s20+$0x0], $0xffff;
	[tilespmem:s30+$0x180] =	vst v9  }
0x7ca: {  	v9 =	vadd.s32 s9, v3;
	v10 =	vld.idx.msk [tilespmem:v10+s20+$0x0], $0xffff;
	[tilespmem:s31+$0x180] =	vst v11  }
0x7cb: {  	v11 =	vadd.s32 s5, v3;
	v12 =	vld.idx.msk [tilespmem:v26+s20+$0x0], $0xffff;
	[tilespmem:s22+$0x180] =	vst v27  }
0x7cc: {  	v32 =	vadd.s32 s1, v3;
	[tilespmem:s28+$0x190] =	vst v16;
	v33 =	vld.idx.msk [tilespmem:v29+s20+$0x0], $0xffff  }
0x7cd: {  	v35 =	vadd.s32 s0, v3;
	v17 =	vld.idx.msk [tilespmem:v31+s20+$0x0], $0xffff;
	[tilespmem:s26+$0x190] =	vst v28  }
0x7ce: {  	v37 =	vadd.s32 s3, v4;
	[tilespmem:s29+$0x190] =	vst v18;
	v34 =	vld.idx.msk [tilespmem:v30+s20+$0x0], $0xffff  }
0x7cf: {  	v36 =	vadd.s32 s7, v4;
	v9 =	vld.idx.msk [tilespmem:v9+s20+$0x0], $0xffff;
	[tilespmem:s30+$0x190] =	vst v10  }
0x7d0: {  	v10 =	vadd.s32 s9, v4;
	v11 =	vld.idx.msk [tilespmem:v11+s20+$0x0], $0xffff;
	[tilespmem:s31+$0x190] =	vst v12  }
0x7d1: {  	v38 =	vadd.s32 s5, v4;
	v13 =	vld.idx.msk [tilespmem:v32+s20+$0x0], $0xffff;
	[tilespmem:s22+$0x190] =	vst v33  }
0x7d2: {  	v39 =	vadd.s32 s1, v4;
	[tilespmem:s28+$0x1A0] =	vst v17;
	v40 =	vld.idx.msk [tilespmem:v35+s20+$0x0], $0xffff  }
0x7d3: {  	v42 =	vadd.s32 s0, v4;
	v18 =	vld.idx.msk [tilespmem:v37+s20+$0x0], $0xffff;
	[tilespmem:s26+$0x1A0] =	vst v34  }
0x7d4: {  	[tilespmem:s29+$0x1A0] =	vst v9;
	v9 =	vadd.s32 s3, v5;
	v41 =	vld.idx.msk [tilespmem:v36+s20+$0x0], $0xffff  }
0x7d5: {  	v43 =	vadd.s32 s7, v5;
	v10 =	vld.idx.msk [tilespmem:v10+s20+$0x0], $0xffff;
	[tilespmem:s30+$0x1A0] =	vst v11  }
0x7d6: {  	v11 =	vadd.s32 s9, v5;
	v12 =	vld.idx.msk [tilespmem:v38+s20+$0x0], $0xffff;
	[tilespmem:s31+$0x1A0] =	vst v13  }
0x7d7: {  	v44 =	vadd.s32 s5, v5;
	v14 =	vld.idx.msk [tilespmem:v39+s20+$0x0], $0xffff;
	[tilespmem:s22+$0x1A0] =	vst v40  }
0x7d8: {  	v45 =	vadd.s32 s1, v5;
	[tilespmem:s28+$0x1B0] =	vst v18;
	v46 =	vld.idx.msk [tilespmem:v42+s20+$0x0], $0xffff  }
0x7d9: {  	v48 =	vadd.s32 s0, v5;
	v9 =	vld.idx.msk [tilespmem:v9+s20+$0x0], $0xffff;
	[tilespmem:s26+$0x1B0] =	vst v41  }
0x7da: {  	[tilespmem:s29+$0x1B0] =	vst v10;
	v10 =	vadd.s32 s3, v6;
	v47 =	vld.idx.msk [tilespmem:v43+s20+$0x0], $0xffff  }
0x7db: {  	v49 =	vadd.s32 s7, v6;
	v11 =	vld.idx.msk [tilespmem:v11+s20+$0x0], $0xffff;
	[tilespmem:s30+$0x1B0] =	vst v12  }
0x7dc: {  	v50 =	vadd.s32 s9, v6;
	v13 =	vld.idx.msk [tilespmem:v44+s20+$0x0], $0xffff;
	[tilespmem:s31+$0x1B0] =	vst v14  }
0x7dd: {  	v51 =	vadd.s32 s5, v6;
	v15 =	vld.idx.msk [tilespmem:v45+s20+$0x0], $0xffff;
	[tilespmem:s22+$0x1B0] =	vst v46  }
0x7de: {  	v52 =	vadd.s32 s1, v6;
	[tilespmem:s28+$0x1C0] =	vst v9;
	v53 =	vld.idx.msk [tilespmem:v48+s20+$0x0], $0xffff  }
0x7df: {  	v9 =	vadd.s32 s0, v6;
	v10 =	vld.idx.msk [tilespmem:v10+s20+$0x0], $0xffff;
	[tilespmem:s26+$0x1C0] =	vst v47  }
0x7e0: {  	[tilespmem:s29+$0x1C0] =	vst v11;
	v11 =	vadd.s32 s3, v7;
	v54 =	vld.idx.msk [tilespmem:v49+s20+$0x0], $0xffff  }
0x7e1: {  	v55 =	vadd.s32 s7, v7;
	v12 =	vld.idx.msk [tilespmem:v50+s20+$0x0], $0xffff;
	[tilespmem:s30+$0x1C0] =	vst v13  }
0x7e2: {  	v56 =	vadd.s32 s9, v7;
	v14 =	vld.idx.msk [tilespmem:v51+s20+$0x0], $0xffff;
	[tilespmem:s31+$0x1C0] =	vst v15  }
0x7e3: {  	v57 =	vadd.s32 s5, v7;
	v16 =	vld.idx.msk [tilespmem:v52+s20+$0x0], $0xffff;
	[tilespmem:s22+$0x1C0] =	vst v53  }
0x7e4: {  	v58 =	vadd.s32 s1, v7;
	[tilespmem:s28+$0x1D0] =	vst v10;
	v9 =	vld.idx.msk [tilespmem:v9+s20+$0x0], $0xffff  }
0x7e5: {  	v10 =	vadd.s32 s0, v7;
	v11 =	vld.idx.msk [tilespmem:v11+s20+$0x0], $0xffff;
	[tilespmem:s26+$0x1D0] =	vst v54  }
0x7e6: {  	v60 =	vadd.s32 s3, v8;
	[tilespmem:s29+$0x1D0] =	vst v12;
	v18 =	vld.idx.msk [tilespmem:v55+s20+$0x0], $0xffff  }
0x7e7: {  	v59 =	vadd.s32 s7, v8;
	v13 =	vld.idx.msk [tilespmem:v56+s20+$0x0], $0xffff;
	[tilespmem:s30+$0x1D0] =	vst v14  }
0x7e8: {  	v61 =	vadd.s32 s9, v8;
	v15 =	vld.idx.msk [tilespmem:v57+s20+$0x0], $0xffff;
	[tilespmem:s31+$0x1D0] =	vst v16  }
0x7e9: {  	v62 =	vadd.s32 s5, v8;
	v17 =	vld.idx.msk [tilespmem:v58+s20+$0x0], $0xffff;
	[tilespmem:s22+$0x1D0] =	vst v9  }
0x7ea: {  	[tilespmem:s28+$0x1E0] =	vst v11;
	v9 =	vadd.s32 s1, v8;
	v10 =	vld.idx.msk [tilespmem:v10+s20+$0x0], $0xffff  }
0x7eb: {  	v11 =	vadd.s32 s0, v8;
	v12 =	vld.idx.msk [tilespmem:v60+s20+$0x0], $0xffff;
	[tilespmem:s26+$0x1E0] =	vst v18  }
0x7ec: {  	[tilespmem:s29+$0x1E0] =	vst v13;
	v18 =	vld.idx.msk [tilespmem:v59+s20+$0x0], $0xffff  }
0x7ed: {  	v13 =	vld.idx.msk [tilespmem:v61+s20+$0x0], $0xffff;
	[tilespmem:s30+$0x1E0] =	vst v15  }
0x7ee: {  	v63 =	vld.idx.msk [tilespmem:v62+s20+$0x0], $0xffff;
	[tilespmem:s31+$0x1E0] =	vst v17  }
0x7ef: {  	v9 =	vld.idx.msk [tilespmem:v9+s20+$0x0], $0xffff;
	[tilespmem:s22+$0x1E0] =	vst v10  }
0x7f0: {  	s24 =	sadd.s32 $0x1, s24;
	[tilespmem:s28+$0x1F0] =	vst v12;
	v10 =	vld.idx.msk [tilespmem:v11+s20+$0x0], $0xffff  }
0x7f1: {  	p0 =	sne.s32 s24, $0x19;
	[tilespmem:s26+$0x1F0] =	vst v18  }
.Ltmp7:
0x7f2: {  	[tilespmem:s29+$0x1F0] =	vst v13;
	(pc) =	sbr.rel @p0 .LBB2_2-.Ltmp7, $4  }
0x7f3: {  	s29 =	sshll.u32 s25, $0xF;
	[tilespmem:s30+$0x1F0] =	vst v63;
	s30 =	rddreg [dreg:$0x1]  }
0x7f4: {  	s0 =	sadd.s32 s30, s29;
	[tilespmem:s31+$0x1F0] =	vst v9  }
0x7f5: {  	s0 =	sadd.s32 s6, s0;
	s31 =	simm.s32 $0xBA00;
	[tilespmem:s22+$0x1F0] =	vst v10  }
0x7f6: {  	[hbm4b:s0+s15] =	stream.strided.scatter [tilespmem:s31], [sflag:$0x4], $0x2000, s16, s15, $0x38;
	[tilespmem:$0xDA00] =	vst v63  }
0x7f7: {  	s0 =	simm.s32 $0x3  }
0x7f8: {  	_ =	swait.ge [sflag:s0], $0x2000  }
0x7f9: {  	[sflag:s0] =	ssyncset.done $0x0  }
0x7fa: {  	[sflag:s0] =	ssyncadd.s32 $0xFFFFE000  }
0x7fb: {  	_ =	swait.ge [sflag:s19], $0x2000  }
0x7fc: {  	s1 =	rddreg [dreg:$0x5]  }
0x7fd: {  	s31 =	rddreg [dreg:$0x4];
	s1 =	sadd.s32 $0x1, s1  }
0x7fe: {  	p0 =	sne.s32 s1, s31  }
.Ltmp8:
0x7ff: {  	_ = 	snop;
	(pc) =	sbr.rel @p0 .LBB2_1-.Ltmp8, $3  }
0x800: {  	_ =	sdelay $0x1  }
0x801: {  	[sflag:s19] =	ssyncset.done $0x0  }
0x802: {  	[sflag:s19] =	ssyncadd.s32 $0xFFFFE000  }
0x803: {  	_ =	sfence.sel $0x180000  }
0x804: {  	[bflag:$0x0] =	sbarrier.arrive $0xFFFF  }
0x805: {  	_ =	strace $0x90000047  }
0x806: {  	s0 =	stileid.u32;
	[bflag:$0x2] =	sbarrier.arrive $0xFFFF  }
0x807: {  	p0 =	sne.s32 s0, $0x0;
	s0 =	rddreg [dreg:$0x2]  }
0x808: {  	s0 =	sadd.s32 @!p0 $0x100000, s0  }
0x809: {  	[sflag:s0] =	ssyncadd.tile.s32 @!p0 $0x1;
	_ =	shalt  }
.Lfunc_end2:
_tile_overlayer_lowered:
.L_overlay_start_2:
0x80a: {  	(tag) =	ssettag $0x2  }
0x80b: {  	s0 =	rddreg [dreg:$0x0];
	s2 =	stileid.u32  }
0x80c: {  	s1 =	rddreg [dreg:$0x1];
	p0 =	sne.s32 s2, $0x0  }
0x80d: {  	s3 =	rddreg [dreg:$0x2];
	[bflag:$0x3] =	sbarrier.arrive $0xFFFF;
	s2 =	simm.s32 @!p0 $0x1C05  }
0x80e: {  	[timem:s3], [sflag:s2] =	dma.local @!p0 [hbm:s0], s1  }
0x80f: {  	s0 =	simm.s32 @!p0 $0x5  }
0x810: {  	_ =	swait.ge @!p0 [sflag:s0], s1  }
0x811: {  	s1 =	ssub.s32 @!p0 $0x0, s1;
	[sflag:s0] =	ssyncset.done @!p0 $0x0  }
0x812: {  	[sflag:s0] =	ssyncadd.s32 @!p0 s1  }
0x813: {  	[bflag:$0x3] =	sbarrier.arrive $0xFFFF  }
0x814: {  	_ =	shalt  }

</sc_bundles>
